<compile_context>
chip_gen: v7x
topology: tpu7x:2x2x1
jax: 0.10.2.dev20260603
libtpu: 0.0.44.dev20260713+nightly
codegen_flags: <defaults>
</compile_context>

<pallas_src>
import jax
import jax.numpy as jnp
from jax import lax
from jax.experimental import pallas as pl
from jax.experimental.pallas import tpu as pltpu
from jax.experimental.pallas import tpu_sc as plsc

NC = 2
NS = 16
L = 16
NW = NC * NS
B = 16384
D = 128
BPW = B // NW
CHUNK = 64
NCHUNK = BPW // CHUNK
EPS = 1e-6
GAMMA = 1.0


def _rsqrt(x):
    i = lax.bitcast_convert_type(x, jnp.int32)
    i = jnp.int32(0x5F3759DF) - lax.shift_right_logical(i, 1)
    y = lax.bitcast_convert_type(i, jnp.float32)
    for _ in range(2):
        y = y * (1.5 - 0.5 * x * y * y)
    return y


def _tec_body(head_r, rel_r, tail_r, nh_r, etab, rtab, out_r,
              idx_h, idx_r, idx_t, idx_n, rh, rr, rt, rn,
              rh2, rr2, rt2, rn2, loss_buf, sem, sem2):
    cid = lax.axis_index("c")
    sid = lax.axis_index("s")
    wid = sid * NC + cid
    base = wid * BPW

    icps = [
        pltpu.async_copy(head_r.at[pl.ds(base, BPW)], idx_h, sem),
        pltpu.async_copy(rel_r.at[pl.ds(base, BPW)], idx_r, sem2),
        pltpu.async_copy(tail_r.at[pl.ds(base, BPW)], idx_t, sem),
        pltpu.async_copy(nh_r.at[pl.ds(base, BPW)], idx_n, sem2),
    ]
    for cp in icps:
        cp.wait()

    bufs = ((rh, rr, rt, rn), (rh2, rr2, rt2, rn2))
    sems = (sem, sem2)

    def start(ck):
        o = ck * CHUNK
        bh, br, bt, bn = bufs[ck % 2]
        s = sems[ck % 2]
        return [
            pltpu.async_copy(etab.at[idx_h.at[pl.ds(o, CHUNK)]], bh, s),
            pltpu.async_copy(rtab.at[idx_r.at[pl.ds(o, CHUNK)]], br, s),
            pltpu.async_copy(etab.at[idx_t.at[pl.ds(o, CHUNK)]], bt, s),
            pltpu.async_copy(etab.at[idx_n.at[pl.ds(o, CHUNK)]], bn, s),
        ]

    loss = jnp.zeros((L,), jnp.float32)
    zero = jnp.zeros((L,), jnp.float32)
    iota = lax.broadcasted_iota(jnp.int32, (L,), 0)

    inflight = start(0)
    for ck in range(NCHUNK):
        nxt = start(ck + 1) if ck + 1 < NCHUNK else []
        for cp in inflight:
            cp.wait()
        inflight = nxt
        rhc, rrc, rtc, rnc = bufs[ck % 2]

        def eg_body(eg, loss):
            row = eg * L + iota

            @plsc.parallel_loop(0, D, unroll=2, carry=(zero,) * 9)
            def dots(d, c):
                hr, ht, rt_, nr, nt, sh, sr, st, sn = c
                col = (iota + d) & (D - 1)
                h = plsc.load_gather(rhc, [row, col])
                r = plsc.load_gather(rrc, [row, col])
                t = plsc.load_gather(rtc, [row, col])
                n = plsc.load_gather(rnc, [row, col])
                return (hr + h * r, ht + h * t, rt_ + r * t,
                        nr + n * r, nt + n * t,
                        sh + h * h, sr + r * r, st + t * t, sn + n * n)

            hr, ht, rt_, nr, nt, sh, sr, st, sn = dots
            ah = _rsqrt(jnp.maximum(sh, 1e-24))
            ar = _rsqrt(jnp.maximum(sr, 1e-24))
            at = _rsqrt(jnp.maximum(st, 1e-24))
            an = _rsqrt(jnp.maximum(sn, 1e-24))

            rtbc = rt_ * (ar * at)
            d1sq = (3.0 + D * EPS * EPS
                    + 2.0 * ((hr * ah) * ar - (ht * ah) * at - rtbc))
            d2sq = (3.0 + D * EPS * EPS
                    + 2.0 * ((nr * an) * ar - (nt * an) * at - rtbc))
            s1 = jnp.maximum(d1sq, 1e-30)
            s2 = jnp.maximum(d2sq, 1e-30)
            d1 = s1 * _rsqrt(s1)
            d2 = s2 * _rsqrt(s2)
            return loss + jnp.maximum(GAMMA + d1 - d2, 0.0)

        loss = lax.fori_loop(0, CHUNK // L, eg_body, loss)

    loss_buf[...] = loss
    pltpu.sync_copy(loss_buf, out_r.at[wid])


@jax.jit
def _transe_loss_partials(head, rel, tail, negative_head, entity_table,
                          relation_table):
    mesh = plsc.VectorSubcoreMesh(
        core_axis_name="c", subcore_axis_name="s", num_cores=NC,
        num_subcores=NS)
    f = pl.kernel(
        _tec_body,
        out_type=jax.ShapeDtypeStruct((NW, L), jnp.float32),
        mesh=mesh,
        compiler_params=pltpu.CompilerParams(needs_layout_passes=False),
        scratch_types=[
            pltpu.VMEM((BPW,), jnp.int32),
            pltpu.VMEM((BPW,), jnp.int32),
            pltpu.VMEM((BPW,), jnp.int32),
            pltpu.VMEM((BPW,), jnp.int32),
            pltpu.VMEM((CHUNK, D), jnp.float32),
            pltpu.VMEM((CHUNK, D), jnp.float32),
            pltpu.VMEM((CHUNK, D), jnp.float32),
            pltpu.VMEM((CHUNK, D), jnp.float32),
            pltpu.VMEM((CHUNK, D), jnp.float32),
            pltpu.VMEM((CHUNK, D), jnp.float32),
            pltpu.VMEM((CHUNK, D), jnp.float32),
            pltpu.VMEM((CHUNK, D), jnp.float32),
            pltpu.VMEM((L,), jnp.float32),
            pltpu.SemaphoreType.DMA,
            pltpu.SemaphoreType.DMA,
        ],
    )
    return f(head, rel, tail, negative_head, entity_table, relation_table)


def kernel(head, rel, tail, negative_head, negative_tail, entity_table,
           relation_table):
    del negative_tail
    partials = _transe_loss_partials(head, rel, tail, negative_head,
                                     entity_table, relation_table)
    return jnp.sum(partials)

# --- scband reference (transcript-rebuilt; emitter-appended) ---
"""Pipeline reference for scband-trans-e-52475910422967 (READ-ONLY COPY).

The authoritative reference and input builder live on the scoring server;
editing this copy changes nothing except your own understanding.
"""

import jax, jax.numpy as jnp
import numpy as np

ENTITY_SIZE = 100000
RELATION_SIZE = 1000
EMBED_DIM = 128
GAMMA = 1.0
BATCH = 16384


def _l2_normalize(x, axis=1, eps=1e-12):
    # matches torch.nn.functional.normalize(x, p=2, dim=1)
    norm = jnp.linalg.norm(x, ord=2, axis=axis, keepdims=True)
    return x / jnp.maximum(norm, eps)


def _pairwise_distance(x1, x2, eps=1e-6):
    # matches torch.nn.functional.pairwise_distance(x1, x2, p=2)
    return jnp.linalg.norm(x1 - x2 + eps, ord=2, axis=1)


def setup_inputs(seed: int = 0) -> dict:
    key = jax.random.key(seed)
    k_h, k_r, k_t, k_nh, k_nt, k_et, k_rt = jax.random.split(key, 7)
    head = jax.random.randint(k_h, (BATCH,), 0, ENTITY_SIZE, dtype=jnp.int32)
    rel = jax.random.randint(k_r, (BATCH,), 0, RELATION_SIZE, dtype=jnp.int32)
    tail = jax.random.randint(k_t, (BATCH,), 0, ENTITY_SIZE, dtype=jnp.int32)
    # negative sampling (done inside torch forward via torch.randint; here
    # materialized deterministically so the reference is reproducible)
    negative_head = jax.random.randint(k_nh, (BATCH,), 0, ENTITY_SIZE, dtype=jnp.int32)
    negative_tail = jax.random.randint(k_nt, (BATCH,), 0, ENTITY_SIZE, dtype=jnp.int32)
    # weight.data.normal_(0.1) -> mean=0.1, std=1.0
    entity_table = 0.1 + jax.random.normal(k_et, (ENTITY_SIZE, EMBED_DIM), dtype=jnp.float32)
    relation_table = 0.1 + jax.random.normal(k_rt, (RELATION_SIZE, EMBED_DIM), dtype=jnp.float32)
    return {
        "head": head,
        "rel": rel,
        "tail": tail,
        "negative_head": negative_head,
        "negative_tail": negative_tail,
        "entity_table": entity_table,
        "relation_table": relation_table,
    }


def reference(head, rel, tail, negative_head, negative_tail, entity_table, relation_table):
    head_embedding = _l2_normalize(jnp.take(entity_table, head, axis=0))
    rel_embedding = _l2_normalize(jnp.take(relation_table, rel, axis=0))
    tail_embedding = _l2_normalize(jnp.take(entity_table, tail, axis=0))
    n_head_embedding = _l2_normalize(jnp.take(entity_table, negative_head, axis=0))
    n_tail_embedding = _l2_normalize(jnp.take(entity_table, negative_tail, axis=0))
    d1 = _pairwise_distance(head_embedding + rel_embedding, tail_embedding)
    d2 = _pairwise_distance(n_head_embedding + rel_embedding, tail_embedding)
    loss = jnp.sum(jax.nn.relu(GAMMA + d1 - d2))
    return loss


if False:  # reference __main__ guard neutralized (emitter)
    out = reference(**setup_inputs())
    print(out)

if __name__ == "__main__":
    import jax
    _d = setup_inputs()
    print(jax.jit(kernel)(*tuple(_d.values())))

</pallas_src>

<mosaic_0001>
#map = affine_map<(d0, d1) -> (0)>
#map1 = affine_map<(d0, d1) -> (0, 0)>
module attributes {stable_mosaic.version = 14 : i64} {
  func.func @_tec_body(%arg0: i32, %arg1: i32, %arg2: memref<16384xi32, #tpu.memory_space<hbm>>, %arg3: memref<16384xi32, #tpu.memory_space<hbm>>, %arg4: memref<16384xi32, #tpu.memory_space<hbm>>, %arg5: memref<16384xi32, #tpu.memory_space<hbm>>, %arg6: memref<100000x128xf32, #tpu.memory_space<hbm>>, %arg7: memref<1000x128xf32, #tpu.memory_space<hbm>>, %arg8: memref<32x16xf32, #tpu.memory_space<hbm>>, %arg9: memref<512xi32, #tpu.memory_space<vmem>>, %arg10: memref<512xi32, #tpu.memory_space<vmem>>, %arg11: memref<512xi32, #tpu.memory_space<vmem>>, %arg12: memref<512xi32, #tpu.memory_space<vmem>>, %arg13: memref<64x128xf32, #tpu.memory_space<vmem>>, %arg14: memref<64x128xf32, #tpu.memory_space<vmem>>, %arg15: memref<64x128xf32, #tpu.memory_space<vmem>>, %arg16: memref<64x128xf32, #tpu.memory_space<vmem>>, %arg17: memref<64x128xf32, #tpu.memory_space<vmem>>, %arg18: memref<64x128xf32, #tpu.memory_space<vmem>>, %arg19: memref<64x128xf32, #tpu.memory_space<vmem>>, %arg20: memref<64x128xf32, #tpu.memory_space<vmem>>, %arg21: memref<16xf32, #tpu.memory_space<vmem>>, %arg22: memref<!tpu.dma_semaphore, #tpu.memory_space<semaphore_mem>>, %arg23: memref<!tpu.dma_semaphore, #tpu.memory_space<semaphore_mem>>) attributes {dimension_semantics = [#tpu.dimension_semantics<core_parallel>, #tpu.dimension_semantics<subcore_parallel>], iteration_bounds = array<i64: 2, 16>, scalar_prefetch = 0 : i64, scratch_operands = 15 : i64, tpu.core_type = #tpu.core_type<sc_vector_subcore>, window_params = [{transform_indices = #map}, {transform_indices = #map}, {transform_indices = #map}, {transform_indices = #map}, {transform_indices = #map1}, {transform_indices = #map1}, {transform_indices = #map1}]} {
    %mul3A = arith.constant 2 : i32
    %mul3A_0 = arith.muli %arg1, %mul3A : i32
    %add3A = arith.addi %mul3A_0, %arg0 : i32
    %mul3A_1 = arith.constant 512 : i32
    %mul3A_2 = arith.muli %add3A, %mul3A_1 : i32
    %dma_start3A = tpu.memref_slice %arg2[%mul3A_2] : memref<16384xi32, #tpu.memory_space<hbm>> -> memref<512xi32, #tpu.memory_space<hbm>>
    %dma_start3A_3 = tpu.memref_slice %arg2[%mul3A_2] : memref<16384xi32, #tpu.memory_space<hbm>> -> memref<512xi32, #tpu.memory_space<hbm>>
    tpu.enqueue_dma source(%dma_start3A_3 : memref<512xi32, #tpu.memory_space<hbm>>) target(%arg9 : memref<512xi32, #tpu.memory_space<vmem>>) target_semaphore(%arg22 : memref<!tpu.dma_semaphore, #tpu.memory_space<semaphore_mem>>)
    %dma_start3A_4 = tpu.memref_slice %arg3[%mul3A_2] : memref<16384xi32, #tpu.memory_space<hbm>> -> memref<512xi32, #tpu.memory_space<hbm>>
    %dma_start3A_5 = tpu.memref_slice %arg3[%mul3A_2] : memref<16384xi32, #tpu.memory_space<hbm>> -> memref<512xi32, #tpu.memory_space<hbm>>
    tpu.enqueue_dma source(%dma_start3A_5 : memref<512xi32, #tpu.memory_space<hbm>>) target(%arg10 : memref<512xi32, #tpu.memory_space<vmem>>) target_semaphore(%arg23 : memref<!tpu.dma_semaphore, #tpu.memory_space<semaphore_mem>>)
    %dma_start3A_6 = tpu.memref_slice %arg4[%mul3A_2] : memref<16384xi32, #tpu.memory_space<hbm>> -> memref<512xi32, #tpu.memory_space<hbm>>
    %dma_start3A_7 = tpu.memref_slice %arg4[%mul3A_2] : memref<16384xi32, #tpu.memory_space<hbm>> -> memref<512xi32, #tpu.memory_space<hbm>>
    tpu.enqueue_dma source(%dma_start3A_7 : memref<512xi32, #tpu.memory_space<hbm>>) target(%arg11 : memref<512xi32, #tpu.memory_space<vmem>>) target_semaphore(%arg22 : memref<!tpu.dma_semaphore, #tpu.memory_space<semaphore_mem>>)
    %dma_start3A_8 = tpu.memref_slice %arg5[%mul3A_2] : memref<16384xi32, #tpu.memory_space<hbm>> -> memref<512xi32, #tpu.memory_space<hbm>>
    %dma_start3A_9 = tpu.memref_slice %arg5[%mul3A_2] : memref<16384xi32, #tpu.memory_space<hbm>> -> memref<512xi32, #tpu.memory_space<hbm>>
    tpu.enqueue_dma source(%dma_start3A_9 : memref<512xi32, #tpu.memory_space<hbm>>) target(%arg12 : memref<512xi32, #tpu.memory_space<vmem>>) target_semaphore(%arg23 : memref<!tpu.dma_semaphore, #tpu.memory_space<semaphore_mem>>)
    %dma_wait3A = tpu.memref_slice %arg2[%mul3A_2] : memref<16384xi32, #tpu.memory_space<hbm>> -> memref<512xi32, #tpu.memory_space<hbm>>
    %dma_wait3A_10 = tpu.memref_slice %arg2[%mul3A_2] : memref<16384xi32, #tpu.memory_space<hbm>> -> memref<512xi32, #tpu.memory_space<hbm>>
    tpu.wait_dma2 semaphore(%arg22 : memref<!tpu.dma_semaphore, #tpu.memory_space<semaphore_mem>>) src(%dma_wait3A_10 : memref<512xi32, #tpu.memory_space<hbm>>) dst(%arg9 : memref<512xi32, #tpu.memory_space<vmem>>)
    %dma_wait3A_11 = tpu.memref_slice %arg3[%mul3A_2] : memref<16384xi32, #tpu.memory_space<hbm>> -> memref<512xi32, #tpu.memory_space<hbm>>
    %dma_wait3A_12 = tpu.memref_slice %arg3[%mul3A_2] : memref<16384xi32, #tpu.memory_space<hbm>> -> memref<512xi32, #tpu.memory_space<hbm>>
    tpu.wait_dma2 semaphore(%arg23 : memref<!tpu.dma_semaphore, #tpu.memory_space<semaphore_mem>>) src(%dma_wait3A_12 : memref<512xi32, #tpu.memory_space<hbm>>) dst(%arg10 : memref<512xi32, #tpu.memory_space<vmem>>)
    %dma_wait3A_13 = tpu.memref_slice %arg4[%mul3A_2] : memref<16384xi32, #tpu.memory_space<hbm>> -> memref<512xi32, #tpu.memory_space<hbm>>
    %dma_wait3A_14 = tpu.memref_slice %arg4[%mul3A_2] : memref<16384xi32, #tpu.memory_space<hbm>> -> memref<512xi32, #tpu.memory_space<hbm>>
    tpu.wait_dma2 semaphore(%arg22 : memref<!tpu.dma_semaphore, #tpu.memory_space<semaphore_mem>>) src(%dma_wait3A_14 : memref<512xi32, #tpu.memory_space<hbm>>) dst(%arg11 : memref<512xi32, #tpu.memory_space<vmem>>)
    %dma_wait3A_15 = tpu.memref_slice %arg5[%mul3A_2] : memref<16384xi32, #tpu.memory_space<hbm>> -> memref<512xi32, #tpu.memory_space<hbm>>
    %dma_wait3A_16 = tpu.memref_slice %arg5[%mul3A_2] : memref<16384xi32, #tpu.memory_space<hbm>> -> memref<512xi32, #tpu.memory_space<hbm>>
    tpu.wait_dma2 semaphore(%arg23 : memref<!tpu.dma_semaphore, #tpu.memory_space<semaphore_mem>>) src(%dma_wait3A_16 : memref<512xi32, #tpu.memory_space<hbm>>) dst(%arg12 : memref<512xi32, #tpu.memory_space<vmem>>)
    %broadcast_in_dim3A = arith.constant 0.000000e+00 : f32
    %broadcast_in_dim3A_17 = vector.broadcast %broadcast_in_dim3A : f32 to vector<16xf32>
    %broadcast_in_dim3A_18 = arith.constant 0.000000e+00 : f32
    %broadcast_in_dim3A_19 = vector.broadcast %broadcast_in_dim3A_18 : f32 to vector<16xf32>
    %iota3A = tpu.iota {dimensions = array<i32: 0>} : vector<16xi32>
    %dma_start3A_20 = arith.constant 0 : i32
    %dma_start3A_21 = tpu.memref_slice %arg9[%dma_start3A_20] : memref<512xi32, #tpu.memory_space<vmem>> -> memref<64xi32, #tpu.memory_space<vmem>>
    %dma_start3A_22 = arith.constant 0 : i32
    %dma_start3A_23 = arith.constant 0 : i32
    %dma_start3A_24 = tpu.memref_slice %arg6[%dma_start3A_22, %dma_start3A_23] : memref<100000x128xf32, #tpu.memory_space<hbm>> -> memref<100000x128xf32, #tpu.memory_space<hbm>>
    tpu.enqueue_indirect_dma source(%dma_start3A_24 : memref<100000x128xf32, #tpu.memory_space<hbm>>) target(%arg13 : memref<64x128xf32, #tpu.memory_space<vmem>>) offsets(%dma_start3A_21 : memref<64xi32, #tpu.memory_space<vmem>>) semaphore(%arg22 : memref<!tpu.dma_semaphore, #tpu.memory_space<semaphore_mem>>)
    %dma_start3A_25 = arith.constant 0 : i32
    %dma_start3A_26 = tpu.memref_slice %arg10[%dma_start3A_25] : memref<512xi32, #tpu.memory_space<vmem>> -> memref<64xi32, #tpu.memory_space<vmem>>
    %dma_start3A_27 = arith.constant 0 : i32
    %dma_start3A_28 = arith.constant 0 : i32
    %dma_start3A_29 = tpu.memref_slice %arg7[%dma_start3A_27, %dma_start3A_28] : memref<1000x128xf32, #tpu.memory_space<hbm>> -> memref<1000x128xf32, #tpu.memory_space<hbm>>
    tpu.enqueue_indirect_dma source(%dma_start3A_29 : memref<1000x128xf32, #tpu.memory_space<hbm>>) target(%arg14 : memref<64x128xf32, #tpu.memory_space<vmem>>) offsets(%dma_start3A_26 : memref<64xi32, #tpu.memory_space<vmem>>) semaphore(%arg22 : memref<!tpu.dma_semaphore, #tpu.memory_space<semaphore_mem>>)
    %dma_start3A_30 = arith.constant 0 : i32
    %dma_start3A_31 = tpu.memref_slice %arg11[%dma_start3A_30] : memref<512xi32, #tpu.memory_space<vmem>> -> memref<64xi32, #tpu.memory_space<vmem>>
    %dma_start3A_32 = arith.constant 0 : i32
    %dma_start3A_33 = arith.constant 0 : i32
    %dma_start3A_34 = tpu.memref_slice %arg6[%dma_start3A_32, %dma_start3A_33] : memref<100000x128xf32, #tpu.memory_space<hbm>> -> memref<100000x128xf32, #tpu.memory_space<hbm>>
    tpu.enqueue_indirect_dma source(%dma_start3A_34 : memref<100000x128xf32, #tpu.memory_space<hbm>>) target(%arg15 : memref<64x128xf32, #tpu.memory_space<vmem>>) offsets(%dma_start3A_31 : memref<64xi32, #tpu.memory_space<vmem>>) semaphore(%arg22 : memref<!tpu.dma_semaphore, #tpu.memory_space<semaphore_mem>>)
    %dma_start3A_35 = arith.constant 0 : i32
    %dma_start3A_36 = tpu.memref_slice %arg12[%dma_start3A_35] : memref<512xi32, #tpu.memory_space<vmem>> -> memref<64xi32, #tpu.memory_space<vmem>>
    %dma_start3A_37 = arith.constant 0 : i32
    %dma_start3A_38 = arith.constant 0 : i32
    %dma_start3A_39 = tpu.memref_slice %arg6[%dma_start3A_37, %dma_start3A_38] : memref<100000x128xf32, #tpu.memory_space<hbm>> -> memref<100000x128xf32, #tpu.memory_space<hbm>>
    tpu.enqueue_indirect_dma source(%dma_start3A_39 : memref<100000x128xf32, #tpu.memory_space<hbm>>) target(%arg16 : memref<64x128xf32, #tpu.memory_space<vmem>>) offsets(%dma_start3A_36 : memref<64xi32, #tpu.memory_space<vmem>>) semaphore(%arg22 : memref<!tpu.dma_semaphore, #tpu.memory_space<semaphore_mem>>)
    %dma_start3A_40 = arith.constant 64 : i32
    %dma_start3A_41 = tpu.memref_slice %arg9[%dma_start3A_40] : memref<512xi32, #tpu.memory_space<vmem>> -> memref<64xi32, #tpu.memory_space<vmem>>
    %dma_start3A_42 = arith.constant 0 : i32
    %dma_start3A_43 = arith.constant 0 : i32
    %dma_start3A_44 = tpu.memref_slice %arg6[%dma_start3A_42, %dma_start3A_43] : memref<100000x128xf32, #tpu.memory_space<hbm>> -> memref<100000x128xf32, #tpu.memory_space<hbm>>
    tpu.enqueue_indirect_dma source(%dma_start3A_44 : memref<100000x128xf32, #tpu.memory_space<hbm>>) target(%arg17 : memref<64x128xf32, #tpu.memory_space<vmem>>) offsets(%dma_start3A_41 : memref<64xi32, #tpu.memory_space<vmem>>) semaphore(%arg23 : memref<!tpu.dma_semaphore, #tpu.memory_space<semaphore_mem>>)
    %dma_start3A_45 = arith.constant 64 : i32
    %dma_start3A_46 = tpu.memref_slice %arg10[%dma_start3A_45] : memref<512xi32, #tpu.memory_space<vmem>> -> memref<64xi32, #tpu.memory_space<vmem>>
    %dma_start3A_47 = arith.constant 0 : i32
    %dma_start3A_48 = arith.constant 0 : i32
    %dma_start3A_49 = tpu.memref_slice %arg7[%dma_start3A_47, %dma_start3A_48] : memref<1000x128xf32, #tpu.memory_space<hbm>> -> memref<1000x128xf32, #tpu.memory_space<hbm>>
    tpu.enqueue_indirect_dma source(%dma_start3A_49 : memref<1000x128xf32, #tpu.memory_space<hbm>>) target(%arg18 : memref<64x128xf32, #tpu.memory_space<vmem>>) offsets(%dma_start3A_46 : memref<64xi32, #tpu.memory_space<vmem>>) semaphore(%arg23 : memref<!tpu.dma_semaphore, #tpu.memory_space<semaphore_mem>>)
    %dma_start3A_50 = arith.constant 64 : i32
    %dma_start3A_51 = tpu.memref_slice %arg11[%dma_start3A_50] : memref<512xi32, #tpu.memory_space<vmem>> -> memref<64xi32, #tpu.memory_space<vmem>>
    %dma_start3A_52 = arith.constant 0 : i32
    %dma_start3A_53 = arith.constant 0 : i32
    %dma_start3A_54 = tpu.memref_slice %arg6[%dma_start3A_52, %dma_start3A_53] : memref<100000x128xf32, #tpu.memory_space<hbm>> -> memref<100000x128xf32, #tpu.memory_space<hbm>>
    tpu.enqueue_indirect_dma source(%dma_start3A_54 : memref<100000x128xf32, #tpu.memory_space<hbm>>) target(%arg19 : memref<64x128xf32, #tpu.memory_space<vmem>>) offsets(%dma_start3A_51 : memref<64xi32, #tpu.memory_space<vmem>>) semaphore(%arg23 : memref<!tpu.dma_semaphore, #tpu.memory_space<semaphore_mem>>)
    %dma_start3A_55 = arith.constant 64 : i32
    %dma_start3A_56 = tpu.memref_slice %arg12[%dma_start3A_55] : memref<512xi32, #tpu.memory_space<vmem>> -> memref<64xi32, #tpu.memory_space<vmem>>
    %dma_start3A_57 = arith.constant 0 : i32
    %dma_start3A_58 = arith.constant 0 : i32
    %dma_start3A_59 = tpu.memref_slice %arg6[%dma_start3A_57, %dma_start3A_58] : memref<100000x128xf32, #tpu.memory_space<hbm>> -> memref<100000x128xf32, #tpu.memory_space<hbm>>
    tpu.enqueue_indirect_dma source(%dma_start3A_59 : memref<100000x128xf32, #tpu.memory_space<hbm>>) target(%arg20 : memref<64x128xf32, #tpu.memory_space<vmem>>) offsets(%dma_start3A_56 : memref<64xi32, #tpu.memory_space<vmem>>) semaphore(%arg23 : memref<!tpu.dma_semaphore, #tpu.memory_space<semaphore_mem>>)
    %dma_wait3A_60 = arith.constant 0 : i32
    %dma_wait3A_61 = tpu.memref_slice %arg9[%dma_wait3A_60] : memref<512xi32, #tpu.memory_space<vmem>> -> memref<64xi32, #tpu.memory_space<vmem>>
    %dma_wait3A_62 = arith.constant 0 : i32
    %dma_wait3A_63 = arith.constant 0 : i32
    %dma_wait3A_64 = tpu.memref_slice %arg6[%dma_wait3A_62, %dma_wait3A_63] : memref<100000x128xf32, #tpu.memory_space<hbm>> -> memref<100000x128xf32, #tpu.memory_space<hbm>>
    tpu.wait_indirect_dma semaphore(%arg22 : memref<!tpu.dma_semaphore, #tpu.memory_space<semaphore_mem>>) src(%dma_wait3A_64 : memref<100000x128xf32, #tpu.memory_space<hbm>>) dst(%arg13 : memref<64x128xf32, #tpu.memory_space<vmem>>)
    %dma_wait3A_65 = arith.constant 0 : i32
    %dma_wait3A_66 = tpu.memref_slice %arg10[%dma_wait3A_65] : memref<512xi32, #tpu.memory_space<vmem>> -> memref<64xi32, #tpu.memory_space<vmem>>
    %dma_wait3A_67 = arith.constant 0 : i32
    %dma_wait3A_68 = arith.constant 0 : i32
    %dma_wait3A_69 = tpu.memref_slice %arg7[%dma_wait3A_67, %dma_wait3A_68] : memref<1000x128xf32, #tpu.memory_space<hbm>> -> memref<1000x128xf32, #tpu.memory_space<hbm>>
    tpu.wait_indirect_dma semaphore(%arg22 : memref<!tpu.dma_semaphore, #tpu.memory_space<semaphore_mem>>) src(%dma_wait3A_69 : memref<1000x128xf32, #tpu.memory_space<hbm>>) dst(%arg14 : memref<64x128xf32, #tpu.memory_space<vmem>>)
    %dma_wait3A_70 = arith.constant 0 : i32
    %dma_wait3A_71 = tpu.memref_slice %arg11[%dma_wait3A_70] : memref<512xi32, #tpu.memory_space<vmem>> -> memref<64xi32, #tpu.memory_space<vmem>>
    %dma_wait3A_72 = arith.constant 0 : i32
    %dma_wait3A_73 = arith.constant 0 : i32
    %dma_wait3A_74 = tpu.memref_slice %arg6[%dma_wait3A_72, %dma_wait3A_73] : memref<100000x128xf32, #tpu.memory_space<hbm>> -> memref<100000x128xf32, #tpu.memory_space<hbm>>
    tpu.wait_indirect_dma semaphore(%arg22 : memref<!tpu.dma_semaphore, #tpu.memory_space<semaphore_mem>>) src(%dma_wait3A_74 : memref<100000x128xf32, #tpu.memory_space<hbm>>) dst(%arg15 : memref<64x128xf32, #tpu.memory_space<vmem>>)
    %dma_wait3A_75 = arith.constant 0 : i32
    %dma_wait3A_76 = tpu.memref_slice %arg12[%dma_wait3A_75] : memref<512xi32, #tpu.memory_space<vmem>> -> memref<64xi32, #tpu.memory_space<vmem>>
    %dma_wait3A_77 = arith.constant 0 : i32
    %dma_wait3A_78 = arith.constant 0 : i32
    %dma_wait3A_79 = tpu.memref_slice %arg6[%dma_wait3A_77, %dma_wait3A_78] : memref<100000x128xf32, #tpu.memory_space<hbm>> -> memref<100000x128xf32, #tpu.memory_space<hbm>>
    tpu.wait_indirect_dma semaphore(%arg22 : memref<!tpu.dma_semaphore, #tpu.memory_space<semaphore_mem>>) src(%dma_wait3A_79 : memref<100000x128xf32, #tpu.memory_space<hbm>>) dst(%arg16 : memref<64x128xf32, #tpu.memory_space<vmem>>)
    %scan3A = arith.constant 0 : i32
    %scan3A_80 = arith.constant 4 : i32
    %scan3A_81 = arith.addi %scan3A, %scan3A_80 : i32
    %scan3A_82 = arith.constant 1 : i32
    %scan3A_83 = scf.for %scan3A_388 = %scan3A to %scan3A_81 step %scan3A_82 iter_args(%scan3A_389 = %broadcast_in_dim3A_17) -> (vector<16xf32>)  : i32 {
      %mul3A_390 = arith.constant 16 : i32
      %mul3A_391 = arith.muli %scan3A_388, %mul3A_390 : i32
      %add3A_392 = vector.broadcast %mul3A_391 : i32 to vector<16xi32>
      %add3A_393 = arith.addi %add3A_392, %iota3A : vector<16xi32>
      %parallel_loop3A = arith.constant 0 : i32
      %parallel_loop3A_394 = arith.constant 128 : i32
      %parallel_loop3A_395 = arith.constant 1 : i32
      %parallel_loop3A_396:9 = scf.for %parallel_loop3A_603 = %parallel_loop3A to %parallel_loop3A_394 step %parallel_loop3A_395 iter_args(%parallel_loop3A_604 = %broadcast_in_dim3A_19, %parallel_loop3A_605 = %broadcast_in_dim3A_19, %parallel_loop3A_606 = %broadcast_in_dim3A_19, %parallel_loop3A_607 = %broadcast_in_dim3A_19, %parallel_loop3A_608 = %broadcast_in_dim3A_19, %parallel_loop3A_609 = %broadcast_in_dim3A_19, %parallel_loop3A_610 = %broadcast_in_dim3A_19, %parallel_loop3A_611 = %broadcast_in_dim3A_19, %parallel_loop3A_612 = %broadcast_in_dim3A_19) -> (vector<16xf32>, vector<16xf32>, vector<16xf32>, vector<16xf32>, vector<16xf32>, vector<16xf32>, vector<16xf32>, vector<16xf32>, vector<16xf32>)  : i32 {
        %parallel_loop3A_613 = vector.broadcast %parallel_loop3A_603 : i32 to vector<16xi32>
        %parallel_loop3A_614 = arith.addi %iota3A, %parallel_loop3A_613 : vector<16xi32>
        %parallel_loop3A_615 = arith.constant 127 : i32
        %parallel_loop3A_616 = vector.broadcast %parallel_loop3A_615 : i32 to vector<16xi32>
        %parallel_loop3A_617 = arith.andi %parallel_loop3A_614, %parallel_loop3A_616 : vector<16xi32>
        %parallel_loop3A_618 = tpu.vector_load_idx %arg13[%add3A_393, %parallel_loop3A_617] : memref<64x128xf32, #tpu.memory_space<vmem>>[vector<16xi32>, vector<16xi32>], vector<16xf32>,
        %parallel_loop3A_619 = tpu.vector_load_idx %arg14[%add3A_393, %parallel_loop3A_617] : memref<64x128xf32, #tpu.memory_space<vmem>>[vector<16xi32>, vector<16xi32>], vector<16xf32>,
        %parallel_loop3A_620 = tpu.vector_load_idx %arg15[%add3A_393, %parallel_loop3A_617] : memref<64x128xf32, #tpu.memory_space<vmem>>[vector<16xi32>, vector<16xi32>], vector<16xf32>,
        %parallel_loop3A_621 = tpu.vector_load_idx %arg16[%add3A_393, %parallel_loop3A_617] : memref<64x128xf32, #tpu.memory_space<vmem>>[vector<16xi32>, vector<16xi32>], vector<16xf32>,
        %parallel_loop3A_622 = arith.mulf %parallel_loop3A_618, %parallel_loop3A_619 : vector<16xf32>
        %parallel_loop3A_623 = arith.addf %parallel_loop3A_604, %parallel_loop3A_622 : vector<16xf32>
        %parallel_loop3A_624 = arith.mulf %parallel_loop3A_618, %parallel_loop3A_620 : vector<16xf32>
        %parallel_loop3A_625 = arith.addf %parallel_loop3A_605, %parallel_loop3A_624 : vector<16xf32>
        %parallel_loop3A_626 = arith.mulf %parallel_loop3A_619, %parallel_loop3A_620 : vector<16xf32>
        %parallel_loop3A_627 = arith.addf %parallel_loop3A_606, %parallel_loop3A_626 : vector<16xf32>
        %parallel_loop3A_628 = arith.mulf %parallel_loop3A_621, %parallel_loop3A_619 : vector<16xf32>
        %parallel_loop3A_629 = arith.addf %parallel_loop3A_607, %parallel_loop3A_628 : vector<16xf32>
        %parallel_loop3A_630 = arith.mulf %parallel_loop3A_621, %parallel_loop3A_620 : vector<16xf32>
        %parallel_loop3A_631 = arith.addf %parallel_loop3A_608, %parallel_loop3A_630 : vector<16xf32>
        %parallel_loop3A_632 = arith.mulf %parallel_loop3A_618, %parallel_loop3A_618 : vector<16xf32>
        %parallel_loop3A_633 = arith.addf %parallel_loop3A_609, %parallel_loop3A_632 : vector<16xf32>
        %parallel_loop3A_634 = arith.mulf %parallel_loop3A_619, %parallel_loop3A_619 : vector<16xf32>
        %parallel_loop3A_635 = arith.addf %parallel_loop3A_610, %parallel_loop3A_634 : vector<16xf32>
        %parallel_loop3A_636 = arith.mulf %parallel_loop3A_620, %parallel_loop3A_620 : vector<16xf32>
        %parallel_loop3A_637 = arith.addf %parallel_loop3A_611, %parallel_loop3A_636 : vector<16xf32>
        %parallel_loop3A_638 = arith.mulf %parallel_loop3A_621, %parallel_loop3A_621 : vector<16xf32>
        %parallel_loop3A_639 = arith.addf %parallel_loop3A_612, %parallel_loop3A_638 : vector<16xf32>
        scf.yield %parallel_loop3A_623, %parallel_loop3A_625, %parallel_loop3A_627, %parallel_loop3A_629, %parallel_loop3A_631, %parallel_loop3A_633, %parallel_loop3A_635, %parallel_loop3A_637, %parallel_loop3A_639 : vector<16xf32>, vector<16xf32>, vector<16xf32>, vector<16xf32>, vector<16xf32>, vector<16xf32>, vector<16xf32>, vector<16xf32>, vector<16xf32>
      } {sc.loop_unroll_factor = 2 : i64, sc.parallel_access}
      %max3A = arith.constant 1.000000e-24 : f32
      %max3A_397 = vector.broadcast %max3A : f32 to vector<16xf32>
      %max3A_398 = arith.maximumf %parallel_loop3A_396#5, %max3A_397 : vector<16xf32>
      %bitcast_convert_type3A = tpu.bitcast %max3A_398 : vector<16xf32> -> vector<16xi32>
      %shift_right_logical3A = arith.constant 1 : i32
      %shift_right_logical3A_399 = vector.broadcast %shift_right_logical3A : i32 to vector<16xi32>
      %shift_right_logical3A_400 = arith.shrui %bitcast_convert_type3A, %shift_right_logical3A_399 : vector<16xi32>
      %sub3A = arith.constant 1597463007 : i32
      %sub3A_401 = vector.broadcast %sub3A : i32 to vector<16xi32>
      %sub3A_402 = arith.subi %sub3A_401, %shift_right_logical3A_400 : vector<16xi32>
      %bitcast_convert_type3A_403 = tpu.bitcast %sub3A_402 : vector<16xi32> -> vector<16xf32>
      %mul3A_404 = arith.constant 5.000000e-01 : f32
      %mul3A_405 = vector.broadcast %mul3A_404 : f32 to vector<16xf32>
      %mul3A_406 = arith.mulf %mul3A_405, %max3A_398 : vector<16xf32>
      %mul3A_407 = arith.mulf %mul3A_406, %bitcast_convert_type3A_403 : vector<16xf32>
      %mul3A_408 = arith.mulf %mul3A_407, %bitcast_convert_type3A_403 : vector<16xf32>
      %sub3A_409 = arith.constant 1.500000e+00 : f32
      %sub3A_410 = vector.broadcast %sub3A_409 : f32 to vector<16xf32>
      %sub3A_411 = arith.subf %sub3A_410, %mul3A_408 : vector<16xf32>
      %mul3A_412 = arith.mulf %bitcast_convert_type3A_403, %sub3A_411 : vector<16xf32>
      %mul3A_413 = arith.constant 5.000000e-01 : f32
      %mul3A_414 = vector.broadcast %mul3A_413 : f32 to vector<16xf32>
      %mul3A_415 = arith.mulf %mul3A_414, %max3A_398 : vector<16xf32>
      %mul3A_416 = arith.mulf %mul3A_415, %mul3A_412 : vector<16xf32>
      %mul3A_417 = arith.mulf %mul3A_416, %mul3A_412 : vector<16xf32>
      %sub3A_418 = arith.constant 1.500000e+00 : f32
      %sub3A_419 = vector.broadcast %sub3A_418 : f32 to vector<16xf32>
      %sub3A_420 = arith.subf %sub3A_419, %mul3A_417 : vector<16xf32>
      %mul3A_421 = arith.mulf %mul3A_412, %sub3A_420 : vector<16xf32>
      %max3A_422 = arith.constant 1.000000e-24 : f32
      %max3A_423 = vector.broadcast %max3A_422 : f32 to vector<16xf32>
      %max3A_424 = arith.maximumf %parallel_loop3A_396#6, %max3A_423 : vector<16xf32>
      %bitcast_convert_type3A_425 = tpu.bitcast %max3A_424 : vector<16xf32> -> vector<16xi32>
      %shift_right_logical3A_426 = arith.constant 1 : i32
      %shift_right_logical3A_427 = vector.broadcast %shift_right_logical3A_426 : i32 to vector<16xi32>
      %shift_right_logical3A_428 = arith.shrui %bitcast_convert_type3A_425, %shift_right_logical3A_427 : vector<16xi32>
      %sub3A_429 = arith.constant 1597463007 : i32
      %sub3A_430 = vector.broadcast %sub3A_429 : i32 to vector<16xi32>
      %sub3A_431 = arith.subi %sub3A_430, %shift_right_logical3A_428 : vector<16xi32>
      %bitcast_convert_type3A_432 = tpu.bitcast %sub3A_431 : vector<16xi32> -> vector<16xf32>
      %mul3A_433 = arith.constant 5.000000e-01 : f32
      %mul3A_434 = vector.broadcast %mul3A_433 : f32 to vector<16xf32>
      %mul3A_435 = arith.mulf %mul3A_434, %max3A_424 : vector<16xf32>
      %mul3A_436 = arith.mulf %mul3A_435, %bitcast_convert_type3A_432 : vector<16xf32>
      %mul3A_437 = arith.mulf %mul3A_436, %bitcast_convert_type3A_432 : vector<16xf32>
      %sub3A_438 = arith.constant 1.500000e+00 : f32
      %sub3A_439 = vector.broadcast %sub3A_438 : f32 to vector<16xf32>
      %sub3A_440 = arith.subf %sub3A_439, %mul3A_437 : vector<16xf32>
      %mul3A_441 = arith.mulf %bitcast_convert_type3A_432, %sub3A_440 : vector<16xf32>
      %mul3A_442 = arith.constant 5.000000e-01 : f32
      %mul3A_443 = vector.broadcast %mul3A_442 : f32 to vector<16xf32>
      %mul3A_444 = arith.mulf %mul3A_443, %max3A_424 : vector<16xf32>
      %mul3A_445 = arith.mulf %mul3A_444, %mul3A_441 : vector<16xf32>
      %mul3A_446 = arith.mulf %mul3A_445, %mul3A_441 : vector<16xf32>
      %sub3A_447 = arith.constant 1.500000e+00 : f32
      %sub3A_448 = vector.broadcast %sub3A_447 : f32 to vector<16xf32>
      %sub3A_449 = arith.subf %sub3A_448, %mul3A_446 : vector<16xf32>
      %mul3A_450 = arith.mulf %mul3A_441, %sub3A_449 : vector<16xf32>
      %max3A_451 = arith.constant 1.000000e-24 : f32
      %max3A_452 = vector.broadcast %max3A_451 : f32 to vector<16xf32>
      %max3A_453 = arith.maximumf %parallel_loop3A_396#7, %max3A_452 : vector<16xf32>
      %bitcast_convert_type3A_454 = tpu.bitcast %max3A_453 : vector<16xf32> -> vector<16xi32>
      %shift_right_logical3A_455 = arith.constant 1 : i32
      %shift_right_logical3A_456 = vector.broadcast %shift_right_logical3A_455 : i32 to vector<16xi32>
      %shift_right_logical3A_457 = arith.shrui %bitcast_convert_type3A_454, %shift_right_logical3A_456 : vector<16xi32>
      %sub3A_458 = arith.constant 1597463007 : i32
      %sub3A_459 = vector.broadcast %sub3A_458 : i32 to vector<16xi32>
      %sub3A_460 = arith.subi %sub3A_459, %shift_right_logical3A_457 : vector<16xi32>
      %bitcast_convert_type3A_461 = tpu.bitcast %sub3A_460 : vector<16xi32> -> vector<16xf32>
      %mul3A_462 = arith.constant 5.000000e-01 : f32
      %mul3A_463 = vector.broadcast %mul3A_462 : f32 to vector<16xf32>
      %mul3A_464 = arith.mulf %mul3A_463, %max3A_453 : vector<16xf32>
      %mul3A_465 = arith.mulf %mul3A_464, %bitcast_convert_type3A_461 : vector<16xf32>
      %mul3A_466 = arith.mulf %mul3A_465, %bitcast_convert_type3A_461 : vector<16xf32>
      %sub3A_467 = arith.constant 1.500000e+00 : f32
      %sub3A_468 = vector.broadcast %sub3A_467 : f32 to vector<16xf32>
      %sub3A_469 = arith.subf %sub3A_468, %mul3A_466 : vector<16xf32>
      %mul3A_470 = arith.mulf %bitcast_convert_type3A_461, %sub3A_469 : vector<16xf32>
      %mul3A_471 = arith.constant 5.000000e-01 : f32
      %mul3A_472 = vector.broadcast %mul3A_471 : f32 to vector<16xf32>
      %mul3A_473 = arith.mulf %mul3A_472, %max3A_453 : vector<16xf32>
      %mul3A_474 = arith.mulf %mul3A_473, %mul3A_470 : vector<16xf32>
      %mul3A_475 = arith.mulf %mul3A_474, %mul3A_470 : vector<16xf32>
      %sub3A_476 = arith.constant 1.500000e+00 : f32
      %sub3A_477 = vector.broadcast %sub3A_476 : f32 to vector<16xf32>
      %sub3A_478 = arith.subf %sub3A_477, %mul3A_475 : vector<16xf32>
      %mul3A_479 = arith.mulf %mul3A_470, %sub3A_478 : vector<16xf32>
      %max3A_480 = arith.constant 1.000000e-24 : f32
      %max3A_481 = vector.broadcast %max3A_480 : f32 to vector<16xf32>
      %max3A_482 = arith.maximumf %parallel_loop3A_396#8, %max3A_481 : vector<16xf32>
      %bitcast_convert_type3A_483 = tpu.bitcast %max3A_482 : vector<16xf32> -> vector<16xi32>
      %shift_right_logical3A_484 = arith.constant 1 : i32
      %shift_right_logical3A_485 = vector.broadcast %shift_right_logical3A_484 : i32 to vector<16xi32>
      %shift_right_logical3A_486 = arith.shrui %bitcast_convert_type3A_483, %shift_right_logical3A_485 : vector<16xi32>
      %sub3A_487 = arith.constant 1597463007 : i32
      %sub3A_488 = vector.broadcast %sub3A_487 : i32 to vector<16xi32>
      %sub3A_489 = arith.subi %sub3A_488, %shift_right_logical3A_486 : vector<16xi32>
      %bitcast_convert_type3A_490 = tpu.bitcast %sub3A_489 : vector<16xi32> -> vector<16xf32>
      %mul3A_491 = arith.constant 5.000000e-01 : f32
      %mul3A_492 = vector.broadcast %mul3A_491 : f32 to vector<16xf32>
      %mul3A_493 = arith.mulf %mul3A_492, %max3A_482 : vector<16xf32>
      %mul3A_494 = arith.mulf %mul3A_493, %bitcast_convert_type3A_490 : vector<16xf32>
      %mul3A_495 = arith.mulf %mul3A_494, %bitcast_convert_type3A_490 : vector<16xf32>
      %sub3A_496 = arith.constant 1.500000e+00 : f32
      %sub3A_497 = vector.broadcast %sub3A_496 : f32 to vector<16xf32>
      %sub3A_498 = arith.subf %sub3A_497, %mul3A_495 : vector<16xf32>
      %mul3A_499 = arith.mulf %bitcast_convert_type3A_490, %sub3A_498 : vector<16xf32>
      %mul3A_500 = arith.constant 5.000000e-01 : f32
      %mul3A_501 = vector.broadcast %mul3A_500 : f32 to vector<16xf32>
      %mul3A_502 = arith.mulf %mul3A_501, %max3A_482 : vector<16xf32>
      %mul3A_503 = arith.mulf %mul3A_502, %mul3A_499 : vector<16xf32>
      %mul3A_504 = arith.mulf %mul3A_503, %mul3A_499 : vector<16xf32>
      %sub3A_505 = arith.constant 1.500000e+00 : f32
      %sub3A_506 = vector.broadcast %sub3A_505 : f32 to vector<16xf32>
      %sub3A_507 = arith.subf %sub3A_506, %mul3A_504 : vector<16xf32>
      %mul3A_508 = arith.mulf %mul3A_499, %sub3A_507 : vector<16xf32>
      %mul3A_509 = arith.mulf %mul3A_450, %mul3A_479 : vector<16xf32>
      %mul3A_510 = arith.mulf %parallel_loop3A_396#2, %mul3A_509 : vector<16xf32>
      %mul3A_511 = arith.mulf %parallel_loop3A_396#0, %mul3A_421 : vector<16xf32>
      %mul3A_512 = arith.mulf %mul3A_511, %mul3A_450 : vector<16xf32>
      %mul3A_513 = arith.mulf %parallel_loop3A_396#1, %mul3A_421 : vector<16xf32>
      %mul3A_514 = arith.mulf %mul3A_513, %mul3A_479 : vector<16xf32>
      %sub3A_515 = arith.subf %mul3A_512, %mul3A_514 : vector<16xf32>
      %sub3A_516 = arith.subf %sub3A_515, %mul3A_510 : vector<16xf32>
      %mul3A_517 = arith.constant 2.000000e+00 : f32
      %mul3A_518 = vector.broadcast %mul3A_517 : f32 to vector<16xf32>
      %mul3A_519 = arith.mulf %mul3A_518, %sub3A_516 : vector<16xf32>
      %add3A_520 = arith.constant 3.000000e+00 : f32
      %add3A_521 = vector.broadcast %add3A_520 : f32 to vector<16xf32>
      %add3A_522 = arith.addf %add3A_521, %mul3A_519 : vector<16xf32>
      %mul3A_523 = arith.mulf %parallel_loop3A_396#3, %mul3A_508 : vector<16xf32>
      %mul3A_524 = arith.mulf %mul3A_523, %mul3A_450 : vector<16xf32>
      %mul3A_525 = arith.mulf %parallel_loop3A_396#4, %mul3A_508 : vector<16xf32>
      %mul3A_526 = arith.mulf %mul3A_525, %mul3A_479 : vector<16xf32>
      %sub3A_527 = arith.subf %mul3A_524, %mul3A_526 : vector<16xf32>
      %sub3A_528 = arith.subf %sub3A_527, %mul3A_510 : vector<16xf32>
      %mul3A_529 = arith.constant 2.000000e+00 : f32
      %mul3A_530 = vector.broadcast %mul3A_529 : f32 to vector<16xf32>
      %mul3A_531 = arith.mulf %mul3A_530, %sub3A_528 : vector<16xf32>
      %add3A_532 = arith.constant 3.000000e+00 : f32
      %add3A_533 = vector.broadcast %add3A_532 : f32 to vector<16xf32>
      %add3A_534 = arith.addf %add3A_533, %mul3A_531 : vector<16xf32>
      %max3A_535 = arith.constant 1.000000e-30 : f32
      %max3A_536 = vector.broadcast %max3A_535 : f32 to vector<16xf32>
      %max3A_537 = arith.maximumf %add3A_522, %max3A_536 : vector<16xf32>
      %max3A_538 = arith.constant 1.000000e-30 : f32
      %max3A_539 = vector.broadcast %max3A_538 : f32 to vector<16xf32>
      %max3A_540 = arith.maximumf %add3A_534, %max3A_539 : vector<16xf32>
      %bitcast_convert_type3A_541 = tpu.bitcast %max3A_537 : vector<16xf32> -> vector<16xi32>
      %shift_right_logical3A_542 = arith.constant 1 : i32
      %shift_right_logical3A_543 = vector.broadcast %shift_right_logical3A_542 : i32 to vector<16xi32>
      %shift_right_logical3A_544 = arith.shrui %bitcast_convert_type3A_541, %shift_right_logical3A_543 : vector<16xi32>
      %sub3A_545 = arith.constant 1597463007 : i32
      %sub3A_546 = vector.broadcast %sub3A_545 : i32 to vector<16xi32>
      %sub3A_547 = arith.subi %sub3A_546, %shift_right_logical3A_544 : vector<16xi32>
      %bitcast_convert_type3A_548 = tpu.bitcast %sub3A_547 : vector<16xi32> -> vector<16xf32>
      %mul3A_549 = arith.constant 5.000000e-01 : f32
      %mul3A_550 = vector.broadcast %mul3A_549 : f32 to vector<16xf32>
      %mul3A_551 = arith.mulf %mul3A_550, %max3A_537 : vector<16xf32>
      %mul3A_552 = arith.mulf %mul3A_551, %bitcast_convert_type3A_548 : vector<16xf32>
      %mul3A_553 = arith.mulf %mul3A_552, %bitcast_convert_type3A_548 : vector<16xf32>
      %sub3A_554 = arith.constant 1.500000e+00 : f32
      %sub3A_555 = vector.broadcast %sub3A_554 : f32 to vector<16xf32>
      %sub3A_556 = arith.subf %sub3A_555, %mul3A_553 : vector<16xf32>
      %mul3A_557 = arith.mulf %bitcast_convert_type3A_548, %sub3A_556 : vector<16xf32>
      %mul3A_558 = arith.constant 5.000000e-01 : f32
      %mul3A_559 = vector.broadcast %mul3A_558 : f32 to vector<16xf32>
      %mul3A_560 = arith.mulf %mul3A_559, %max3A_537 : vector<16xf32>
      %mul3A_561 = arith.mulf %mul3A_560, %mul3A_557 : vector<16xf32>
      %mul3A_562 = arith.mulf %mul3A_561, %mul3A_557 : vector<16xf32>
      %sub3A_563 = arith.constant 1.500000e+00 : f32
      %sub3A_564 = vector.broadcast %sub3A_563 : f32 to vector<16xf32>
      %sub3A_565 = arith.subf %sub3A_564, %mul3A_562 : vector<16xf32>
      %mul3A_566 = arith.mulf %mul3A_557, %sub3A_565 : vector<16xf32>
      %mul3A_567 = arith.mulf %max3A_537, %mul3A_566 : vector<16xf32>
      %bitcast_convert_type3A_568 = tpu.bitcast %max3A_540 : vector<16xf32> -> vector<16xi32>
      %shift_right_logical3A_569 = arith.constant 1 : i32
      %shift_right_logical3A_570 = vector.broadcast %shift_right_logical3A_569 : i32 to vector<16xi32>
      %shift_right_logical3A_571 = arith.shrui %bitcast_convert_type3A_568, %shift_right_logical3A_570 : vector<16xi32>
      %sub3A_572 = arith.constant 1597463007 : i32
      %sub3A_573 = vector.broadcast %sub3A_572 : i32 to vector<16xi32>
      %sub3A_574 = arith.subi %sub3A_573, %shift_right_logical3A_571 : vector<16xi32>
      %bitcast_convert_type3A_575 = tpu.bitcast %sub3A_574 : vector<16xi32> -> vector<16xf32>
      %mul3A_576 = arith.constant 5.000000e-01 : f32
      %mul3A_577 = vector.broadcast %mul3A_576 : f32 to vector<16xf32>
      %mul3A_578 = arith.mulf %mul3A_577, %max3A_540 : vector<16xf32>
      %mul3A_579 = arith.mulf %mul3A_578, %bitcast_convert_type3A_575 : vector<16xf32>
      %mul3A_580 = arith.mulf %mul3A_579, %bitcast_convert_type3A_575 : vector<16xf32>
      %sub3A_581 = arith.constant 1.500000e+00 : f32
      %sub3A_582 = vector.broadcast %sub3A_581 : f32 to vector<16xf32>
      %sub3A_583 = arith.subf %sub3A_582, %mul3A_580 : vector<16xf32>
      %mul3A_584 = arith.mulf %bitcast_convert_type3A_575, %sub3A_583 : vector<16xf32>
      %mul3A_585 = arith.constant 5.000000e-01 : f32
      %mul3A_586 = vector.broadcast %mul3A_585 : f32 to vector<16xf32>
      %mul3A_587 = arith.mulf %mul3A_586, %max3A_540 : vector<16xf32>
      %mul3A_588 = arith.mulf %mul3A_587, %mul3A_584 : vector<16xf32>
      %mul3A_589 = arith.mulf %mul3A_588, %mul3A_584 : vector<16xf32>
      %sub3A_590 = arith.constant 1.500000e+00 : f32
      %sub3A_591 = vector.broadcast %sub3A_590 : f32 to vector<16xf32>
      %sub3A_592 = arith.subf %sub3A_591, %mul3A_589 : vector<16xf32>
      %mul3A_593 = arith.mulf %mul3A_584, %sub3A_592 : vector<16xf32>
      %mul3A_594 = arith.mulf %max3A_540, %mul3A_593 : vector<16xf32>
      %add3A_595 = arith.constant 1.000000e+00 : f32
      %add3A_596 = vector.broadcast %add3A_595 : f32 to vector<16xf32>
      %add3A_597 = arith.addf %add3A_596, %mul3A_567 : vector<16xf32>
      %sub3A_598 = arith.subf %add3A_597, %mul3A_594 : vector<16xf32>
      %max3A_599 = arith.constant 0.000000e+00 : f32
      %max3A_600 = vector.broadcast %max3A_599 : f32 to vector<16xf32>
      %max3A_601 = arith.maximumf %sub3A_598, %max3A_600 : vector<16xf32>
      %add3A_602 = arith.addf %scan3A_389, %max3A_601 : vector<16xf32>
      scf.yield %add3A_602 : vector<16xf32>
    }
    %scan3A_84 = arith.constant 4 : i32
    %dma_start3A_85 = arith.constant 128 : i32
    %dma_start3A_86 = tpu.memref_slice %arg9[%dma_start3A_85] : memref<512xi32, #tpu.memory_space<vmem>> -> memref<64xi32, #tpu.memory_space<vmem>>
    %dma_start3A_87 = arith.constant 0 : i32
    %dma_start3A_88 = arith.constant 0 : i32
    %dma_start3A_89 = tpu.memref_slice %arg6[%dma_start3A_87, %dma_start3A_88] : memref<100000x128xf32, #tpu.memory_space<hbm>> -> memref<100000x128xf32, #tpu.memory_space<hbm>>
    tpu.enqueue_indirect_dma source(%dma_start3A_89 : memref<100000x128xf32, #tpu.memory_space<hbm>>) target(%arg13 : memref<64x128xf32, #tpu.memory_space<vmem>>) offsets(%dma_start3A_86 : memref<64xi32, #tpu.memory_space<vmem>>) semaphore(%arg22 : memref<!tpu.dma_semaphore, #tpu.memory_space<semaphore_mem>>)
    %dma_start3A_90 = arith.constant 128 : i32
    %dma_start3A_91 = tpu.memref_slice %arg10[%dma_start3A_90] : memref<512xi32, #tpu.memory_space<vmem>> -> memref<64xi32, #tpu.memory_space<vmem>>
    %dma_start3A_92 = arith.constant 0 : i32
    %dma_start3A_93 = arith.constant 0 : i32
    %dma_start3A_94 = tpu.memref_slice %arg7[%dma_start3A_92, %dma_start3A_93] : memref<1000x128xf32, #tpu.memory_space<hbm>> -> memref<1000x128xf32, #tpu.memory_space<hbm>>
    tpu.enqueue_indirect_dma source(%dma_start3A_94 : memref<1000x128xf32, #tpu.memory_space<hbm>>) target(%arg14 : memref<64x128xf32, #tpu.memory_space<vmem>>) offsets(%dma_start3A_91 : memref<64xi32, #tpu.memory_space<vmem>>) semaphore(%arg22 : memref<!tpu.dma_semaphore, #tpu.memory_space<semaphore_mem>>)
    %dma_start3A_95 = arith.constant 128 : i32
    %dma_start3A_96 = tpu.memref_slice %arg11[%dma_start3A_95] : memref<512xi32, #tpu.memory_space<vmem>> -> memref<64xi32, #tpu.memory_space<vmem>>
    %dma_start3A_97 = arith.constant 0 : i32
    %dma_start3A_98 = arith.constant 0 : i32
    %dma_start3A_99 = tpu.memref_slice %arg6[%dma_start3A_97, %dma_start3A_98] : memref<100000x128xf32, #tpu.memory_space<hbm>> -> memref<100000x128xf32, #tpu.memory_space<hbm>>
    tpu.enqueue_indirect_dma source(%dma_start3A_99 : memref<100000x128xf32, #tpu.memory_space<hbm>>) target(%arg15 : memref<64x128xf32, #tpu.memory_space<vmem>>) offsets(%dma_start3A_96 : memref<64xi32, #tpu.memory_space<vmem>>) semaphore(%arg22 : memref<!tpu.dma_semaphore, #tpu.memory_space<semaphore_mem>>)
    %dma_start3A_100 = arith.constant 128 : i32
    %dma_start3A_101 = tpu.memref_slice %arg12[%dma_start3A_100] : memref<512xi32, #tpu.memory_space<vmem>> -> memref<64xi32, #tpu.memory_space<vmem>>
    %dma_start3A_102 = arith.constant 0 : i32
    %dma_start3A_103 = arith.constant 0 : i32
    %dma_start3A_104 = tpu.memref_slice %arg6[%dma_start3A_102, %dma_start3A_103] : memref<100000x128xf32, #tpu.memory_space<hbm>> -> memref<100000x128xf32, #tpu.memory_space<hbm>>
    tpu.enqueue_indirect_dma source(%dma_start3A_104 : memref<100000x128xf32, #tpu.memory_space<hbm>>) target(%arg16 : memref<64x128xf32, #tpu.memory_space<vmem>>) offsets(%dma_start3A_101 : memref<64xi32, #tpu.memory_space<vmem>>) semaphore(%arg22 : memref<!tpu.dma_semaphore, #tpu.memory_space<semaphore_mem>>)
    %dma_wait3A_105 = arith.constant 64 : i32
    %dma_wait3A_106 = tpu.memref_slice %arg9[%dma_wait3A_105] : memref<512xi32, #tpu.memory_space<vmem>> -> memref<64xi32, #tpu.memory_space<vmem>>
    %dma_wait3A_107 = arith.constant 0 : i32
    %dma_wait3A_108 = arith.constant 0 : i32
    %dma_wait3A_109 = tpu.memref_slice %arg6[%dma_wait3A_107, %dma_wait3A_108] : memref<100000x128xf32, #tpu.memory_space<hbm>> -> memref<100000x128xf32, #tpu.memory_space<hbm>>
    tpu.wait_indirect_dma semaphore(%arg23 : memref<!tpu.dma_semaphore, #tpu.memory_space<semaphore_mem>>) src(%dma_wait3A_109 : memref<100000x128xf32, #tpu.memory_space<hbm>>) dst(%arg17 : memref<64x128xf32, #tpu.memory_space<vmem>>)
    %dma_wait3A_110 = arith.constant 64 : i32
    %dma_wait3A_111 = tpu.memref_slice %arg10[%dma_wait3A_110] : memref<512xi32, #tpu.memory_space<vmem>> -> memref<64xi32, #tpu.memory_space<vmem>>
    %dma_wait3A_112 = arith.constant 0 : i32
    %dma_wait3A_113 = arith.constant 0 : i32
    %dma_wait3A_114 = tpu.memref_slice %arg7[%dma_wait3A_112, %dma_wait3A_113] : memref<1000x128xf32, #tpu.memory_space<hbm>> -> memref<1000x128xf32, #tpu.memory_space<hbm>>
    tpu.wait_indirect_dma semaphore(%arg23 : memref<!tpu.dma_semaphore, #tpu.memory_space<semaphore_mem>>) src(%dma_wait3A_114 : memref<1000x128xf32, #tpu.memory_space<hbm>>) dst(%arg18 : memref<64x128xf32, #tpu.memory_space<vmem>>)
    %dma_wait3A_115 = arith.constant 64 : i32
    %dma_wait3A_116 = tpu.memref_slice %arg11[%dma_wait3A_115] : memref<512xi32, #tpu.memory_space<vmem>> -> memref<64xi32, #tpu.memory_space<vmem>>
    %dma_wait3A_117 = arith.constant 0 : i32
    %dma_wait3A_118 = arith.constant 0 : i32
    %dma_wait3A_119 = tpu.memref_slice %arg6[%dma_wait3A_117, %dma_wait3A_118] : memref<100000x128xf32, #tpu.memory_space<hbm>> -> memref<100000x128xf32, #tpu.memory_space<hbm>>
    tpu.wait_indirect_dma semaphore(%arg23 : memref<!tpu.dma_semaphore, #tpu.memory_space<semaphore_mem>>) src(%dma_wait3A_119 : memref<100000x128xf32, #tpu.memory_space<hbm>>) dst(%arg19 : memref<64x128xf32, #tpu.memory_space<vmem>>)
    %dma_wait3A_120 = arith.constant 64 : i32
    %dma_wait3A_121 = tpu.memref_slice %arg12[%dma_wait3A_120] : memref<512xi32, #tpu.memory_space<vmem>> -> memref<64xi32, #tpu.memory_space<vmem>>
    %dma_wait3A_122 = arith.constant 0 : i32
    %dma_wait3A_123 = arith.constant 0 : i32
    %dma_wait3A_124 = tpu.memref_slice %arg6[%dma_wait3A_122, %dma_wait3A_123] : memref<100000x128xf32, #tpu.memory_space<hbm>> -> memref<100000x128xf32, #tpu.memory_space<hbm>>
    tpu.wait_indirect_dma semaphore(%arg23 : memref<!tpu.dma_semaphore, #tpu.memory_space<semaphore_mem>>) src(%dma_wait3A_124 : memref<100000x128xf32, #tpu.memory_space<hbm>>) dst(%arg20 : memref<64x128xf32, #tpu.memory_space<vmem>>)
    %scan3A_125 = arith.constant 0 : i32
    %scan3A_126 = arith.constant 4 : i32
    %scan3A_127 = arith.addi %scan3A_125, %scan3A_126 : i32
    %scan3A_128 = arith.constant 1 : i32
    %scan3A_129 = scf.for %scan3A_388 = %scan3A_125 to %scan3A_127 step %scan3A_128 iter_args(%scan3A_389 = %scan3A_83) -> (vector<16xf32>)  : i32 {
      %mul3A_390 = arith.constant 16 : i32
      %mul3A_391 = arith.muli %scan3A_388, %mul3A_390 : i32
      %add3A_392 = vector.broadcast %mul3A_391 : i32 to vector<16xi32>
      %add3A_393 = arith.addi %add3A_392, %iota3A : vector<16xi32>
      %parallel_loop3A = arith.constant 0 : i32
      %parallel_loop3A_394 = arith.constant 128 : i32
      %parallel_loop3A_395 = arith.constant 1 : i32
      %parallel_loop3A_396:9 = scf.for %parallel_loop3A_603 = %parallel_loop3A to %parallel_loop3A_394 step %parallel_loop3A_395 iter_args(%parallel_loop3A_604 = %broadcast_in_dim3A_19, %parallel_loop3A_605 = %broadcast_in_dim3A_19, %parallel_loop3A_606 = %broadcast_in_dim3A_19, %parallel_loop3A_607 = %broadcast_in_dim3A_19, %parallel_loop3A_608 = %broadcast_in_dim3A_19, %parallel_loop3A_609 = %broadcast_in_dim3A_19, %parallel_loop3A_610 = %broadcast_in_dim3A_19, %parallel_loop3A_611 = %broadcast_in_dim3A_19, %parallel_loop3A_612 = %broadcast_in_dim3A_19) -> (vector<16xf32>, vector<16xf32>, vector<16xf32>, vector<16xf32>, vector<16xf32>, vector<16xf32>, vector<16xf32>, vector<16xf32>, vector<16xf32>)  : i32 {
        %parallel_loop3A_613 = vector.broadcast %parallel_loop3A_603 : i32 to vector<16xi32>
        %parallel_loop3A_614 = arith.addi %iota3A, %parallel_loop3A_613 : vector<16xi32>
        %parallel_loop3A_615 = arith.constant 127 : i32
        %parallel_loop3A_616 = vector.broadcast %parallel_loop3A_615 : i32 to vector<16xi32>
        %parallel_loop3A_617 = arith.andi %parallel_loop3A_614, %parallel_loop3A_616 : vector<16xi32>
        %parallel_loop3A_618 = tpu.vector_load_idx %arg17[%add3A_393, %parallel_loop3A_617] : memref<64x128xf32, #tpu.memory_space<vmem>>[vector<16xi32>, vector<16xi32>], vector<16xf32>,
        %parallel_loop3A_619 = tpu.vector_load_idx %arg18[%add3A_393, %parallel_loop3A_617] : memref<64x128xf32, #tpu.memory_space<vmem>>[vector<16xi32>, vector<16xi32>], vector<16xf32>,
        %parallel_loop3A_620 = tpu.vector_load_idx %arg19[%add3A_393, %parallel_loop3A_617] : memref<64x128xf32, #tpu.memory_space<vmem>>[vector<16xi32>, vector<16xi32>], vector<16xf32>,
        %parallel_loop3A_621 = tpu.vector_load_idx %arg20[%add3A_393, %parallel_loop3A_617] : memref<64x128xf32, #tpu.memory_space<vmem>>[vector<16xi32>, vector<16xi32>], vector<16xf32>,
        %parallel_loop3A_622 = arith.mulf %parallel_loop3A_618, %parallel_loop3A_619 : vector<16xf32>
        %parallel_loop3A_623 = arith.addf %parallel_loop3A_604, %parallel_loop3A_622 : vector<16xf32>
        %parallel_loop3A_624 = arith.mulf %parallel_loop3A_618, %parallel_loop3A_620 : vector<16xf32>
        %parallel_loop3A_625 = arith.addf %parallel_loop3A_605, %parallel_loop3A_624 : vector<16xf32>
        %parallel_loop3A_626 = arith.mulf %parallel_loop3A_619, %parallel_loop3A_620 : vector<16xf32>
        %parallel_loop3A_627 = arith.addf %parallel_loop3A_606, %parallel_loop3A_626 : vector<16xf32>
        %parallel_loop3A_628 = arith.mulf %parallel_loop3A_621, %parallel_loop3A_619 : vector<16xf32>
        %parallel_loop3A_629 = arith.addf %parallel_loop3A_607, %parallel_loop3A_628 : vector<16xf32>
        %parallel_loop3A_630 = arith.mulf %parallel_loop3A_621, %parallel_loop3A_620 : vector<16xf32>
        %parallel_loop3A_631 = arith.addf %parallel_loop3A_608, %parallel_loop3A_630 : vector<16xf32>
        %parallel_loop3A_632 = arith.mulf %parallel_loop3A_618, %parallel_loop3A_618 : vector<16xf32>
        %parallel_loop3A_633 = arith.addf %parallel_loop3A_609, %parallel_loop3A_632 : vector<16xf32>
        %parallel_loop3A_634 = arith.mulf %parallel_loop3A_619, %parallel_loop3A_619 : vector<16xf32>
        %parallel_loop3A_635 = arith.addf %parallel_loop3A_610, %parallel_loop3A_634 : vector<16xf32>
        %parallel_loop3A_636 = arith.mulf %parallel_loop3A_620, %parallel_loop3A_620 : vector<16xf32>
        %parallel_loop3A_637 = arith.addf %parallel_loop3A_611, %parallel_loop3A_636 : vector<16xf32>
        %parallel_loop3A_638 = arith.mulf %parallel_loop3A_621, %parallel_loop3A_621 : vector<16xf32>
        %parallel_loop3A_639 = arith.addf %parallel_loop3A_612, %parallel_loop3A_638 : vector<16xf32>
        scf.yield %parallel_loop3A_623, %parallel_loop3A_625, %parallel_loop3A_627, %parallel_loop3A_629, %parallel_loop3A_631, %parallel_loop3A_633, %parallel_loop3A_635, %parallel_loop3A_637, %parallel_loop3A_639 : vector<16xf32>, vector<16xf32>, vector<16xf32>, vector<16xf32>, vector<16xf32>, vector<16xf32>, vector<16xf32>, vector<16xf32>, vector<16xf32>
      } {sc.loop_unroll_factor = 2 : i64, sc.parallel_access}
      %max3A = arith.constant 1.000000e-24 : f32
      %max3A_397 = vector.broadcast %max3A : f32 to vector<16xf32>
      %max3A_398 = arith.maximumf %parallel_loop3A_396#5, %max3A_397 : vector<16xf32>
      %bitcast_convert_type3A = tpu.bitcast %max3A_398 : vector<16xf32> -> vector<16xi32>
      %shift_right_logical3A = arith.constant 1 : i32
      %shift_right_logical3A_399 = vector.broadcast %shift_right_logical3A : i32 to vector<16xi32>
      %shift_right_logical3A_400 = arith.shrui %bitcast_convert_type3A, %shift_right_logical3A_399 : vector<16xi32>
      %sub3A = arith.constant 1597463007 : i32
      %sub3A_401 = vector.broadcast %sub3A : i32 to vector<16xi32>
      %sub3A_402 = arith.subi %sub3A_401, %shift_right_logical3A_400 : vector<16xi32>
      %bitcast_convert_type3A_403 = tpu.bitcast %sub3A_402 : vector<16xi32> -> vector<16xf32>
      %mul3A_404 = arith.constant 5.000000e-01 : f32
      %mul3A_405 = vector.broadcast %mul3A_404 : f32 to vector<16xf32>
      %mul3A_406 = arith.mulf %mul3A_405, %max3A_398 : vector<16xf32>
      %mul3A_407 = arith.mulf %mul3A_406, %bitcast_convert_type3A_403 : vector<16xf32>
      %mul3A_408 = arith.mulf %mul3A_407, %bitcast_convert_type3A_403 : vector<16xf32>
      %sub3A_409 = arith.constant 1.500000e+00 : f32
      %sub3A_410 = vector.broadcast %sub3A_409 : f32 to vector<16xf32>
      %sub3A_411 = arith.subf %sub3A_410, %mul3A_408 : vector<16xf32>
      %mul3A_412 = arith.mulf %bitcast_convert_type3A_403, %sub3A_411 : vector<16xf32>
      %mul3A_413 = arith.constant 5.000000e-01 : f32
      %mul3A_414 = vector.broadcast %mul3A_413 : f32 to vector<16xf32>
      %mul3A_415 = arith.mulf %mul3A_414, %max3A_398 : vector<16xf32>
      %mul3A_416 = arith.mulf %mul3A_415, %mul3A_412 : vector<16xf32>
      %mul3A_417 = arith.mulf %mul3A_416, %mul3A_412 : vector<16xf32>
      %sub3A_418 = arith.constant 1.500000e+00 : f32
      %sub3A_419 = vector.broadcast %sub3A_418 : f32 to vector<16xf32>
      %sub3A_420 = arith.subf %sub3A_419, %mul3A_417 : vector<16xf32>
      %mul3A_421 = arith.mulf %mul3A_412, %sub3A_420 : vector<16xf32>
      %max3A_422 = arith.constant 1.000000e-24 : f32
      %max3A_423 = vector.broadcast %max3A_422 : f32 to vector<16xf32>
      %max3A_424 = arith.maximumf %parallel_loop3A_396#6, %max3A_423 : vector<16xf32>
      %bitcast_convert_type3A_425 = tpu.bitcast %max3A_424 : vector<16xf32> -> vector<16xi32>
      %shift_right_logical3A_426 = arith.constant 1 : i32
      %shift_right_logical3A_427 = vector.broadcast %shift_right_logical3A_426 : i32 to vector<16xi32>
      %shift_right_logical3A_428 = arith.shrui %bitcast_convert_type3A_425, %shift_right_logical3A_427 : vector<16xi32>
      %sub3A_429 = arith.constant 1597463007 : i32
      %sub3A_430 = vector.broadcast %sub3A_429 : i32 to vector<16xi32>
      %sub3A_431 = arith.subi %sub3A_430, %shift_right_logical3A_428 : vector<16xi32>
      %bitcast_convert_type3A_432 = tpu.bitcast %sub3A_431 : vector<16xi32> -> vector<16xf32>
      %mul3A_433 = arith.constant 5.000000e-01 : f32
      %mul3A_434 = vector.broadcast %mul3A_433 : f32 to vector<16xf32>
      %mul3A_435 = arith.mulf %mul3A_434, %max3A_424 : vector<16xf32>
      %mul3A_436 = arith.mulf %mul3A_435, %bitcast_convert_type3A_432 : vector<16xf32>
      %mul3A_437 = arith.mulf %mul3A_436, %bitcast_convert_type3A_432 : vector<16xf32>
      %sub3A_438 = arith.constant 1.500000e+00 : f32
      %sub3A_439 = vector.broadcast %sub3A_438 : f32 to vector<16xf32>
      %sub3A_440 = arith.subf %sub3A_439, %mul3A_437 : vector<16xf32>
      %mul3A_441 = arith.mulf %bitcast_convert_type3A_432, %sub3A_440 : vector<16xf32>
      %mul3A_442 = arith.constant 5.000000e-01 : f32
      %mul3A_443 = vector.broadcast %mul3A_442 : f32 to vector<16xf32>
      %mul3A_444 = arith.mulf %mul3A_443, %max3A_424 : vector<16xf32>
      %mul3A_445 = arith.mulf %mul3A_444, %mul3A_441 : vector<16xf32>
      %mul3A_446 = arith.mulf %mul3A_445, %mul3A_441 : vector<16xf32>
      %sub3A_447 = arith.constant 1.500000e+00 : f32
      %sub3A_448 = vector.broadcast %sub3A_447 : f32 to vector<16xf32>
      %sub3A_449 = arith.subf %sub3A_448, %mul3A_446 : vector<16xf32>
      %mul3A_450 = arith.mulf %mul3A_441, %sub3A_449 : vector<16xf32>
      %max3A_451 = arith.constant 1.000000e-24 : f32
      %max3A_452 = vector.broadcast %max3A_451 : f32 to vector<16xf32>
      %max3A_453 = arith.maximumf %parallel_loop3A_396#7, %max3A_452 : vector<16xf32>
      %bitcast_convert_type3A_454 = tpu.bitcast %max3A_453 : vector<16xf32> -> vector<16xi32>
      %shift_right_logical3A_455 = arith.constant 1 : i32
      %shift_right_logical3A_456 = vector.broadcast %shift_right_logical3A_455 : i32 to vector<16xi32>
      %shift_right_logical3A_457 = arith.shrui %bitcast_convert_type3A_454, %shift_right_logical3A_456 : vector<16xi32>
      %sub3A_458 = arith.constant 1597463007 : i32
      %sub3A_459 = vector.broadcast %sub3A_458 : i32 to vector<16xi32>
      %sub3A_460 = arith.subi %sub3A_459, %shift_right_logical3A_457 : vector<16xi32>
      %bitcast_convert_type3A_461 = tpu.bitcast %sub3A_460 : vector<16xi32> -> vector<16xf32>
      %mul3A_462 = arith.constant 5.000000e-01 : f32
      %mul3A_463 = vector.broadcast %mul3A_462 : f32 to vector<16xf32>
      %mul3A_464 = arith.mulf %mul3A_463, %max3A_453 : vector<16xf32>
      %mul3A_465 = arith.mulf %mul3A_464, %bitcast_convert_type3A_461 : vector<16xf32>
      %mul3A_466 = arith.mulf %mul3A_465, %bitcast_convert_type3A_461 : vector<16xf32>
      %sub3A_467 = arith.constant 1.500000e+00 : f32
      %sub3A_468 = vector.broadcast %sub3A_467 : f32 to vector<16xf32>
      %sub3A_469 = arith.subf %sub3A_468, %mul3A_466 : vector<16xf32>
      %mul3A_470 = arith.mulf %bitcast_convert_type3A_461, %sub3A_469 : vector<16xf32>
      %mul3A_471 = arith.constant 5.000000e-01 : f32
      %mul3A_472 = vector.broadcast %mul3A_471 : f32 to vector<16xf32>
      %mul3A_473 = arith.mulf %mul3A_472, %max3A_453 : vector<16xf32>
      %mul3A_474 = arith.mulf %mul3A_473, %mul3A_470 : vector<16xf32>
      %mul3A_475 = arith.mulf %mul3A_474, %mul3A_470 : vector<16xf32>
      %sub3A_476 = arith.constant 1.500000e+00 : f32
      %sub3A_477 = vector.broadcast %sub3A_476 : f32 to vector<16xf32>
      %sub3A_478 = arith.subf %sub3A_477, %mul3A_475 : vector<16xf32>
      %mul3A_479 = arith.mulf %mul3A_470, %sub3A_478 : vector<16xf32>
      %max3A_480 = arith.constant 1.000000e-24 : f32
      %max3A_481 = vector.broadcast %max3A_480 : f32 to vector<16xf32>
      %max3A_482 = arith.maximumf %parallel_loop3A_396#8, %max3A_481 : vector<16xf32>
      %bitcast_convert_type3A_483 = tpu.bitcast %max3A_482 : vector<16xf32> -> vector<16xi32>
      %shift_right_logical3A_484 = arith.constant 1 : i32
      %shift_right_logical3A_485 = vector.broadcast %shift_right_logical3A_484 : i32 to vector<16xi32>
      %shift_right_logical3A_486 = arith.shrui %bitcast_convert_type3A_483, %shift_right_logical3A_485 : vector<16xi32>
      %sub3A_487 = arith.constant 1597463007 : i32
      %sub3A_488 = vector.broadcast %sub3A_487 : i32 to vector<16xi32>
      %sub3A_489 = arith.subi %sub3A_488, %shift_right_logical3A_486 : vector<16xi32>
      %bitcast_convert_type3A_490 = tpu.bitcast %sub3A_489 : vector<16xi32> -> vector<16xf32>
      %mul3A_491 = arith.constant 5.000000e-01 : f32
      %mul3A_492 = vector.broadcast %mul3A_491 : f32 to vector<16xf32>
      %mul3A_493 = arith.mulf %mul3A_492, %max3A_482 : vector<16xf32>
      %mul3A_494 = arith.mulf %mul3A_493, %bitcast_convert_type3A_490 : vector<16xf32>
      %mul3A_495 = arith.mulf %mul3A_494, %bitcast_convert_type3A_490 : vector<16xf32>
      %sub3A_496 = arith.constant 1.500000e+00 : f32
      %sub3A_497 = vector.broadcast %sub3A_496 : f32 to vector<16xf32>
      %sub3A_498 = arith.subf %sub3A_497, %mul3A_495 : vector<16xf32>
      %mul3A_499 = arith.mulf %bitcast_convert_type3A_490, %sub3A_498 : vector<16xf32>
      %mul3A_500 = arith.constant 5.000000e-01 : f32
      %mul3A_501 = vector.broadcast %mul3A_500 : f32 to vector<16xf32>
      %mul3A_502 = arith.mulf %mul3A_501, %max3A_482 : vector<16xf32>
      %mul3A_503 = arith.mulf %mul3A_502, %mul3A_499 : vector<16xf32>
      %mul3A_504 = arith.mulf %mul3A_503, %mul3A_499 : vector<16xf32>
      %sub3A_505 = arith.constant 1.500000e+00 : f32
      %sub3A_506 = vector.broadcast %sub3A_505 : f32 to vector<16xf32>
      %sub3A_507 = arith.subf %sub3A_506, %mul3A_504 : vector<16xf32>
      %mul3A_508 = arith.mulf %mul3A_499, %sub3A_507 : vector<16xf32>
      %mul3A_509 = arith.mulf %mul3A_450, %mul3A_479 : vector<16xf32>
      %mul3A_510 = arith.mulf %parallel_loop3A_396#2, %mul3A_509 : vector<16xf32>
      %mul3A_511 = arith.mulf %parallel_loop3A_396#0, %mul3A_421 : vector<16xf32>
      %mul3A_512 = arith.mulf %mul3A_511, %mul3A_450 : vector<16xf32>
      %mul3A_513 = arith.mulf %parallel_loop3A_396#1, %mul3A_421 : vector<16xf32>
      %mul3A_514 = arith.mulf %mul3A_513, %mul3A_479 : vector<16xf32>
      %sub3A_515 = arith.subf %mul3A_512, %mul3A_514 : vector<16xf32>
      %sub3A_516 = arith.subf %sub3A_515, %mul3A_510 : vector<16xf32>
      %mul3A_517 = arith.constant 2.000000e+00 : f32
      %mul3A_518 = vector.broadcast %mul3A_517 : f32 to vector<16xf32>
      %mul3A_519 = arith.mulf %mul3A_518, %sub3A_516 : vector<16xf32>
      %add3A_520 = arith.constant 3.000000e+00 : f32
      %add3A_521 = vector.broadcast %add3A_520 : f32 to vector<16xf32>
      %add3A_522 = arith.addf %add3A_521, %mul3A_519 : vector<16xf32>
      %mul3A_523 = arith.mulf %parallel_loop3A_396#3, %mul3A_508 : vector<16xf32>
      %mul3A_524 = arith.mulf %mul3A_523, %mul3A_450 : vector<16xf32>
      %mul3A_525 = arith.mulf %parallel_loop3A_396#4, %mul3A_508 : vector<16xf32>
      %mul3A_526 = arith.mulf %mul3A_525, %mul3A_479 : vector<16xf32>
      %sub3A_527 = arith.subf %mul3A_524, %mul3A_526 : vector<16xf32>
      %sub3A_528 = arith.subf %sub3A_527, %mul3A_510 : vector<16xf32>
      %mul3A_529 = arith.constant 2.000000e+00 : f32
      %mul3A_530 = vector.broadcast %mul3A_529 : f32 to vector<16xf32>
      %mul3A_531 = arith.mulf %mul3A_530, %sub3A_528 : vector<16xf32>
      %add3A_532 = arith.constant 3.000000e+00 : f32
      %add3A_533 = vector.broadcast %add3A_532 : f32 to vector<16xf32>
      %add3A_534 = arith.addf %add3A_533, %mul3A_531 : vector<16xf32>
      %max3A_535 = arith.constant 1.000000e-30 : f32
      %max3A_536 = vector.broadcast %max3A_535 : f32 to vector<16xf32>
      %max3A_537 = arith.maximumf %add3A_522, %max3A_536 : vector<16xf32>
      %max3A_538 = arith.constant 1.000000e-30 : f32
      %max3A_539 = vector.broadcast %max3A_538 : f32 to vector<16xf32>
      %max3A_540 = arith.maximumf %add3A_534, %max3A_539 : vector<16xf32>
      %bitcast_convert_type3A_541 = tpu.bitcast %max3A_537 : vector<16xf32> -> vector<16xi32>
      %shift_right_logical3A_542 = arith.constant 1 : i32
      %shift_right_logical3A_543 = vector.broadcast %shift_right_logical3A_542 : i32 to vector<16xi32>
      %shift_right_logical3A_544 = arith.shrui %bitcast_convert_type3A_541, %shift_right_logical3A_543 : vector<16xi32>
      %sub3A_545 = arith.constant 1597463007 : i32
      %sub3A_546 = vector.broadcast %sub3A_545 : i32 to vector<16xi32>
      %sub3A_547 = arith.subi %sub3A_546, %shift_right_logical3A_544 : vector<16xi32>
      %bitcast_convert_type3A_548 = tpu.bitcast %sub3A_547 : vector<16xi32> -> vector<16xf32>
      %mul3A_549 = arith.constant 5.000000e-01 : f32
      %mul3A_550 = vector.broadcast %mul3A_549 : f32 to vector<16xf32>
      %mul3A_551 = arith.mulf %mul3A_550, %max3A_537 : vector<16xf32>
      %mul3A_552 = arith.mulf %mul3A_551, %bitcast_convert_type3A_548 : vector<16xf32>
      %mul3A_553 = arith.mulf %mul3A_552, %bitcast_convert_type3A_548 : vector<16xf32>
      %sub3A_554 = arith.constant 1.500000e+00 : f32
      %sub3A_555 = vector.broadcast %sub3A_554 : f32 to vector<16xf32>
      %sub3A_556 = arith.subf %sub3A_555, %mul3A_553 : vector<16xf32>
      %mul3A_557 = arith.mulf %bitcast_convert_type3A_548, %sub3A_556 : vector<16xf32>
      %mul3A_558 = arith.constant 5.000000e-01 : f32
      %mul3A_559 = vector.broadcast %mul3A_558 : f32 to vector<16xf32>
      %mul3A_560 = arith.mulf %mul3A_559, %max3A_537 : vector<16xf32>
      %mul3A_561 = arith.mulf %mul3A_560, %mul3A_557 : vector<16xf32>
      %mul3A_562 = arith.mulf %mul3A_561, %mul3A_557 : vector<16xf32>
      %sub3A_563 = arith.constant 1.500000e+00 : f32
      %sub3A_564 = vector.broadcast %sub3A_563 : f32 to vector<16xf32>
      %sub3A_565 = arith.subf %sub3A_564, %mul3A_562 : vector<16xf32>
      %mul3A_566 = arith.mulf %mul3A_557, %sub3A_565 : vector<16xf32>
      %mul3A_567 = arith.mulf %max3A_537, %mul3A_566 : vector<16xf32>
      %bitcast_convert_type3A_568 = tpu.bitcast %max3A_540 : vector<16xf32> -> vector<16xi32>
      %shift_right_logical3A_569 = arith.constant 1 : i32
      %shift_right_logical3A_570 = vector.broadcast %shift_right_logical3A_569 : i32 to vector<16xi32>
      %shift_right_logical3A_571 = arith.shrui %bitcast_convert_type3A_568, %shift_right_logical3A_570 : vector<16xi32>
      %sub3A_572 = arith.constant 1597463007 : i32
      %sub3A_573 = vector.broadcast %sub3A_572 : i32 to vector<16xi32>
      %sub3A_574 = arith.subi %sub3A_573, %shift_right_logical3A_571 : vector<16xi32>
      %bitcast_convert_type3A_575 = tpu.bitcast %sub3A_574 : vector<16xi32> -> vector<16xf32>
      %mul3A_576 = arith.constant 5.000000e-01 : f32
      %mul3A_577 = vector.broadcast %mul3A_576 : f32 to vector<16xf32>
      %mul3A_578 = arith.mulf %mul3A_577, %max3A_540 : vector<16xf32>
      %mul3A_579 = arith.mulf %mul3A_578, %bitcast_convert_type3A_575 : vector<16xf32>
      %mul3A_580 = arith.mulf %mul3A_579, %bitcast_convert_type3A_575 : vector<16xf32>
      %sub3A_581 = arith.constant 1.500000e+00 : f32
      %sub3A_582 = vector.broadcast %sub3A_581 : f32 to vector<16xf32>
      %sub3A_583 = arith.subf %sub3A_582, %mul3A_580 : vector<16xf32>
      %mul3A_584 = arith.mulf %bitcast_convert_type3A_575, %sub3A_583 : vector<16xf32>
      %mul3A_585 = arith.constant 5.000000e-01 : f32
      %mul3A_586 = vector.broadcast %mul3A_585 : f32 to vector<16xf32>
      %mul3A_587 = arith.mulf %mul3A_586, %max3A_540 : vector<16xf32>
      %mul3A_588 = arith.mulf %mul3A_587, %mul3A_584 : vector<16xf32>
      %mul3A_589 = arith.mulf %mul3A_588, %mul3A_584 : vector<16xf32>
      %sub3A_590 = arith.constant 1.500000e+00 : f32
      %sub3A_591 = vector.broadcast %sub3A_590 : f32 to vector<16xf32>
      %sub3A_592 = arith.subf %sub3A_591, %mul3A_589 : vector<16xf32>
      %mul3A_593 = arith.mulf %mul3A_584, %sub3A_592 : vector<16xf32>
      %mul3A_594 = arith.mulf %max3A_540, %mul3A_593 : vector<16xf32>
      %add3A_595 = arith.constant 1.000000e+00 : f32
      %add3A_596 = vector.broadcast %add3A_595 : f32 to vector<16xf32>
      %add3A_597 = arith.addf %add3A_596, %mul3A_567 : vector<16xf32>
      %sub3A_598 = arith.subf %add3A_597, %mul3A_594 : vector<16xf32>
      %max3A_599 = arith.constant 0.000000e+00 : f32
      %max3A_600 = vector.broadcast %max3A_599 : f32 to vector<16xf32>
      %max3A_601 = arith.maximumf %sub3A_598, %max3A_600 : vector<16xf32>
      %add3A_602 = arith.addf %scan3A_389, %max3A_601 : vector<16xf32>
      scf.yield %add3A_602 : vector<16xf32>
    }
    %scan3A_130 = arith.constant 4 : i32
    %dma_start3A_131 = arith.constant 192 : i32
    %dma_start3A_132 = tpu.memref_slice %arg9[%dma_start3A_131] : memref<512xi32, #tpu.memory_space<vmem>> -> memref<64xi32, #tpu.memory_space<vmem>>
    %dma_start3A_133 = arith.constant 0 : i32
    %dma_start3A_134 = arith.constant 0 : i32
    %dma_start3A_135 = tpu.memref_slice %arg6[%dma_start3A_133, %dma_start3A_134] : memref<100000x128xf32, #tpu.memory_space<hbm>> -> memref<100000x128xf32, #tpu.memory_space<hbm>>
    tpu.enqueue_indirect_dma source(%dma_start3A_135 : memref<100000x128xf32, #tpu.memory_space<hbm>>) target(%arg17 : memref<64x128xf32, #tpu.memory_space<vmem>>) offsets(%dma_start3A_132 : memref<64xi32, #tpu.memory_space<vmem>>) semaphore(%arg23 : memref<!tpu.dma_semaphore, #tpu.memory_space<semaphore_mem>>)
    %dma_start3A_136 = arith.constant 192 : i32
    %dma_start3A_137 = tpu.memref_slice %arg10[%dma_start3A_136] : memref<512xi32, #tpu.memory_space<vmem>> -> memref<64xi32, #tpu.memory_space<vmem>>
    %dma_start3A_138 = arith.constant 0 : i32
    %dma_start3A_139 = arith.constant 0 : i32
    %dma_start3A_140 = tpu.memref_slice %arg7[%dma_start3A_138, %dma_start3A_139] : memref<1000x128xf32, #tpu.memory_space<hbm>> -> memref<1000x128xf32, #tpu.memory_space<hbm>>
    tpu.enqueue_indirect_dma source(%dma_start3A_140 : memref<1000x128xf32, #tpu.memory_space<hbm>>) target(%arg18 : memref<64x128xf32, #tpu.memory_space<vmem>>) offsets(%dma_start3A_137 : memref<64xi32, #tpu.memory_space<vmem>>) semaphore(%arg23 : memref<!tpu.dma_semaphore, #tpu.memory_space<semaphore_mem>>)
    %dma_start3A_141 = arith.constant 192 : i32
    %dma_start3A_142 = tpu.memref_slice %arg11[%dma_start3A_141] : memref<512xi32, #tpu.memory_space<vmem>> -> memref<64xi32, #tpu.memory_space<vmem>>
    %dma_start3A_143 = arith.constant 0 : i32
    %dma_start3A_144 = arith.constant 0 : i32
    %dma_start3A_145 = tpu.memref_slice %arg6[%dma_start3A_143, %dma_start3A_144] : memref<100000x128xf32, #tpu.memory_space<hbm>> -> memref<100000x128xf32, #tpu.memory_space<hbm>>
    tpu.enqueue_indirect_dma source(%dma_start3A_145 : memref<100000x128xf32, #tpu.memory_space<hbm>>) target(%arg19 : memref<64x128xf32, #tpu.memory_space<vmem>>) offsets(%dma_start3A_142 : memref<64xi32, #tpu.memory_space<vmem>>) semaphore(%arg23 : memref<!tpu.dma_semaphore, #tpu.memory_space<semaphore_mem>>)
    %dma_start3A_146 = arith.constant 192 : i32
    %dma_start3A_147 = tpu.memref_slice %arg12[%dma_start3A_146] : memref<512xi32, #tpu.memory_space<vmem>> -> memref<64xi32, #tpu.memory_space<vmem>>
    %dma_start3A_148 = arith.constant 0 : i32
    %dma_start3A_149 = arith.constant 0 : i32
    %dma_start3A_150 = tpu.memref_slice %arg6[%dma_start3A_148, %dma_start3A_149] : memref<100000x128xf32, #tpu.memory_space<hbm>> -> memref<100000x128xf32, #tpu.memory_space<hbm>>
    tpu.enqueue_indirect_dma source(%dma_start3A_150 : memref<100000x128xf32, #tpu.memory_space<hbm>>) target(%arg20 : memref<64x128xf32, #tpu.memory_space<vmem>>) offsets(%dma_start3A_147 : memref<64xi32, #tpu.memory_space<vmem>>) semaphore(%arg23 : memref<!tpu.dma_semaphore, #tpu.memory_space<semaphore_mem>>)
    %dma_wait3A_151 = arith.constant 128 : i32
    %dma_wait3A_152 = tpu.memref_slice %arg9[%dma_wait3A_151] : memref<512xi32, #tpu.memory_space<vmem>> -> memref<64xi32, #tpu.memory_space<vmem>>
    %dma_wait3A_153 = arith.constant 0 : i32
    %dma_wait3A_154 = arith.constant 0 : i32
    %dma_wait3A_155 = tpu.memref_slice %arg6[%dma_wait3A_153, %dma_wait3A_154] : memref<100000x128xf32, #tpu.memory_space<hbm>> -> memref<100000x128xf32, #tpu.memory_space<hbm>>
    tpu.wait_indirect_dma semaphore(%arg22 : memref<!tpu.dma_semaphore, #tpu.memory_space<semaphore_mem>>) src(%dma_wait3A_155 : memref<100000x128xf32, #tpu.memory_space<hbm>>) dst(%arg13 : memref<64x128xf32, #tpu.memory_space<vmem>>)
    %dma_wait3A_156 = arith.constant 128 : i32
    %dma_wait3A_157 = tpu.memref_slice %arg10[%dma_wait3A_156] : memref<512xi32, #tpu.memory_space<vmem>> -> memref<64xi32, #tpu.memory_space<vmem>>
    %dma_wait3A_158 = arith.constant 0 : i32
    %dma_wait3A_159 = arith.constant 0 : i32
    %dma_wait3A_160 = tpu.memref_slice %arg7[%dma_wait3A_158, %dma_wait3A_159] : memref<1000x128xf32, #tpu.memory_space<hbm>> -> memref<1000x128xf32, #tpu.memory_space<hbm>>
    tpu.wait_indirect_dma semaphore(%arg22 : memref<!tpu.dma_semaphore, #tpu.memory_space<semaphore_mem>>) src(%dma_wait3A_160 : memref<1000x128xf32, #tpu.memory_space<hbm>>) dst(%arg14 : memref<64x128xf32, #tpu.memory_space<vmem>>)
    %dma_wait3A_161 = arith.constant 128 : i32
    %dma_wait3A_162 = tpu.memref_slice %arg11[%dma_wait3A_161] : memref<512xi32, #tpu.memory_space<vmem>> -> memref<64xi32, #tpu.memory_space<vmem>>
    %dma_wait3A_163 = arith.constant 0 : i32
    %dma_wait3A_164 = arith.constant 0 : i32
    %dma_wait3A_165 = tpu.memref_slice %arg6[%dma_wait3A_163, %dma_wait3A_164] : memref<100000x128xf32, #tpu.memory_space<hbm>> -> memref<100000x128xf32, #tpu.memory_space<hbm>>
    tpu.wait_indirect_dma semaphore(%arg22 : memref<!tpu.dma_semaphore, #tpu.memory_space<semaphore_mem>>) src(%dma_wait3A_165 : memref<100000x128xf32, #tpu.memory_space<hbm>>) dst(%arg15 : memref<64x128xf32, #tpu.memory_space<vmem>>)
    %dma_wait3A_166 = arith.constant 128 : i32
    %dma_wait3A_167 = tpu.memref_slice %arg12[%dma_wait3A_166] : memref<512xi32, #tpu.memory_space<vmem>> -> memref<64xi32, #tpu.memory_space<vmem>>
    %dma_wait3A_168 = arith.constant 0 : i32
    %dma_wait3A_169 = arith.constant 0 : i32
    %dma_wait3A_170 = tpu.memref_slice %arg6[%dma_wait3A_168, %dma_wait3A_169] : memref<100000x128xf32, #tpu.memory_space<hbm>> -> memref<100000x128xf32, #tpu.memory_space<hbm>>
    tpu.wait_indirect_dma semaphore(%arg22 : memref<!tpu.dma_semaphore, #tpu.memory_space<semaphore_mem>>) src(%dma_wait3A_170 : memref<100000x128xf32, #tpu.memory_space<hbm>>) dst(%arg16 : memref<64x128xf32, #tpu.memory_space<vmem>>)
    %scan3A_171 = arith.constant 0 : i32
    %scan3A_172 = arith.constant 4 : i32
    %scan3A_173 = arith.addi %scan3A_171, %scan3A_172 : i32
    %scan3A_174 = arith.constant 1 : i32
    %scan3A_175 = scf.for %scan3A_388 = %scan3A_171 to %scan3A_173 step %scan3A_174 iter_args(%scan3A_389 = %scan3A_129) -> (vector<16xf32>)  : i32 {
      %mul3A_390 = arith.constant 16 : i32
      %mul3A_391 = arith.muli %scan3A_388, %mul3A_390 : i32
      %add3A_392 = vector.broadcast %mul3A_391 : i32 to vector<16xi32>
      %add3A_393 = arith.addi %add3A_392, %iota3A : vector<16xi32>
      %parallel_loop3A = arith.constant 0 : i32
      %parallel_loop3A_394 = arith.constant 128 : i32
      %parallel_loop3A_395 = arith.constant 1 : i32
      %parallel_loop3A_396:9 = scf.for %parallel_loop3A_603 = %parallel_loop3A to %parallel_loop3A_394 step %parallel_loop3A_395 iter_args(%parallel_loop3A_604 = %broadcast_in_dim3A_19, %parallel_loop3A_605 = %broadcast_in_dim3A_19, %parallel_loop3A_606 = %broadcast_in_dim3A_19, %parallel_loop3A_607 = %broadcast_in_dim3A_19, %parallel_loop3A_608 = %broadcast_in_dim3A_19, %parallel_loop3A_609 = %broadcast_in_dim3A_19, %parallel_loop3A_610 = %broadcast_in_dim3A_19, %parallel_loop3A_611 = %broadcast_in_dim3A_19, %parallel_loop3A_612 = %broadcast_in_dim3A_19) -> (vector<16xf32>, vector<16xf32>, vector<16xf32>, vector<16xf32>, vector<16xf32>, vector<16xf32>, vector<16xf32>, vector<16xf32>, vector<16xf32>)  : i32 {
        %parallel_loop3A_613 = vector.broadcast %parallel_loop3A_603 : i32 to vector<16xi32>
        %parallel_loop3A_614 = arith.addi %iota3A, %parallel_loop3A_613 : vector<16xi32>
        %parallel_loop3A_615 = arith.constant 127 : i32
        %parallel_loop3A_616 = vector.broadcast %parallel_loop3A_615 : i32 to vector<16xi32>
        %parallel_loop3A_617 = arith.andi %parallel_loop3A_614, %parallel_loop3A_616 : vector<16xi32>
        %parallel_loop3A_618 = tpu.vector_load_idx %arg13[%add3A_393, %parallel_loop3A_617] : memref<64x128xf32, #tpu.memory_space<vmem>>[vector<16xi32>, vector<16xi32>], vector<16xf32>,
        %parallel_loop3A_619 = tpu.vector_load_idx %arg14[%add3A_393, %parallel_loop3A_617] : memref<64x128xf32, #tpu.memory_space<vmem>>[vector<16xi32>, vector<16xi32>], vector<16xf32>,
        %parallel_loop3A_620 = tpu.vector_load_idx %arg15[%add3A_393, %parallel_loop3A_617] : memref<64x128xf32, #tpu.memory_space<vmem>>[vector<16xi32>, vector<16xi32>], vector<16xf32>,
        %parallel_loop3A_621 = tpu.vector_load_idx %arg16[%add3A_393, %parallel_loop3A_617] : memref<64x128xf32, #tpu.memory_space<vmem>>[vector<16xi32>, vector<16xi32>], vector<16xf32>,
        %parallel_loop3A_622 = arith.mulf %parallel_loop3A_618, %parallel_loop3A_619 : vector<16xf32>
        %parallel_loop3A_623 = arith.addf %parallel_loop3A_604, %parallel_loop3A_622 : vector<16xf32>
        %parallel_loop3A_624 = arith.mulf %parallel_loop3A_618, %parallel_loop3A_620 : vector<16xf32>
        %parallel_loop3A_625 = arith.addf %parallel_loop3A_605, %parallel_loop3A_624 : vector<16xf32>
        %parallel_loop3A_626 = arith.mulf %parallel_loop3A_619, %parallel_loop3A_620 : vector<16xf32>
        %parallel_loop3A_627 = arith.addf %parallel_loop3A_606, %parallel_loop3A_626 : vector<16xf32>
        %parallel_loop3A_628 = arith.mulf %parallel_loop3A_621, %parallel_loop3A_619 : vector<16xf32>
        %parallel_loop3A_629 = arith.addf %parallel_loop3A_607, %parallel_loop3A_628 : vector<16xf32>
        %parallel_loop3A_630 = arith.mulf %parallel_loop3A_621, %parallel_loop3A_620 : vector<16xf32>
        %parallel_loop3A_631 = arith.addf %parallel_loop3A_608, %parallel_loop3A_630 : vector<16xf32>
        %parallel_loop3A_632 = arith.mulf %parallel_loop3A_618, %parallel_loop3A_618 : vector<16xf32>
        %parallel_loop3A_633 = arith.addf %parallel_loop3A_609, %parallel_loop3A_632 : vector<16xf32>
        %parallel_loop3A_634 = arith.mulf %parallel_loop3A_619, %parallel_loop3A_619 : vector<16xf32>
        %parallel_loop3A_635 = arith.addf %parallel_loop3A_610, %parallel_loop3A_634 : vector<16xf32>
        %parallel_loop3A_636 = arith.mulf %parallel_loop3A_620, %parallel_loop3A_620 : vector<16xf32>
        %parallel_loop3A_637 = arith.addf %parallel_loop3A_611, %parallel_loop3A_636 : vector<16xf32>
        %parallel_loop3A_638 = arith.mulf %parallel_loop3A_621, %parallel_loop3A_621 : vector<16xf32>
        %parallel_loop3A_639 = arith.addf %parallel_loop3A_612, %parallel_loop3A_638 : vector<16xf32>
        scf.yield %parallel_loop3A_623, %parallel_loop3A_625, %parallel_loop3A_627, %parallel_loop3A_629, %parallel_loop3A_631, %parallel_loop3A_633, %parallel_loop3A_635, %parallel_loop3A_637, %parallel_loop3A_639 : vector<16xf32>, vector<16xf32>, vector<16xf32>, vector<16xf32>, vector<16xf32>, vector<16xf32>, vector<16xf32>, vector<16xf32>, vector<16xf32>
      } {sc.loop_unroll_factor = 2 : i64, sc.parallel_access}
      %max3A = arith.constant 1.000000e-24 : f32
      %max3A_397 = vector.broadcast %max3A : f32 to vector<16xf32>
      %max3A_398 = arith.maximumf %parallel_loop3A_396#5, %max3A_397 : vector<16xf32>
      %bitcast_convert_type3A = tpu.bitcast %max3A_398 : vector<16xf32> -> vector<16xi32>
      %shift_right_logical3A = arith.constant 1 : i32
      %shift_right_logical3A_399 = vector.broadcast %shift_right_logical3A : i32 to vector<16xi32>
      %shift_right_logical3A_400 = arith.shrui %bitcast_convert_type3A, %shift_right_logical3A_399 : vector<16xi32>
      %sub3A = arith.constant 1597463007 : i32
      %sub3A_401 = vector.broadcast %sub3A : i32 to vector<16xi32>
      %sub3A_402 = arith.subi %sub3A_401, %shift_right_logical3A_400 : vector<16xi32>
      %bitcast_convert_type3A_403 = tpu.bitcast %sub3A_402 : vector<16xi32> -> vector<16xf32>
      %mul3A_404 = arith.constant 5.000000e-01 : f32
      %mul3A_405 = vector.broadcast %mul3A_404 : f32 to vector<16xf32>
      %mul3A_406 = arith.mulf %mul3A_405, %max3A_398 : vector<16xf32>
      %mul3A_407 = arith.mulf %mul3A_406, %bitcast_convert_type3A_403 : vector<16xf32>
      %mul3A_408 = arith.mulf %mul3A_407, %bitcast_convert_type3A_403 : vector<16xf32>
      %sub3A_409 = arith.constant 1.500000e+00 : f32
      %sub3A_410 = vector.broadcast %sub3A_409 : f32 to vector<16xf32>
      %sub3A_411 = arith.subf %sub3A_410, %mul3A_408 : vector<16xf32>
      %mul3A_412 = arith.mulf %bitcast_convert_type3A_403, %sub3A_411 : vector<16xf32>
      %mul3A_413 = arith.constant 5.000000e-01 : f32
      %mul3A_414 = vector.broadcast %mul3A_413 : f32 to vector<16xf32>
      %mul3A_415 = arith.mulf %mul3A_414, %max3A_398 : vector<16xf32>
      %mul3A_416 = arith.mulf %mul3A_415, %mul3A_412 : vector<16xf32>
      %mul3A_417 = arith.mulf %mul3A_416, %mul3A_412 : vector<16xf32>
      %sub3A_418 = arith.constant 1.500000e+00 : f32
      %sub3A_419 = vector.broadcast %sub3A_418 : f32 to vector<16xf32>
      %sub3A_420 = arith.subf %sub3A_419, %mul3A_417 : vector<16xf32>
      %mul3A_421 = arith.mulf %mul3A_412, %sub3A_420 : vector<16xf32>
      %max3A_422 = arith.constant 1.000000e-24 : f32
      %max3A_423 = vector.broadcast %max3A_422 : f32 to vector<16xf32>
      %max3A_424 = arith.maximumf %parallel_loop3A_396#6, %max3A_423 : vector<16xf32>
      %bitcast_convert_type3A_425 = tpu.bitcast %max3A_424 : vector<16xf32> -> vector<16xi32>
      %shift_right_logical3A_426 = arith.constant 1 : i32
      %shift_right_logical3A_427 = vector.broadcast %shift_right_logical3A_426 : i32 to vector<16xi32>
      %shift_right_logical3A_428 = arith.shrui %bitcast_convert_type3A_425, %shift_right_logical3A_427 : vector<16xi32>
      %sub3A_429 = arith.constant 1597463007 : i32
      %sub3A_430 = vector.broadcast %sub3A_429 : i32 to vector<16xi32>
      %sub3A_431 = arith.subi %sub3A_430, %shift_right_logical3A_428 : vector<16xi32>
      %bitcast_convert_type3A_432 = tpu.bitcast %sub3A_431 : vector<16xi32> -> vector<16xf32>
      %mul3A_433 = arith.constant 5.000000e-01 : f32
      %mul3A_434 = vector.broadcast %mul3A_433 : f32 to vector<16xf32>
      %mul3A_435 = arith.mulf %mul3A_434, %max3A_424 : vector<16xf32>
      %mul3A_436 = arith.mulf %mul3A_435, %bitcast_convert_type3A_432 : vector<16xf32>
      %mul3A_437 = arith.mulf %mul3A_436, %bitcast_convert_type3A_432 : vector<16xf32>
      %sub3A_438 = arith.constant 1.500000e+00 : f32
      %sub3A_439 = vector.broadcast %sub3A_438 : f32 to vector<16xf32>
      %sub3A_440 = arith.subf %sub3A_439, %mul3A_437 : vector<16xf32>
      %mul3A_441 = arith.mulf %bitcast_convert_type3A_432, %sub3A_440 : vector<16xf32>
      %mul3A_442 = arith.constant 5.000000e-01 : f32
      %mul3A_443 = vector.broadcast %mul3A_442 : f32 to vector<16xf32>
      %mul3A_444 = arith.mulf %mul3A_443, %max3A_424 : vector<16xf32>
      %mul3A_445 = arith.mulf %mul3A_444, %mul3A_441 : vector<16xf32>
      %mul3A_446 = arith.mulf %mul3A_445, %mul3A_441 : vector<16xf32>
      %sub3A_447 = arith.constant 1.500000e+00 : f32
      %sub3A_448 = vector.broadcast %sub3A_447 : f32 to vector<16xf32>
      %sub3A_449 = arith.subf %sub3A_448, %mul3A_446 : vector<16xf32>
      %mul3A_450 = arith.mulf %mul3A_441, %sub3A_449 : vector<16xf32>
      %max3A_451 = arith.constant 1.000000e-24 : f32
      %max3A_452 = vector.broadcast %max3A_451 : f32 to vector<16xf32>
      %max3A_453 = arith.maximumf %parallel_loop3A_396#7, %max3A_452 : vector<16xf32>
      %bitcast_convert_type3A_454 = tpu.bitcast %max3A_453 : vector<16xf32> -> vector<16xi32>
      %shift_right_logical3A_455 = arith.constant 1 : i32
      %shift_right_logical3A_456 = vector.broadcast %shift_right_logical3A_455 : i32 to vector<16xi32>
      %shift_right_logical3A_457 = arith.shrui %bitcast_convert_type3A_454, %shift_right_logical3A_456 : vector<16xi32>
      %sub3A_458 = arith.constant 1597463007 : i32
      %sub3A_459 = vector.broadcast %sub3A_458 : i32 to vector<16xi32>
      %sub3A_460 = arith.subi %sub3A_459, %shift_right_logical3A_457 : vector<16xi32>
      %bitcast_convert_type3A_461 = tpu.bitcast %sub3A_460 : vector<16xi32> -> vector<16xf32>
      %mul3A_462 = arith.constant 5.000000e-01 : f32
      %mul3A_463 = vector.broadcast %mul3A_462 : f32 to vector<16xf32>
      %mul3A_464 = arith.mulf %mul3A_463, %max3A_453 : vector<16xf32>
      %mul3A_465 = arith.mulf %mul3A_464, %bitcast_convert_type3A_461 : vector<16xf32>
      %mul3A_466 = arith.mulf %mul3A_465, %bitcast_convert_type3A_461 : vector<16xf32>
      %sub3A_467 = arith.constant 1.500000e+00 : f32
      %sub3A_468 = vector.broadcast %sub3A_467 : f32 to vector<16xf32>
      %sub3A_469 = arith.subf %sub3A_468, %mul3A_466 : vector<16xf32>
      %mul3A_470 = arith.mulf %bitcast_convert_type3A_461, %sub3A_469 : vector<16xf32>
      %mul3A_471 = arith.constant 5.000000e-01 : f32
      %mul3A_472 = vector.broadcast %mul3A_471 : f32 to vector<16xf32>
      %mul3A_473 = arith.mulf %mul3A_472, %max3A_453 : vector<16xf32>
      %mul3A_474 = arith.mulf %mul3A_473, %mul3A_470 : vector<16xf32>
      %mul3A_475 = arith.mulf %mul3A_474, %mul3A_470 : vector<16xf32>
      %sub3A_476 = arith.constant 1.500000e+00 : f32
      %sub3A_477 = vector.broadcast %sub3A_476 : f32 to vector<16xf32>
      %sub3A_478 = arith.subf %sub3A_477, %mul3A_475 : vector<16xf32>
      %mul3A_479 = arith.mulf %mul3A_470, %sub3A_478 : vector<16xf32>
      %max3A_480 = arith.constant 1.000000e-24 : f32
      %max3A_481 = vector.broadcast %max3A_480 : f32 to vector<16xf32>
      %max3A_482 = arith.maximumf %parallel_loop3A_396#8, %max3A_481 : vector<16xf32>
      %bitcast_convert_type3A_483 = tpu.bitcast %max3A_482 : vector<16xf32> -> vector<16xi32>
      %shift_right_logical3A_484 = arith.constant 1 : i32
      %shift_right_logical3A_485 = vector.broadcast %shift_right_logical3A_484 : i32 to vector<16xi32>
      %shift_right_logical3A_486 = arith.shrui %bitcast_convert_type3A_483, %shift_right_logical3A_485 : vector<16xi32>
      %sub3A_487 = arith.constant 1597463007 : i32
      %sub3A_488 = vector.broadcast %sub3A_487 : i32 to vector<16xi32>
      %sub3A_489 = arith.subi %sub3A_488, %shift_right_logical3A_486 : vector<16xi32>
      %bitcast_convert_type3A_490 = tpu.bitcast %sub3A_489 : vector<16xi32> -> vector<16xf32>
      %mul3A_491 = arith.constant 5.000000e-01 : f32
      %mul3A_492 = vector.broadcast %mul3A_491 : f32 to vector<16xf32>
      %mul3A_493 = arith.mulf %mul3A_492, %max3A_482 : vector<16xf32>
      %mul3A_494 = arith.mulf %mul3A_493, %bitcast_convert_type3A_490 : vector<16xf32>
      %mul3A_495 = arith.mulf %mul3A_494, %bitcast_convert_type3A_490 : vector<16xf32>
      %sub3A_496 = arith.constant 1.500000e+00 : f32
      %sub3A_497 = vector.broadcast %sub3A_496 : f32 to vector<16xf32>
      %sub3A_498 = arith.subf %sub3A_497, %mul3A_495 : vector<16xf32>
      %mul3A_499 = arith.mulf %bitcast_convert_type3A_490, %sub3A_498 : vector<16xf32>
      %mul3A_500 = arith.constant 5.000000e-01 : f32
      %mul3A_501 = vector.broadcast %mul3A_500 : f32 to vector<16xf32>
      %mul3A_502 = arith.mulf %mul3A_501, %max3A_482 : vector<16xf32>
      %mul3A_503 = arith.mulf %mul3A_502, %mul3A_499 : vector<16xf32>
      %mul3A_504 = arith.mulf %mul3A_503, %mul3A_499 : vector<16xf32>
      %sub3A_505 = arith.constant 1.500000e+00 : f32
      %sub3A_506 = vector.broadcast %sub3A_505 : f32 to vector<16xf32>
      %sub3A_507 = arith.subf %sub3A_506, %mul3A_504 : vector<16xf32>
      %mul3A_508 = arith.mulf %mul3A_499, %sub3A_507 : vector<16xf32>
      %mul3A_509 = arith.mulf %mul3A_450, %mul3A_479 : vector<16xf32>
      %mul3A_510 = arith.mulf %parallel_loop3A_396#2, %mul3A_509 : vector<16xf32>
      %mul3A_511 = arith.mulf %parallel_loop3A_396#0, %mul3A_421 : vector<16xf32>
      %mul3A_512 = arith.mulf %mul3A_511, %mul3A_450 : vector<16xf32>
      %mul3A_513 = arith.mulf %parallel_loop3A_396#1, %mul3A_421 : vector<16xf32>
      %mul3A_514 = arith.mulf %mul3A_513, %mul3A_479 : vector<16xf32>
      %sub3A_515 = arith.subf %mul3A_512, %mul3A_514 : vector<16xf32>
      %sub3A_516 = arith.subf %sub3A_515, %mul3A_510 : vector<16xf32>
      %mul3A_517 = arith.constant 2.000000e+00 : f32
      %mul3A_518 = vector.broadcast %mul3A_517 : f32 to vector<16xf32>
      %mul3A_519 = arith.mulf %mul3A_518, %sub3A_516 : vector<16xf32>
      %add3A_520 = arith.constant 3.000000e+00 : f32
      %add3A_521 = vector.broadcast %add3A_520 : f32 to vector<16xf32>
      %add3A_522 = arith.addf %add3A_521, %mul3A_519 : vector<16xf32>
      %mul3A_523 = arith.mulf %parallel_loop3A_396#3, %mul3A_508 : vector<16xf32>
      %mul3A_524 = arith.mulf %mul3A_523, %mul3A_450 : vector<16xf32>
      %mul3A_525 = arith.mulf %parallel_loop3A_396#4, %mul3A_508 : vector<16xf32>
      %mul3A_526 = arith.mulf %mul3A_525, %mul3A_479 : vector<16xf32>
      %sub3A_527 = arith.subf %mul3A_524, %mul3A_526 : vector<16xf32>
      %sub3A_528 = arith.subf %sub3A_527, %mul3A_510 : vector<16xf32>
      %mul3A_529 = arith.constant 2.000000e+00 : f32
      %mul3A_530 = vector.broadcast %mul3A_529 : f32 to vector<16xf32>
      %mul3A_531 = arith.mulf %mul3A_530, %sub3A_528 : vector<16xf32>
      %add3A_532 = arith.constant 3.000000e+00 : f32
      %add3A_533 = vector.broadcast %add3A_532 : f32 to vector<16xf32>
      %add3A_534 = arith.addf %add3A_533, %mul3A_531 : vector<16xf32>
      %max3A_535 = arith.constant 1.000000e-30 : f32
      %max3A_536 = vector.broadcast %max3A_535 : f32 to vector<16xf32>
      %max3A_537 = arith.maximumf %add3A_522, %max3A_536 : vector<16xf32>
      %max3A_538 = arith.constant 1.000000e-30 : f32
      %max3A_539 = vector.broadcast %max3A_538 : f32 to vector<16xf32>
      %max3A_540 = arith.maximumf %add3A_534, %max3A_539 : vector<16xf32>
      %bitcast_convert_type3A_541 = tpu.bitcast %max3A_537 : vector<16xf32> -> vector<16xi32>
      %shift_right_logical3A_542 = arith.constant 1 : i32
      %shift_right_logical3A_543 = vector.broadcast %shift_right_logical3A_542 : i32 to vector<16xi32>
      %shift_right_logical3A_544 = arith.shrui %bitcast_convert_type3A_541, %shift_right_logical3A_543 : vector<16xi32>
      %sub3A_545 = arith.constant 1597463007 : i32
      %sub3A_546 = vector.broadcast %sub3A_545 : i32 to vector<16xi32>
      %sub3A_547 = arith.subi %sub3A_546, %shift_right_logical3A_544 : vector<16xi32>
      %bitcast_convert_type3A_548 = tpu.bitcast %sub3A_547 : vector<16xi32> -> vector<16xf32>
      %mul3A_549 = arith.constant 5.000000e-01 : f32
      %mul3A_550 = vector.broadcast %mul3A_549 : f32 to vector<16xf32>
      %mul3A_551 = arith.mulf %mul3A_550, %max3A_537 : vector<16xf32>
      %mul3A_552 = arith.mulf %mul3A_551, %bitcast_convert_type3A_548 : vector<16xf32>
      %mul3A_553 = arith.mulf %mul3A_552, %bitcast_convert_type3A_548 : vector<16xf32>
      %sub3A_554 = arith.constant 1.500000e+00 : f32
      %sub3A_555 = vector.broadcast %sub3A_554 : f32 to vector<16xf32>
      %sub3A_556 = arith.subf %sub3A_555, %mul3A_553 : vector<16xf32>
      %mul3A_557 = arith.mulf %bitcast_convert_type3A_548, %sub3A_556 : vector<16xf32>
      %mul3A_558 = arith.constant 5.000000e-01 : f32
      %mul3A_559 = vector.broadcast %mul3A_558 : f32 to vector<16xf32>
      %mul3A_560 = arith.mulf %mul3A_559, %max3A_537 : vector<16xf32>
      %mul3A_561 = arith.mulf %mul3A_560, %mul3A_557 : vector<16xf32>
      %mul3A_562 = arith.mulf %mul3A_561, %mul3A_557 : vector<16xf32>
      %sub3A_563 = arith.constant 1.500000e+00 : f32
      %sub3A_564 = vector.broadcast %sub3A_563 : f32 to vector<16xf32>
      %sub3A_565 = arith.subf %sub3A_564, %mul3A_562 : vector<16xf32>
      %mul3A_566 = arith.mulf %mul3A_557, %sub3A_565 : vector<16xf32>
      %mul3A_567 = arith.mulf %max3A_537, %mul3A_566 : vector<16xf32>
      %bitcast_convert_type3A_568 = tpu.bitcast %max3A_540 : vector<16xf32> -> vector<16xi32>
      %shift_right_logical3A_569 = arith.constant 1 : i32
      %shift_right_logical3A_570 = vector.broadcast %shift_right_logical3A_569 : i32 to vector<16xi32>
      %shift_right_logical3A_571 = arith.shrui %bitcast_convert_type3A_568, %shift_right_logical3A_570 : vector<16xi32>
      %sub3A_572 = arith.constant 1597463007 : i32
      %sub3A_573 = vector.broadcast %sub3A_572 : i32 to vector<16xi32>
      %sub3A_574 = arith.subi %sub3A_573, %shift_right_logical3A_571 : vector<16xi32>
      %bitcast_convert_type3A_575 = tpu.bitcast %sub3A_574 : vector<16xi32> -> vector<16xf32>
      %mul3A_576 = arith.constant 5.000000e-01 : f32
      %mul3A_577 = vector.broadcast %mul3A_576 : f32 to vector<16xf32>
      %mul3A_578 = arith.mulf %mul3A_577, %max3A_540 : vector<16xf32>
      %mul3A_579 = arith.mulf %mul3A_578, %bitcast_convert_type3A_575 : vector<16xf32>
      %mul3A_580 = arith.mulf %mul3A_579, %bitcast_convert_type3A_575 : vector<16xf32>
      %sub3A_581 = arith.constant 1.500000e+00 : f32
      %sub3A_582 = vector.broadcast %sub3A_581 : f32 to vector<16xf32>
      %sub3A_583 = arith.subf %sub3A_582, %mul3A_580 : vector<16xf32>
      %mul3A_584 = arith.mulf %bitcast_convert_type3A_575, %sub3A_583 : vector<16xf32>
      %mul3A_585 = arith.constant 5.000000e-01 : f32
      %mul3A_586 = vector.broadcast %mul3A_585 : f32 to vector<16xf32>
      %mul3A_587 = arith.mulf %mul3A_586, %max3A_540 : vector<16xf32>
      %mul3A_588 = arith.mulf %mul3A_587, %mul3A_584 : vector<16xf32>
      %mul3A_589 = arith.mulf %mul3A_588, %mul3A_584 : vector<16xf32>
      %sub3A_590 = arith.constant 1.500000e+00 : f32
      %sub3A_591 = vector.broadcast %sub3A_590 : f32 to vector<16xf32>
      %sub3A_592 = arith.subf %sub3A_591, %mul3A_589 : vector<16xf32>
      %mul3A_593 = arith.mulf %mul3A_584, %sub3A_592 : vector<16xf32>
      %mul3A_594 = arith.mulf %max3A_540, %mul3A_593 : vector<16xf32>
      %add3A_595 = arith.constant 1.000000e+00 : f32
      %add3A_596 = vector.broadcast %add3A_595 : f32 to vector<16xf32>
      %add3A_597 = arith.addf %add3A_596, %mul3A_567 : vector<16xf32>
      %sub3A_598 = arith.subf %add3A_597, %mul3A_594 : vector<16xf32>
      %max3A_599 = arith.constant 0.000000e+00 : f32
      %max3A_600 = vector.broadcast %max3A_599 : f32 to vector<16xf32>
      %max3A_601 = arith.maximumf %sub3A_598, %max3A_600 : vector<16xf32>
      %add3A_602 = arith.addf %scan3A_389, %max3A_601 : vector<16xf32>
      scf.yield %add3A_602 : vector<16xf32>
    }
    %scan3A_176 = arith.constant 4 : i32
    %dma_start3A_177 = arith.constant 256 : i32
    %dma_start3A_178 = tpu.memref_slice %arg9[%dma_start3A_177] : memref<512xi32, #tpu.memory_space<vmem>> -> memref<64xi32, #tpu.memory_space<vmem>>
    %dma_start3A_179 = arith.constant 0 : i32
    %dma_start3A_180 = arith.constant 0 : i32
    %dma_start3A_181 = tpu.memref_slice %arg6[%dma_start3A_179, %dma_start3A_180] : memref<100000x128xf32, #tpu.memory_space<hbm>> -> memref<100000x128xf32, #tpu.memory_space<hbm>>
    tpu.enqueue_indirect_dma source(%dma_start3A_181 : memref<100000x128xf32, #tpu.memory_space<hbm>>) target(%arg13 : memref<64x128xf32, #tpu.memory_space<vmem>>) offsets(%dma_start3A_178 : memref<64xi32, #tpu.memory_space<vmem>>) semaphore(%arg22 : memref<!tpu.dma_semaphore, #tpu.memory_space<semaphore_mem>>)
    %dma_start3A_182 = arith.constant 256 : i32
    %dma_start3A_183 = tpu.memref_slice %arg10[%dma_start3A_182] : memref<512xi32, #tpu.memory_space<vmem>> -> memref<64xi32, #tpu.memory_space<vmem>>
    %dma_start3A_184 = arith.constant 0 : i32
    %dma_start3A_185 = arith.constant 0 : i32
    %dma_start3A_186 = tpu.memref_slice %arg7[%dma_start3A_184, %dma_start3A_185] : memref<1000x128xf32, #tpu.memory_space<hbm>> -> memref<1000x128xf32, #tpu.memory_space<hbm>>
    tpu.enqueue_indirect_dma source(%dma_start3A_186 : memref<1000x128xf32, #tpu.memory_space<hbm>>) target(%arg14 : memref<64x128xf32, #tpu.memory_space<vmem>>) offsets(%dma_start3A_183 : memref<64xi32, #tpu.memory_space<vmem>>) semaphore(%arg22 : memref<!tpu.dma_semaphore, #tpu.memory_space<semaphore_mem>>)
    %dma_start3A_187 = arith.constant 256 : i32
    %dma_start3A_188 = tpu.memref_slice %arg11[%dma_start3A_187] : memref<512xi32, #tpu.memory_space<vmem>> -> memref<64xi32, #tpu.memory_space<vmem>>
    %dma_start3A_189 = arith.constant 0 : i32
    %dma_start3A_190 = arith.constant 0 : i32
    %dma_start3A_191 = tpu.memref_slice %arg6[%dma_start3A_189, %dma_start3A_190] : memref<100000x128xf32, #tpu.memory_space<hbm>> -> memref<100000x128xf32, #tpu.memory_space<hbm>>
    tpu.enqueue_indirect_dma source(%dma_start3A_191 : memref<100000x128xf32, #tpu.memory_space<hbm>>) target(%arg15 : memref<64x128xf32, #tpu.memory_space<vmem>>) offsets(%dma_start3A_188 : memref<64xi32, #tpu.memory_space<vmem>>) semaphore(%arg22 : memref<!tpu.dma_semaphore, #tpu.memory_space<semaphore_mem>>)
    %dma_start3A_192 = arith.constant 256 : i32
    %dma_start3A_193 = tpu.memref_slice %arg12[%dma_start3A_192] : memref<512xi32, #tpu.memory_space<vmem>> -> memref<64xi32, #tpu.memory_space<vmem>>
    %dma_start3A_194 = arith.constant 0 : i32
    %dma_start3A_195 = arith.constant 0 : i32
    %dma_start3A_196 = tpu.memref_slice %arg6[%dma_start3A_194, %dma_start3A_195] : memref<100000x128xf32, #tpu.memory_space<hbm>> -> memref<100000x128xf32, #tpu.memory_space<hbm>>
    tpu.enqueue_indirect_dma source(%dma_start3A_196 : memref<100000x128xf32, #tpu.memory_space<hbm>>) target(%arg16 : memref<64x128xf32, #tpu.memory_space<vmem>>) offsets(%dma_start3A_193 : memref<64xi32, #tpu.memory_space<vmem>>) semaphore(%arg22 : memref<!tpu.dma_semaphore, #tpu.memory_space<semaphore_mem>>)
    %dma_wait3A_197 = arith.constant 192 : i32
    %dma_wait3A_198 = tpu.memref_slice %arg9[%dma_wait3A_197] : memref<512xi32, #tpu.memory_space<vmem>> -> memref<64xi32, #tpu.memory_space<vmem>>
    %dma_wait3A_199 = arith.constant 0 : i32
    %dma_wait3A_200 = arith.constant 0 : i32
    %dma_wait3A_201 = tpu.memref_slice %arg6[%dma_wait3A_199, %dma_wait3A_200] : memref<100000x128xf32, #tpu.memory_space<hbm>> -> memref<100000x128xf32, #tpu.memory_space<hbm>>
    tpu.wait_indirect_dma semaphore(%arg23 : memref<!tpu.dma_semaphore, #tpu.memory_space<semaphore_mem>>) src(%dma_wait3A_201 : memref<100000x128xf32, #tpu.memory_space<hbm>>) dst(%arg17 : memref<64x128xf32, #tpu.memory_space<vmem>>)
    %dma_wait3A_202 = arith.constant 192 : i32
    %dma_wait3A_203 = tpu.memref_slice %arg10[%dma_wait3A_202] : memref<512xi32, #tpu.memory_space<vmem>> -> memref<64xi32, #tpu.memory_space<vmem>>
    %dma_wait3A_204 = arith.constant 0 : i32
    %dma_wait3A_205 = arith.constant 0 : i32
    %dma_wait3A_206 = tpu.memref_slice %arg7[%dma_wait3A_204, %dma_wait3A_205] : memref<1000x128xf32, #tpu.memory_space<hbm>> -> memref<1000x128xf32, #tpu.memory_space<hbm>>
    tpu.wait_indirect_dma semaphore(%arg23 : memref<!tpu.dma_semaphore, #tpu.memory_space<semaphore_mem>>) src(%dma_wait3A_206 : memref<1000x128xf32, #tpu.memory_space<hbm>>) dst(%arg18 : memref<64x128xf32, #tpu.memory_space<vmem>>)
    %dma_wait3A_207 = arith.constant 192 : i32
    %dma_wait3A_208 = tpu.memref_slice %arg11[%dma_wait3A_207] : memref<512xi32, #tpu.memory_space<vmem>> -> memref<64xi32, #tpu.memory_space<vmem>>
    %dma_wait3A_209 = arith.constant 0 : i32
    %dma_wait3A_210 = arith.constant 0 : i32
    %dma_wait3A_211 = tpu.memref_slice %arg6[%dma_wait3A_209, %dma_wait3A_210] : memref<100000x128xf32, #tpu.memory_space<hbm>> -> memref<100000x128xf32, #tpu.memory_space<hbm>>
    tpu.wait_indirect_dma semaphore(%arg23 : memref<!tpu.dma_semaphore, #tpu.memory_space<semaphore_mem>>) src(%dma_wait3A_211 : memref<100000x128xf32, #tpu.memory_space<hbm>>) dst(%arg19 : memref<64x128xf32, #tpu.memory_space<vmem>>)
    %dma_wait3A_212 = arith.constant 192 : i32
    %dma_wait3A_213 = tpu.memref_slice %arg12[%dma_wait3A_212] : memref<512xi32, #tpu.memory_space<vmem>> -> memref<64xi32, #tpu.memory_space<vmem>>
    %dma_wait3A_214 = arith.constant 0 : i32
    %dma_wait3A_215 = arith.constant 0 : i32
    %dma_wait3A_216 = tpu.memref_slice %arg6[%dma_wait3A_214, %dma_wait3A_215] : memref<100000x128xf32, #tpu.memory_space<hbm>> -> memref<100000x128xf32, #tpu.memory_space<hbm>>
    tpu.wait_indirect_dma semaphore(%arg23 : memref<!tpu.dma_semaphore, #tpu.memory_space<semaphore_mem>>) src(%dma_wait3A_216 : memref<100000x128xf32, #tpu.memory_space<hbm>>) dst(%arg20 : memref<64x128xf32, #tpu.memory_space<vmem>>)
    %scan3A_217 = arith.constant 0 : i32
    %scan3A_218 = arith.constant 4 : i32
    %scan3A_219 = arith.addi %scan3A_217, %scan3A_218 : i32
    %scan3A_220 = arith.constant 1 : i32
    %scan3A_221 = scf.for %scan3A_388 = %scan3A_217 to %scan3A_219 step %scan3A_220 iter_args(%scan3A_389 = %scan3A_175) -> (vector<16xf32>)  : i32 {
      %mul3A_390 = arith.constant 16 : i32
      %mul3A_391 = arith.muli %scan3A_388, %mul3A_390 : i32
      %add3A_392 = vector.broadcast %mul3A_391 : i32 to vector<16xi32>
      %add3A_393 = arith.addi %add3A_392, %iota3A : vector<16xi32>
      %parallel_loop3A = arith.constant 0 : i32
      %parallel_loop3A_394 = arith.constant 128 : i32
      %parallel_loop3A_395 = arith.constant 1 : i32
      %parallel_loop3A_396:9 = scf.for %parallel_loop3A_603 = %parallel_loop3A to %parallel_loop3A_394 step %parallel_loop3A_395 iter_args(%parallel_loop3A_604 = %broadcast_in_dim3A_19, %parallel_loop3A_605 = %broadcast_in_dim3A_19, %parallel_loop3A_606 = %broadcast_in_dim3A_19, %parallel_loop3A_607 = %broadcast_in_dim3A_19, %parallel_loop3A_608 = %broadcast_in_dim3A_19, %parallel_loop3A_609 = %broadcast_in_dim3A_19, %parallel_loop3A_610 = %broadcast_in_dim3A_19, %parallel_loop3A_611 = %broadcast_in_dim3A_19, %parallel_loop3A_612 = %broadcast_in_dim3A_19) -> (vector<16xf32>, vector<16xf32>, vector<16xf32>, vector<16xf32>, vector<16xf32>, vector<16xf32>, vector<16xf32>, vector<16xf32>, vector<16xf32>)  : i32 {
        %parallel_loop3A_613 = vector.broadcast %parallel_loop3A_603 : i32 to vector<16xi32>
        %parallel_loop3A_614 = arith.addi %iota3A, %parallel_loop3A_613 : vector<16xi32>
        %parallel_loop3A_615 = arith.constant 127 : i32
        %parallel_loop3A_616 = vector.broadcast %parallel_loop3A_615 : i32 to vector<16xi32>
        %parallel_loop3A_617 = arith.andi %parallel_loop3A_614, %parallel_loop3A_616 : vector<16xi32>
        %parallel_loop3A_618 = tpu.vector_load_idx %arg17[%add3A_393, %parallel_loop3A_617] : memref<64x128xf32, #tpu.memory_space<vmem>>[vector<16xi32>, vector<16xi32>], vector<16xf32>,
        %parallel_loop3A_619 = tpu.vector_load_idx %arg18[%add3A_393, %parallel_loop3A_617] : memref<64x128xf32, #tpu.memory_space<vmem>>[vector<16xi32>, vector<16xi32>], vector<16xf32>,
        %parallel_loop3A_620 = tpu.vector_load_idx %arg19[%add3A_393, %parallel_loop3A_617] : memref<64x128xf32, #tpu.memory_space<vmem>>[vector<16xi32>, vector<16xi32>], vector<16xf32>,
        %parallel_loop3A_621 = tpu.vector_load_idx %arg20[%add3A_393, %parallel_loop3A_617] : memref<64x128xf32, #tpu.memory_space<vmem>>[vector<16xi32>, vector<16xi32>], vector<16xf32>,
        %parallel_loop3A_622 = arith.mulf %parallel_loop3A_618, %parallel_loop3A_619 : vector<16xf32>
        %parallel_loop3A_623 = arith.addf %parallel_loop3A_604, %parallel_loop3A_622 : vector<16xf32>
        %parallel_loop3A_624 = arith.mulf %parallel_loop3A_618, %parallel_loop3A_620 : vector<16xf32>
        %parallel_loop3A_625 = arith.addf %parallel_loop3A_605, %parallel_loop3A_624 : vector<16xf32>
        %parallel_loop3A_626 = arith.mulf %parallel_loop3A_619, %parallel_loop3A_620 : vector<16xf32>
        %parallel_loop3A_627 = arith.addf %parallel_loop3A_606, %parallel_loop3A_626 : vector<16xf32>
        %parallel_loop3A_628 = arith.mulf %parallel_loop3A_621, %parallel_loop3A_619 : vector<16xf32>
        %parallel_loop3A_629 = arith.addf %parallel_loop3A_607, %parallel_loop3A_628 : vector<16xf32>
        %parallel_loop3A_630 = arith.mulf %parallel_loop3A_621, %parallel_loop3A_620 : vector<16xf32>
        %parallel_loop3A_631 = arith.addf %parallel_loop3A_608, %parallel_loop3A_630 : vector<16xf32>
        %parallel_loop3A_632 = arith.mulf %parallel_loop3A_618, %parallel_loop3A_618 : vector<16xf32>
        %parallel_loop3A_633 = arith.addf %parallel_loop3A_609, %parallel_loop3A_632 : vector<16xf32>
        %parallel_loop3A_634 = arith.mulf %parallel_loop3A_619, %parallel_loop3A_619 : vector<16xf32>
        %parallel_loop3A_635 = arith.addf %parallel_loop3A_610, %parallel_loop3A_634 : vector<16xf32>
        %parallel_loop3A_636 = arith.mulf %parallel_loop3A_620, %parallel_loop3A_620 : vector<16xf32>
        %parallel_loop3A_637 = arith.addf %parallel_loop3A_611, %parallel_loop3A_636 : vector<16xf32>
        %parallel_loop3A_638 = arith.mulf %parallel_loop3A_621, %parallel_loop3A_621 : vector<16xf32>
        %parallel_loop3A_639 = arith.addf %parallel_loop3A_612, %parallel_loop3A_638 : vector<16xf32>
        scf.yield %parallel_loop3A_623, %parallel_loop3A_625, %parallel_loop3A_627, %parallel_loop3A_629, %parallel_loop3A_631, %parallel_loop3A_633, %parallel_loop3A_635, %parallel_loop3A_637, %parallel_loop3A_639 : vector<16xf32>, vector<16xf32>, vector<16xf32>, vector<16xf32>, vector<16xf32>, vector<16xf32>, vector<16xf32>, vector<16xf32>, vector<16xf32>
      } {sc.loop_unroll_factor = 2 : i64, sc.parallel_access}
      %max3A = arith.constant 1.000000e-24 : f32
      %max3A_397 = vector.broadcast %max3A : f32 to vector<16xf32>
      %max3A_398 = arith.maximumf %parallel_loop3A_396#5, %max3A_397 : vector<16xf32>
      %bitcast_convert_type3A = tpu.bitcast %max3A_398 : vector<16xf32> -> vector<16xi32>
      %shift_right_logical3A = arith.constant 1 : i32
      %shift_right_logical3A_399 = vector.broadcast %shift_right_logical3A : i32 to vector<16xi32>
      %shift_right_logical3A_400 = arith.shrui %bitcast_convert_type3A, %shift_right_logical3A_399 : vector<16xi32>
      %sub3A = arith.constant 1597463007 : i32
      %sub3A_401 = vector.broadcast %sub3A : i32 to vector<16xi32>
      %sub3A_402 = arith.subi %sub3A_401, %shift_right_logical3A_400 : vector<16xi32>
      %bitcast_convert_type3A_403 = tpu.bitcast %sub3A_402 : vector<16xi32> -> vector<16xf32>
      %mul3A_404 = arith.constant 5.000000e-01 : f32
      %mul3A_405 = vector.broadcast %mul3A_404 : f32 to vector<16xf32>
      %mul3A_406 = arith.mulf %mul3A_405, %max3A_398 : vector<16xf32>
      %mul3A_407 = arith.mulf %mul3A_406, %bitcast_convert_type3A_403 : vector<16xf32>
      %mul3A_408 = arith.mulf %mul3A_407, %bitcast_convert_type3A_403 : vector<16xf32>
      %sub3A_409 = arith.constant 1.500000e+00 : f32
      %sub3A_410 = vector.broadcast %sub3A_409 : f32 to vector<16xf32>
      %sub3A_411 = arith.subf %sub3A_410, %mul3A_408 : vector<16xf32>
      %mul3A_412 = arith.mulf %bitcast_convert_type3A_403, %sub3A_411 : vector<16xf32>
      %mul3A_413 = arith.constant 5.000000e-01 : f32
      %mul3A_414 = vector.broadcast %mul3A_413 : f32 to vector<16xf32>
      %mul3A_415 = arith.mulf %mul3A_414, %max3A_398 : vector<16xf32>
      %mul3A_416 = arith.mulf %mul3A_415, %mul3A_412 : vector<16xf32>
      %mul3A_417 = arith.mulf %mul3A_416, %mul3A_412 : vector<16xf32>
      %sub3A_418 = arith.constant 1.500000e+00 : f32
      %sub3A_419 = vector.broadcast %sub3A_418 : f32 to vector<16xf32>
      %sub3A_420 = arith.subf %sub3A_419, %mul3A_417 : vector<16xf32>
      %mul3A_421 = arith.mulf %mul3A_412, %sub3A_420 : vector<16xf32>
      %max3A_422 = arith.constant 1.000000e-24 : f32
      %max3A_423 = vector.broadcast %max3A_422 : f32 to vector<16xf32>
      %max3A_424 = arith.maximumf %parallel_loop3A_396#6, %max3A_423 : vector<16xf32>
      %bitcast_convert_type3A_425 = tpu.bitcast %max3A_424 : vector<16xf32> -> vector<16xi32>
      %shift_right_logical3A_426 = arith.constant 1 : i32
      %shift_right_logical3A_427 = vector.broadcast %shift_right_logical3A_426 : i32 to vector<16xi32>
      %shift_right_logical3A_428 = arith.shrui %bitcast_convert_type3A_425, %shift_right_logical3A_427 : vector<16xi32>
      %sub3A_429 = arith.constant 1597463007 : i32
      %sub3A_430 = vector.broadcast %sub3A_429 : i32 to vector<16xi32>
      %sub3A_431 = arith.subi %sub3A_430, %shift_right_logical3A_428 : vector<16xi32>
      %bitcast_convert_type3A_432 = tpu.bitcast %sub3A_431 : vector<16xi32> -> vector<16xf32>
      %mul3A_433 = arith.constant 5.000000e-01 : f32
      %mul3A_434 = vector.broadcast %mul3A_433 : f32 to vector<16xf32>
      %mul3A_435 = arith.mulf %mul3A_434, %max3A_424 : vector<16xf32>
      %mul3A_436 = arith.mulf %mul3A_435, %bitcast_convert_type3A_432 : vector<16xf32>
      %mul3A_437 = arith.mulf %mul3A_436, %bitcast_convert_type3A_432 : vector<16xf32>
      %sub3A_438 = arith.constant 1.500000e+00 : f32
      %sub3A_439 = vector.broadcast %sub3A_438 : f32 to vector<16xf32>
      %sub3A_440 = arith.subf %sub3A_439, %mul3A_437 : vector<16xf32>
      %mul3A_441 = arith.mulf %bitcast_convert_type3A_432, %sub3A_440 : vector<16xf32>
      %mul3A_442 = arith.constant 5.000000e-01 : f32
      %mul3A_443 = vector.broadcast %mul3A_442 : f32 to vector<16xf32>
      %mul3A_444 = arith.mulf %mul3A_443, %max3A_424 : vector<16xf32>
      %mul3A_445 = arith.mulf %mul3A_444, %mul3A_441 : vector<16xf32>
      %mul3A_446 = arith.mulf %mul3A_445, %mul3A_441 : vector<16xf32>
      %sub3A_447 = arith.constant 1.500000e+00 : f32
      %sub3A_448 = vector.broadcast %sub3A_447 : f32 to vector<16xf32>
      %sub3A_449 = arith.subf %sub3A_448, %mul3A_446 : vector<16xf32>
      %mul3A_450 = arith.mulf %mul3A_441, %sub3A_449 : vector<16xf32>
      %max3A_451 = arith.constant 1.000000e-24 : f32
      %max3A_452 = vector.broadcast %max3A_451 : f32 to vector<16xf32>
      %max3A_453 = arith.maximumf %parallel_loop3A_396#7, %max3A_452 : vector<16xf32>
      %bitcast_convert_type3A_454 = tpu.bitcast %max3A_453 : vector<16xf32> -> vector<16xi32>
      %shift_right_logical3A_455 = arith.constant 1 : i32
      %shift_right_logical3A_456 = vector.broadcast %shift_right_logical3A_455 : i32 to vector<16xi32>
      %shift_right_logical3A_457 = arith.shrui %bitcast_convert_type3A_454, %shift_right_logical3A_456 : vector<16xi32>
      %sub3A_458 = arith.constant 1597463007 : i32
      %sub3A_459 = vector.broadcast %sub3A_458 : i32 to vector<16xi32>
      %sub3A_460 = arith.subi %sub3A_459, %shift_right_logical3A_457 : vector<16xi32>
      %bitcast_convert_type3A_461 = tpu.bitcast %sub3A_460 : vector<16xi32> -> vector<16xf32>
      %mul3A_462 = arith.constant 5.000000e-01 : f32
      %mul3A_463 = vector.broadcast %mul3A_462 : f32 to vector<16xf32>
      %mul3A_464 = arith.mulf %mul3A_463, %max3A_453 : vector<16xf32>
      %mul3A_465 = arith.mulf %mul3A_464, %bitcast_convert_type3A_461 : vector<16xf32>
      %mul3A_466 = arith.mulf %mul3A_465, %bitcast_convert_type3A_461 : vector<16xf32>
      %sub3A_467 = arith.constant 1.500000e+00 : f32
      %sub3A_468 = vector.broadcast %sub3A_467 : f32 to vector<16xf32>
      %sub3A_469 = arith.subf %sub3A_468, %mul3A_466 : vector<16xf32>
      %mul3A_470 = arith.mulf %bitcast_convert_type3A_461, %sub3A_469 : vector<16xf32>
      %mul3A_471 = arith.constant 5.000000e-01 : f32
      %mul3A_472 = vector.broadcast %mul3A_471 : f32 to vector<16xf32>
      %mul3A_473 = arith.mulf %mul3A_472, %max3A_453 : vector<16xf32>
      %mul3A_474 = arith.mulf %mul3A_473, %mul3A_470 : vector<16xf32>
      %mul3A_475 = arith.mulf %mul3A_474, %mul3A_470 : vector<16xf32>
      %sub3A_476 = arith.constant 1.500000e+00 : f32
      %sub3A_477 = vector.broadcast %sub3A_476 : f32 to vector<16xf32>
      %sub3A_478 = arith.subf %sub3A_477, %mul3A_475 : vector<16xf32>
      %mul3A_479 = arith.mulf %mul3A_470, %sub3A_478 : vector<16xf32>
      %max3A_480 = arith.constant 1.000000e-24 : f32
      %max3A_481 = vector.broadcast %max3A_480 : f32 to vector<16xf32>
      %max3A_482 = arith.maximumf %parallel_loop3A_396#8, %max3A_481 : vector<16xf32>
      %bitcast_convert_type3A_483 = tpu.bitcast %max3A_482 : vector<16xf32> -> vector<16xi32>
      %shift_right_logical3A_484 = arith.constant 1 : i32
      %shift_right_logical3A_485 = vector.broadcast %shift_right_logical3A_484 : i32 to vector<16xi32>
      %shift_right_logical3A_486 = arith.shrui %bitcast_convert_type3A_483, %shift_right_logical3A_485 : vector<16xi32>
      %sub3A_487 = arith.constant 1597463007 : i32
      %sub3A_488 = vector.broadcast %sub3A_487 : i32 to vector<16xi32>
      %sub3A_489 = arith.subi %sub3A_488, %shift_right_logical3A_486 : vector<16xi32>
      %bitcast_convert_type3A_490 = tpu.bitcast %sub3A_489 : vector<16xi32> -> vector<16xf32>
      %mul3A_491 = arith.constant 5.000000e-01 : f32
      %mul3A_492 = vector.broadcast %mul3A_491 : f32 to vector<16xf32>
      %mul3A_493 = arith.mulf %mul3A_492, %max3A_482 : vector<16xf32>
      %mul3A_494 = arith.mulf %mul3A_493, %bitcast_convert_type3A_490 : vector<16xf32>
      %mul3A_495 = arith.mulf %mul3A_494, %bitcast_convert_type3A_490 : vector<16xf32>
      %sub3A_496 = arith.constant 1.500000e+00 : f32
      %sub3A_497 = vector.broadcast %sub3A_496 : f32 to vector<16xf32>
      %sub3A_498 = arith.subf %sub3A_497, %mul3A_495 : vector<16xf32>
      %mul3A_499 = arith.mulf %bitcast_convert_type3A_490, %sub3A_498 : vector<16xf32>
      %mul3A_500 = arith.constant 5.000000e-01 : f32
      %mul3A_501 = vector.broadcast %mul3A_500 : f32 to vector<16xf32>
      %mul3A_502 = arith.mulf %mul3A_501, %max3A_482 : vector<16xf32>
      %mul3A_503 = arith.mulf %mul3A_502, %mul3A_499 : vector<16xf32>
      %mul3A_504 = arith.mulf %mul3A_503, %mul3A_499 : vector<16xf32>
      %sub3A_505 = arith.constant 1.500000e+00 : f32
      %sub3A_506 = vector.broadcast %sub3A_505 : f32 to vector<16xf32>
      %sub3A_507 = arith.subf %sub3A_506, %mul3A_504 : vector<16xf32>
      %mul3A_508 = arith.mulf %mul3A_499, %sub3A_507 : vector<16xf32>
      %mul3A_509 = arith.mulf %mul3A_450, %mul3A_479 : vector<16xf32>
      %mul3A_510 = arith.mulf %parallel_loop3A_396#2, %mul3A_509 : vector<16xf32>
      %mul3A_511 = arith.mulf %parallel_loop3A_396#0, %mul3A_421 : vector<16xf32>
      %mul3A_512 = arith.mulf %mul3A_511, %mul3A_450 : vector<16xf32>
      %mul3A_513 = arith.mulf %parallel_loop3A_396#1, %mul3A_421 : vector<16xf32>
      %mul3A_514 = arith.mulf %mul3A_513, %mul3A_479 : vector<16xf32>
      %sub3A_515 = arith.subf %mul3A_512, %mul3A_514 : vector<16xf32>
      %sub3A_516 = arith.subf %sub3A_515, %mul3A_510 : vector<16xf32>
      %mul3A_517 = arith.constant 2.000000e+00 : f32
      %mul3A_518 = vector.broadcast %mul3A_517 : f32 to vector<16xf32>
      %mul3A_519 = arith.mulf %mul3A_518, %sub3A_516 : vector<16xf32>
      %add3A_520 = arith.constant 3.000000e+00 : f32
      %add3A_521 = vector.broadcast %add3A_520 : f32 to vector<16xf32>
      %add3A_522 = arith.addf %add3A_521, %mul3A_519 : vector<16xf32>
      %mul3A_523 = arith.mulf %parallel_loop3A_396#3, %mul3A_508 : vector<16xf32>
      %mul3A_524 = arith.mulf %mul3A_523, %mul3A_450 : vector<16xf32>
      %mul3A_525 = arith.mulf %parallel_loop3A_396#4, %mul3A_508 : vector<16xf32>
      %mul3A_526 = arith.mulf %mul3A_525, %mul3A_479 : vector<16xf32>
      %sub3A_527 = arith.subf %mul3A_524, %mul3A_526 : vector<16xf32>
      %sub3A_528 = arith.subf %sub3A_527, %mul3A_510 : vector<16xf32>
      %mul3A_529 = arith.constant 2.000000e+00 : f32
      %mul3A_530 = vector.broadcast %mul3A_529 : f32 to vector<16xf32>
      %mul3A_531 = arith.mulf %mul3A_530, %sub3A_528 : vector<16xf32>
      %add3A_532 = arith.constant 3.000000e+00 : f32
      %add3A_533 = vector.broadcast %add3A_532 : f32 to vector<16xf32>
      %add3A_534 = arith.addf %add3A_533, %mul3A_531 : vector<16xf32>
      %max3A_535 = arith.constant 1.000000e-30 : f32
      %max3A_536 = vector.broadcast %max3A_535 : f32 to vector<16xf32>
      %max3A_537 = arith.maximumf %add3A_522, %max3A_536 : vector<16xf32>
      %max3A_538 = arith.constant 1.000000e-30 : f32
      %max3A_539 = vector.broadcast %max3A_538 : f32 to vector<16xf32>
      %max3A_540 = arith.maximumf %add3A_534, %max3A_539 : vector<16xf32>
      %bitcast_convert_type3A_541 = tpu.bitcast %max3A_537 : vector<16xf32> -> vector<16xi32>
      %shift_right_logical3A_542 = arith.constant 1 : i32
      %shift_right_logical3A_543 = vector.broadcast %shift_right_logical3A_542 : i32 to vector<16xi32>
      %shift_right_logical3A_544 = arith.shrui %bitcast_convert_type3A_541, %shift_right_logical3A_543 : vector<16xi32>
      %sub3A_545 = arith.constant 1597463007 : i32
      %sub3A_546 = vector.broadcast %sub3A_545 : i32 to vector<16xi32>
      %sub3A_547 = arith.subi %sub3A_546, %shift_right_logical3A_544 : vector<16xi32>
      %bitcast_convert_type3A_548 = tpu.bitcast %sub3A_547 : vector<16xi32> -> vector<16xf32>
      %mul3A_549 = arith.constant 5.000000e-01 : f32
      %mul3A_550 = vector.broadcast %mul3A_549 : f32 to vector<16xf32>
      %mul3A_551 = arith.mulf %mul3A_550, %max3A_537 : vector<16xf32>
      %mul3A_552 = arith.mulf %mul3A_551, %bitcast_convert_type3A_548 : vector<16xf32>
      %mul3A_553 = arith.mulf %mul3A_552, %bitcast_convert_type3A_548 : vector<16xf32>
      %sub3A_554 = arith.constant 1.500000e+00 : f32
      %sub3A_555 = vector.broadcast %sub3A_554 : f32 to vector<16xf32>
      %sub3A_556 = arith.subf %sub3A_555, %mul3A_553 : vector<16xf32>
      %mul3A_557 = arith.mulf %bitcast_convert_type3A_548, %sub3A_556 : vector<16xf32>
      %mul3A_558 = arith.constant 5.000000e-01 : f32
      %mul3A_559 = vector.broadcast %mul3A_558 : f32 to vector<16xf32>
      %mul3A_560 = arith.mulf %mul3A_559, %max3A_537 : vector<16xf32>
      %mul3A_561 = arith.mulf %mul3A_560, %mul3A_557 : vector<16xf32>
      %mul3A_562 = arith.mulf %mul3A_561, %mul3A_557 : vector<16xf32>
      %sub3A_563 = arith.constant 1.500000e+00 : f32
      %sub3A_564 = vector.broadcast %sub3A_563 : f32 to vector<16xf32>
      %sub3A_565 = arith.subf %sub3A_564, %mul3A_562 : vector<16xf32>
      %mul3A_566 = arith.mulf %mul3A_557, %sub3A_565 : vector<16xf32>
      %mul3A_567 = arith.mulf %max3A_537, %mul3A_566 : vector<16xf32>
      %bitcast_convert_type3A_568 = tpu.bitcast %max3A_540 : vector<16xf32> -> vector<16xi32>
      %shift_right_logical3A_569 = arith.constant 1 : i32
      %shift_right_logical3A_570 = vector.broadcast %shift_right_logical3A_569 : i32 to vector<16xi32>
      %shift_right_logical3A_571 = arith.shrui %bitcast_convert_type3A_568, %shift_right_logical3A_570 : vector<16xi32>
      %sub3A_572 = arith.constant 1597463007 : i32
      %sub3A_573 = vector.broadcast %sub3A_572 : i32 to vector<16xi32>
      %sub3A_574 = arith.subi %sub3A_573, %shift_right_logical3A_571 : vector<16xi32>
      %bitcast_convert_type3A_575 = tpu.bitcast %sub3A_574 : vector<16xi32> -> vector<16xf32>
      %mul3A_576 = arith.constant 5.000000e-01 : f32
      %mul3A_577 = vector.broadcast %mul3A_576 : f32 to vector<16xf32>
      %mul3A_578 = arith.mulf %mul3A_577, %max3A_540 : vector<16xf32>
      %mul3A_579 = arith.mulf %mul3A_578, %bitcast_convert_type3A_575 : vector<16xf32>
      %mul3A_580 = arith.mulf %mul3A_579, %bitcast_convert_type3A_575 : vector<16xf32>
      %sub3A_581 = arith.constant 1.500000e+00 : f32
      %sub3A_582 = vector.broadcast %sub3A_581 : f32 to vector<16xf32>
      %sub3A_583 = arith.subf %sub3A_582, %mul3A_580 : vector<16xf32>
      %mul3A_584 = arith.mulf %bitcast_convert_type3A_575, %sub3A_583 : vector<16xf32>
      %mul3A_585 = arith.constant 5.000000e-01 : f32
      %mul3A_586 = vector.broadcast %mul3A_585 : f32 to vector<16xf32>
      %mul3A_587 = arith.mulf %mul3A_586, %max3A_540 : vector<16xf32>
      %mul3A_588 = arith.mulf %mul3A_587, %mul3A_584 : vector<16xf32>
      %mul3A_589 = arith.mulf %mul3A_588, %mul3A_584 : vector<16xf32>
      %sub3A_590 = arith.constant 1.500000e+00 : f32
      %sub3A_591 = vector.broadcast %sub3A_590 : f32 to vector<16xf32>
      %sub3A_592 = arith.subf %sub3A_591, %mul3A_589 : vector<16xf32>
      %mul3A_593 = arith.mulf %mul3A_584, %sub3A_592 : vector<16xf32>
      %mul3A_594 = arith.mulf %max3A_540, %mul3A_593 : vector<16xf32>
      %add3A_595 = arith.constant 1.000000e+00 : f32
      %add3A_596 = vector.broadcast %add3A_595 : f32 to vector<16xf32>
      %add3A_597 = arith.addf %add3A_596, %mul3A_567 : vector<16xf32>
      %sub3A_598 = arith.subf %add3A_597, %mul3A_594 : vector<16xf32>
      %max3A_599 = arith.constant 0.000000e+00 : f32
      %max3A_600 = vector.broadcast %max3A_599 : f32 to vector<16xf32>
      %max3A_601 = arith.maximumf %sub3A_598, %max3A_600 : vector<16xf32>
      %add3A_602 = arith.addf %scan3A_389, %max3A_601 : vector<16xf32>
      scf.yield %add3A_602 : vector<16xf32>
    }
    %scan3A_222 = arith.constant 4 : i32
    %dma_start3A_223 = arith.constant 320 : i32
    %dma_start3A_224 = tpu.memref_slice %arg9[%dma_start3A_223] : memref<512xi32, #tpu.memory_space<vmem>> -> memref<64xi32, #tpu.memory_space<vmem>>
    %dma_start3A_225 = arith.constant 0 : i32
    %dma_start3A_226 = arith.constant 0 : i32
    %dma_start3A_227 = tpu.memref_slice %arg6[%dma_start3A_225, %dma_start3A_226] : memref<100000x128xf32, #tpu.memory_space<hbm>> -> memref<100000x128xf32, #tpu.memory_space<hbm>>
    tpu.enqueue_indirect_dma source(%dma_start3A_227 : memref<100000x128xf32, #tpu.memory_space<hbm>>) target(%arg17 : memref<64x128xf32, #tpu.memory_space<vmem>>) offsets(%dma_start3A_224 : memref<64xi32, #tpu.memory_space<vmem>>) semaphore(%arg23 : memref<!tpu.dma_semaphore, #tpu.memory_space<semaphore_mem>>)
    %dma_start3A_228 = arith.constant 320 : i32
    %dma_start3A_229 = tpu.memref_slice %arg10[%dma_start3A_228] : memref<512xi32, #tpu.memory_space<vmem>> -> memref<64xi32, #tpu.memory_space<vmem>>
    %dma_start3A_230 = arith.constant 0 : i32
    %dma_start3A_231 = arith.constant 0 : i32
    %dma_start3A_232 = tpu.memref_slice %arg7[%dma_start3A_230, %dma_start3A_231] : memref<1000x128xf32, #tpu.memory_space<hbm>> -> memref<1000x128xf32, #tpu.memory_space<hbm>>
    tpu.enqueue_indirect_dma source(%dma_start3A_232 : memref<1000x128xf32, #tpu.memory_space<hbm>>) target(%arg18 : memref<64x128xf32, #tpu.memory_space<vmem>>) offsets(%dma_start3A_229 : memref<64xi32, #tpu.memory_space<vmem>>) semaphore(%arg23 : memref<!tpu.dma_semaphore, #tpu.memory_space<semaphore_mem>>)
    %dma_start3A_233 = arith.constant 320 : i32
    %dma_start3A_234 = tpu.memref_slice %arg11[%dma_start3A_233] : memref<512xi32, #tpu.memory_space<vmem>> -> memref<64xi32, #tpu.memory_space<vmem>>
    %dma_start3A_235 = arith.constant 0 : i32
    %dma_start3A_236 = arith.constant 0 : i32
    %dma_start3A_237 = tpu.memref_slice %arg6[%dma_start3A_235, %dma_start3A_236] : memref<100000x128xf32, #tpu.memory_space<hbm>> -> memref<100000x128xf32, #tpu.memory_space<hbm>>
    tpu.enqueue_indirect_dma source(%dma_start3A_237 : memref<100000x128xf32, #tpu.memory_space<hbm>>) target(%arg19 : memref<64x128xf32, #tpu.memory_space<vmem>>) offsets(%dma_start3A_234 : memref<64xi32, #tpu.memory_space<vmem>>) semaphore(%arg23 : memref<!tpu.dma_semaphore, #tpu.memory_space<semaphore_mem>>)
    %dma_start3A_238 = arith.constant 320 : i32
    %dma_start3A_239 = tpu.memref_slice %arg12[%dma_start3A_238] : memref<512xi32, #tpu.memory_space<vmem>> -> memref<64xi32, #tpu.memory_space<vmem>>
    %dma_start3A_240 = arith.constant 0 : i32
    %dma_start3A_241 = arith.constant 0 : i32
    %dma_start3A_242 = tpu.memref_slice %arg6[%dma_start3A_240, %dma_start3A_241] : memref<100000x128xf32, #tpu.memory_space<hbm>> -> memref<100000x128xf32, #tpu.memory_space<hbm>>
    tpu.enqueue_indirect_dma source(%dma_start3A_242 : memref<100000x128xf32, #tpu.memory_space<hbm>>) target(%arg20 : memref<64x128xf32, #tpu.memory_space<vmem>>) offsets(%dma_start3A_239 : memref<64xi32, #tpu.memory_space<vmem>>) semaphore(%arg23 : memref<!tpu.dma_semaphore, #tpu.memory_space<semaphore_mem>>)
    %dma_wait3A_243 = arith.constant 256 : i32
    %dma_wait3A_244 = tpu.memref_slice %arg9[%dma_wait3A_243] : memref<512xi32, #tpu.memory_space<vmem>> -> memref<64xi32, #tpu.memory_space<vmem>>
    %dma_wait3A_245 = arith.constant 0 : i32
    %dma_wait3A_246 = arith.constant 0 : i32
    %dma_wait3A_247 = tpu.memref_slice %arg6[%dma_wait3A_245, %dma_wait3A_246] : memref<100000x128xf32, #tpu.memory_space<hbm>> -> memref<100000x128xf32, #tpu.memory_space<hbm>>
    tpu.wait_indirect_dma semaphore(%arg22 : memref<!tpu.dma_semaphore, #tpu.memory_space<semaphore_mem>>) src(%dma_wait3A_247 : memref<100000x128xf32, #tpu.memory_space<hbm>>) dst(%arg13 : memref<64x128xf32, #tpu.memory_space<vmem>>)
    %dma_wait3A_248 = arith.constant 256 : i32
    %dma_wait3A_249 = tpu.memref_slice %arg10[%dma_wait3A_248] : memref<512xi32, #tpu.memory_space<vmem>> -> memref<64xi32, #tpu.memory_space<vmem>>
    %dma_wait3A_250 = arith.constant 0 : i32
    %dma_wait3A_251 = arith.constant 0 : i32
    %dma_wait3A_252 = tpu.memref_slice %arg7[%dma_wait3A_250, %dma_wait3A_251] : memref<1000x128xf32, #tpu.memory_space<hbm>> -> memref<1000x128xf32, #tpu.memory_space<hbm>>
    tpu.wait_indirect_dma semaphore(%arg22 : memref<!tpu.dma_semaphore, #tpu.memory_space<semaphore_mem>>) src(%dma_wait3A_252 : memref<1000x128xf32, #tpu.memory_space<hbm>>) dst(%arg14 : memref<64x128xf32, #tpu.memory_space<vmem>>)
    %dma_wait3A_253 = arith.constant 256 : i32
    %dma_wait3A_254 = tpu.memref_slice %arg11[%dma_wait3A_253] : memref<512xi32, #tpu.memory_space<vmem>> -> memref<64xi32, #tpu.memory_space<vmem>>
    %dma_wait3A_255 = arith.constant 0 : i32
    %dma_wait3A_256 = arith.constant 0 : i32
    %dma_wait3A_257 = tpu.memref_slice %arg6[%dma_wait3A_255, %dma_wait3A_256] : memref<100000x128xf32, #tpu.memory_space<hbm>> -> memref<100000x128xf32, #tpu.memory_space<hbm>>
    tpu.wait_indirect_dma semaphore(%arg22 : memref<!tpu.dma_semaphore, #tpu.memory_space<semaphore_mem>>) src(%dma_wait3A_257 : memref<100000x128xf32, #tpu.memory_space<hbm>>) dst(%arg15 : memref<64x128xf32, #tpu.memory_space<vmem>>)
    %dma_wait3A_258 = arith.constant 256 : i32
    %dma_wait3A_259 = tpu.memref_slice %arg12[%dma_wait3A_258] : memref<512xi32, #tpu.memory_space<vmem>> -> memref<64xi32, #tpu.memory_space<vmem>>
    %dma_wait3A_260 = arith.constant 0 : i32
    %dma_wait3A_261 = arith.constant 0 : i32
    %dma_wait3A_262 = tpu.memref_slice %arg6[%dma_wait3A_260, %dma_wait3A_261] : memref<100000x128xf32, #tpu.memory_space<hbm>> -> memref<100000x128xf32, #tpu.memory_space<hbm>>
    tpu.wait_indirect_dma semaphore(%arg22 : memref<!tpu.dma_semaphore, #tpu.memory_space<semaphore_mem>>) src(%dma_wait3A_262 : memref<100000x128xf32, #tpu.memory_space<hbm>>) dst(%arg16 : memref<64x128xf32, #tpu.memory_space<vmem>>)
    %scan3A_263 = arith.constant 0 : i32
    %scan3A_264 = arith.constant 4 : i32
    %scan3A_265 = arith.addi %scan3A_263, %scan3A_264 : i32
    %scan3A_266 = arith.constant 1 : i32
    %scan3A_267 = scf.for %scan3A_388 = %scan3A_263 to %scan3A_265 step %scan3A_266 iter_args(%scan3A_389 = %scan3A_221) -> (vector<16xf32>)  : i32 {
      %mul3A_390 = arith.constant 16 : i32
      %mul3A_391 = arith.muli %scan3A_388, %mul3A_390 : i32
      %add3A_392 = vector.broadcast %mul3A_391 : i32 to vector<16xi32>
      %add3A_393 = arith.addi %add3A_392, %iota3A : vector<16xi32>
      %parallel_loop3A = arith.constant 0 : i32
      %parallel_loop3A_394 = arith.constant 128 : i32
      %parallel_loop3A_395 = arith.constant 1 : i32
      %parallel_loop3A_396:9 = scf.for %parallel_loop3A_603 = %parallel_loop3A to %parallel_loop3A_394 step %parallel_loop3A_395 iter_args(%parallel_loop3A_604 = %broadcast_in_dim3A_19, %parallel_loop3A_605 = %broadcast_in_dim3A_19, %parallel_loop3A_606 = %broadcast_in_dim3A_19, %parallel_loop3A_607 = %broadcast_in_dim3A_19, %parallel_loop3A_608 = %broadcast_in_dim3A_19, %parallel_loop3A_609 = %broadcast_in_dim3A_19, %parallel_loop3A_610 = %broadcast_in_dim3A_19, %parallel_loop3A_611 = %broadcast_in_dim3A_19, %parallel_loop3A_612 = %broadcast_in_dim3A_19) -> (vector<16xf32>, vector<16xf32>, vector<16xf32>, vector<16xf32>, vector<16xf32>, vector<16xf32>, vector<16xf32>, vector<16xf32>, vector<16xf32>)  : i32 {
        %parallel_loop3A_613 = vector.broadcast %parallel_loop3A_603 : i32 to vector<16xi32>
        %parallel_loop3A_614 = arith.addi %iota3A, %parallel_loop3A_613 : vector<16xi32>
        %parallel_loop3A_615 = arith.constant 127 : i32
        %parallel_loop3A_616 = vector.broadcast %parallel_loop3A_615 : i32 to vector<16xi32>
        %parallel_loop3A_617 = arith.andi %parallel_loop3A_614, %parallel_loop3A_616 : vector<16xi32>
        %parallel_loop3A_618 = tpu.vector_load_idx %arg13[%add3A_393, %parallel_loop3A_617] : memref<64x128xf32, #tpu.memory_space<vmem>>[vector<16xi32>, vector<16xi32>], vector<16xf32>,
        %parallel_loop3A_619 = tpu.vector_load_idx %arg14[%add3A_393, %parallel_loop3A_617] : memref<64x128xf32, #tpu.memory_space<vmem>>[vector<16xi32>, vector<16xi32>], vector<16xf32>,
        %parallel_loop3A_620 = tpu.vector_load_idx %arg15[%add3A_393, %parallel_loop3A_617] : memref<64x128xf32, #tpu.memory_space<vmem>>[vector<16xi32>, vector<16xi32>], vector<16xf32>,
        %parallel_loop3A_621 = tpu.vector_load_idx %arg16[%add3A_393, %parallel_loop3A_617] : memref<64x128xf32, #tpu.memory_space<vmem>>[vector<16xi32>, vector<16xi32>], vector<16xf32>,
        %parallel_loop3A_622 = arith.mulf %parallel_loop3A_618, %parallel_loop3A_619 : vector<16xf32>
        %parallel_loop3A_623 = arith.addf %parallel_loop3A_604, %parallel_loop3A_622 : vector<16xf32>
        %parallel_loop3A_624 = arith.mulf %parallel_loop3A_618, %parallel_loop3A_620 : vector<16xf32>
        %parallel_loop3A_625 = arith.addf %parallel_loop3A_605, %parallel_loop3A_624 : vector<16xf32>
        %parallel_loop3A_626 = arith.mulf %parallel_loop3A_619, %parallel_loop3A_620 : vector<16xf32>
        %parallel_loop3A_627 = arith.addf %parallel_loop3A_606, %parallel_loop3A_626 : vector<16xf32>
        %parallel_loop3A_628 = arith.mulf %parallel_loop3A_621, %parallel_loop3A_619 : vector<16xf32>
        %parallel_loop3A_629 = arith.addf %parallel_loop3A_607, %parallel_loop3A_628 : vector<16xf32>
        %parallel_loop3A_630 = arith.mulf %parallel_loop3A_621, %parallel_loop3A_620 : vector<16xf32>
        %parallel_loop3A_631 = arith.addf %parallel_loop3A_608, %parallel_loop3A_630 : vector<16xf32>
        %parallel_loop3A_632 = arith.mulf %parallel_loop3A_618, %parallel_loop3A_618 : vector<16xf32>
        %parallel_loop3A_633 = arith.addf %parallel_loop3A_609, %parallel_loop3A_632 : vector<16xf32>
        %parallel_loop3A_634 = arith.mulf %parallel_loop3A_619, %parallel_loop3A_619 : vector<16xf32>
        %parallel_loop3A_635 = arith.addf %parallel_loop3A_610, %parallel_loop3A_634 : vector<16xf32>
        %parallel_loop3A_636 = arith.mulf %parallel_loop3A_620, %parallel_loop3A_620 : vector<16xf32>
        %parallel_loop3A_637 = arith.addf %parallel_loop3A_611, %parallel_loop3A_636 : vector<16xf32>
        %parallel_loop3A_638 = arith.mulf %parallel_loop3A_621, %parallel_loop3A_621 : vector<16xf32>
        %parallel_loop3A_639 = arith.addf %parallel_loop3A_612, %parallel_loop3A_638 : vector<16xf32>
        scf.yield %parallel_loop3A_623, %parallel_loop3A_625, %parallel_loop3A_627, %parallel_loop3A_629, %parallel_loop3A_631, %parallel_loop3A_633, %parallel_loop3A_635, %parallel_loop3A_637, %parallel_loop3A_639 : vector<16xf32>, vector<16xf32>, vector<16xf32>, vector<16xf32>, vector<16xf32>, vector<16xf32>, vector<16xf32>, vector<16xf32>, vector<16xf32>
      } {sc.loop_unroll_factor = 2 : i64, sc.parallel_access}
      %max3A = arith.constant 1.000000e-24 : f32
      %max3A_397 = vector.broadcast %max3A : f32 to vector<16xf32>
      %max3A_398 = arith.maximumf %parallel_loop3A_396#5, %max3A_397 : vector<16xf32>
      %bitcast_convert_type3A = tpu.bitcast %max3A_398 : vector<16xf32> -> vector<16xi32>
      %shift_right_logical3A = arith.constant 1 : i32
      %shift_right_logical3A_399 = vector.broadcast %shift_right_logical3A : i32 to vector<16xi32>
      %shift_right_logical3A_400 = arith.shrui %bitcast_convert_type3A, %shift_right_logical3A_399 : vector<16xi32>
      %sub3A = arith.constant 1597463007 : i32
      %sub3A_401 = vector.broadcast %sub3A : i32 to vector<16xi32>
      %sub3A_402 = arith.subi %sub3A_401, %shift_right_logical3A_400 : vector<16xi32>
      %bitcast_convert_type3A_403 = tpu.bitcast %sub3A_402 : vector<16xi32> -> vector<16xf32>
      %mul3A_404 = arith.constant 5.000000e-01 : f32
      %mul3A_405 = vector.broadcast %mul3A_404 : f32 to vector<16xf32>
      %mul3A_406 = arith.mulf %mul3A_405, %max3A_398 : vector<16xf32>
      %mul3A_407 = arith.mulf %mul3A_406, %bitcast_convert_type3A_403 : vector<16xf32>
      %mul3A_408 = arith.mulf %mul3A_407, %bitcast_convert_type3A_403 : vector<16xf32>
      %sub3A_409 = arith.constant 1.500000e+00 : f32
      %sub3A_410 = vector.broadcast %sub3A_409 : f32 to vector<16xf32>
      %sub3A_411 = arith.subf %sub3A_410, %mul3A_408 : vector<16xf32>
      %mul3A_412 = arith.mulf %bitcast_convert_type3A_403, %sub3A_411 : vector<16xf32>
      %mul3A_413 = arith.constant 5.000000e-01 : f32
      %mul3A_414 = vector.broadcast %mul3A_413 : f32 to vector<16xf32>
      %mul3A_415 = arith.mulf %mul3A_414, %max3A_398 : vector<16xf32>
      %mul3A_416 = arith.mulf %mul3A_415, %mul3A_412 : vector<16xf32>
      %mul3A_417 = arith.mulf %mul3A_416, %mul3A_412 : vector<16xf32>
      %sub3A_418 = arith.constant 1.500000e+00 : f32
      %sub3A_419 = vector.broadcast %sub3A_418 : f32 to vector<16xf32>
      %sub3A_420 = arith.subf %sub3A_419, %mul3A_417 : vector<16xf32>
      %mul3A_421 = arith.mulf %mul3A_412, %sub3A_420 : vector<16xf32>
      %max3A_422 = arith.constant 1.000000e-24 : f32
      %max3A_423 = vector.broadcast %max3A_422 : f32 to vector<16xf32>
      %max3A_424 = arith.maximumf %parallel_loop3A_396#6, %max3A_423 : vector<16xf32>
      %bitcast_convert_type3A_425 = tpu.bitcast %max3A_424 : vector<16xf32> -> vector<16xi32>
      %shift_right_logical3A_426 = arith.constant 1 : i32
      %shift_right_logical3A_427 = vector.broadcast %shift_right_logical3A_426 : i32 to vector<16xi32>
      %shift_right_logical3A_428 = arith.shrui %bitcast_convert_type3A_425, %shift_right_logical3A_427 : vector<16xi32>
      %sub3A_429 = arith.constant 1597463007 : i32
      %sub3A_430 = vector.broadcast %sub3A_429 : i32 to vector<16xi32>
      %sub3A_431 = arith.subi %sub3A_430, %shift_right_logical3A_428 : vector<16xi32>
      %bitcast_convert_type3A_432 = tpu.bitcast %sub3A_431 : vector<16xi32> -> vector<16xf32>
      %mul3A_433 = arith.constant 5.000000e-01 : f32
      %mul3A_434 = vector.broadcast %mul3A_433 : f32 to vector<16xf32>
      %mul3A_435 = arith.mulf %mul3A_434, %max3A_424 : vector<16xf32>
      %mul3A_436 = arith.mulf %mul3A_435, %bitcast_convert_type3A_432 : vector<16xf32>
      %mul3A_437 = arith.mulf %mul3A_436, %bitcast_convert_type3A_432 : vector<16xf32>
      %sub3A_438 = arith.constant 1.500000e+00 : f32
      %sub3A_439 = vector.broadcast %sub3A_438 : f32 to vector<16xf32>
      %sub3A_440 = arith.subf %sub3A_439, %mul3A_437 : vector<16xf32>
      %mul3A_441 = arith.mulf %bitcast_convert_type3A_432, %sub3A_440 : vector<16xf32>
      %mul3A_442 = arith.constant 5.000000e-01 : f32
      %mul3A_443 = vector.broadcast %mul3A_442 : f32 to vector<16xf32>
      %mul3A_444 = arith.mulf %mul3A_443, %max3A_424 : vector<16xf32>
      %mul3A_445 = arith.mulf %mul3A_444, %mul3A_441 : vector<16xf32>
      %mul3A_446 = arith.mulf %mul3A_445, %mul3A_441 : vector<16xf32>
      %sub3A_447 = arith.constant 1.500000e+00 : f32
      %sub3A_448 = vector.broadcast %sub3A_447 : f32 to vector<16xf32>
      %sub3A_449 = arith.subf %sub3A_448, %mul3A_446 : vector<16xf32>
      %mul3A_450 = arith.mulf %mul3A_441, %sub3A_449 : vector<16xf32>
      %max3A_451 = arith.constant 1.000000e-24 : f32
      %max3A_452 = vector.broadcast %max3A_451 : f32 to vector<16xf32>
      %max3A_453 = arith.maximumf %parallel_loop3A_396#7, %max3A_452 : vector<16xf32>
      %bitcast_convert_type3A_454 = tpu.bitcast %max3A_453 : vector<16xf32> -> vector<16xi32>
      %shift_right_logical3A_455 = arith.constant 1 : i32
      %shift_right_logical3A_456 = vector.broadcast %shift_right_logical3A_455 : i32 to vector<16xi32>
      %shift_right_logical3A_457 = arith.shrui %bitcast_convert_type3A_454, %shift_right_logical3A_456 : vector<16xi32>
      %sub3A_458 = arith.constant 1597463007 : i32
      %sub3A_459 = vector.broadcast %sub3A_458 : i32 to vector<16xi32>
      %sub3A_460 = arith.subi %sub3A_459, %shift_right_logical3A_457 : vector<16xi32>
      %bitcast_convert_type3A_461 = tpu.bitcast %sub3A_460 : vector<16xi32> -> vector<16xf32>
      %mul3A_462 = arith.constant 5.000000e-01 : f32
      %mul3A_463 = vector.broadcast %mul3A_462 : f32 to vector<16xf32>
      %mul3A_464 = arith.mulf %mul3A_463, %max3A_453 : vector<16xf32>
      %mul3A_465 = arith.mulf %mul3A_464, %bitcast_convert_type3A_461 : vector<16xf32>
      %mul3A_466 = arith.mulf %mul3A_465, %bitcast_convert_type3A_461 : vector<16xf32>
      %sub3A_467 = arith.constant 1.500000e+00 : f32
      %sub3A_468 = vector.broadcast %sub3A_467 : f32 to vector<16xf32>
      %sub3A_469 = arith.subf %sub3A_468, %mul3A_466 : vector<16xf32>
      %mul3A_470 = arith.mulf %bitcast_convert_type3A_461, %sub3A_469 : vector<16xf32>
      %mul3A_471 = arith.constant 5.000000e-01 : f32
      %mul3A_472 = vector.broadcast %mul3A_471 : f32 to vector<16xf32>
      %mul3A_473 = arith.mulf %mul3A_472, %max3A_453 : vector<16xf32>
      %mul3A_474 = arith.mulf %mul3A_473, %mul3A_470 : vector<16xf32>
      %mul3A_475 = arith.mulf %mul3A_474, %mul3A_470 : vector<16xf32>
      %sub3A_476 = arith.constant 1.500000e+00 : f32
      %sub3A_477 = vector.broadcast %sub3A_476 : f32 to vector<16xf32>
      %sub3A_478 = arith.subf %sub3A_477, %mul3A_475 : vector<16xf32>
      %mul3A_479 = arith.mulf %mul3A_470, %sub3A_478 : vector<16xf32>
      %max3A_480 = arith.constant 1.000000e-24 : f32
      %max3A_481 = vector.broadcast %max3A_480 : f32 to vector<16xf32>
      %max3A_482 = arith.maximumf %parallel_loop3A_396#8, %max3A_481 : vector<16xf32>
      %bitcast_convert_type3A_483 = tpu.bitcast %max3A_482 : vector<16xf32> -> vector<16xi32>
      %shift_right_logical3A_484 = arith.constant 1 : i32
      %shift_right_logical3A_485 = vector.broadcast %shift_right_logical3A_484 : i32 to vector<16xi32>
      %shift_right_logical3A_486 = arith.shrui %bitcast_convert_type3A_483, %shift_right_logical3A_485 : vector<16xi32>
      %sub3A_487 = arith.constant 1597463007 : i32
      %sub3A_488 = vector.broadcast %sub3A_487 : i32 to vector<16xi32>
      %sub3A_489 = arith.subi %sub3A_488, %shift_right_logical3A_486 : vector<16xi32>
      %bitcast_convert_type3A_490 = tpu.bitcast %sub3A_489 : vector<16xi32> -> vector<16xf32>
      %mul3A_491 = arith.constant 5.000000e-01 : f32
      %mul3A_492 = vector.broadcast %mul3A_491 : f32 to vector<16xf32>
      %mul3A_493 = arith.mulf %mul3A_492, %max3A_482 : vector<16xf32>
      %mul3A_494 = arith.mulf %mul3A_493, %bitcast_convert_type3A_490 : vector<16xf32>
      %mul3A_495 = arith.mulf %mul3A_494, %bitcast_convert_type3A_490 : vector<16xf32>
      %sub3A_496 = arith.constant 1.500000e+00 : f32
      %sub3A_497 = vector.broadcast %sub3A_496 : f32 to vector<16xf32>
      %sub3A_498 = arith.subf %sub3A_497, %mul3A_495 : vector<16xf32>
      %mul3A_499 = arith.mulf %bitcast_convert_type3A_490, %sub3A_498 : vector<16xf32>
      %mul3A_500 = arith.constant 5.000000e-01 : f32
      %mul3A_501 = vector.broadcast %mul3A_500 : f32 to vector<16xf32>
      %mul3A_502 = arith.mulf %mul3A_501, %max3A_482 : vector<16xf32>
      %mul3A_503 = arith.mulf %mul3A_502, %mul3A_499 : vector<16xf32>
      %mul3A_504 = arith.mulf %mul3A_503, %mul3A_499 : vector<16xf32>
      %sub3A_505 = arith.constant 1.500000e+00 : f32
      %sub3A_506 = vector.broadcast %sub3A_505 : f32 to vector<16xf32>
      %sub3A_507 = arith.subf %sub3A_506, %mul3A_504 : vector<16xf32>
      %mul3A_508 = arith.mulf %mul3A_499, %sub3A_507 : vector<16xf32>
      %mul3A_509 = arith.mulf %mul3A_450, %mul3A_479 : vector<16xf32>
      %mul3A_510 = arith.mulf %parallel_loop3A_396#2, %mul3A_509 : vector<16xf32>
      %mul3A_511 = arith.mulf %parallel_loop3A_396#0, %mul3A_421 : vector<16xf32>
      %mul3A_512 = arith.mulf %mul3A_511, %mul3A_450 : vector<16xf32>
      %mul3A_513 = arith.mulf %parallel_loop3A_396#1, %mul3A_421 : vector<16xf32>
      %mul3A_514 = arith.mulf %mul3A_513, %mul3A_479 : vector<16xf32>
      %sub3A_515 = arith.subf %mul3A_512, %mul3A_514 : vector<16xf32>
      %sub3A_516 = arith.subf %sub3A_515, %mul3A_510 : vector<16xf32>
      %mul3A_517 = arith.constant 2.000000e+00 : f32
      %mul3A_518 = vector.broadcast %mul3A_517 : f32 to vector<16xf32>
      %mul3A_519 = arith.mulf %mul3A_518, %sub3A_516 : vector<16xf32>
      %add3A_520 = arith.constant 3.000000e+00 : f32
      %add3A_521 = vector.broadcast %add3A_520 : f32 to vector<16xf32>
      %add3A_522 = arith.addf %add3A_521, %mul3A_519 : vector<16xf32>
      %mul3A_523 = arith.mulf %parallel_loop3A_396#3, %mul3A_508 : vector<16xf32>
      %mul3A_524 = arith.mulf %mul3A_523, %mul3A_450 : vector<16xf32>
      %mul3A_525 = arith.mulf %parallel_loop3A_396#4, %mul3A_508 : vector<16xf32>
      %mul3A_526 = arith.mulf %mul3A_525, %mul3A_479 : vector<16xf32>
      %sub3A_527 = arith.subf %mul3A_524, %mul3A_526 : vector<16xf32>
      %sub3A_528 = arith.subf %sub3A_527, %mul3A_510 : vector<16xf32>
      %mul3A_529 = arith.constant 2.000000e+00 : f32
      %mul3A_530 = vector.broadcast %mul3A_529 : f32 to vector<16xf32>
      %mul3A_531 = arith.mulf %mul3A_530, %sub3A_528 : vector<16xf32>
      %add3A_532 = arith.constant 3.000000e+00 : f32
      %add3A_533 = vector.broadcast %add3A_532 : f32 to vector<16xf32>
      %add3A_534 = arith.addf %add3A_533, %mul3A_531 : vector<16xf32>
      %max3A_535 = arith.constant 1.000000e-30 : f32
      %max3A_536 = vector.broadcast %max3A_535 : f32 to vector<16xf32>
      %max3A_537 = arith.maximumf %add3A_522, %max3A_536 : vector<16xf32>
      %max3A_538 = arith.constant 1.000000e-30 : f32
      %max3A_539 = vector.broadcast %max3A_538 : f32 to vector<16xf32>
      %max3A_540 = arith.maximumf %add3A_534, %max3A_539 : vector<16xf32>
      %bitcast_convert_type3A_541 = tpu.bitcast %max3A_537 : vector<16xf32> -> vector<16xi32>
      %shift_right_logical3A_542 = arith.constant 1 : i32
      %shift_right_logical3A_543 = vector.broadcast %shift_right_logical3A_542 : i32 to vector<16xi32>
      %shift_right_logical3A_544 = arith.shrui %bitcast_convert_type3A_541, %shift_right_logical3A_543 : vector<16xi32>
      %sub3A_545 = arith.constant 1597463007 : i32
      %sub3A_546 = vector.broadcast %sub3A_545 : i32 to vector<16xi32>
      %sub3A_547 = arith.subi %sub3A_546, %shift_right_logical3A_544 : vector<16xi32>
      %bitcast_convert_type3A_548 = tpu.bitcast %sub3A_547 : vector<16xi32> -> vector<16xf32>
      %mul3A_549 = arith.constant 5.000000e-01 : f32
      %mul3A_550 = vector.broadcast %mul3A_549 : f32 to vector<16xf32>
      %mul3A_551 = arith.mulf %mul3A_550, %max3A_537 : vector<16xf32>
      %mul3A_552 = arith.mulf %mul3A_551, %bitcast_convert_type3A_548 : vector<16xf32>
      %mul3A_553 = arith.mulf %mul3A_552, %bitcast_convert_type3A_548 : vector<16xf32>
      %sub3A_554 = arith.constant 1.500000e+00 : f32
      %sub3A_555 = vector.broadcast %sub3A_554 : f32 to vector<16xf32>
      %sub3A_556 = arith.subf %sub3A_555, %mul3A_553 : vector<16xf32>
      %mul3A_557 = arith.mulf %bitcast_convert_type3A_548, %sub3A_556 : vector<16xf32>
      %mul3A_558 = arith.constant 5.000000e-01 : f32
      %mul3A_559 = vector.broadcast %mul3A_558 : f32 to vector<16xf32>
      %mul3A_560 = arith.mulf %mul3A_559, %max3A_537 : vector<16xf32>
      %mul3A_561 = arith.mulf %mul3A_560, %mul3A_557 : vector<16xf32>
      %mul3A_562 = arith.mulf %mul3A_561, %mul3A_557 : vector<16xf32>
      %sub3A_563 = arith.constant 1.500000e+00 : f32
      %sub3A_564 = vector.broadcast %sub3A_563 : f32 to vector<16xf32>
      %sub3A_565 = arith.subf %sub3A_564, %mul3A_562 : vector<16xf32>
      %mul3A_566 = arith.mulf %mul3A_557, %sub3A_565 : vector<16xf32>
      %mul3A_567 = arith.mulf %max3A_537, %mul3A_566 : vector<16xf32>
      %bitcast_convert_type3A_568 = tpu.bitcast %max3A_540 : vector<16xf32> -> vector<16xi32>
      %shift_right_logical3A_569 = arith.constant 1 : i32
      %shift_right_logical3A_570 = vector.broadcast %shift_right_logical3A_569 : i32 to vector<16xi32>
      %shift_right_logical3A_571 = arith.shrui %bitcast_convert_type3A_568, %shift_right_logical3A_570 : vector<16xi32>
      %sub3A_572 = arith.constant 1597463007 : i32
      %sub3A_573 = vector.broadcast %sub3A_572 : i32 to vector<16xi32>
      %sub3A_574 = arith.subi %sub3A_573, %shift_right_logical3A_571 : vector<16xi32>
      %bitcast_convert_type3A_575 = tpu.bitcast %sub3A_574 : vector<16xi32> -> vector<16xf32>
      %mul3A_576 = arith.constant 5.000000e-01 : f32
      %mul3A_577 = vector.broadcast %mul3A_576 : f32 to vector<16xf32>
      %mul3A_578 = arith.mulf %mul3A_577, %max3A_540 : vector<16xf32>
      %mul3A_579 = arith.mulf %mul3A_578, %bitcast_convert_type3A_575 : vector<16xf32>
      %mul3A_580 = arith.mulf %mul3A_579, %bitcast_convert_type3A_575 : vector<16xf32>
      %sub3A_581 = arith.constant 1.500000e+00 : f32
      %sub3A_582 = vector.broadcast %sub3A_581 : f32 to vector<16xf32>
      %sub3A_583 = arith.subf %sub3A_582, %mul3A_580 : vector<16xf32>
      %mul3A_584 = arith.mulf %bitcast_convert_type3A_575, %sub3A_583 : vector<16xf32>
      %mul3A_585 = arith.constant 5.000000e-01 : f32
      %mul3A_586 = vector.broadcast %mul3A_585 : f32 to vector<16xf32>
      %mul3A_587 = arith.mulf %mul3A_586, %max3A_540 : vector<16xf32>
      %mul3A_588 = arith.mulf %mul3A_587, %mul3A_584 : vector<16xf32>
      %mul3A_589 = arith.mulf %mul3A_588, %mul3A_584 : vector<16xf32>
      %sub3A_590 = arith.constant 1.500000e+00 : f32
      %sub3A_591 = vector.broadcast %sub3A_590 : f32 to vector<16xf32>
      %sub3A_592 = arith.subf %sub3A_591, %mul3A_589 : vector<16xf32>
      %mul3A_593 = arith.mulf %mul3A_584, %sub3A_592 : vector<16xf32>
      %mul3A_594 = arith.mulf %max3A_540, %mul3A_593 : vector<16xf32>
      %add3A_595 = arith.constant 1.000000e+00 : f32
      %add3A_596 = vector.broadcast %add3A_595 : f32 to vector<16xf32>
      %add3A_597 = arith.addf %add3A_596, %mul3A_567 : vector<16xf32>
      %sub3A_598 = arith.subf %add3A_597, %mul3A_594 : vector<16xf32>
      %max3A_599 = arith.constant 0.000000e+00 : f32
      %max3A_600 = vector.broadcast %max3A_599 : f32 to vector<16xf32>
      %max3A_601 = arith.maximumf %sub3A_598, %max3A_600 : vector<16xf32>
      %add3A_602 = arith.addf %scan3A_389, %max3A_601 : vector<16xf32>
      scf.yield %add3A_602 : vector<16xf32>
    }
    %scan3A_268 = arith.constant 4 : i32
    %dma_start3A_269 = arith.constant 384 : i32
    %dma_start3A_270 = tpu.memref_slice %arg9[%dma_start3A_269] : memref<512xi32, #tpu.memory_space<vmem>> -> memref<64xi32, #tpu.memory_space<vmem>>
    %dma_start3A_271 = arith.constant 0 : i32
    %dma_start3A_272 = arith.constant 0 : i32
    %dma_start3A_273 = tpu.memref_slice %arg6[%dma_start3A_271, %dma_start3A_272] : memref<100000x128xf32, #tpu.memory_space<hbm>> -> memref<100000x128xf32, #tpu.memory_space<hbm>>
    tpu.enqueue_indirect_dma source(%dma_start3A_273 : memref<100000x128xf32, #tpu.memory_space<hbm>>) target(%arg13 : memref<64x128xf32, #tpu.memory_space<vmem>>) offsets(%dma_start3A_270 : memref<64xi32, #tpu.memory_space<vmem>>) semaphore(%arg22 : memref<!tpu.dma_semaphore, #tpu.memory_space<semaphore_mem>>)
    %dma_start3A_274 = arith.constant 384 : i32
    %dma_start3A_275 = tpu.memref_slice %arg10[%dma_start3A_274] : memref<512xi32, #tpu.memory_space<vmem>> -> memref<64xi32, #tpu.memory_space<vmem>>
    %dma_start3A_276 = arith.constant 0 : i32
    %dma_start3A_277 = arith.constant 0 : i32
    %dma_start3A_278 = tpu.memref_slice %arg7[%dma_start3A_276, %dma_start3A_277] : memref<1000x128xf32, #tpu.memory_space<hbm>> -> memref<1000x128xf32, #tpu.memory_space<hbm>>
    tpu.enqueue_indirect_dma source(%dma_start3A_278 : memref<1000x128xf32, #tpu.memory_space<hbm>>) target(%arg14 : memref<64x128xf32, #tpu.memory_space<vmem>>) offsets(%dma_start3A_275 : memref<64xi32, #tpu.memory_space<vmem>>) semaphore(%arg22 : memref<!tpu.dma_semaphore, #tpu.memory_space<semaphore_mem>>)
    %dma_start3A_279 = arith.constant 384 : i32
    %dma_start3A_280 = tpu.memref_slice %arg11[%dma_start3A_279] : memref<512xi32, #tpu.memory_space<vmem>> -> memref<64xi32, #tpu.memory_space<vmem>>
    %dma_start3A_281 = arith.constant 0 : i32
    %dma_start3A_282 = arith.constant 0 : i32
    %dma_start3A_283 = tpu.memref_slice %arg6[%dma_start3A_281, %dma_start3A_282] : memref<100000x128xf32, #tpu.memory_space<hbm>> -> memref<100000x128xf32, #tpu.memory_space<hbm>>
    tpu.enqueue_indirect_dma source(%dma_start3A_283 : memref<100000x128xf32, #tpu.memory_space<hbm>>) target(%arg15 : memref<64x128xf32, #tpu.memory_space<vmem>>) offsets(%dma_start3A_280 : memref<64xi32, #tpu.memory_space<vmem>>) semaphore(%arg22 : memref<!tpu.dma_semaphore, #tpu.memory_space<semaphore_mem>>)
    %dma_start3A_284 = arith.constant 384 : i32
    %dma_start3A_285 = tpu.memref_slice %arg12[%dma_start3A_284] : memref<512xi32, #tpu.memory_space<vmem>> -> memref<64xi32, #tpu.memory_space<vmem>>
    %dma_start3A_286 = arith.constant 0 : i32
    %dma_start3A_287 = arith.constant 0 : i32
    %dma_start3A_288 = tpu.memref_slice %arg6[%dma_start3A_286, %dma_start3A_287] : memref<100000x128xf32, #tpu.memory_space<hbm>> -> memref<100000x128xf32, #tpu.memory_space<hbm>>
    tpu.enqueue_indirect_dma source(%dma_start3A_288 : memref<100000x128xf32, #tpu.memory_space<hbm>>) target(%arg16 : memref<64x128xf32, #tpu.memory_space<vmem>>) offsets(%dma_start3A_285 : memref<64xi32, #tpu.memory_space<vmem>>) semaphore(%arg22 : memref<!tpu.dma_semaphore, #tpu.memory_space<semaphore_mem>>)
    %dma_wait3A_289 = arith.constant 320 : i32
    %dma_wait3A_290 = tpu.memref_slice %arg9[%dma_wait3A_289] : memref<512xi32, #tpu.memory_space<vmem>> -> memref<64xi32, #tpu.memory_space<vmem>>
    %dma_wait3A_291 = arith.constant 0 : i32
    %dma_wait3A_292 = arith.constant 0 : i32
    %dma_wait3A_293 = tpu.memref_slice %arg6[%dma_wait3A_291, %dma_wait3A_292] : memref<100000x128xf32, #tpu.memory_space<hbm>> -> memref<100000x128xf32, #tpu.memory_space<hbm>>
    tpu.wait_indirect_dma semaphore(%arg23 : memref<!tpu.dma_semaphore, #tpu.memory_space<semaphore_mem>>) src(%dma_wait3A_293 : memref<100000x128xf32, #tpu.memory_space<hbm>>) dst(%arg17 : memref<64x128xf32, #tpu.memory_space<vmem>>)
    %dma_wait3A_294 = arith.constant 320 : i32
    %dma_wait3A_295 = tpu.memref_slice %arg10[%dma_wait3A_294] : memref<512xi32, #tpu.memory_space<vmem>> -> memref<64xi32, #tpu.memory_space<vmem>>
    %dma_wait3A_296 = arith.constant 0 : i32
    %dma_wait3A_297 = arith.constant 0 : i32
    %dma_wait3A_298 = tpu.memref_slice %arg7[%dma_wait3A_296, %dma_wait3A_297] : memref<1000x128xf32, #tpu.memory_space<hbm>> -> memref<1000x128xf32, #tpu.memory_space<hbm>>
    tpu.wait_indirect_dma semaphore(%arg23 : memref<!tpu.dma_semaphore, #tpu.memory_space<semaphore_mem>>) src(%dma_wait3A_298 : memref<1000x128xf32, #tpu.memory_space<hbm>>) dst(%arg18 : memref<64x128xf32, #tpu.memory_space<vmem>>)
    %dma_wait3A_299 = arith.constant 320 : i32
    %dma_wait3A_300 = tpu.memref_slice %arg11[%dma_wait3A_299] : memref<512xi32, #tpu.memory_space<vmem>> -> memref<64xi32, #tpu.memory_space<vmem>>
    %dma_wait3A_301 = arith.constant 0 : i32
    %dma_wait3A_302 = arith.constant 0 : i32
    %dma_wait3A_303 = tpu.memref_slice %arg6[%dma_wait3A_301, %dma_wait3A_302] : memref<100000x128xf32, #tpu.memory_space<hbm>> -> memref<100000x128xf32, #tpu.memory_space<hbm>>
    tpu.wait_indirect_dma semaphore(%arg23 : memref<!tpu.dma_semaphore, #tpu.memory_space<semaphore_mem>>) src(%dma_wait3A_303 : memref<100000x128xf32, #tpu.memory_space<hbm>>) dst(%arg19 : memref<64x128xf32, #tpu.memory_space<vmem>>)
    %dma_wait3A_304 = arith.constant 320 : i32
    %dma_wait3A_305 = tpu.memref_slice %arg12[%dma_wait3A_304] : memref<512xi32, #tpu.memory_space<vmem>> -> memref<64xi32, #tpu.memory_space<vmem>>
    %dma_wait3A_306 = arith.constant 0 : i32
    %dma_wait3A_307 = arith.constant 0 : i32
    %dma_wait3A_308 = tpu.memref_slice %arg6[%dma_wait3A_306, %dma_wait3A_307] : memref<100000x128xf32, #tpu.memory_space<hbm>> -> memref<100000x128xf32, #tpu.memory_space<hbm>>
    tpu.wait_indirect_dma semaphore(%arg23 : memref<!tpu.dma_semaphore, #tpu.memory_space<semaphore_mem>>) src(%dma_wait3A_308 : memref<100000x128xf32, #tpu.memory_space<hbm>>) dst(%arg20 : memref<64x128xf32, #tpu.memory_space<vmem>>)
    %scan3A_309 = arith.constant 0 : i32
    %scan3A_310 = arith.constant 4 : i32
    %scan3A_311 = arith.addi %scan3A_309, %scan3A_310 : i32
    %scan3A_312 = arith.constant 1 : i32
    %scan3A_313 = scf.for %scan3A_388 = %scan3A_309 to %scan3A_311 step %scan3A_312 iter_args(%scan3A_389 = %scan3A_267) -> (vector<16xf32>)  : i32 {
      %mul3A_390 = arith.constant 16 : i32
      %mul3A_391 = arith.muli %scan3A_388, %mul3A_390 : i32
      %add3A_392 = vector.broadcast %mul3A_391 : i32 to vector<16xi32>
      %add3A_393 = arith.addi %add3A_392, %iota3A : vector<16xi32>
      %parallel_loop3A = arith.constant 0 : i32
      %parallel_loop3A_394 = arith.constant 128 : i32
      %parallel_loop3A_395 = arith.constant 1 : i32
      %parallel_loop3A_396:9 = scf.for %parallel_loop3A_603 = %parallel_loop3A to %parallel_loop3A_394 step %parallel_loop3A_395 iter_args(%parallel_loop3A_604 = %broadcast_in_dim3A_19, %parallel_loop3A_605 = %broadcast_in_dim3A_19, %parallel_loop3A_606 = %broadcast_in_dim3A_19, %parallel_loop3A_607 = %broadcast_in_dim3A_19, %parallel_loop3A_608 = %broadcast_in_dim3A_19, %parallel_loop3A_609 = %broadcast_in_dim3A_19, %parallel_loop3A_610 = %broadcast_in_dim3A_19, %parallel_loop3A_611 = %broadcast_in_dim3A_19, %parallel_loop3A_612 = %broadcast_in_dim3A_19) -> (vector<16xf32>, vector<16xf32>, vector<16xf32>, vector<16xf32>, vector<16xf32>, vector<16xf32>, vector<16xf32>, vector<16xf32>, vector<16xf32>)  : i32 {
        %parallel_loop3A_613 = vector.broadcast %parallel_loop3A_603 : i32 to vector<16xi32>
        %parallel_loop3A_614 = arith.addi %iota3A, %parallel_loop3A_613 : vector<16xi32>
        %parallel_loop3A_615 = arith.constant 127 : i32
        %parallel_loop3A_616 = vector.broadcast %parallel_loop3A_615 : i32 to vector<16xi32>
        %parallel_loop3A_617 = arith.andi %parallel_loop3A_614, %parallel_loop3A_616 : vector<16xi32>
        %parallel_loop3A_618 = tpu.vector_load_idx %arg17[%add3A_393, %parallel_loop3A_617] : memref<64x128xf32, #tpu.memory_space<vmem>>[vector<16xi32>, vector<16xi32>], vector<16xf32>,
        %parallel_loop3A_619 = tpu.vector_load_idx %arg18[%add3A_393, %parallel_loop3A_617] : memref<64x128xf32, #tpu.memory_space<vmem>>[vector<16xi32>, vector<16xi32>], vector<16xf32>,
        %parallel_loop3A_620 = tpu.vector_load_idx %arg19[%add3A_393, %parallel_loop3A_617] : memref<64x128xf32, #tpu.memory_space<vmem>>[vector<16xi32>, vector<16xi32>], vector<16xf32>,
        %parallel_loop3A_621 = tpu.vector_load_idx %arg20[%add3A_393, %parallel_loop3A_617] : memref<64x128xf32, #tpu.memory_space<vmem>>[vector<16xi32>, vector<16xi32>], vector<16xf32>,
        %parallel_loop3A_622 = arith.mulf %parallel_loop3A_618, %parallel_loop3A_619 : vector<16xf32>
        %parallel_loop3A_623 = arith.addf %parallel_loop3A_604, %parallel_loop3A_622 : vector<16xf32>
        %parallel_loop3A_624 = arith.mulf %parallel_loop3A_618, %parallel_loop3A_620 : vector<16xf32>
        %parallel_loop3A_625 = arith.addf %parallel_loop3A_605, %parallel_loop3A_624 : vector<16xf32>
        %parallel_loop3A_626 = arith.mulf %parallel_loop3A_619, %parallel_loop3A_620 : vector<16xf32>
        %parallel_loop3A_627 = arith.addf %parallel_loop3A_606, %parallel_loop3A_626 : vector<16xf32>
        %parallel_loop3A_628 = arith.mulf %parallel_loop3A_621, %parallel_loop3A_619 : vector<16xf32>
        %parallel_loop3A_629 = arith.addf %parallel_loop3A_607, %parallel_loop3A_628 : vector<16xf32>
        %parallel_loop3A_630 = arith.mulf %parallel_loop3A_621, %parallel_loop3A_620 : vector<16xf32>
        %parallel_loop3A_631 = arith.addf %parallel_loop3A_608, %parallel_loop3A_630 : vector<16xf32>
        %parallel_loop3A_632 = arith.mulf %parallel_loop3A_618, %parallel_loop3A_618 : vector<16xf32>
        %parallel_loop3A_633 = arith.addf %parallel_loop3A_609, %parallel_loop3A_632 : vector<16xf32>
        %parallel_loop3A_634 = arith.mulf %parallel_loop3A_619, %parallel_loop3A_619 : vector<16xf32>
        %parallel_loop3A_635 = arith.addf %parallel_loop3A_610, %parallel_loop3A_634 : vector<16xf32>
        %parallel_loop3A_636 = arith.mulf %parallel_loop3A_620, %parallel_loop3A_620 : vector<16xf32>
        %parallel_loop3A_637 = arith.addf %parallel_loop3A_611, %parallel_loop3A_636 : vector<16xf32>
        %parallel_loop3A_638 = arith.mulf %parallel_loop3A_621, %parallel_loop3A_621 : vector<16xf32>
        %parallel_loop3A_639 = arith.addf %parallel_loop3A_612, %parallel_loop3A_638 : vector<16xf32>
        scf.yield %parallel_loop3A_623, %parallel_loop3A_625, %parallel_loop3A_627, %parallel_loop3A_629, %parallel_loop3A_631, %parallel_loop3A_633, %parallel_loop3A_635, %parallel_loop3A_637, %parallel_loop3A_639 : vector<16xf32>, vector<16xf32>, vector<16xf32>, vector<16xf32>, vector<16xf32>, vector<16xf32>, vector<16xf32>, vector<16xf32>, vector<16xf32>
      } {sc.loop_unroll_factor = 2 : i64, sc.parallel_access}
      %max3A = arith.constant 1.000000e-24 : f32
      %max3A_397 = vector.broadcast %max3A : f32 to vector<16xf32>
      %max3A_398 = arith.maximumf %parallel_loop3A_396#5, %max3A_397 : vector<16xf32>
      %bitcast_convert_type3A = tpu.bitcast %max3A_398 : vector<16xf32> -> vector<16xi32>
      %shift_right_logical3A = arith.constant 1 : i32
      %shift_right_logical3A_399 = vector.broadcast %shift_right_logical3A : i32 to vector<16xi32>
      %shift_right_logical3A_400 = arith.shrui %bitcast_convert_type3A, %shift_right_logical3A_399 : vector<16xi32>
      %sub3A = arith.constant 1597463007 : i32
      %sub3A_401 = vector.broadcast %sub3A : i32 to vector<16xi32>
      %sub3A_402 = arith.subi %sub3A_401, %shift_right_logical3A_400 : vector<16xi32>
      %bitcast_convert_type3A_403 = tpu.bitcast %sub3A_402 : vector<16xi32> -> vector<16xf32>
      %mul3A_404 = arith.constant 5.000000e-01 : f32
      %mul3A_405 = vector.broadcast %mul3A_404 : f32 to vector<16xf32>
      %mul3A_406 = arith.mulf %mul3A_405, %max3A_398 : vector<16xf32>
      %mul3A_407 = arith.mulf %mul3A_406, %bitcast_convert_type3A_403 : vector<16xf32>
      %mul3A_408 = arith.mulf %mul3A_407, %bitcast_convert_type3A_403 : vector<16xf32>
      %sub3A_409 = arith.constant 1.500000e+00 : f32
      %sub3A_410 = vector.broadcast %sub3A_409 : f32 to vector<16xf32>
      %sub3A_411 = arith.subf %sub3A_410, %mul3A_408 : vector<16xf32>
      %mul3A_412 = arith.mulf %bitcast_convert_type3A_403, %sub3A_411 : vector<16xf32>
      %mul3A_413 = arith.constant 5.000000e-01 : f32
      %mul3A_414 = vector.broadcast %mul3A_413 : f32 to vector<16xf32>
      %mul3A_415 = arith.mulf %mul3A_414, %max3A_398 : vector<16xf32>
      %mul3A_416 = arith.mulf %mul3A_415, %mul3A_412 : vector<16xf32>
      %mul3A_417 = arith.mulf %mul3A_416, %mul3A_412 : vector<16xf32>
      %sub3A_418 = arith.constant 1.500000e+00 : f32
      %sub3A_419 = vector.broadcast %sub3A_418 : f32 to vector<16xf32>
      %sub3A_420 = arith.subf %sub3A_419, %mul3A_417 : vector<16xf32>
      %mul3A_421 = arith.mulf %mul3A_412, %sub3A_420 : vector<16xf32>
      %max3A_422 = arith.constant 1.000000e-24 : f32
      %max3A_423 = vector.broadcast %max3A_422 : f32 to vector<16xf32>
      %max3A_424 = arith.maximumf %parallel_loop3A_396#6, %max3A_423 : vector<16xf32>
      %bitcast_convert_type3A_425 = tpu.bitcast %max3A_424 : vector<16xf32> -> vector<16xi32>
      %shift_right_logical3A_426 = arith.constant 1 : i32
      %shift_right_logical3A_427 = vector.broadcast %shift_right_logical3A_426 : i32 to vector<16xi32>
      %shift_right_logical3A_428 = arith.shrui %bitcast_convert_type3A_425, %shift_right_logical3A_427 : vector<16xi32>
      %sub3A_429 = arith.constant 1597463007 : i32
      %sub3A_430 = vector.broadcast %sub3A_429 : i32 to vector<16xi32>
      %sub3A_431 = arith.subi %sub3A_430, %shift_right_logical3A_428 : vector<16xi32>
      %bitcast_convert_type3A_432 = tpu.bitcast %sub3A_431 : vector<16xi32> -> vector<16xf32>
      %mul3A_433 = arith.constant 5.000000e-01 : f32
      %mul3A_434 = vector.broadcast %mul3A_433 : f32 to vector<16xf32>
      %mul3A_435 = arith.mulf %mul3A_434, %max3A_424 : vector<16xf32>
      %mul3A_436 = arith.mulf %mul3A_435, %bitcast_convert_type3A_432 : vector<16xf32>
      %mul3A_437 = arith.mulf %mul3A_436, %bitcast_convert_type3A_432 : vector<16xf32>
      %sub3A_438 = arith.constant 1.500000e+00 : f32
      %sub3A_439 = vector.broadcast %sub3A_438 : f32 to vector<16xf32>
      %sub3A_440 = arith.subf %sub3A_439, %mul3A_437 : vector<16xf32>
      %mul3A_441 = arith.mulf %bitcast_convert_type3A_432, %sub3A_440 : vector<16xf32>
      %mul3A_442 = arith.constant 5.000000e-01 : f32
      %mul3A_443 = vector.broadcast %mul3A_442 : f32 to vector<16xf32>
      %mul3A_444 = arith.mulf %mul3A_443, %max3A_424 : vector<16xf32>
      %mul3A_445 = arith.mulf %mul3A_444, %mul3A_441 : vector<16xf32>
      %mul3A_446 = arith.mulf %mul3A_445, %mul3A_441 : vector<16xf32>
      %sub3A_447 = arith.constant 1.500000e+00 : f32
      %sub3A_448 = vector.broadcast %sub3A_447 : f32 to vector<16xf32>
      %sub3A_449 = arith.subf %sub3A_448, %mul3A_446 : vector<16xf32>
      %mul3A_450 = arith.mulf %mul3A_441, %sub3A_449 : vector<16xf32>
      %max3A_451 = arith.constant 1.000000e-24 : f32
      %max3A_452 = vector.broadcast %max3A_451 : f32 to vector<16xf32>
      %max3A_453 = arith.maximumf %parallel_loop3A_396#7, %max3A_452 : vector<16xf32>
      %bitcast_convert_type3A_454 = tpu.bitcast %max3A_453 : vector<16xf32> -> vector<16xi32>
      %shift_right_logical3A_455 = arith.constant 1 : i32
      %shift_right_logical3A_456 = vector.broadcast %shift_right_logical3A_455 : i32 to vector<16xi32>
      %shift_right_logical3A_457 = arith.shrui %bitcast_convert_type3A_454, %shift_right_logical3A_456 : vector<16xi32>
      %sub3A_458 = arith.constant 1597463007 : i32
      %sub3A_459 = vector.broadcast %sub3A_458 : i32 to vector<16xi32>
      %sub3A_460 = arith.subi %sub3A_459, %shift_right_logical3A_457 : vector<16xi32>
      %bitcast_convert_type3A_461 = tpu.bitcast %sub3A_460 : vector<16xi32> -> vector<16xf32>
      %mul3A_462 = arith.constant 5.000000e-01 : f32
      %mul3A_463 = vector.broadcast %mul3A_462 : f32 to vector<16xf32>
      %mul3A_464 = arith.mulf %mul3A_463, %max3A_453 : vector<16xf32>
      %mul3A_465 = arith.mulf %mul3A_464, %bitcast_convert_type3A_461 : vector<16xf32>
      %mul3A_466 = arith.mulf %mul3A_465, %bitcast_convert_type3A_461 : vector<16xf32>
      %sub3A_467 = arith.constant 1.500000e+00 : f32
      %sub3A_468 = vector.broadcast %sub3A_467 : f32 to vector<16xf32>
      %sub3A_469 = arith.subf %sub3A_468, %mul3A_466 : vector<16xf32>
      %mul3A_470 = arith.mulf %bitcast_convert_type3A_461, %sub3A_469 : vector<16xf32>
      %mul3A_471 = arith.constant 5.000000e-01 : f32
      %mul3A_472 = vector.broadcast %mul3A_471 : f32 to vector<16xf32>
      %mul3A_473 = arith.mulf %mul3A_472, %max3A_453 : vector<16xf32>
      %mul3A_474 = arith.mulf %mul3A_473, %mul3A_470 : vector<16xf32>
      %mul3A_475 = arith.mulf %mul3A_474, %mul3A_470 : vector<16xf32>
      %sub3A_476 = arith.constant 1.500000e+00 : f32
      %sub3A_477 = vector.broadcast %sub3A_476 : f32 to vector<16xf32>
      %sub3A_478 = arith.subf %sub3A_477, %mul3A_475 : vector<16xf32>
      %mul3A_479 = arith.mulf %mul3A_470, %sub3A_478 : vector<16xf32>
      %max3A_480 = arith.constant 1.000000e-24 : f32
      %max3A_481 = vector.broadcast %max3A_480 : f32 to vector<16xf32>
      %max3A_482 = arith.maximumf %parallel_loop3A_396#8, %max3A_481 : vector<16xf32>
      %bitcast_convert_type3A_483 = tpu.bitcast %max3A_482 : vector<16xf32> -> vector<16xi32>
      %shift_right_logical3A_484 = arith.constant 1 : i32
      %shift_right_logical3A_485 = vector.broadcast %shift_right_logical3A_484 : i32 to vector<16xi32>
      %shift_right_logical3A_486 = arith.shrui %bitcast_convert_type3A_483, %shift_right_logical3A_485 : vector<16xi32>
      %sub3A_487 = arith.constant 1597463007 : i32
      %sub3A_488 = vector.broadcast %sub3A_487 : i32 to vector<16xi32>
      %sub3A_489 = arith.subi %sub3A_488, %shift_right_logical3A_486 : vector<16xi32>
      %bitcast_convert_type3A_490 = tpu.bitcast %sub3A_489 : vector<16xi32> -> vector<16xf32>
      %mul3A_491 = arith.constant 5.000000e-01 : f32
      %mul3A_492 = vector.broadcast %mul3A_491 : f32 to vector<16xf32>
      %mul3A_493 = arith.mulf %mul3A_492, %max3A_482 : vector<16xf32>
      %mul3A_494 = arith.mulf %mul3A_493, %bitcast_convert_type3A_490 : vector<16xf32>
      %mul3A_495 = arith.mulf %mul3A_494, %bitcast_convert_type3A_490 : vector<16xf32>
      %sub3A_496 = arith.constant 1.500000e+00 : f32
      %sub3A_497 = vector.broadcast %sub3A_496 : f32 to vector<16xf32>
      %sub3A_498 = arith.subf %sub3A_497, %mul3A_495 : vector<16xf32>
      %mul3A_499 = arith.mulf %bitcast_convert_type3A_490, %sub3A_498 : vector<16xf32>
      %mul3A_500 = arith.constant 5.000000e-01 : f32
      %mul3A_501 = vector.broadcast %mul3A_500 : f32 to vector<16xf32>
      %mul3A_502 = arith.mulf %mul3A_501, %max3A_482 : vector<16xf32>
      %mul3A_503 = arith.mulf %mul3A_502, %mul3A_499 : vector<16xf32>
      %mul3A_504 = arith.mulf %mul3A_503, %mul3A_499 : vector<16xf32>
      %sub3A_505 = arith.constant 1.500000e+00 : f32
      %sub3A_506 = vector.broadcast %sub3A_505 : f32 to vector<16xf32>
      %sub3A_507 = arith.subf %sub3A_506, %mul3A_504 : vector<16xf32>
      %mul3A_508 = arith.mulf %mul3A_499, %sub3A_507 : vector<16xf32>
      %mul3A_509 = arith.mulf %mul3A_450, %mul3A_479 : vector<16xf32>
      %mul3A_510 = arith.mulf %parallel_loop3A_396#2, %mul3A_509 : vector<16xf32>
      %mul3A_511 = arith.mulf %parallel_loop3A_396#0, %mul3A_421 : vector<16xf32>
      %mul3A_512 = arith.mulf %mul3A_511, %mul3A_450 : vector<16xf32>
      %mul3A_513 = arith.mulf %parallel_loop3A_396#1, %mul3A_421 : vector<16xf32>
      %mul3A_514 = arith.mulf %mul3A_513, %mul3A_479 : vector<16xf32>
      %sub3A_515 = arith.subf %mul3A_512, %mul3A_514 : vector<16xf32>
      %sub3A_516 = arith.subf %sub3A_515, %mul3A_510 : vector<16xf32>
      %mul3A_517 = arith.constant 2.000000e+00 : f32
      %mul3A_518 = vector.broadcast %mul3A_517 : f32 to vector<16xf32>
      %mul3A_519 = arith.mulf %mul3A_518, %sub3A_516 : vector<16xf32>
      %add3A_520 = arith.constant 3.000000e+00 : f32
      %add3A_521 = vector.broadcast %add3A_520 : f32 to vector<16xf32>
      %add3A_522 = arith.addf %add3A_521, %mul3A_519 : vector<16xf32>
      %mul3A_523 = arith.mulf %parallel_loop3A_396#3, %mul3A_508 : vector<16xf32>
      %mul3A_524 = arith.mulf %mul3A_523, %mul3A_450 : vector<16xf32>
      %mul3A_525 = arith.mulf %parallel_loop3A_396#4, %mul3A_508 : vector<16xf32>
      %mul3A_526 = arith.mulf %mul3A_525, %mul3A_479 : vector<16xf32>
      %sub3A_527 = arith.subf %mul3A_524, %mul3A_526 : vector<16xf32>
      %sub3A_528 = arith.subf %sub3A_527, %mul3A_510 : vector<16xf32>
      %mul3A_529 = arith.constant 2.000000e+00 : f32
      %mul3A_530 = vector.broadcast %mul3A_529 : f32 to vector<16xf32>
      %mul3A_531 = arith.mulf %mul3A_530, %sub3A_528 : vector<16xf32>
      %add3A_532 = arith.constant 3.000000e+00 : f32
      %add3A_533 = vector.broadcast %add3A_532 : f32 to vector<16xf32>
      %add3A_534 = arith.addf %add3A_533, %mul3A_531 : vector<16xf32>
      %max3A_535 = arith.constant 1.000000e-30 : f32
      %max3A_536 = vector.broadcast %max3A_535 : f32 to vector<16xf32>
      %max3A_537 = arith.maximumf %add3A_522, %max3A_536 : vector<16xf32>
      %max3A_538 = arith.constant 1.000000e-30 : f32
      %max3A_539 = vector.broadcast %max3A_538 : f32 to vector<16xf32>
      %max3A_540 = arith.maximumf %add3A_534, %max3A_539 : vector<16xf32>
      %bitcast_convert_type3A_541 = tpu.bitcast %max3A_537 : vector<16xf32> -> vector<16xi32>
      %shift_right_logical3A_542 = arith.constant 1 : i32
      %shift_right_logical3A_543 = vector.broadcast %shift_right_logical3A_542 : i32 to vector<16xi32>
      %shift_right_logical3A_544 = arith.shrui %bitcast_convert_type3A_541, %shift_right_logical3A_543 : vector<16xi32>
      %sub3A_545 = arith.constant 1597463007 : i32
      %sub3A_546 = vector.broadcast %sub3A_545 : i32 to vector<16xi32>
      %sub3A_547 = arith.subi %sub3A_546, %shift_right_logical3A_544 : vector<16xi32>
      %bitcast_convert_type3A_548 = tpu.bitcast %sub3A_547 : vector<16xi32> -> vector<16xf32>
      %mul3A_549 = arith.constant 5.000000e-01 : f32
      %mul3A_550 = vector.broadcast %mul3A_549 : f32 to vector<16xf32>
      %mul3A_551 = arith.mulf %mul3A_550, %max3A_537 : vector<16xf32>
      %mul3A_552 = arith.mulf %mul3A_551, %bitcast_convert_type3A_548 : vector<16xf32>
      %mul3A_553 = arith.mulf %mul3A_552, %bitcast_convert_type3A_548 : vector<16xf32>
      %sub3A_554 = arith.constant 1.500000e+00 : f32
      %sub3A_555 = vector.broadcast %sub3A_554 : f32 to vector<16xf32>
      %sub3A_556 = arith.subf %sub3A_555, %mul3A_553 : vector<16xf32>
      %mul3A_557 = arith.mulf %bitcast_convert_type3A_548, %sub3A_556 : vector<16xf32>
      %mul3A_558 = arith.constant 5.000000e-01 : f32
      %mul3A_559 = vector.broadcast %mul3A_558 : f32 to vector<16xf32>
      %mul3A_560 = arith.mulf %mul3A_559, %max3A_537 : vector<16xf32>
      %mul3A_561 = arith.mulf %mul3A_560, %mul3A_557 : vector<16xf32>
      %mul3A_562 = arith.mulf %mul3A_561, %mul3A_557 : vector<16xf32>
      %sub3A_563 = arith.constant 1.500000e+00 : f32
      %sub3A_564 = vector.broadcast %sub3A_563 : f32 to vector<16xf32>
      %sub3A_565 = arith.subf %sub3A_564, %mul3A_562 : vector<16xf32>
      %mul3A_566 = arith.mulf %mul3A_557, %sub3A_565 : vector<16xf32>
      %mul3A_567 = arith.mulf %max3A_537, %mul3A_566 : vector<16xf32>
      %bitcast_convert_type3A_568 = tpu.bitcast %max3A_540 : vector<16xf32> -> vector<16xi32>
      %shift_right_logical3A_569 = arith.constant 1 : i32
      %shift_right_logical3A_570 = vector.broadcast %shift_right_logical3A_569 : i32 to vector<16xi32>
      %shift_right_logical3A_571 = arith.shrui %bitcast_convert_type3A_568, %shift_right_logical3A_570 : vector<16xi32>
      %sub3A_572 = arith.constant 1597463007 : i32
      %sub3A_573 = vector.broadcast %sub3A_572 : i32 to vector<16xi32>
      %sub3A_574 = arith.subi %sub3A_573, %shift_right_logical3A_571 : vector<16xi32>
      %bitcast_convert_type3A_575 = tpu.bitcast %sub3A_574 : vector<16xi32> -> vector<16xf32>
      %mul3A_576 = arith.constant 5.000000e-01 : f32
      %mul3A_577 = vector.broadcast %mul3A_576 : f32 to vector<16xf32>
      %mul3A_578 = arith.mulf %mul3A_577, %max3A_540 : vector<16xf32>
      %mul3A_579 = arith.mulf %mul3A_578, %bitcast_convert_type3A_575 : vector<16xf32>
      %mul3A_580 = arith.mulf %mul3A_579, %bitcast_convert_type3A_575 : vector<16xf32>
      %sub3A_581 = arith.constant 1.500000e+00 : f32
      %sub3A_582 = vector.broadcast %sub3A_581 : f32 to vector<16xf32>
      %sub3A_583 = arith.subf %sub3A_582, %mul3A_580 : vector<16xf32>
      %mul3A_584 = arith.mulf %bitcast_convert_type3A_575, %sub3A_583 : vector<16xf32>
      %mul3A_585 = arith.constant 5.000000e-01 : f32
      %mul3A_586 = vector.broadcast %mul3A_585 : f32 to vector<16xf32>
      %mul3A_587 = arith.mulf %mul3A_586, %max3A_540 : vector<16xf32>
      %mul3A_588 = arith.mulf %mul3A_587, %mul3A_584 : vector<16xf32>
      %mul3A_589 = arith.mulf %mul3A_588, %mul3A_584 : vector<16xf32>
      %sub3A_590 = arith.constant 1.500000e+00 : f32
      %sub3A_591 = vector.broadcast %sub3A_590 : f32 to vector<16xf32>
      %sub3A_592 = arith.subf %sub3A_591, %mul3A_589 : vector<16xf32>
      %mul3A_593 = arith.mulf %mul3A_584, %sub3A_592 : vector<16xf32>
      %mul3A_594 = arith.mulf %max3A_540, %mul3A_593 : vector<16xf32>
      %add3A_595 = arith.constant 1.000000e+00 : f32
      %add3A_596 = vector.broadcast %add3A_595 : f32 to vector<16xf32>
      %add3A_597 = arith.addf %add3A_596, %mul3A_567 : vector<16xf32>
      %sub3A_598 = arith.subf %add3A_597, %mul3A_594 : vector<16xf32>
      %max3A_599 = arith.constant 0.000000e+00 : f32
      %max3A_600 = vector.broadcast %max3A_599 : f32 to vector<16xf32>
      %max3A_601 = arith.maximumf %sub3A_598, %max3A_600 : vector<16xf32>
      %add3A_602 = arith.addf %scan3A_389, %max3A_601 : vector<16xf32>
      scf.yield %add3A_602 : vector<16xf32>
    }
    %scan3A_314 = arith.constant 4 : i32
    %dma_start3A_315 = arith.constant 448 : i32
    %dma_start3A_316 = tpu.memref_slice %arg9[%dma_start3A_315] : memref<512xi32, #tpu.memory_space<vmem>> -> memref<64xi32, #tpu.memory_space<vmem>>
    %dma_start3A_317 = arith.constant 0 : i32
    %dma_start3A_318 = arith.constant 0 : i32
    %dma_start3A_319 = tpu.memref_slice %arg6[%dma_start3A_317, %dma_start3A_318] : memref<100000x128xf32, #tpu.memory_space<hbm>> -> memref<100000x128xf32, #tpu.memory_space<hbm>>
    tpu.enqueue_indirect_dma source(%dma_start3A_319 : memref<100000x128xf32, #tpu.memory_space<hbm>>) target(%arg17 : memref<64x128xf32, #tpu.memory_space<vmem>>) offsets(%dma_start3A_316 : memref<64xi32, #tpu.memory_space<vmem>>) semaphore(%arg23 : memref<!tpu.dma_semaphore, #tpu.memory_space<semaphore_mem>>)
    %dma_start3A_320 = arith.constant 448 : i32
    %dma_start3A_321 = tpu.memref_slice %arg10[%dma_start3A_320] : memref<512xi32, #tpu.memory_space<vmem>> -> memref<64xi32, #tpu.memory_space<vmem>>
    %dma_start3A_322 = arith.constant 0 : i32
    %dma_start3A_323 = arith.constant 0 : i32
    %dma_start3A_324 = tpu.memref_slice %arg7[%dma_start3A_322, %dma_start3A_323] : memref<1000x128xf32, #tpu.memory_space<hbm>> -> memref<1000x128xf32, #tpu.memory_space<hbm>>
    tpu.enqueue_indirect_dma source(%dma_start3A_324 : memref<1000x128xf32, #tpu.memory_space<hbm>>) target(%arg18 : memref<64x128xf32, #tpu.memory_space<vmem>>) offsets(%dma_start3A_321 : memref<64xi32, #tpu.memory_space<vmem>>) semaphore(%arg23 : memref<!tpu.dma_semaphore, #tpu.memory_space<semaphore_mem>>)
    %dma_start3A_325 = arith.constant 448 : i32
    %dma_start3A_326 = tpu.memref_slice %arg11[%dma_start3A_325] : memref<512xi32, #tpu.memory_space<vmem>> -> memref<64xi32, #tpu.memory_space<vmem>>
    %dma_start3A_327 = arith.constant 0 : i32
    %dma_start3A_328 = arith.constant 0 : i32
    %dma_start3A_329 = tpu.memref_slice %arg6[%dma_start3A_327, %dma_start3A_328] : memref<100000x128xf32, #tpu.memory_space<hbm>> -> memref<100000x128xf32, #tpu.memory_space<hbm>>
    tpu.enqueue_indirect_dma source(%dma_start3A_329 : memref<100000x128xf32, #tpu.memory_space<hbm>>) target(%arg19 : memref<64x128xf32, #tpu.memory_space<vmem>>) offsets(%dma_start3A_326 : memref<64xi32, #tpu.memory_space<vmem>>) semaphore(%arg23 : memref<!tpu.dma_semaphore, #tpu.memory_space<semaphore_mem>>)
    %dma_start3A_330 = arith.constant 448 : i32
    %dma_start3A_331 = tpu.memref_slice %arg12[%dma_start3A_330] : memref<512xi32, #tpu.memory_space<vmem>> -> memref<64xi32, #tpu.memory_space<vmem>>
    %dma_start3A_332 = arith.constant 0 : i32
    %dma_start3A_333 = arith.constant 0 : i32
    %dma_start3A_334 = tpu.memref_slice %arg6[%dma_start3A_332, %dma_start3A_333] : memref<100000x128xf32, #tpu.memory_space<hbm>> -> memref<100000x128xf32, #tpu.memory_space<hbm>>
    tpu.enqueue_indirect_dma source(%dma_start3A_334 : memref<100000x128xf32, #tpu.memory_space<hbm>>) target(%arg20 : memref<64x128xf32, #tpu.memory_space<vmem>>) offsets(%dma_start3A_331 : memref<64xi32, #tpu.memory_space<vmem>>) semaphore(%arg23 : memref<!tpu.dma_semaphore, #tpu.memory_space<semaphore_mem>>)
    %dma_wait3A_335 = arith.constant 384 : i32
    %dma_wait3A_336 = tpu.memref_slice %arg9[%dma_wait3A_335] : memref<512xi32, #tpu.memory_space<vmem>> -> memref<64xi32, #tpu.memory_space<vmem>>
    %dma_wait3A_337 = arith.constant 0 : i32
    %dma_wait3A_338 = arith.constant 0 : i32
    %dma_wait3A_339 = tpu.memref_slice %arg6[%dma_wait3A_337, %dma_wait3A_338] : memref<100000x128xf32, #tpu.memory_space<hbm>> -> memref<100000x128xf32, #tpu.memory_space<hbm>>
    tpu.wait_indirect_dma semaphore(%arg22 : memref<!tpu.dma_semaphore, #tpu.memory_space<semaphore_mem>>) src(%dma_wait3A_339 : memref<100000x128xf32, #tpu.memory_space<hbm>>) dst(%arg13 : memref<64x128xf32, #tpu.memory_space<vmem>>)
    %dma_wait3A_340 = arith.constant 384 : i32
    %dma_wait3A_341 = tpu.memref_slice %arg10[%dma_wait3A_340] : memref<512xi32, #tpu.memory_space<vmem>> -> memref<64xi32, #tpu.memory_space<vmem>>
    %dma_wait3A_342 = arith.constant 0 : i32
    %dma_wait3A_343 = arith.constant 0 : i32
    %dma_wait3A_344 = tpu.memref_slice %arg7[%dma_wait3A_342, %dma_wait3A_343] : memref<1000x128xf32, #tpu.memory_space<hbm>> -> memref<1000x128xf32, #tpu.memory_space<hbm>>
    tpu.wait_indirect_dma semaphore(%arg22 : memref<!tpu.dma_semaphore, #tpu.memory_space<semaphore_mem>>) src(%dma_wait3A_344 : memref<1000x128xf32, #tpu.memory_space<hbm>>) dst(%arg14 : memref<64x128xf32, #tpu.memory_space<vmem>>)
    %dma_wait3A_345 = arith.constant 384 : i32
    %dma_wait3A_346 = tpu.memref_slice %arg11[%dma_wait3A_345] : memref<512xi32, #tpu.memory_space<vmem>> -> memref<64xi32, #tpu.memory_space<vmem>>
    %dma_wait3A_347 = arith.constant 0 : i32
    %dma_wait3A_348 = arith.constant 0 : i32
    %dma_wait3A_349 = tpu.memref_slice %arg6[%dma_wait3A_347, %dma_wait3A_348] : memref<100000x128xf32, #tpu.memory_space<hbm>> -> memref<100000x128xf32, #tpu.memory_space<hbm>>
    tpu.wait_indirect_dma semaphore(%arg22 : memref<!tpu.dma_semaphore, #tpu.memory_space<semaphore_mem>>) src(%dma_wait3A_349 : memref<100000x128xf32, #tpu.memory_space<hbm>>) dst(%arg15 : memref<64x128xf32, #tpu.memory_space<vmem>>)
    %dma_wait3A_350 = arith.constant 384 : i32
    %dma_wait3A_351 = tpu.memref_slice %arg12[%dma_wait3A_350] : memref<512xi32, #tpu.memory_space<vmem>> -> memref<64xi32, #tpu.memory_space<vmem>>
    %dma_wait3A_352 = arith.constant 0 : i32
    %dma_wait3A_353 = arith.constant 0 : i32
    %dma_wait3A_354 = tpu.memref_slice %arg6[%dma_wait3A_352, %dma_wait3A_353] : memref<100000x128xf32, #tpu.memory_space<hbm>> -> memref<100000x128xf32, #tpu.memory_space<hbm>>
    tpu.wait_indirect_dma semaphore(%arg22 : memref<!tpu.dma_semaphore, #tpu.memory_space<semaphore_mem>>) src(%dma_wait3A_354 : memref<100000x128xf32, #tpu.memory_space<hbm>>) dst(%arg16 : memref<64x128xf32, #tpu.memory_space<vmem>>)
    %scan3A_355 = arith.constant 0 : i32
    %scan3A_356 = arith.constant 4 : i32
    %scan3A_357 = arith.addi %scan3A_355, %scan3A_356 : i32
    %scan3A_358 = arith.constant 1 : i32
    %scan3A_359 = scf.for %scan3A_388 = %scan3A_355 to %scan3A_357 step %scan3A_358 iter_args(%scan3A_389 = %scan3A_313) -> (vector<16xf32>)  : i32 {
      %mul3A_390 = arith.constant 16 : i32
      %mul3A_391 = arith.muli %scan3A_388, %mul3A_390 : i32
      %add3A_392 = vector.broadcast %mul3A_391 : i32 to vector<16xi32>
      %add3A_393 = arith.addi %add3A_392, %iota3A : vector<16xi32>
      %parallel_loop3A = arith.constant 0 : i32
      %parallel_loop3A_394 = arith.constant 128 : i32
      %parallel_loop3A_395 = arith.constant 1 : i32
      %parallel_loop3A_396:9 = scf.for %parallel_loop3A_603 = %parallel_loop3A to %parallel_loop3A_394 step %parallel_loop3A_395 iter_args(%parallel_loop3A_604 = %broadcast_in_dim3A_19, %parallel_loop3A_605 = %broadcast_in_dim3A_19, %parallel_loop3A_606 = %broadcast_in_dim3A_19, %parallel_loop3A_607 = %broadcast_in_dim3A_19, %parallel_loop3A_608 = %broadcast_in_dim3A_19, %parallel_loop3A_609 = %broadcast_in_dim3A_19, %parallel_loop3A_610 = %broadcast_in_dim3A_19, %parallel_loop3A_611 = %broadcast_in_dim3A_19, %parallel_loop3A_612 = %broadcast_in_dim3A_19) -> (vector<16xf32>, vector<16xf32>, vector<16xf32>, vector<16xf32>, vector<16xf32>, vector<16xf32>, vector<16xf32>, vector<16xf32>, vector<16xf32>)  : i32 {
        %parallel_loop3A_613 = vector.broadcast %parallel_loop3A_603 : i32 to vector<16xi32>
        %parallel_loop3A_614 = arith.addi %iota3A, %parallel_loop3A_613 : vector<16xi32>
        %parallel_loop3A_615 = arith.constant 127 : i32
        %parallel_loop3A_616 = vector.broadcast %parallel_loop3A_615 : i32 to vector<16xi32>
        %parallel_loop3A_617 = arith.andi %parallel_loop3A_614, %parallel_loop3A_616 : vector<16xi32>
        %parallel_loop3A_618 = tpu.vector_load_idx %arg13[%add3A_393, %parallel_loop3A_617] : memref<64x128xf32, #tpu.memory_space<vmem>>[vector<16xi32>, vector<16xi32>], vector<16xf32>,
        %parallel_loop3A_619 = tpu.vector_load_idx %arg14[%add3A_393, %parallel_loop3A_617] : memref<64x128xf32, #tpu.memory_space<vmem>>[vector<16xi32>, vector<16xi32>], vector<16xf32>,
        %parallel_loop3A_620 = tpu.vector_load_idx %arg15[%add3A_393, %parallel_loop3A_617] : memref<64x128xf32, #tpu.memory_space<vmem>>[vector<16xi32>, vector<16xi32>], vector<16xf32>,
        %parallel_loop3A_621 = tpu.vector_load_idx %arg16[%add3A_393, %parallel_loop3A_617] : memref<64x128xf32, #tpu.memory_space<vmem>>[vector<16xi32>, vector<16xi32>], vector<16xf32>,
        %parallel_loop3A_622 = arith.mulf %parallel_loop3A_618, %parallel_loop3A_619 : vector<16xf32>
        %parallel_loop3A_623 = arith.addf %parallel_loop3A_604, %parallel_loop3A_622 : vector<16xf32>
        %parallel_loop3A_624 = arith.mulf %parallel_loop3A_618, %parallel_loop3A_620 : vector<16xf32>
        %parallel_loop3A_625 = arith.addf %parallel_loop3A_605, %parallel_loop3A_624 : vector<16xf32>
        %parallel_loop3A_626 = arith.mulf %parallel_loop3A_619, %parallel_loop3A_620 : vector<16xf32>
        %parallel_loop3A_627 = arith.addf %parallel_loop3A_606, %parallel_loop3A_626 : vector<16xf32>
        %parallel_loop3A_628 = arith.mulf %parallel_loop3A_621, %parallel_loop3A_619 : vector<16xf32>
        %parallel_loop3A_629 = arith.addf %parallel_loop3A_607, %parallel_loop3A_628 : vector<16xf32>
        %parallel_loop3A_630 = arith.mulf %parallel_loop3A_621, %parallel_loop3A_620 : vector<16xf32>
        %parallel_loop3A_631 = arith.addf %parallel_loop3A_608, %parallel_loop3A_630 : vector<16xf32>
        %parallel_loop3A_632 = arith.mulf %parallel_loop3A_618, %parallel_loop3A_618 : vector<16xf32>
        %parallel_loop3A_633 = arith.addf %parallel_loop3A_609, %parallel_loop3A_632 : vector<16xf32>
        %parallel_loop3A_634 = arith.mulf %parallel_loop3A_619, %parallel_loop3A_619 : vector<16xf32>
        %parallel_loop3A_635 = arith.addf %parallel_loop3A_610, %parallel_loop3A_634 : vector<16xf32>
        %parallel_loop3A_636 = arith.mulf %parallel_loop3A_620, %parallel_loop3A_620 : vector<16xf32>
        %parallel_loop3A_637 = arith.addf %parallel_loop3A_611, %parallel_loop3A_636 : vector<16xf32>
        %parallel_loop3A_638 = arith.mulf %parallel_loop3A_621, %parallel_loop3A_621 : vector<16xf32>
        %parallel_loop3A_639 = arith.addf %parallel_loop3A_612, %parallel_loop3A_638 : vector<16xf32>
        scf.yield %parallel_loop3A_623, %parallel_loop3A_625, %parallel_loop3A_627, %parallel_loop3A_629, %parallel_loop3A_631, %parallel_loop3A_633, %parallel_loop3A_635, %parallel_loop3A_637, %parallel_loop3A_639 : vector<16xf32>, vector<16xf32>, vector<16xf32>, vector<16xf32>, vector<16xf32>, vector<16xf32>, vector<16xf32>, vector<16xf32>, vector<16xf32>
      } {sc.loop_unroll_factor = 2 : i64, sc.parallel_access}
      %max3A = arith.constant 1.000000e-24 : f32
      %max3A_397 = vector.broadcast %max3A : f32 to vector<16xf32>
      %max3A_398 = arith.maximumf %parallel_loop3A_396#5, %max3A_397 : vector<16xf32>
      %bitcast_convert_type3A = tpu.bitcast %max3A_398 : vector<16xf32> -> vector<16xi32>
      %shift_right_logical3A = arith.constant 1 : i32
      %shift_right_logical3A_399 = vector.broadcast %shift_right_logical3A : i32 to vector<16xi32>
      %shift_right_logical3A_400 = arith.shrui %bitcast_convert_type3A, %shift_right_logical3A_399 : vector<16xi32>
      %sub3A = arith.constant 1597463007 : i32
      %sub3A_401 = vector.broadcast %sub3A : i32 to vector<16xi32>
      %sub3A_402 = arith.subi %sub3A_401, %shift_right_logical3A_400 : vector<16xi32>
      %bitcast_convert_type3A_403 = tpu.bitcast %sub3A_402 : vector<16xi32> -> vector<16xf32>
      %mul3A_404 = arith.constant 5.000000e-01 : f32
      %mul3A_405 = vector.broadcast %mul3A_404 : f32 to vector<16xf32>
      %mul3A_406 = arith.mulf %mul3A_405, %max3A_398 : vector<16xf32>
      %mul3A_407 = arith.mulf %mul3A_406, %bitcast_convert_type3A_403 : vector<16xf32>
      %mul3A_408 = arith.mulf %mul3A_407, %bitcast_convert_type3A_403 : vector<16xf32>
      %sub3A_409 = arith.constant 1.500000e+00 : f32
      %sub3A_410 = vector.broadcast %sub3A_409 : f32 to vector<16xf32>
      %sub3A_411 = arith.subf %sub3A_410, %mul3A_408 : vector<16xf32>
      %mul3A_412 = arith.mulf %bitcast_convert_type3A_403, %sub3A_411 : vector<16xf32>
      %mul3A_413 = arith.constant 5.000000e-01 : f32
      %mul3A_414 = vector.broadcast %mul3A_413 : f32 to vector<16xf32>
      %mul3A_415 = arith.mulf %mul3A_414, %max3A_398 : vector<16xf32>
      %mul3A_416 = arith.mulf %mul3A_415, %mul3A_412 : vector<16xf32>
      %mul3A_417 = arith.mulf %mul3A_416, %mul3A_412 : vector<16xf32>
      %sub3A_418 = arith.constant 1.500000e+00 : f32
      %sub3A_419 = vector.broadcast %sub3A_418 : f32 to vector<16xf32>
      %sub3A_420 = arith.subf %sub3A_419, %mul3A_417 : vector<16xf32>
      %mul3A_421 = arith.mulf %mul3A_412, %sub3A_420 : vector<16xf32>
      %max3A_422 = arith.constant 1.000000e-24 : f32
      %max3A_423 = vector.broadcast %max3A_422 : f32 to vector<16xf32>
      %max3A_424 = arith.maximumf %parallel_loop3A_396#6, %max3A_423 : vector<16xf32>
      %bitcast_convert_type3A_425 = tpu.bitcast %max3A_424 : vector<16xf32> -> vector<16xi32>
      %shift_right_logical3A_426 = arith.constant 1 : i32
      %shift_right_logical3A_427 = vector.broadcast %shift_right_logical3A_426 : i32 to vector<16xi32>
      %shift_right_logical3A_428 = arith.shrui %bitcast_convert_type3A_425, %shift_right_logical3A_427 : vector<16xi32>
      %sub3A_429 = arith.constant 1597463007 : i32
      %sub3A_430 = vector.broadcast %sub3A_429 : i32 to vector<16xi32>
      %sub3A_431 = arith.subi %sub3A_430, %shift_right_logical3A_428 : vector<16xi32>
      %bitcast_convert_type3A_432 = tpu.bitcast %sub3A_431 : vector<16xi32> -> vector<16xf32>
      %mul3A_433 = arith.constant 5.000000e-01 : f32
      %mul3A_434 = vector.broadcast %mul3A_433 : f32 to vector<16xf32>
      %mul3A_435 = arith.mulf %mul3A_434, %max3A_424 : vector<16xf32>
      %mul3A_436 = arith.mulf %mul3A_435, %bitcast_convert_type3A_432 : vector<16xf32>
      %mul3A_437 = arith.mulf %mul3A_436, %bitcast_convert_type3A_432 : vector<16xf32>
      %sub3A_438 = arith.constant 1.500000e+00 : f32
      %sub3A_439 = vector.broadcast %sub3A_438 : f32 to vector<16xf32>
      %sub3A_440 = arith.subf %sub3A_439, %mul3A_437 : vector<16xf32>
      %mul3A_441 = arith.mulf %bitcast_convert_type3A_432, %sub3A_440 : vector<16xf32>
      %mul3A_442 = arith.constant 5.000000e-01 : f32
      %mul3A_443 = vector.broadcast %mul3A_442 : f32 to vector<16xf32>
      %mul3A_444 = arith.mulf %mul3A_443, %max3A_424 : vector<16xf32>
      %mul3A_445 = arith.mulf %mul3A_444, %mul3A_441 : vector<16xf32>
      %mul3A_446 = arith.mulf %mul3A_445, %mul3A_441 : vector<16xf32>
      %sub3A_447 = arith.constant 1.500000e+00 : f32
      %sub3A_448 = vector.broadcast %sub3A_447 : f32 to vector<16xf32>
      %sub3A_449 = arith.subf %sub3A_448, %mul3A_446 : vector<16xf32>
      %mul3A_450 = arith.mulf %mul3A_441, %sub3A_449 : vector<16xf32>
      %max3A_451 = arith.constant 1.000000e-24 : f32
      %max3A_452 = vector.broadcast %max3A_451 : f32 to vector<16xf32>
      %max3A_453 = arith.maximumf %parallel_loop3A_396#7, %max3A_452 : vector<16xf32>
      %bitcast_convert_type3A_454 = tpu.bitcast %max3A_453 : vector<16xf32> -> vector<16xi32>
      %shift_right_logical3A_455 = arith.constant 1 : i32
      %shift_right_logical3A_456 = vector.broadcast %shift_right_logical3A_455 : i32 to vector<16xi32>
      %shift_right_logical3A_457 = arith.shrui %bitcast_convert_type3A_454, %shift_right_logical3A_456 : vector<16xi32>
      %sub3A_458 = arith.constant 1597463007 : i32
      %sub3A_459 = vector.broadcast %sub3A_458 : i32 to vector<16xi32>
      %sub3A_460 = arith.subi %sub3A_459, %shift_right_logical3A_457 : vector<16xi32>
      %bitcast_convert_type3A_461 = tpu.bitcast %sub3A_460 : vector<16xi32> -> vector<16xf32>
      %mul3A_462 = arith.constant 5.000000e-01 : f32
      %mul3A_463 = vector.broadcast %mul3A_462 : f32 to vector<16xf32>
      %mul3A_464 = arith.mulf %mul3A_463, %max3A_453 : vector<16xf32>
      %mul3A_465 = arith.mulf %mul3A_464, %bitcast_convert_type3A_461 : vector<16xf32>
      %mul3A_466 = arith.mulf %mul3A_465, %bitcast_convert_type3A_461 : vector<16xf32>
      %sub3A_467 = arith.constant 1.500000e+00 : f32
      %sub3A_468 = vector.broadcast %sub3A_467 : f32 to vector<16xf32>
      %sub3A_469 = arith.subf %sub3A_468, %mul3A_466 : vector<16xf32>
      %mul3A_470 = arith.mulf %bitcast_convert_type3A_461, %sub3A_469 : vector<16xf32>
      %mul3A_471 = arith.constant 5.000000e-01 : f32
      %mul3A_472 = vector.broadcast %mul3A_471 : f32 to vector<16xf32>
      %mul3A_473 = arith.mulf %mul3A_472, %max3A_453 : vector<16xf32>
      %mul3A_474 = arith.mulf %mul3A_473, %mul3A_470 : vector<16xf32>
      %mul3A_475 = arith.mulf %mul3A_474, %mul3A_470 : vector<16xf32>
      %sub3A_476 = arith.constant 1.500000e+00 : f32
      %sub3A_477 = vector.broadcast %sub3A_476 : f32 to vector<16xf32>
      %sub3A_478 = arith.subf %sub3A_477, %mul3A_475 : vector<16xf32>
      %mul3A_479 = arith.mulf %mul3A_470, %sub3A_478 : vector<16xf32>
      %max3A_480 = arith.constant 1.000000e-24 : f32
      %max3A_481 = vector.broadcast %max3A_480 : f32 to vector<16xf32>
      %max3A_482 = arith.maximumf %parallel_loop3A_396#8, %max3A_481 : vector<16xf32>
      %bitcast_convert_type3A_483 = tpu.bitcast %max3A_482 : vector<16xf32> -> vector<16xi32>
      %shift_right_logical3A_484 = arith.constant 1 : i32
      %shift_right_logical3A_485 = vector.broadcast %shift_right_logical3A_484 : i32 to vector<16xi32>
      %shift_right_logical3A_486 = arith.shrui %bitcast_convert_type3A_483, %shift_right_logical3A_485 : vector<16xi32>
      %sub3A_487 = arith.constant 1597463007 : i32
      %sub3A_488 = vector.broadcast %sub3A_487 : i32 to vector<16xi32>
      %sub3A_489 = arith.subi %sub3A_488, %shift_right_logical3A_486 : vector<16xi32>
      %bitcast_convert_type3A_490 = tpu.bitcast %sub3A_489 : vector<16xi32> -> vector<16xf32>
      %mul3A_491 = arith.constant 5.000000e-01 : f32
      %mul3A_492 = vector.broadcast %mul3A_491 : f32 to vector<16xf32>
      %mul3A_493 = arith.mulf %mul3A_492, %max3A_482 : vector<16xf32>
      %mul3A_494 = arith.mulf %mul3A_493, %bitcast_convert_type3A_490 : vector<16xf32>
      %mul3A_495 = arith.mulf %mul3A_494, %bitcast_convert_type3A_490 : vector<16xf32>
      %sub3A_496 = arith.constant 1.500000e+00 : f32
      %sub3A_497 = vector.broadcast %sub3A_496 : f32 to vector<16xf32>
      %sub3A_498 = arith.subf %sub3A_497, %mul3A_495 : vector<16xf32>
      %mul3A_499 = arith.mulf %bitcast_convert_type3A_490, %sub3A_498 : vector<16xf32>
      %mul3A_500 = arith.constant 5.000000e-01 : f32
      %mul3A_501 = vector.broadcast %mul3A_500 : f32 to vector<16xf32>
      %mul3A_502 = arith.mulf %mul3A_501, %max3A_482 : vector<16xf32>
      %mul3A_503 = arith.mulf %mul3A_502, %mul3A_499 : vector<16xf32>
      %mul3A_504 = arith.mulf %mul3A_503, %mul3A_499 : vector<16xf32>
      %sub3A_505 = arith.constant 1.500000e+00 : f32
      %sub3A_506 = vector.broadcast %sub3A_505 : f32 to vector<16xf32>
      %sub3A_507 = arith.subf %sub3A_506, %mul3A_504 : vector<16xf32>
      %mul3A_508 = arith.mulf %mul3A_499, %sub3A_507 : vector<16xf32>
      %mul3A_509 = arith.mulf %mul3A_450, %mul3A_479 : vector<16xf32>
      %mul3A_510 = arith.mulf %parallel_loop3A_396#2, %mul3A_509 : vector<16xf32>
      %mul3A_511 = arith.mulf %parallel_loop3A_396#0, %mul3A_421 : vector<16xf32>
      %mul3A_512 = arith.mulf %mul3A_511, %mul3A_450 : vector<16xf32>
      %mul3A_513 = arith.mulf %parallel_loop3A_396#1, %mul3A_421 : vector<16xf32>
      %mul3A_514 = arith.mulf %mul3A_513, %mul3A_479 : vector<16xf32>
      %sub3A_515 = arith.subf %mul3A_512, %mul3A_514 : vector<16xf32>
      %sub3A_516 = arith.subf %sub3A_515, %mul3A_510 : vector<16xf32>
      %mul3A_517 = arith.constant 2.000000e+00 : f32
      %mul3A_518 = vector.broadcast %mul3A_517 : f32 to vector<16xf32>
      %mul3A_519 = arith.mulf %mul3A_518, %sub3A_516 : vector<16xf32>
      %add3A_520 = arith.constant 3.000000e+00 : f32
      %add3A_521 = vector.broadcast %add3A_520 : f32 to vector<16xf32>
      %add3A_522 = arith.addf %add3A_521, %mul3A_519 : vector<16xf32>
      %mul3A_523 = arith.mulf %parallel_loop3A_396#3, %mul3A_508 : vector<16xf32>
      %mul3A_524 = arith.mulf %mul3A_523, %mul3A_450 : vector<16xf32>
      %mul3A_525 = arith.mulf %parallel_loop3A_396#4, %mul3A_508 : vector<16xf32>
      %mul3A_526 = arith.mulf %mul3A_525, %mul3A_479 : vector<16xf32>
      %sub3A_527 = arith.subf %mul3A_524, %mul3A_526 : vector<16xf32>
      %sub3A_528 = arith.subf %sub3A_527, %mul3A_510 : vector<16xf32>
      %mul3A_529 = arith.constant 2.000000e+00 : f32
      %mul3A_530 = vector.broadcast %mul3A_529 : f32 to vector<16xf32>
      %mul3A_531 = arith.mulf %mul3A_530, %sub3A_528 : vector<16xf32>
      %add3A_532 = arith.constant 3.000000e+00 : f32
      %add3A_533 = vector.broadcast %add3A_532 : f32 to vector<16xf32>
      %add3A_534 = arith.addf %add3A_533, %mul3A_531 : vector<16xf32>
      %max3A_535 = arith.constant 1.000000e-30 : f32
      %max3A_536 = vector.broadcast %max3A_535 : f32 to vector<16xf32>
      %max3A_537 = arith.maximumf %add3A_522, %max3A_536 : vector<16xf32>
      %max3A_538 = arith.constant 1.000000e-30 : f32
      %max3A_539 = vector.broadcast %max3A_538 : f32 to vector<16xf32>
      %max3A_540 = arith.maximumf %add3A_534, %max3A_539 : vector<16xf32>
      %bitcast_convert_type3A_541 = tpu.bitcast %max3A_537 : vector<16xf32> -> vector<16xi32>
      %shift_right_logical3A_542 = arith.constant 1 : i32
      %shift_right_logical3A_543 = vector.broadcast %shift_right_logical3A_542 : i32 to vector<16xi32>
      %shift_right_logical3A_544 = arith.shrui %bitcast_convert_type3A_541, %shift_right_logical3A_543 : vector<16xi32>
      %sub3A_545 = arith.constant 1597463007 : i32
      %sub3A_546 = vector.broadcast %sub3A_545 : i32 to vector<16xi32>
      %sub3A_547 = arith.subi %sub3A_546, %shift_right_logical3A_544 : vector<16xi32>
      %bitcast_convert_type3A_548 = tpu.bitcast %sub3A_547 : vector<16xi32> -> vector<16xf32>
      %mul3A_549 = arith.constant 5.000000e-01 : f32
      %mul3A_550 = vector.broadcast %mul3A_549 : f32 to vector<16xf32>
      %mul3A_551 = arith.mulf %mul3A_550, %max3A_537 : vector<16xf32>
      %mul3A_552 = arith.mulf %mul3A_551, %bitcast_convert_type3A_548 : vector<16xf32>
      %mul3A_553 = arith.mulf %mul3A_552, %bitcast_convert_type3A_548 : vector<16xf32>
      %sub3A_554 = arith.constant 1.500000e+00 : f32
      %sub3A_555 = vector.broadcast %sub3A_554 : f32 to vector<16xf32>
      %sub3A_556 = arith.subf %sub3A_555, %mul3A_553 : vector<16xf32>
      %mul3A_557 = arith.mulf %bitcast_convert_type3A_548, %sub3A_556 : vector<16xf32>
      %mul3A_558 = arith.constant 5.000000e-01 : f32
      %mul3A_559 = vector.broadcast %mul3A_558 : f32 to vector<16xf32>
      %mul3A_560 = arith.mulf %mul3A_559, %max3A_537 : vector<16xf32>
      %mul3A_561 = arith.mulf %mul3A_560, %mul3A_557 : vector<16xf32>
      %mul3A_562 = arith.mulf %mul3A_561, %mul3A_557 : vector<16xf32>
      %sub3A_563 = arith.constant 1.500000e+00 : f32
      %sub3A_564 = vector.broadcast %sub3A_563 : f32 to vector<16xf32>
      %sub3A_565 = arith.subf %sub3A_564, %mul3A_562 : vector<16xf32>
      %mul3A_566 = arith.mulf %mul3A_557, %sub3A_565 : vector<16xf32>
      %mul3A_567 = arith.mulf %max3A_537, %mul3A_566 : vector<16xf32>
      %bitcast_convert_type3A_568 = tpu.bitcast %max3A_540 : vector<16xf32> -> vector<16xi32>
      %shift_right_logical3A_569 = arith.constant 1 : i32
      %shift_right_logical3A_570 = vector.broadcast %shift_right_logical3A_569 : i32 to vector<16xi32>
      %shift_right_logical3A_571 = arith.shrui %bitcast_convert_type3A_568, %shift_right_logical3A_570 : vector<16xi32>
      %sub3A_572 = arith.constant 1597463007 : i32
      %sub3A_573 = vector.broadcast %sub3A_572 : i32 to vector<16xi32>
      %sub3A_574 = arith.subi %sub3A_573, %shift_right_logical3A_571 : vector<16xi32>
      %bitcast_convert_type3A_575 = tpu.bitcast %sub3A_574 : vector<16xi32> -> vector<16xf32>
      %mul3A_576 = arith.constant 5.000000e-01 : f32
      %mul3A_577 = vector.broadcast %mul3A_576 : f32 to vector<16xf32>
      %mul3A_578 = arith.mulf %mul3A_577, %max3A_540 : vector<16xf32>
      %mul3A_579 = arith.mulf %mul3A_578, %bitcast_convert_type3A_575 : vector<16xf32>
      %mul3A_580 = arith.mulf %mul3A_579, %bitcast_convert_type3A_575 : vector<16xf32>
      %sub3A_581 = arith.constant 1.500000e+00 : f32
      %sub3A_582 = vector.broadcast %sub3A_581 : f32 to vector<16xf32>
      %sub3A_583 = arith.subf %sub3A_582, %mul3A_580 : vector<16xf32>
      %mul3A_584 = arith.mulf %bitcast_convert_type3A_575, %sub3A_583 : vector<16xf32>
      %mul3A_585 = arith.constant 5.000000e-01 : f32
      %mul3A_586 = vector.broadcast %mul3A_585 : f32 to vector<16xf32>
      %mul3A_587 = arith.mulf %mul3A_586, %max3A_540 : vector<16xf32>
      %mul3A_588 = arith.mulf %mul3A_587, %mul3A_584 : vector<16xf32>
      %mul3A_589 = arith.mulf %mul3A_588, %mul3A_584 : vector<16xf32>
      %sub3A_590 = arith.constant 1.500000e+00 : f32
      %sub3A_591 = vector.broadcast %sub3A_590 : f32 to vector<16xf32>
      %sub3A_592 = arith.subf %sub3A_591, %mul3A_589 : vector<16xf32>
      %mul3A_593 = arith.mulf %mul3A_584, %sub3A_592 : vector<16xf32>
      %mul3A_594 = arith.mulf %max3A_540, %mul3A_593 : vector<16xf32>
      %add3A_595 = arith.constant 1.000000e+00 : f32
      %add3A_596 = vector.broadcast %add3A_595 : f32 to vector<16xf32>
      %add3A_597 = arith.addf %add3A_596, %mul3A_567 : vector<16xf32>
      %sub3A_598 = arith.subf %add3A_597, %mul3A_594 : vector<16xf32>
      %max3A_599 = arith.constant 0.000000e+00 : f32
      %max3A_600 = vector.broadcast %max3A_599 : f32 to vector<16xf32>
      %max3A_601 = arith.maximumf %sub3A_598, %max3A_600 : vector<16xf32>
      %add3A_602 = arith.addf %scan3A_389, %max3A_601 : vector<16xf32>
      scf.yield %add3A_602 : vector<16xf32>
    }
    %scan3A_360 = arith.constant 4 : i32
    %dma_wait3A_361 = arith.constant 448 : i32
    %dma_wait3A_362 = tpu.memref_slice %arg9[%dma_wait3A_361] : memref<512xi32, #tpu.memory_space<vmem>> -> memref<64xi32, #tpu.memory_space<vmem>>
    %dma_wait3A_363 = arith.constant 0 : i32
    %dma_wait3A_364 = arith.constant 0 : i32
    %dma_wait3A_365 = tpu.memref_slice %arg6[%dma_wait3A_363, %dma_wait3A_364] : memref<100000x128xf32, #tpu.memory_space<hbm>> -> memref<100000x128xf32, #tpu.memory_space<hbm>>
    tpu.wait_indirect_dma semaphore(%arg23 : memref<!tpu.dma_semaphore, #tpu.memory_space<semaphore_mem>>) src(%dma_wait3A_365 : memref<100000x128xf32, #tpu.memory_space<hbm>>) dst(%arg17 : memref<64x128xf32, #tpu.memory_space<vmem>>)
    %dma_wait3A_366 = arith.constant 448 : i32
    %dma_wait3A_367 = tpu.memref_slice %arg10[%dma_wait3A_366] : memref<512xi32, #tpu.memory_space<vmem>> -> memref<64xi32, #tpu.memory_space<vmem>>
    %dma_wait3A_368 = arith.constant 0 : i32
    %dma_wait3A_369 = arith.constant 0 : i32
    %dma_wait3A_370 = tpu.memref_slice %arg7[%dma_wait3A_368, %dma_wait3A_369] : memref<1000x128xf32, #tpu.memory_space<hbm>> -> memref<1000x128xf32, #tpu.memory_space<hbm>>
    tpu.wait_indirect_dma semaphore(%arg23 : memref<!tpu.dma_semaphore, #tpu.memory_space<semaphore_mem>>) src(%dma_wait3A_370 : memref<1000x128xf32, #tpu.memory_space<hbm>>) dst(%arg18 : memref<64x128xf32, #tpu.memory_space<vmem>>)
    %dma_wait3A_371 = arith.constant 448 : i32
    %dma_wait3A_372 = tpu.memref_slice %arg11[%dma_wait3A_371] : memref<512xi32, #tpu.memory_space<vmem>> -> memref<64xi32, #tpu.memory_space<vmem>>
    %dma_wait3A_373 = arith.constant 0 : i32
    %dma_wait3A_374 = arith.constant 0 : i32
    %dma_wait3A_375 = tpu.memref_slice %arg6[%dma_wait3A_373, %dma_wait3A_374] : memref<100000x128xf32, #tpu.memory_space<hbm>> -> memref<100000x128xf32, #tpu.memory_space<hbm>>
    tpu.wait_indirect_dma semaphore(%arg23 : memref<!tpu.dma_semaphore, #tpu.memory_space<semaphore_mem>>) src(%dma_wait3A_375 : memref<100000x128xf32, #tpu.memory_space<hbm>>) dst(%arg19 : memref<64x128xf32, #tpu.memory_space<vmem>>)
    %dma_wait3A_376 = arith.constant 448 : i32
    %dma_wait3A_377 = tpu.memref_slice %arg12[%dma_wait3A_376] : memref<512xi32, #tpu.memory_space<vmem>> -> memref<64xi32, #tpu.memory_space<vmem>>
    %dma_wait3A_378 = arith.constant 0 : i32
    %dma_wait3A_379 = arith.constant 0 : i32
    %dma_wait3A_380 = tpu.memref_slice %arg6[%dma_wait3A_378, %dma_wait3A_379] : memref<100000x128xf32, #tpu.memory_space<hbm>> -> memref<100000x128xf32, #tpu.memory_space<hbm>>
    tpu.wait_indirect_dma semaphore(%arg23 : memref<!tpu.dma_semaphore, #tpu.memory_space<semaphore_mem>>) src(%dma_wait3A_380 : memref<100000x128xf32, #tpu.memory_space<hbm>>) dst(%arg20 : memref<64x128xf32, #tpu.memory_space<vmem>>)
    %scan3A_381 = arith.constant 0 : i32
    %scan3A_382 = arith.constant 4 : i32
    %scan3A_383 = arith.addi %scan3A_381, %scan3A_382 : i32
    %scan3A_384 = arith.constant 1 : i32
    %scan3A_385 = scf.for %scan3A_388 = %scan3A_381 to %scan3A_383 step %scan3A_384 iter_args(%scan3A_389 = %scan3A_359) -> (vector<16xf32>)  : i32 {
      %mul3A_390 = arith.constant 16 : i32
      %mul3A_391 = arith.muli %scan3A_388, %mul3A_390 : i32
      %add3A_392 = vector.broadcast %mul3A_391 : i32 to vector<16xi32>
      %add3A_393 = arith.addi %add3A_392, %iota3A : vector<16xi32>
      %parallel_loop3A = arith.constant 0 : i32
      %parallel_loop3A_394 = arith.constant 128 : i32
      %parallel_loop3A_395 = arith.constant 1 : i32
      %parallel_loop3A_396:9 = scf.for %parallel_loop3A_603 = %parallel_loop3A to %parallel_loop3A_394 step %parallel_loop3A_395 iter_args(%parallel_loop3A_604 = %broadcast_in_dim3A_19, %parallel_loop3A_605 = %broadcast_in_dim3A_19, %parallel_loop3A_606 = %broadcast_in_dim3A_19, %parallel_loop3A_607 = %broadcast_in_dim3A_19, %parallel_loop3A_608 = %broadcast_in_dim3A_19, %parallel_loop3A_609 = %broadcast_in_dim3A_19, %parallel_loop3A_610 = %broadcast_in_dim3A_19, %parallel_loop3A_611 = %broadcast_in_dim3A_19, %parallel_loop3A_612 = %broadcast_in_dim3A_19) -> (vector<16xf32>, vector<16xf32>, vector<16xf32>, vector<16xf32>, vector<16xf32>, vector<16xf32>, vector<16xf32>, vector<16xf32>, vector<16xf32>)  : i32 {
        %parallel_loop3A_613 = vector.broadcast %parallel_loop3A_603 : i32 to vector<16xi32>
        %parallel_loop3A_614 = arith.addi %iota3A, %parallel_loop3A_613 : vector<16xi32>
        %parallel_loop3A_615 = arith.constant 127 : i32
        %parallel_loop3A_616 = vector.broadcast %parallel_loop3A_615 : i32 to vector<16xi32>
        %parallel_loop3A_617 = arith.andi %parallel_loop3A_614, %parallel_loop3A_616 : vector<16xi32>
        %parallel_loop3A_618 = tpu.vector_load_idx %arg17[%add3A_393, %parallel_loop3A_617] : memref<64x128xf32, #tpu.memory_space<vmem>>[vector<16xi32>, vector<16xi32>], vector<16xf32>,
        %parallel_loop3A_619 = tpu.vector_load_idx %arg18[%add3A_393, %parallel_loop3A_617] : memref<64x128xf32, #tpu.memory_space<vmem>>[vector<16xi32>, vector<16xi32>], vector<16xf32>,
        %parallel_loop3A_620 = tpu.vector_load_idx %arg19[%add3A_393, %parallel_loop3A_617] : memref<64x128xf32, #tpu.memory_space<vmem>>[vector<16xi32>, vector<16xi32>], vector<16xf32>,
        %parallel_loop3A_621 = tpu.vector_load_idx %arg20[%add3A_393, %parallel_loop3A_617] : memref<64x128xf32, #tpu.memory_space<vmem>>[vector<16xi32>, vector<16xi32>], vector<16xf32>,
        %parallel_loop3A_622 = arith.mulf %parallel_loop3A_618, %parallel_loop3A_619 : vector<16xf32>
        %parallel_loop3A_623 = arith.addf %parallel_loop3A_604, %parallel_loop3A_622 : vector<16xf32>
        %parallel_loop3A_624 = arith.mulf %parallel_loop3A_618, %parallel_loop3A_620 : vector<16xf32>
        %parallel_loop3A_625 = arith.addf %parallel_loop3A_605, %parallel_loop3A_624 : vector<16xf32>
        %parallel_loop3A_626 = arith.mulf %parallel_loop3A_619, %parallel_loop3A_620 : vector<16xf32>
        %parallel_loop3A_627 = arith.addf %parallel_loop3A_606, %parallel_loop3A_626 : vector<16xf32>
        %parallel_loop3A_628 = arith.mulf %parallel_loop3A_621, %parallel_loop3A_619 : vector<16xf32>
        %parallel_loop3A_629 = arith.addf %parallel_loop3A_607, %parallel_loop3A_628 : vector<16xf32>
        %parallel_loop3A_630 = arith.mulf %parallel_loop3A_621, %parallel_loop3A_620 : vector<16xf32>
        %parallel_loop3A_631 = arith.addf %parallel_loop3A_608, %parallel_loop3A_630 : vector<16xf32>
        %parallel_loop3A_632 = arith.mulf %parallel_loop3A_618, %parallel_loop3A_618 : vector<16xf32>
        %parallel_loop3A_633 = arith.addf %parallel_loop3A_609, %parallel_loop3A_632 : vector<16xf32>
        %parallel_loop3A_634 = arith.mulf %parallel_loop3A_619, %parallel_loop3A_619 : vector<16xf32>
        %parallel_loop3A_635 = arith.addf %parallel_loop3A_610, %parallel_loop3A_634 : vector<16xf32>
        %parallel_loop3A_636 = arith.mulf %parallel_loop3A_620, %parallel_loop3A_620 : vector<16xf32>
        %parallel_loop3A_637 = arith.addf %parallel_loop3A_611, %parallel_loop3A_636 : vector<16xf32>
        %parallel_loop3A_638 = arith.mulf %parallel_loop3A_621, %parallel_loop3A_621 : vector<16xf32>
        %parallel_loop3A_639 = arith.addf %parallel_loop3A_612, %parallel_loop3A_638 : vector<16xf32>
        scf.yield %parallel_loop3A_623, %parallel_loop3A_625, %parallel_loop3A_627, %parallel_loop3A_629, %parallel_loop3A_631, %parallel_loop3A_633, %parallel_loop3A_635, %parallel_loop3A_637, %parallel_loop3A_639 : vector<16xf32>, vector<16xf32>, vector<16xf32>, vector<16xf32>, vector<16xf32>, vector<16xf32>, vector<16xf32>, vector<16xf32>, vector<16xf32>
      } {sc.loop_unroll_factor = 2 : i64, sc.parallel_access}
      %max3A = arith.constant 1.000000e-24 : f32
      %max3A_397 = vector.broadcast %max3A : f32 to vector<16xf32>
      %max3A_398 = arith.maximumf %parallel_loop3A_396#5, %max3A_397 : vector<16xf32>
      %bitcast_convert_type3A = tpu.bitcast %max3A_398 : vector<16xf32> -> vector<16xi32>
      %shift_right_logical3A = arith.constant 1 : i32
      %shift_right_logical3A_399 = vector.broadcast %shift_right_logical3A : i32 to vector<16xi32>
      %shift_right_logical3A_400 = arith.shrui %bitcast_convert_type3A, %shift_right_logical3A_399 : vector<16xi32>
      %sub3A = arith.constant 1597463007 : i32
      %sub3A_401 = vector.broadcast %sub3A : i32 to vector<16xi32>
      %sub3A_402 = arith.subi %sub3A_401, %shift_right_logical3A_400 : vector<16xi32>
      %bitcast_convert_type3A_403 = tpu.bitcast %sub3A_402 : vector<16xi32> -> vector<16xf32>
      %mul3A_404 = arith.constant 5.000000e-01 : f32
      %mul3A_405 = vector.broadcast %mul3A_404 : f32 to vector<16xf32>
      %mul3A_406 = arith.mulf %mul3A_405, %max3A_398 : vector<16xf32>
      %mul3A_407 = arith.mulf %mul3A_406, %bitcast_convert_type3A_403 : vector<16xf32>
      %mul3A_408 = arith.mulf %mul3A_407, %bitcast_convert_type3A_403 : vector<16xf32>
      %sub3A_409 = arith.constant 1.500000e+00 : f32
      %sub3A_410 = vector.broadcast %sub3A_409 : f32 to vector<16xf32>
      %sub3A_411 = arith.subf %sub3A_410, %mul3A_408 : vector<16xf32>
      %mul3A_412 = arith.mulf %bitcast_convert_type3A_403, %sub3A_411 : vector<16xf32>
      %mul3A_413 = arith.constant 5.000000e-01 : f32
      %mul3A_414 = vector.broadcast %mul3A_413 : f32 to vector<16xf32>
      %mul3A_415 = arith.mulf %mul3A_414, %max3A_398 : vector<16xf32>
      %mul3A_416 = arith.mulf %mul3A_415, %mul3A_412 : vector<16xf32>
      %mul3A_417 = arith.mulf %mul3A_416, %mul3A_412 : vector<16xf32>
      %sub3A_418 = arith.constant 1.500000e+00 : f32
      %sub3A_419 = vector.broadcast %sub3A_418 : f32 to vector<16xf32>
      %sub3A_420 = arith.subf %sub3A_419, %mul3A_417 : vector<16xf32>
      %mul3A_421 = arith.mulf %mul3A_412, %sub3A_420 : vector<16xf32>
      %max3A_422 = arith.constant 1.000000e-24 : f32
      %max3A_423 = vector.broadcast %max3A_422 : f32 to vector<16xf32>
      %max3A_424 = arith.maximumf %parallel_loop3A_396#6, %max3A_423 : vector<16xf32>
      %bitcast_convert_type3A_425 = tpu.bitcast %max3A_424 : vector<16xf32> -> vector<16xi32>
      %shift_right_logical3A_426 = arith.constant 1 : i32
      %shift_right_logical3A_427 = vector.broadcast %shift_right_logical3A_426 : i32 to vector<16xi32>
      %shift_right_logical3A_428 = arith.shrui %bitcast_convert_type3A_425, %shift_right_logical3A_427 : vector<16xi32>
      %sub3A_429 = arith.constant 1597463007 : i32
      %sub3A_430 = vector.broadcast %sub3A_429 : i32 to vector<16xi32>
      %sub3A_431 = arith.subi %sub3A_430, %shift_right_logical3A_428 : vector<16xi32>
      %bitcast_convert_type3A_432 = tpu.bitcast %sub3A_431 : vector<16xi32> -> vector<16xf32>
      %mul3A_433 = arith.constant 5.000000e-01 : f32
      %mul3A_434 = vector.broadcast %mul3A_433 : f32 to vector<16xf32>
      %mul3A_435 = arith.mulf %mul3A_434, %max3A_424 : vector<16xf32>
      %mul3A_436 = arith.mulf %mul3A_435, %bitcast_convert_type3A_432 : vector<16xf32>
      %mul3A_437 = arith.mulf %mul3A_436, %bitcast_convert_type3A_432 : vector<16xf32>
      %sub3A_438 = arith.constant 1.500000e+00 : f32
      %sub3A_439 = vector.broadcast %sub3A_438 : f32 to vector<16xf32>
      %sub3A_440 = arith.subf %sub3A_439, %mul3A_437 : vector<16xf32>
      %mul3A_441 = arith.mulf %bitcast_convert_type3A_432, %sub3A_440 : vector<16xf32>
      %mul3A_442 = arith.constant 5.000000e-01 : f32
      %mul3A_443 = vector.broadcast %mul3A_442 : f32 to vector<16xf32>
      %mul3A_444 = arith.mulf %mul3A_443, %max3A_424 : vector<16xf32>
      %mul3A_445 = arith.mulf %mul3A_444, %mul3A_441 : vector<16xf32>
      %mul3A_446 = arith.mulf %mul3A_445, %mul3A_441 : vector<16xf32>
      %sub3A_447 = arith.constant 1.500000e+00 : f32
      %sub3A_448 = vector.broadcast %sub3A_447 : f32 to vector<16xf32>
      %sub3A_449 = arith.subf %sub3A_448, %mul3A_446 : vector<16xf32>
      %mul3A_450 = arith.mulf %mul3A_441, %sub3A_449 : vector<16xf32>
      %max3A_451 = arith.constant 1.000000e-24 : f32
      %max3A_452 = vector.broadcast %max3A_451 : f32 to vector<16xf32>
      %max3A_453 = arith.maximumf %parallel_loop3A_396#7, %max3A_452 : vector<16xf32>
      %bitcast_convert_type3A_454 = tpu.bitcast %max3A_453 : vector<16xf32> -> vector<16xi32>
      %shift_right_logical3A_455 = arith.constant 1 : i32
      %shift_right_logical3A_456 = vector.broadcast %shift_right_logical3A_455 : i32 to vector<16xi32>
      %shift_right_logical3A_457 = arith.shrui %bitcast_convert_type3A_454, %shift_right_logical3A_456 : vector<16xi32>
      %sub3A_458 = arith.constant 1597463007 : i32
      %sub3A_459 = vector.broadcast %sub3A_458 : i32 to vector<16xi32>
      %sub3A_460 = arith.subi %sub3A_459, %shift_right_logical3A_457 : vector<16xi32>
      %bitcast_convert_type3A_461 = tpu.bitcast %sub3A_460 : vector<16xi32> -> vector<16xf32>
      %mul3A_462 = arith.constant 5.000000e-01 : f32
      %mul3A_463 = vector.broadcast %mul3A_462 : f32 to vector<16xf32>
      %mul3A_464 = arith.mulf %mul3A_463, %max3A_453 : vector<16xf32>
      %mul3A_465 = arith.mulf %mul3A_464, %bitcast_convert_type3A_461 : vector<16xf32>
      %mul3A_466 = arith.mulf %mul3A_465, %bitcast_convert_type3A_461 : vector<16xf32>
      %sub3A_467 = arith.constant 1.500000e+00 : f32
      %sub3A_468 = vector.broadcast %sub3A_467 : f32 to vector<16xf32>
      %sub3A_469 = arith.subf %sub3A_468, %mul3A_466 : vector<16xf32>
      %mul3A_470 = arith.mulf %bitcast_convert_type3A_461, %sub3A_469 : vector<16xf32>
      %mul3A_471 = arith.constant 5.000000e-01 : f32
      %mul3A_472 = vector.broadcast %mul3A_471 : f32 to vector<16xf32>
      %mul3A_473 = arith.mulf %mul3A_472, %max3A_453 : vector<16xf32>
      %mul3A_474 = arith.mulf %mul3A_473, %mul3A_470 : vector<16xf32>
      %mul3A_475 = arith.mulf %mul3A_474, %mul3A_470 : vector<16xf32>
      %sub3A_476 = arith.constant 1.500000e+00 : f32
      %sub3A_477 = vector.broadcast %sub3A_476 : f32 to vector<16xf32>
      %sub3A_478 = arith.subf %sub3A_477, %mul3A_475 : vector<16xf32>
      %mul3A_479 = arith.mulf %mul3A_470, %sub3A_478 : vector<16xf32>
      %max3A_480 = arith.constant 1.000000e-24 : f32
      %max3A_481 = vector.broadcast %max3A_480 : f32 to vector<16xf32>
      %max3A_482 = arith.maximumf %parallel_loop3A_396#8, %max3A_481 : vector<16xf32>
      %bitcast_convert_type3A_483 = tpu.bitcast %max3A_482 : vector<16xf32> -> vector<16xi32>
      %shift_right_logical3A_484 = arith.constant 1 : i32
      %shift_right_logical3A_485 = vector.broadcast %shift_right_logical3A_484 : i32 to vector<16xi32>
      %shift_right_logical3A_486 = arith.shrui %bitcast_convert_type3A_483, %shift_right_logical3A_485 : vector<16xi32>
      %sub3A_487 = arith.constant 1597463007 : i32
      %sub3A_488 = vector.broadcast %sub3A_487 : i32 to vector<16xi32>
      %sub3A_489 = arith.subi %sub3A_488, %shift_right_logical3A_486 : vector<16xi32>
      %bitcast_convert_type3A_490 = tpu.bitcast %sub3A_489 : vector<16xi32> -> vector<16xf32>
      %mul3A_491 = arith.constant 5.000000e-01 : f32
      %mul3A_492 = vector.broadcast %mul3A_491 : f32 to vector<16xf32>
      %mul3A_493 = arith.mulf %mul3A_492, %max3A_482 : vector<16xf32>
      %mul3A_494 = arith.mulf %mul3A_493, %bitcast_convert_type3A_490 : vector<16xf32>
      %mul3A_495 = arith.mulf %mul3A_494, %bitcast_convert_type3A_490 : vector<16xf32>
      %sub3A_496 = arith.constant 1.500000e+00 : f32
      %sub3A_497 = vector.broadcast %sub3A_496 : f32 to vector<16xf32>
      %sub3A_498 = arith.subf %sub3A_497, %mul3A_495 : vector<16xf32>
      %mul3A_499 = arith.mulf %bitcast_convert_type3A_490, %sub3A_498 : vector<16xf32>
      %mul3A_500 = arith.constant 5.000000e-01 : f32
      %mul3A_501 = vector.broadcast %mul3A_500 : f32 to vector<16xf32>
      %mul3A_502 = arith.mulf %mul3A_501, %max3A_482 : vector<16xf32>
      %mul3A_503 = arith.mulf %mul3A_502, %mul3A_499 : vector<16xf32>
      %mul3A_504 = arith.mulf %mul3A_503, %mul3A_499 : vector<16xf32>
      %sub3A_505 = arith.constant 1.500000e+00 : f32
      %sub3A_506 = vector.broadcast %sub3A_505 : f32 to vector<16xf32>
      %sub3A_507 = arith.subf %sub3A_506, %mul3A_504 : vector<16xf32>
      %mul3A_508 = arith.mulf %mul3A_499, %sub3A_507 : vector<16xf32>
      %mul3A_509 = arith.mulf %mul3A_450, %mul3A_479 : vector<16xf32>
      %mul3A_510 = arith.mulf %parallel_loop3A_396#2, %mul3A_509 : vector<16xf32>
      %mul3A_511 = arith.mulf %parallel_loop3A_396#0, %mul3A_421 : vector<16xf32>
      %mul3A_512 = arith.mulf %mul3A_511, %mul3A_450 : vector<16xf32>
      %mul3A_513 = arith.mulf %parallel_loop3A_396#1, %mul3A_421 : vector<16xf32>
      %mul3A_514 = arith.mulf %mul3A_513, %mul3A_479 : vector<16xf32>
      %sub3A_515 = arith.subf %mul3A_512, %mul3A_514 : vector<16xf32>
      %sub3A_516 = arith.subf %sub3A_515, %mul3A_510 : vector<16xf32>
      %mul3A_517 = arith.constant 2.000000e+00 : f32
      %mul3A_518 = vector.broadcast %mul3A_517 : f32 to vector<16xf32>
      %mul3A_519 = arith.mulf %mul3A_518, %sub3A_516 : vector<16xf32>
      %add3A_520 = arith.constant 3.000000e+00 : f32
      %add3A_521 = vector.broadcast %add3A_520 : f32 to vector<16xf32>
      %add3A_522 = arith.addf %add3A_521, %mul3A_519 : vector<16xf32>
      %mul3A_523 = arith.mulf %parallel_loop3A_396#3, %mul3A_508 : vector<16xf32>
      %mul3A_524 = arith.mulf %mul3A_523, %mul3A_450 : vector<16xf32>
      %mul3A_525 = arith.mulf %parallel_loop3A_396#4, %mul3A_508 : vector<16xf32>
      %mul3A_526 = arith.mulf %mul3A_525, %mul3A_479 : vector<16xf32>
      %sub3A_527 = arith.subf %mul3A_524, %mul3A_526 : vector<16xf32>
      %sub3A_528 = arith.subf %sub3A_527, %mul3A_510 : vector<16xf32>
      %mul3A_529 = arith.constant 2.000000e+00 : f32
      %mul3A_530 = vector.broadcast %mul3A_529 : f32 to vector<16xf32>
      %mul3A_531 = arith.mulf %mul3A_530, %sub3A_528 : vector<16xf32>
      %add3A_532 = arith.constant 3.000000e+00 : f32
      %add3A_533 = vector.broadcast %add3A_532 : f32 to vector<16xf32>
      %add3A_534 = arith.addf %add3A_533, %mul3A_531 : vector<16xf32>
      %max3A_535 = arith.constant 1.000000e-30 : f32
      %max3A_536 = vector.broadcast %max3A_535 : f32 to vector<16xf32>
      %max3A_537 = arith.maximumf %add3A_522, %max3A_536 : vector<16xf32>
      %max3A_538 = arith.constant 1.000000e-30 : f32
      %max3A_539 = vector.broadcast %max3A_538 : f32 to vector<16xf32>
      %max3A_540 = arith.maximumf %add3A_534, %max3A_539 : vector<16xf32>
      %bitcast_convert_type3A_541 = tpu.bitcast %max3A_537 : vector<16xf32> -> vector<16xi32>
      %shift_right_logical3A_542 = arith.constant 1 : i32
      %shift_right_logical3A_543 = vector.broadcast %shift_right_logical3A_542 : i32 to vector<16xi32>
      %shift_right_logical3A_544 = arith.shrui %bitcast_convert_type3A_541, %shift_right_logical3A_543 : vector<16xi32>
      %sub3A_545 = arith.constant 1597463007 : i32
      %sub3A_546 = vector.broadcast %sub3A_545 : i32 to vector<16xi32>
      %sub3A_547 = arith.subi %sub3A_546, %shift_right_logical3A_544 : vector<16xi32>
      %bitcast_convert_type3A_548 = tpu.bitcast %sub3A_547 : vector<16xi32> -> vector<16xf32>
      %mul3A_549 = arith.constant 5.000000e-01 : f32
      %mul3A_550 = vector.broadcast %mul3A_549 : f32 to vector<16xf32>
      %mul3A_551 = arith.mulf %mul3A_550, %max3A_537 : vector<16xf32>
      %mul3A_552 = arith.mulf %mul3A_551, %bitcast_convert_type3A_548 : vector<16xf32>
      %mul3A_553 = arith.mulf %mul3A_552, %bitcast_convert_type3A_548 : vector<16xf32>
      %sub3A_554 = arith.constant 1.500000e+00 : f32
      %sub3A_555 = vector.broadcast %sub3A_554 : f32 to vector<16xf32>
      %sub3A_556 = arith.subf %sub3A_555, %mul3A_553 : vector<16xf32>
      %mul3A_557 = arith.mulf %bitcast_convert_type3A_548, %sub3A_556 : vector<16xf32>
      %mul3A_558 = arith.constant 5.000000e-01 : f32
      %mul3A_559 = vector.broadcast %mul3A_558 : f32 to vector<16xf32>
      %mul3A_560 = arith.mulf %mul3A_559, %max3A_537 : vector<16xf32>
      %mul3A_561 = arith.mulf %mul3A_560, %mul3A_557 : vector<16xf32>
      %mul3A_562 = arith.mulf %mul3A_561, %mul3A_557 : vector<16xf32>
      %sub3A_563 = arith.constant 1.500000e+00 : f32
      %sub3A_564 = vector.broadcast %sub3A_563 : f32 to vector<16xf32>
      %sub3A_565 = arith.subf %sub3A_564, %mul3A_562 : vector<16xf32>
      %mul3A_566 = arith.mulf %mul3A_557, %sub3A_565 : vector<16xf32>
      %mul3A_567 = arith.mulf %max3A_537, %mul3A_566 : vector<16xf32>
      %bitcast_convert_type3A_568 = tpu.bitcast %max3A_540 : vector<16xf32> -> vector<16xi32>
      %shift_right_logical3A_569 = arith.constant 1 : i32
      %shift_right_logical3A_570 = vector.broadcast %shift_right_logical3A_569 : i32 to vector<16xi32>
      %shift_right_logical3A_571 = arith.shrui %bitcast_convert_type3A_568, %shift_right_logical3A_570 : vector<16xi32>
      %sub3A_572 = arith.constant 1597463007 : i32
      %sub3A_573 = vector.broadcast %sub3A_572 : i32 to vector<16xi32>
      %sub3A_574 = arith.subi %sub3A_573, %shift_right_logical3A_571 : vector<16xi32>
      %bitcast_convert_type3A_575 = tpu.bitcast %sub3A_574 : vector<16xi32> -> vector<16xf32>
      %mul3A_576 = arith.constant 5.000000e-01 : f32
      %mul3A_577 = vector.broadcast %mul3A_576 : f32 to vector<16xf32>
      %mul3A_578 = arith.mulf %mul3A_577, %max3A_540 : vector<16xf32>
      %mul3A_579 = arith.mulf %mul3A_578, %bitcast_convert_type3A_575 : vector<16xf32>
      %mul3A_580 = arith.mulf %mul3A_579, %bitcast_convert_type3A_575 : vector<16xf32>
      %sub3A_581 = arith.constant 1.500000e+00 : f32
      %sub3A_582 = vector.broadcast %sub3A_581 : f32 to vector<16xf32>
      %sub3A_583 = arith.subf %sub3A_582, %mul3A_580 : vector<16xf32>
      %mul3A_584 = arith.mulf %bitcast_convert_type3A_575, %sub3A_583 : vector<16xf32>
      %mul3A_585 = arith.constant 5.000000e-01 : f32
      %mul3A_586 = vector.broadcast %mul3A_585 : f32 to vector<16xf32>
      %mul3A_587 = arith.mulf %mul3A_586, %max3A_540 : vector<16xf32>
      %mul3A_588 = arith.mulf %mul3A_587, %mul3A_584 : vector<16xf32>
      %mul3A_589 = arith.mulf %mul3A_588, %mul3A_584 : vector<16xf32>
      %sub3A_590 = arith.constant 1.500000e+00 : f32
      %sub3A_591 = vector.broadcast %sub3A_590 : f32 to vector<16xf32>
      %sub3A_592 = arith.subf %sub3A_591, %mul3A_589 : vector<16xf32>
      %mul3A_593 = arith.mulf %mul3A_584, %sub3A_592 : vector<16xf32>
      %mul3A_594 = arith.mulf %max3A_540, %mul3A_593 : vector<16xf32>
      %add3A_595 = arith.constant 1.000000e+00 : f32
      %add3A_596 = vector.broadcast %add3A_595 : f32 to vector<16xf32>
      %add3A_597 = arith.addf %add3A_596, %mul3A_567 : vector<16xf32>
      %sub3A_598 = arith.subf %add3A_597, %mul3A_594 : vector<16xf32>
      %max3A_599 = arith.constant 0.000000e+00 : f32
      %max3A_600 = vector.broadcast %max3A_599 : f32 to vector<16xf32>
      %max3A_601 = arith.maximumf %sub3A_598, %max3A_600 : vector<16xf32>
      %add3A_602 = arith.addf %scan3A_389, %max3A_601 : vector<16xf32>
      scf.yield %add3A_602 : vector<16xf32>
    }
    %scan3A_386 = arith.constant 4 : i32
    %swap3A = arith.constant 0 : index
    %swap3A_387 = tpu.vector_load %arg21[%swap3A] {strides = array<i32>} : memref<16xf32, #tpu.memory_space<vmem>>, vector<16xf32>,
    tpu.vector_store %arg21[%swap3A], %scan3A_385 {strides = array<i32>} : memref<16xf32, #tpu.memory_space<vmem>>, vector<16xf32>,
    "tpu.region"() ({
      %run_scoped3A = tpu.sem_alloc : memref<!tpu.dma_semaphore, #tpu.memory_space<semaphore_mem>>
      %dma_start3A_388 = arith.constant 0 : i32
      %dma_start3A_389 = tpu.memref_slice %arg8[%add3A, %dma_start3A_388] : memref<32x16xf32, #tpu.memory_space<hbm>> -> memref<1x16xf32, #tpu.memory_space<hbm>>
      %dma_start3A_390 = tpu.memref_squeeze %dma_start3A_389 : memref<1x16xf32, #tpu.memory_space<hbm>> -> memref<16xf32, #tpu.memory_space<hbm>>
      %dma_start3A_391 = arith.constant 0 : i32
      %dma_start3A_392 = tpu.memref_slice %arg8[%add3A, %dma_start3A_391] : memref<32x16xf32, #tpu.memory_space<hbm>> -> memref<1x16xf32, #tpu.memory_space<hbm>>
      %dma_start3A_393 = tpu.memref_squeeze %dma_start3A_392 : memref<1x16xf32, #tpu.memory_space<hbm>> -> memref<16xf32, #tpu.memory_space<hbm>>
      tpu.enqueue_dma source(%arg21 : memref<16xf32, #tpu.memory_space<vmem>>) target(%dma_start3A_393 : memref<16xf32, #tpu.memory_space<hbm>>) target_semaphore(%run_scoped3A : memref<!tpu.dma_semaphore, #tpu.memory_space<semaphore_mem>>)
      %dma_wait3A_394 = arith.constant 0 : i32
      %dma_wait3A_395 = tpu.memref_slice %arg8[%add3A, %dma_wait3A_394] : memref<32x16xf32, #tpu.memory_space<hbm>> -> memref<1x16xf32, #tpu.memory_space<hbm>>
      %dma_wait3A_396 = tpu.memref_squeeze %dma_wait3A_395 : memref<1x16xf32, #tpu.memory_space<hbm>> -> memref<16xf32, #tpu.memory_space<hbm>>
      %dma_wait3A_397 = arith.constant 0 : i32
      %dma_wait3A_398 = tpu.memref_slice %arg8[%add3A, %dma_wait3A_397] : memref<32x16xf32, #tpu.memory_space<hbm>> -> memref<1x16xf32, #tpu.memory_space<hbm>>
      %dma_wait3A_399 = tpu.memref_squeeze %dma_wait3A_398 : memref<1x16xf32, #tpu.memory_space<hbm>> -> memref<16xf32, #tpu.memory_space<hbm>>
      tpu.wait_dma2 semaphore(%run_scoped3A : memref<!tpu.dma_semaphore, #tpu.memory_space<semaphore_mem>>) src(%arg21 : memref<16xf32, #tpu.memory_space<vmem>>) dst(%dma_wait3A_399 : memref<16xf32, #tpu.memory_space<hbm>>)
      tpu.yield
    }) : () -> ()
    return
  }
}

</mosaic_0001>

<sc_bundles>
// kernel: _transe_loss_partials.3.cloned.1.call-start
scs
__scs_entry_jumppad:
0x0: {  	(pc) =	sbr.rel $0x88, $3  }
0x1: {  	(tag) =	ssettag $0x0;
	lr =	simm.s32 $0x1  }
0x2: {  	[smem:$0x3F9B] =	sst lr;
	_ =	strace $0xD0000000  }
0x3: {  	_ = 	snop  }
0x4: {  	_ = 	snop  }
0x5: {  	_ = 	snop  }
0x6: {  	_ = 	snop  }
0x7: {  	_ = 	snop  }
__scs_overlays_trampoline_lowered:
0x8: {  	[smem:$0x3FAA] =	sst s0  }
0x9: {  	[smem:$0x3FAB] =	sst s1  }
0xa: {  	[smem:$0x3FAC] =	sst s2  }
0xb: {  	[smem:$0x3FAD] =	sst s3  }
0xc: {  	[smem:$0x3FAE] =	sst s4  }
0xd: {  	[smem:$0x3FAF] =	sst s5  }
0xe: {  	[smem:$0x3FB0] =	sst s6  }
0xf: {  	[smem:$0x3FB1] =	sst s7  }
0x10: {  	[smem:$0x3FB2] =	sst s8  }
0x11: {  	[smem:$0x3FB3] =	sst s9;
	s0 =	simm.s32 @!p0 $0x0  }
0x12: {  	s1 =	sld [smem:$0x3F99];
	s0 =	simm.s32 @p0 $0x1  }
0x13: {  	[smem:$0x3FB4] =	sst s0;
	s0 =	simm.s32 @!p1 $0x0  }
0x14: {  	s2 =	sld [smem:$0x3F98];
	s0 =	simm.s32 @p1 $0x1  }
0x15: {  	[smem:$0x3FB5] =	sst s0;
	s0 =	simm.s32 @!p2 $0x0  }
0x16: {  	s3 =	sld [smem:$0x3FDB];
	s0 =	simm.s32 @p2 $0x1  }
0x17: {  	s4 =	simm.s32 $0x1BF5;
	[smem:$0x3FB7] =	sst s0  }
0x18: {  	s0 =	sld [smem:$0x3F9A];
	_ =	swait.ge [sflag:s4], $0x0  }
0x19: {  	s7 =	sld [smem:$0x3F9B]  }
0x1a: {  	s8 =	sadd.s32 $0xFFFFE003, lr  }
0x1b: {  	s9 =	sadd.s32 $0xFFFFFEF7, lr;
	s5 =	simm.s32 $0xFFFFFFFF;
	p2 =	slt.u32 s8, $0xFFFFF086  }
0x1c: {  	p1 =	slt.u32 s9, $0xF7A;
	s5 =	simm.s32 @!p2 $0x0  }
0x1d: {  	s5 =	simm.s32 @p1 $0x1;
	p0 =	seq.s32 s7, s2  }
0x1e: {  	s7 =	smul.u32 @!p0 $0xF7A, s2;
	p2 =	seq.s32 @!p0 s5, $0x0  }
0x1f: {  	s9 =	smul.u32 $0xF7A, s1;
	s8 =	simm.s32 @!p0 $0x1BF5;
	p2 =	por !p2, p0  }
0x20: {  	[sflag:s8] =	ssyncset.s32 @!p0 $0xFFFFF086;
	s6 =	sadd.s32 @!p0 s3, s7;
	s7 =	simm.s32 @!p0 $0x108  }
0x21: {  	s3 =	sadd.s32 s3, s9;
	s6 =	sadd.s32 @!p0 $0x88, s6;
	s7 =	simm.s32 @p2 $0x1082  }
0x22: {  	[simem:s7], [sflag:s8] =	dma.local @!p0 [hbm:s6], $0xF7A  }
0x23: {  	s9 =	sor.u32 $0xD0000000, s2;
	s6 =	simm.s32 $0x108;
	_ =	swait.ge @!p0 [sflag:s8], $0x0  }
0x24: {  	s3 =	sadd.s32 $0x88, s3;
	s6 =	simm.s32 @!p1 $0x1082;
	[sflag:s4] =	ssyncset.s32 $0xFFFFF086  }
0x25: {  	[simem:s6], [sflag:s4] =	dma.local [hbm:s3], $0xF7A  }
0x26: {  	[smem:$0x3F9B] =	sst s1;
	(tag) =	ssettag s2;
	_ =	strace s9  }
0x27: {  	s1 =	sld [smem:$0x3FAB]  }
0x28: {  	s2 =	sld [smem:$0x3FAC]  }
0x29: {  	s4 =	sld [smem:$0x3FAE]  }
0x2a: {  	p0 =	seq.s32 s5, $0x0;
	s5 =	sld [smem:$0x3FAF]  }
0x2b: {  	s6 =	sld [smem:$0x3FB0]  }
0x2c: {  	s7 =	sld [smem:$0x3FB1]  }
0x2d: {  	s3 =	simm.s32 $0x108;
	s8 =	sld [smem:$0x3FB2]  }
0x2e: {  	s3 =	simm.s32 @!p0 $0x1082;
	s9 =	sld [smem:$0x3FB3]  }
0x2f: {  	lr =	sadd.s32 s0, s3;
	s0 =	sld [smem:$0x3FAA]  }
0x30: {  	s3 =	sld [smem:$0x3FAD]  }
0x31: {  	[smem:$0x3FB6] =	sst s10  }
0x32: {  	s10 =	sld [smem:$0x3FB4];
	_ =	sdelay $0x3  }
0x33: {  	p0 =	seq.s32 s10, $0x1;
	s10 =	sld [smem:$0x3FB6];
	_ =	sdelay $0x3  }
0x34: {  	[smem:$0x3FB6] =	sst s10  }
0x35: {  	s10 =	sld [smem:$0x3FB5];
	_ =	sdelay $0x3  }
0x36: {  	p1 =	seq.s32 s10, $0x1;
	s10 =	sld [smem:$0x3FB6];
	_ =	sdelay $0x3  }
0x37: {  	[smem:$0x3FB6] =	sst s10  }
0x38: {  	s10 =	sld [smem:$0x3FB7]  }
0x39: {  	_ = 	snop;
	(pc) =	sbr.ind lr, $3  }
0x3a: {  	_ = 	snop  }
0x3b: {  	_ = 	snop  }
0x3c: {  	p2 =	seq.s32 s10, $0x1;
	s10 =	sld [smem:$0x3FB6]  }
0x3d: {  	_ =	shalt  }
0x3e: {  	_ =	shalt  }
0x3f: {  	_ =	shalt  }
0x40: {  	_ =	shalt  }
0x41: {  	_ =	shalt  }
0x42: {  	_ =	shalt  }
0x43: {  	_ =	shalt  }
0x44: {  	_ =	shalt  }
0x45: {  	_ =	shalt  }
0x46: {  	_ =	shalt  }
0x47: {  	_ =	shalt  }
0x48: {  	_ =	shalt  }
0x49: {  	_ =	shalt  }
0x4a: {  	_ =	shalt  }
0x4b: {  	_ =	shalt  }
0x4c: {  	_ =	shalt  }
0x4d: {  	_ =	shalt  }
0x4e: {  	_ =	shalt  }
0x4f: {  	_ =	shalt  }
0x50: {  	_ =	shalt  }
0x51: {  	_ =	shalt  }
0x52: {  	_ =	shalt  }
0x53: {  	_ =	shalt  }
0x54: {  	_ =	shalt  }
0x55: {  	_ =	shalt  }
0x56: {  	_ =	shalt  }
0x57: {  	_ =	shalt  }
0x58: {  	_ =	shalt  }
0x59: {  	_ =	shalt  }
0x5a: {  	_ =	shalt  }
0x5b: {  	_ =	shalt  }
0x5c: {  	_ =	shalt  }
0x5d: {  	_ =	shalt  }
0x5e: {  	_ =	shalt  }
0x5f: {  	_ =	shalt  }
0x60: {  	_ =	shalt  }
0x61: {  	_ =	shalt  }
0x62: {  	_ =	shalt  }
0x63: {  	_ =	shalt  }
0x64: {  	_ =	shalt  }
0x65: {  	_ =	shalt  }
0x66: {  	_ =	shalt  }
0x67: {  	_ =	shalt  }
0x68: {  	_ =	shalt  }
0x69: {  	_ =	shalt  }
0x6a: {  	_ =	shalt  }
0x6b: {  	_ =	shalt  }
0x6c: {  	_ =	shalt  }
0x6d: {  	_ =	shalt  }
0x6e: {  	_ =	shalt  }
0x6f: {  	_ =	shalt  }
0x70: {  	_ =	shalt  }
0x71: {  	_ =	shalt  }
0x72: {  	_ =	shalt  }
0x73: {  	_ =	shalt  }
0x74: {  	_ =	shalt  }
0x75: {  	_ =	shalt  }
0x76: {  	_ =	shalt  }
0x77: {  	_ =	shalt  }
0x78: {  	_ =	shalt  }
0x79: {  	_ =	shalt  }
0x7a: {  	_ =	shalt  }
0x7b: {  	_ =	shalt  }
0x7c: {  	_ =	shalt  }
0x7d: {  	_ =	shalt  }
0x7e: {  	_ =	shalt  }
0x7f: {  	_ =	shalt  }
0x80: {  	_ =	shalt  }
0x81: {  	_ =	shalt  }
0x82: {  	_ =	shalt  }
0x83: {  	_ =	shalt  }
0x84: {  	_ =	shalt  }
0x85: {  	_ =	shalt  }
0x86: {  	_ =	shalt  }
0x87: {  	_ =	shalt  }
.Lfunc_end0:
.L_simem_size_0:
called_computation_lowered:
.L_overlay_start_0:
0x88: {  	s2 =	sld [smem:$0x3FD9]  }
0x89: {  	s3 =	sld [smem:$0x3FFE];
	_ =	sdelay $0x1  }
0x8a: {  	s1 =	srdreg.scid  }
0x8b: {  	s0 =	sand.u32 $0x1, s1  }
0x8c: {  	s17 =	sshll.u32 s0, $0xA;
	s2 =	sadd.s32 s3, s2  }
0x8d: {  	s2 =	sadd.s32 s2, s17  }
0x8e: {  	[smem:$0x3FC2] =	sst s2  }
0x8f: {  	_ = 	snop  }
0x90: {  	s2 =	sld [smem:$0x3FC9]  }
0x91: {  	s18 =	sld [smem:$0x3FC8]  }
0x92: {  	s4 =	sld [smem:$0x3FC7]  }
0x93: {  	s5 =	sld [smem:$0x3FC6]  }
0x94: {  	s6 =	sld [smem:$0x3FC5]  }
0x95: {  	s7 =	sld [smem:$0x3FC4];
	(tm) =	ssettm $0x1  }
0x96: {  	s8 =	sld [smem:$0x3FFB];
	_ =	sdelay $0x3  }
0x97: {  	_ =	strace s8  }
0x98: {  	s8 =	sld [smem:$0x3FFC];
	_ =	sdelay $0x3  }
0x99: {  	_ =	strace s8  }
0x9a: {  	s8 =	sld [smem:$0x3FFD];
	_ =	sdelay $0x3  }
0x9b: {  	_ =	strace s8  }
0x9c: {  	_ =	strace $0x8FFFFFFF  }
0x9d: {  	s19 =	sld [smem:$0x3FDB];
	_ =	sdelay $0x1  }
0x9e: {  	s9 =	simm.s32 $_scs_section_size  }
0x9f: {  	s10 =	simm.s32 $_size__tile_overlayer_lowered;
	s11 =	simm.s32 $_tile_overlayer_lowered  }
0xa0: {  	s22 =	simm.s32 $0x1BFF;
	s21 =	sshll.u32 s11, $0x1;
	s8 =	sadd.s32 s9, s19  }
0xa1: {  	s12 =	simm.s32 $0x0;
	s20 =	sshll.u32 s10, $0x1;
	s10 =	sadd.s32 s21, s8  }
0xa2: {  	[timem:s12], [sflag:s22] =	dma.local [hbm:s10], s20  }
0xa3: {  	_ =	swait.ge [sflag:s22], s20  }
0xa4: {  	s9 =	ssub.s32 $0x0, s20;
	[sflag:s22] =	ssyncset.done $0x0  }
0xa5: {  	[sflag:s22] =	ssyncadd.s32 s9;
	_ =	sdelay $0x1  }
0xa6: {  	s23 =	simm.s32 $0x1B8B  }
0xa7: {  	_ =	swait.ge [sflag:s23], $0x1  }
0xa8: {  	[sflag:s23] =	ssyncset.done $0x0  }
0xa9: {  	s25 =	simm.s32 $0x1B8E;
	s24 =	sld [smem:$0x3FFE];
	[sflag:s23] =	ssyncadd.s32 $0xFFFFFFFF  }
0xaa: {  	s26 =	simm.s32 $execute0_lowered;
	[smem:$0x3FD2] =	sst s25  }
0xab: {  	s10 =	sshll.u32 s26, $0x1;
	_ =	strace $0x80000046;
	[dreg:$0x1] =	wrdreg $0xFFFFFFFF  }
0xac: {  	s28 =	simm.s32 $_size_execute0_lowered;
	s8 =	sadd.s32 s8, s10;
	[dreg:$0x0] =	wrdreg $0x0  }
0xad: {  	s10 =	sshll.u32 s28, $0x1;
	[dreg:$0x2] =	wrdreg s8  }
0xae: {  	[dreg:$0x3] =	wrdreg s10  }
0xaf: {  	[dreg:$0x4] =	wrdreg $0xC0  }
0xb0: {  	_ =	task [dreg:s12], $0x5FFFF  }
0xb1: {  	[dreg:$0x1] =	wrdreg $0xFFFFFFFF  }
0xb2: {  	[dreg:$0x0] =	wrdreg $0x60  }
0xb3: {  	[dreg:$0x2] =	wrdreg s2  }
0xb4: {  	[dreg:$0x3] =	wrdreg s18  }
0xb5: {  	[dreg:$0x4] =	wrdreg s4  }
0xb6: {  	[dreg:$0x5] =	wrdreg s5  }
0xb7: {  	[dreg:$0x6] =	wrdreg s6  }
0xb8: {  	[dreg:$0x7] =	wrdreg s7  }
0xb9: {  	[dreg:$0x8] =	wrdreg s24  }
0xba: {  	[dreg:$0x9] =	wrdreg $0x9  }
0xbb: {  	_ =	task.clear_ibuf [dreg:s12], $0xAFFFF;
	_ =	strace $0x90000046  }
0xbc: {  	s29 =	simm.s32 $0x9;
	_ =	strace $0x80000048  }
0xbd: {  	_ =	swait.ge [sflag:s29], $0x1  }
0xbe: {  	[sflag:s29] =	ssyncadd.s32 $0xFFFFFFFF  }
0xbf: {  	_ =	strace $0x90000048  }
0xc0: {  	_ =	sfence  }
0xc1: {  	s30 =	sld [smem:$0x0];
	_ =	sdelay $0x2  }
0xc2: {  	s31 =	sshll.u32 s1, $0xD;
	s1 =	sshrl.u32 s1, $0x2  }
0xc3: {  	s3 =	sand.u32 $0x4000, s31;
	s1 =	sadd.s32 s1, s30  }
0xc4: {  	s0 =	sor.u32 s3, s0;
	s1 =	sshll.u32 s1, $0x11  }
0xc5: {  	s0 =	sor.u32 s1, s0  }
0xc6: {  	s0 =	sadd.s32 $0x8F2B, s0  }
0xc7: {  	[sflag:s0] =	ssyncadd.remote.s32 $0x1  }
0xc8: {  	_ =	sfence.sel $0xFFFF  }
0xc9: {  	[dreg:$0x0] =	wrdreg $0xFFFFFFFF;
	(pc) =	sbr.abs _section_cstart, $3  }
0xca: {  	[dreg:$0x1] =	wrdreg $0xFFFFFFFF  }
0xcb: {  	_ =	task.clear_ibuf [dreg:s12], $0x2FFFF;
	_ =	strace $0x9FFFFFFF  }
0xcc: {  	(tm) =	ssettm $0x7FFFFFFF  }
0xcd: {  	_ =	shalt  }
tec
execute0_lowered:
.L_overlay_start_1:
0x0: {  	(tag) =	ssettag $0x1  }
0x1: {  	s0 =	rddreg [dreg:$0x0]  }
0x2: {  	s2 =	rddreg [dreg:$0x1]  }
0x3: {  	s7 =	rddreg [dreg:$0x2]  }
0x4: {  	s8 =	rddreg [dreg:$0x3]  }
0x5: {  	s1 =	rddreg [dreg:$0x4]  }
0x6: {  	s3 =	rddreg [dreg:$0x5]  }
0x7: {  	s5 =	rddreg [dreg:$0x6]  }
0x8: {  	s6 =	srdreg.scid;
	s9 =	stileid.u32  }
0x9: {  	s4 =	simm.s32 $0x0;
	s12 =	simm.s32 $0x400;
	s13 =	simm.s32 $0x600  }
0xa: {  	s14 =	simm.s32 $0x1;
	s15 =	simm.s32 $0x2;
	s16 =	simm.s32 $0x40  }
0xb: {  	s17 =	simm.s32 $0x800;
	s18 =	simm.s32 $0x2800;
	s19 =	simm.s32 $0x4800  }
0xc: {  	s20 =	simm.s32 $0x6800;
	s21 =	simm.s32 $0x8800;
	s23 =	simm.s32 $0xA800  }
0xd: {  	s25 =	simm.s32 $0xC800;
	s28 =	simm.s32 $0xE800;
	s29 =	simm.s32 $0x10800  }
0xe: {  	s30 =	simm.s32 $0x3;
	s6 =	sand.u32 $0x1, s6;
	s9 =	sshll.u32 s9, $0x1  }
0xf: {  	s31 =	simm.s32 $0x0;
	[smem:$0x7FF] =	sst s4;
	s9 =	sor.u32 s6, s9  }
0x10: {  	_ =	strace $0x80000047;
	s6 =	ssub.s32 $0x2, s6;
	s10 =	sshll.u32 s9, $0x4  }
0x11: {  	s26 =	sshrl.u32 s6, $0x1;
	s9 =	sshll.u32 s9, $0x6;
	s10 =	sadd.s32 s10, s5  }
0x12: {  	s11 =	ssub.s32 s6, s26;
	s5 =	sadd.s32 s0, s9;
	s6 =	sadd.s32 s2, s9  }
0x13: {  	v0 =	vlaneseq.u32;
	s7 =	sadd.s32 s7, s9;
	s8 =	sadd.s32 s8, s9;
	s26 =	simm.s32 $0x7C0  }
0x14: {  	v1 =	vmul.u32 $0x80, v0;
	s9 =	sadd.s32 $0x400, s10;
	s10 =	smax.u32 s11, $0x1;
	s11 =	simm.s32 $0x200  }
.LBB2_1:
0x15: {  	[tilespmem:s4], [sflag:$0x1] =	stream.linear.gather [hbm4b:s5+s4], $0x200, $0x38;
	[tilespmem:$0x10880] =	vst v63  }
0x16: {  	_ = 	snop  }
0x17: {  	[tilespmem:s11], [sflag:$0x2] =	stream.linear.gather [hbm4b:s6+s4], $0x200, $0x38;
	[tilespmem:$0x10880] =	vst v63  }
0x18: {  	_ = 	snop  }
0x19: {  	[tilespmem:s12], [sflag:$0x1] =	stream.linear.gather [hbm4b:s7+s4], $0x200, $0x38;
	[tilespmem:$0x10880] =	vst v63  }
0x1a: {  	_ = 	snop  }
0x1b: {  	[tilespmem:s13], [sflag:$0x2] =	stream.linear.gather [hbm4b:s8+s4], $0x200, $0x38;
	[tilespmem:$0x10880] =	vst v63  }
0x1c: {  	_ =	swait.ge [sflag:s14], $0x200  }
0x1d: {  	[sflag:s14] =	ssyncset.done $0x0  }
0x1e: {  	[sflag:s14] =	ssyncadd.s32 $0xFFFFFE00  }
0x1f: {  	_ =	swait.ge [sflag:s15], $0x200  }
0x20: {  	[sflag:s15] =	ssyncset.done $0x0  }
0x21: {  	[sflag:s15] =	ssyncadd.s32 $0xFFFFFE00  }
0x22: {  	_ =	swait.ge [sflag:s14], $0x200  }
0x23: {  	[sflag:s14] =	ssyncset.done $0x0  }
0x24: {  	[sflag:s14] =	ssyncadd.s32 $0xFFFFFE00  }
0x25: {  	_ =	swait.ge [sflag:s15], $0x200  }
0x26: {  	[sflag:s15] =	ssyncset.done $0x0  }
0x27: {  	[sflag:s15] =	ssyncadd.s32 $0xFFFFFE00  }
0x28: {  	[tilespmem:s17], [sflag:$0x1] =	stream.indirect.gather [hbm4b:s1+s16], $0x80, s4, s16, $0xb8;
	[tilespmem:$0x10880] =	vst v63  }
0x29: {  	_ = 	snop  }
0x2a: {  	[tilespmem:s18], [sflag:$0x1] =	stream.indirect.gather [hbm4b:s3+s16], $0x80, s11, s16, $0xb8;
	[tilespmem:$0x10880] =	vst v63  }
0x2b: {  	_ = 	snop  }
0x2c: {  	[tilespmem:s19], [sflag:$0x1] =	stream.indirect.gather [hbm4b:s1+s16], $0x80, s12, s16, $0xb8;
	[tilespmem:$0x10880] =	vst v63  }
0x2d: {  	_ = 	snop  }
0x2e: {  	[tilespmem:s20], [sflag:$0x1] =	stream.indirect.gather [hbm4b:s1+s16], $0x80, s13, s16, $0xb8;
	[tilespmem:$0x10880] =	vst v63  }
0x2f: {  	_ = 	snop  }
0x30: {  	[tilespmem:s21], [sflag:$0x2] =	stream.indirect.gather [hbm4b:s1+s16], $0x80, s16, s16, $0xb8;
	[tilespmem:$0x10880] =	vst v63  }
0x31: {  	s0 =	simm.s32 $0x240  }
0x32: {  	[tilespmem:s23], [sflag:$0x2] =	stream.indirect.gather [hbm4b:s3+s16], $0x80, s0, s16, $0xb8;
	[tilespmem:$0x10880] =	vst v63  }
0x33: {  	s22 =	simm.s32 $0x440  }
0x34: {  	[tilespmem:s25], [sflag:$0x2] =	stream.indirect.gather [hbm4b:s1+s16], $0x80, s22, s16, $0xb8;
	[tilespmem:$0x10880] =	vst v63  }
0x35: {  	s24 =	simm.s32 $0x640  }
0x36: {  	[tilespmem:s28], [sflag:$0x2] =	stream.indirect.gather [hbm4b:s1+s16], $0x80, s24, s16, $0xb8;
	[tilespmem:$0x10880] =	vst v63  }
0x37: {  	_ =	swait.ge [sflag:s14], $0x2000  }
0x38: {  	[sflag:s14] =	ssyncset.done $0x0  }
0x39: {  	[sflag:s14] =	ssyncadd.s32 $0xFFFFE000  }
0x3a: {  	_ =	swait.ge [sflag:s14], $0x2000  }
0x3b: {  	[sflag:s14] =	ssyncset.done $0x0  }
0x3c: {  	[sflag:s14] =	ssyncadd.s32 $0xFFFFE000  }
0x3d: {  	_ =	swait.ge [sflag:s14], $0x2000  }
0x3e: {  	[sflag:s14] =	ssyncset.done $0x0  }
0x3f: {  	[sflag:s14] =	ssyncadd.s32 $0xFFFFE000  }
0x40: {  	_ =	swait.ge [sflag:s14], $0x2000  }
0x41: {  	[sflag:s14] =	ssyncset.done $0x0  }
0x42: {  	v3 =	vimm.f32 $0.0e+00;
	v2 =	vimm.f32 $0.0e+00;
	s0 =	simm.s32 $0x0;
	[sflag:s14] =	ssyncadd.s32 $0xFFFFE000  }
.LBB2_2:
0x43: {  	s2 =	sshll.u32 s0, $0x4  }
0x44: {  	s22 =	simm.s32 $0x0;
	v4 =	vmov s2  }
0x45: {  	v5 =	vadd.s32 s22, v0;
	v4 =	vshll.u32 v4, $0x7  }
0x46: {  	v10 =	vor.u32 v1, v4;
	v4 =	vand.u32 $0x7F, v5  }
0x47: {  	v4 =	vor.u32 v10, v4  }
0x48: {  	s24 =	simm.s32 $0x1  }
0x49: {  	v5 =	vadd.s32 s24, v0  }
0x4a: {  	v5 =	vand.u32 $0x7F, v5  }
0x4b: {  	v5 =	vor.u32 v10, v5  }
0x4c: {  	v6 =	vld.idx.msk [tilespmem:v4+s17+$0x0], $0xffff  }
0x4d: {  	v7 =	vld.idx.msk [tilespmem:v4+s18+$0x0], $0xffff  }
0x4e: {  	v8 =	vld.idx.msk [tilespmem:v4+s19+$0x0], $0xffff  }
0x4f: {  	v9 =	vld.idx.msk [tilespmem:v4+s20+$0x0], $0xffff  }
0x50: {  	v18 =	vld.idx.msk [tilespmem:v5+s18+$0x0], $0xffff  }
0x51: {  	s22 =	simm.s32 $0x2;
	s24 =	simm.s32 $0x3;
	v19 =	vld.idx.msk [tilespmem:v5+s19+$0x0], $0xffff  }
0x52: {  	v11 =	vadd.s32 s24, v0;
	v4 =	vadd.s32 s22, v0;
	v15 =	vld.idx.msk [tilespmem:v5+s20+$0x0], $0xffff  }
0x53: {  	v13 =	vld.idx.msk [tilespmem:v5+s17+$0x0], $0xffff;
	v4 =	vand.u32 $0x7F, v4;
	v12 =	vmul.f32 v7, v6;
	v14 =	vmul.f32 v8, v6  }
0x54: {  	v22 =	vor.u32 v10, v4;
	v5 =	vmul.f32 v8, v7;
	v20 =	vmul.f32 v9, v7  }
0x55: {  	v4 =	vand.u32 $0x7F, v11;
	v11 =	vmul.f32 v9, v8;
	v23 =	vmul.f32 v6, v6  }
0x56: {  	v24 =	vmul.f32 v7, v7;
	v17 =	vmul.f32 v8, v8  }
0x57: {  	v16 =	vor.u32 v10, v4;
	v7 =	vmul.f32 v19, v18;
	v25 =	vmul.f32 v15, v18  }
0x58: {  	v28 =	vmul.f32 v15, v19;
	v6 =	vadd.f32 v12, v3;
	v12 =	vmul.f32 v18, v13  }
0x59: {  	v21 =	vmul.f32 v13, v13;
	v8 =	vadd.f32 v14, v3;
	v5 =	vadd.f32 v5, v3;
	v14 =	vld.idx.msk [tilespmem:v22+s17+$0x0], $0xffff  }
0x5a: {  	v27 =	vadd.f32 v11, v3;
	v11 =	vld.idx.msk [tilespmem:v22+s19+$0x0], $0xffff;
	v4 =	vadd.f32 v12, v6;
	v6 =	vmul.f32 v19, v13  }
0x5b: {  	v26 =	vadd.f32 v20, v3;
	v20 =	vmul.f32 v9, v9;
	v24 =	vadd.f32 v24, v3;
	v12 =	vld.idx.msk [tilespmem:v22+s18+$0x0], $0xffff  }
0x5c: {  	v13 =	vld.idx.msk [tilespmem:v22+s20+$0x0], $0xffff;
	v22 =	vmul.f32 v18, v18;
	v8 =	vadd.f32 v6, v8;
	v6 =	vadd.f32 v7, v5  }
0x5d: {  	v18 =	vimm.f32 $0.0e+00;
	v7 =	vadd.f32 v25, v26;
	v5 =	vadd.f32 v28, v27  }
0x5e: {  	s2 =	simm.s32 $0x4;
	v9 =	vld.idx.msk [tilespmem:v16+s17+$0x0], $0xffff;
	v25 =	vadd.f32 v23, v3;
	v23 =	vmul.f32 v19, v19;
	v19 =	vimm.f32 $0.0e+00  }
.LBB2_3:
0x5f: {  	p0 =	slt.u32 s2, $0x7E;
	v26 =	vld.idx.msk [tilespmem:v16+s18+$0x0], $0xffff;
	v17 =	vadd.f32 v17, v18;
	v19 =	vadd.f32 v20, v19;
	v15 =	vmul.f32 v15, v15  }
0x60: {  	v20 =	vadd.s32 s2, v0;
	s22 =	sadd.s32 $0x1, s2;
	v25 =	vadd.f32 v21, v25;
	v24 =	vadd.f32 v22, v24  }
0x61: {  	v21 =	vadd.s32 s22, v0;
	v27 =	vld.idx.msk [tilespmem:v16+s19+$0x0], $0xffff;
	v18 =	vadd.f32 v23, v17;
	v19 =	vadd.f32 v15, v19  }
0x62: {  	v17 =	vand.u32 $0x7F, v20;
	v20 =	vmul.f32 v12, v14;
	v22 =	vmul.f32 v11, v14;
	v15 =	vld.idx.msk [tilespmem:v16+s20+$0x0], $0xffff  }
0x63: {  	v28 =	vmul.f32 v11, v12;
	v23 =	vor.u32 v10, v17;
	v29 =	vmul.f32 v13, v12  }
0x64: {  	v30 =	vmul.f32 v14, v14;
	v16 =	vand.u32 $0x7F, v21;
	v21 =	vmul.f32 v13, v11  }
0x65: {  	v31 =	vmul.f32 v12, v12;
	v4 =	vadd.f32 v20, v4;
	v12 =	vmul.f32 v26, v9  }
0x66: {  	v17 =	vmul.f32 v11, v11;
	v16 =	vor.u32 v10, v16;
	v20 =	vmul.f32 v13, v13  }
0x67: {  	v4 =	vadd.f32 v12, v4;
	v13 =	vmul.f32 v27, v9;
	v32 =	vmul.f32 v27, v26  }
.Ltmp0:
0x68: {  	v8 =	vadd.f32 v22, v8;
	v6 =	vadd.f32 v28, v6;
	v22 =	vmul.f32 v15, v26;
	v14 =	vld.idx.msk [tilespmem:v23+s17+$0x0], $0xffff;
	(pc) =	sbr.rel @p0 .LBB2_3-.Ltmp0, $4  }
0x69: {  	v7 =	vadd.f32 v29, v7;
	v5 =	vadd.f32 v21, v5;
	v28 =	vmul.f32 v15, v27;
	v12 =	vld.idx.msk [tilespmem:v23+s18+$0x0], $0xffff  }
0x6a: {  	v21 =	vmul.f32 v9, v9;
	v8 =	vadd.f32 v13, v8;
	v6 =	vadd.f32 v32, v6;
	v11 =	vld.idx.msk [tilespmem:v23+s19+$0x0], $0xffff  }
0x6b: {  	v7 =	vadd.f32 v22, v7;
	v5 =	vadd.f32 v28, v5;
	v22 =	vmul.f32 v26, v26;
	v13 =	vld.idx.msk [tilespmem:v23+s20+$0x0], $0xffff  }
0x6c: {  	s2 =	sadd.s32 $0x2, s2;
	v25 =	vadd.f32 v30, v25;
	v24 =	vadd.f32 v31, v24;
	v23 =	vmul.f32 v27, v27;
	v9 =	vld.idx.msk [tilespmem:v16+s17+$0x0], $0xffff  }
0x6d: {  	_ =	sdelay $0x3  }
0x6e: {  	v10 =	vld.idx.msk [tilespmem:v16+s18+$0x0], $0xffff;
	v17 =	vadd.f32 v17, v18;
	v48 =	vadd.f32 v20, v19  }
0x6f: {  	v15 =	vmul.f32 v15, v15;
	v20 =	vld.idx.msk [tilespmem:v16+s19+$0x0], $0xffff;
	v51 =	vmul.f32 v14, v14;
	v49 =	vadd.f32 v21, v25  }
0x70: {  	v53 =	vld.idx.msk [tilespmem:v16+s20+$0x0], $0xffff;
	v50 =	vadd.f32 v22, v24;
	v52 =	vmul.f32 v12, v14;
	v54 =	vmul.f32 v12, v12  }
0x71: {  	v17 =	vadd.f32 v23, v17;
	v15 =	vadd.f32 v15, v48;
	v55 =	vmul.f32 v11, v11  }
0x72: {  	v59 =	vmul.f32 v11, v14;
	v63 =	vmul.f32 v11, v12;
	v19 =	vadd.f32 v51, v49  }
0x73: {  	v57 =	vmul.f32 v13, v13;
	v21 =	vadd.f32 v54, v50;
	v56 =	vmul.f32 v9, v9  }
0x74: {  	v17 =	vadd.f32 v55, v17;
	v26 =	vmul.f32 v10, v10;
	v58 =	vmul.f32 v20, v20  }
0x75: {  	v15 =	vadd.f32 v57, v15;
	v60 =	vmul.f32 v53, v53;
	v19 =	vadd.f32 v56, v19  }
0x76: {  	v34 =	vmul.f32 v13, v12;
	v35 =	vmul.f32 v13, v11;
	v21 =	vadd.f32 v26, v21  }
0x77: {  	v17 =	vadd.f32 v58, v17;
	v15 =	vadd.f32 v60, v15;
	v19 =	vmax.f32 v19, $1.000000020e-24  }
0x78: {  	v39 =	vmul.f32 v10, v9;
	v61 =	vshrl.u32 v19, $0x1;
	v19 =	vmul.f32 $5.000000000e-01, v19  }
0x79: {  	v21 =	vmax.f32 v21, $1.000000020e-24;
	v17 =	vmax.f32 v17, $1.000000020e-24;
	v15 =	vmax.f32 v15, $1.000000020e-24  }
0x7a: {  	v23 =	vsub.s32 $0x5F3759DF, v61;
	v62 =	vshrl.u32 v21, $0x1;
	v21 =	vmul.f32 $5.000000000e-01, v21  }
0x7b: {  	v27 =	vshrl.u32 v17, $0x1;
	v17 =	vmul.f32 $5.000000000e-01, v17;
	v24 =	vsub.s32 $0x5F3759DF, v62  }
0x7c: {  	v32 =	vmul.f32 v23, v19;
	v27 =	vsub.s32 $0x5F3759DF, v27;
	v33 =	vmul.f32 v24, v21  }
0x7d: {  	v29 =	vshrl.u32 v15, $0x1;
	v15 =	vmul.f32 $5.000000000e-01, v15;
	v28 =	vmul.f32 v27, v17  }
0x7e: {  	v29 =	vsub.s32 $0x5F3759DF, v29;
	v26 =	vmul.f32 v23, v32;
	v22 =	vmul.f32 v24, v33  }
0x7f: {  	v30 =	vmul.f32 v29, v15;
	v28 =	vmul.f32 v27, v28  }
0x80: {  	v40 =	vmul.f32 v20, v9;
	v26 =	vsub.f32 $1.500000000e+00, v26;
	v22 =	vsub.f32 $1.500000000e+00, v22  }
0x81: {  	v41 =	vmul.f32 v20, v10;
	v38 =	vmul.f32 v29, v30;
	v37 =	vsub.f32 $1.500000000e+00, v28  }
0x82: {  	v36 =	vmul.f32 v23, v26;
	v22 =	vmul.f32 v24, v22  }
0x83: {  	v10 =	vmul.f32 v53, v10;
	v23 =	vmul.f32 v27, v37;
	v24 =	vsub.f32 $1.500000000e+00, v38  }
0x84: {  	v4 =	vadd.f32 v52, v4;
	v42 =	vmul.f32 v36, v19;
	v43 =	vmul.f32 v22, v21  }
0x85: {  	v8 =	vadd.f32 v59, v8;
	v44 =	vmul.f32 v23, v17;
	v45 =	vmul.f32 v29, v24  }
0x86: {  	v6 =	vadd.f32 v63, v6;
	v18 =	vmul.f32 v42, v36;
	v19 =	vmul.f32 v43, v22  }
0x87: {  	v7 =	vadd.f32 v34, v7;
	v46 =	vmul.f32 v44, v23;
	v47 =	vmul.f32 v45, v15  }
0x88: {  	v5 =	vadd.f32 v35, v5;
	v16 =	vmul.f32 v53, v20;
	v48 =	vsub.f32 $1.500000000e+00, v18  }
0x89: {  	v49 =	vsub.f32 $1.500000000e+00, v19;
	v12 =	vsub.f32 $1.500000000e+00, v46;
	v14 =	vmul.f32 v47, v45  }
0x8a: {  	v4 =	vadd.f32 v39, v4;
	v8 =	vadd.f32 v40, v8;
	v50 =	vmul.f32 v48, v36  }
0x8b: {  	v51 =	vmul.f32 v49, v22;
	v12 =	vmul.f32 v12, v23;
	v52 =	vsub.f32 $1.500000000e+00, v14  }
0x8c: {  	v7 =	vadd.f32 v10, v7;
	v4 =	vmul.f32 v50, v4;
	v8 =	vmul.f32 v50, v8  }
0x8d: {  	v5 =	vadd.f32 v16, v5;
	v53 =	vmul.f32 v52, v45;
	v54 =	vmul.f32 v12, v51  }
0x8e: {  	v6 =	vadd.f32 v41, v6;
	v4 =	vmul.f32 v51, v4;
	v8 =	vmul.f32 v12, v8  }
0x8f: {  	v7 =	vmul.f32 v53, v7;
	v5 =	vmul.f32 v53, v5  }
0x90: {  	v6 =	vmul.f32 v54, v6  }
0x91: {  	v4 =	vsub.f32 v4, v8;
	v7 =	vmul.f32 v7, v51;
	v5 =	vmul.f32 v5, v12;
	_ =	sdelay $0x1  }
0x92: {  	v4 =	vsub.f32 v4, v6;
	v5 =	vsub.f32 v7, v5;
	_ =	sdelay $0x1  }
0x93: {  	v4 =	vadd.f32 v4, v4;
	v5 =	vsub.f32 v5, v6;
	_ =	sdelay $0x1  }
0x94: {  	v4 =	vadd.f32 $3.000000000e+00, v4;
	v5 =	vadd.f32 v5, v5;
	_ =	sdelay $0x1  }
0x95: {  	v4 =	vmax.f32 v4, $1.000000000e-30;
	v5 =	vadd.f32 $3.000000000e+00, v5  }
0x96: {  	v55 =	vshrl.u32 v4, $0x1;
	v56 =	vmul.f32 $5.000000000e-01, v4  }
0x97: {  	v6 =	vsub.s32 $0x5F3759DF, v55;
	v5 =	vmax.f32 v5, $1.000000000e-30  }
0x98: {  	v57 =	vmul.f32 v6, v56;
	v58 =	vshrl.u32 v5, $0x1;
	v59 =	vmul.f32 $5.000000000e-01, v5  }
0x99: {  	v9 =	vsub.s32 $0x5F3759DF, v58  }
0x9a: {  	v8 =	vmul.f32 v6, v57;
	v60 =	vmul.f32 v9, v59;
	_ =	sdelay $0x1  }
0x9b: {  	v8 =	vsub.f32 $1.500000000e+00, v8;
	v11 =	vmul.f32 v9, v60;
	_ =	sdelay $0x1  }
0x9c: {  	v6 =	vmul.f32 v6, v8;
	v61 =	vsub.f32 $1.500000000e+00, v11;
	_ =	sdelay $0x1  }
0x9d: {  	v7 =	vmul.f32 v6, v56;
	v8 =	vmul.f32 v9, v61;
	_ =	sdelay $0x1  }
0x9e: {  	v7 =	vmul.f32 v7, v6;
	v9 =	vmul.f32 v8, v59;
	_ =	sdelay $0x1  }
0x9f: {  	v7 =	vsub.f32 $1.500000000e+00, v7;
	v9 =	vmul.f32 v9, v8;
	_ =	sdelay $0x1  }
0xa0: {  	v6 =	vmul.f32 v7, v6;
	v62 =	vsub.f32 $1.500000000e+00, v9;
	_ =	sdelay $0x1  }
0xa1: {  	v4 =	vmul.f32 v6, v4;
	v63 =	vmul.f32 v62, v8  }
0xa2: {  	s0 =	sadd.s32 $0x1, s0  }
0xa3: {  	p0 =	sne.s32 s0, $0x4;
	v4 =	vadd.f32 $1.000000000e+00, v4;
	v5 =	vmul.f32 v63, v5  }
.Ltmp1:
0xa4: {  	_ = 	snop;
	(pc) =	sbr.rel @p0 .LBB2_2-.Ltmp1, $3  }
0xa5: {  	v4 =	vsub.f32 v4, v5;
	_ =	sdelay $0x1  }
0xa6: {  	v4 =	vmax.f32 v4, $0.0e+00  }
0xa7: {  	v2 =	vadd.f32 v4, v2  }
0xa8: {  	s0 =	simm.s32 $0x80  }
0xa9: {  	[tilespmem:s17], [sflag:$0x1] =	stream.indirect.gather [hbm4b:s1+s16], $0x80, s0, s16, $0xb8;
	[tilespmem:$0x10880] =	vst v63  }
0xaa: {  	s2 =	simm.s32 $0x280  }
0xab: {  	[tilespmem:s18], [sflag:$0x1] =	stream.indirect.gather [hbm4b:s3+s16], $0x80, s2, s16, $0xb8;
	[tilespmem:$0x10880] =	vst v63  }
0xac: {  	s22 =	simm.s32 $0x480  }
0xad: {  	[tilespmem:s19], [sflag:$0x1] =	stream.indirect.gather [hbm4b:s1+s16], $0x80, s22, s16, $0xb8;
	[tilespmem:$0x10880] =	vst v63  }
0xae: {  	s24 =	simm.s32 $0x680  }
0xaf: {  	[tilespmem:s20], [sflag:$0x1] =	stream.indirect.gather [hbm4b:s1+s16], $0x80, s24, s16, $0xb8;
	[tilespmem:$0x10880] =	vst v63  }
0xb0: {  	_ =	swait.ge [sflag:s15], $0x2000  }
0xb1: {  	[sflag:s15] =	ssyncset.done $0x0  }
0xb2: {  	[sflag:s15] =	ssyncadd.s32 $0xFFFFE000  }
0xb3: {  	_ =	swait.ge [sflag:s15], $0x2000  }
0xb4: {  	[sflag:s15] =	ssyncset.done $0x0  }
0xb5: {  	[sflag:s15] =	ssyncadd.s32 $0xFFFFE000  }
0xb6: {  	_ =	swait.ge [sflag:s15], $0x2000  }
0xb7: {  	[sflag:s15] =	ssyncset.done $0x0  }
0xb8: {  	[sflag:s15] =	ssyncadd.s32 $0xFFFFE000  }
0xb9: {  	_ =	swait.ge [sflag:s15], $0x2000  }
0xba: {  	[sflag:s15] =	ssyncset.done $0x0  }
0xbb: {  	s0 =	simm.s32 $0x0;
	s2 =	simm.s32 $0x0;
	[sflag:s15] =	ssyncadd.s32 $0xFFFFE000  }
.LBB2_6:
0xbc: {  	s22 =	sshll.u32 s2, $0x4  }
0xbd: {  	v3 =	vmov s22  }
0xbe: {  	v4 =	vadd.s32 s0, v0;
	v3 =	vshll.u32 v3, $0x7  }
0xbf: {  	v9 =	vor.u32 v1, v3;
	v3 =	vand.u32 $0x7F, v4  }
0xc0: {  	v3 =	vor.u32 v9, v3;
	_ =	sdelay $0x1  }
0xc1: {  	s24 =	simm.s32 $0x1  }
0xc2: {  	v4 =	vadd.s32 s24, v0  }
0xc3: {  	v4 =	vand.u32 $0x7F, v4  }
0xc4: {  	v4 =	vor.u32 v9, v4;
	v5 =	vld.idx.msk [tilespmem:v3+s21+$0x0], $0xffff  }
0xc5: {  	v6 =	vld.idx.msk [tilespmem:v3+s23+$0x0], $0xffff  }
0xc6: {  	v7 =	vld.idx.msk [tilespmem:v3+s25+$0x0], $0xffff  }
0xc7: {  	v3 =	vld.idx.msk [tilespmem:v3+s28+$0x0], $0xffff;
	_ =	sdelay $0x1  }
0xc8: {  	s24 =	simm.s32 $0x2;
	v8 =	vld.idx.msk [tilespmem:v4+s21+$0x0], $0xffff  }
0xc9: {  	v10 =	vadd.s32 s24, v0;
	v19 =	vld.idx.msk [tilespmem:v4+s23+$0x0], $0xffff  }
0xca: {  	v10 =	vand.u32 $0x7F, v10;
	v22 =	vld.idx.msk [tilespmem:v4+s25+$0x0], $0xffff;
	v12 =	vmul.f32 v6, v5;
	v14 =	vmul.f32 v7, v5  }
0xcb: {  	v21 =	vor.u32 v9, v10;
	v16 =	vld.idx.msk [tilespmem:v4+s28+$0x0], $0xffff;
	v4 =	vmul.f32 v7, v6;
	v10 =	vmul.f32 v3, v6  }
0xcc: {  	v13 =	vimm.f32 $0.0e+00;
	s24 =	simm.s32 $0x3;
	v20 =	vmul.f32 v3, v7;
	v24 =	vmul.f32 v5, v5  }
0xcd: {  	v11 =	vadd.s32 s24, v0;
	v25 =	vmul.f32 v6, v6;
	v17 =	vmul.f32 v7, v7  }
0xce: {  	v11 =	vand.u32 $0x7F, v11;
	v18 =	vmul.f32 v3, v3;
	v23 =	vmul.f32 v19, v8  }
0xcf: {  	v15 =	vor.u32 v9, v11;
	v5 =	vmul.f32 v22, v8;
	v6 =	vmul.f32 v22, v19  }
0xd0: {  	v27 =	vmul.f32 v16, v22;
	v12 =	vadd.f32 v12, v13;
	v7 =	vadd.f32 v14, v13  }
0xd1: {  	v11 =	vld.idx.msk [tilespmem:v21+s23+$0x0], $0xffff;
	v22 =	vmul.f32 v22, v22;
	v4 =	vadd.f32 v4, v13;
	v26 =	vadd.f32 v20, v13  }
0xd2: {  	v14 =	vld.idx.msk [tilespmem:v21+s21+$0x0], $0xffff;
	v3 =	vadd.f32 v23, v12;
	v12 =	vmul.f32 v16, v19;
	v23 =	vadd.f32 v10, v13  }
0xd3: {  	v20 =	vmul.f32 v8, v8;
	v7 =	vadd.f32 v5, v7;
	v10 =	vld.idx.msk [tilespmem:v21+s25+$0x0], $0xffff;
	v6 =	vadd.f32 v6, v4  }
0xd4: {  	v4 =	vadd.f32 v27, v26;
	v5 =	vadd.f32 v12, v23;
	v12 =	vld.idx.msk [tilespmem:v21+s28+$0x0], $0xffff;
	v21 =	vmul.f32 v19, v19  }
0xd5: {  	s22 =	simm.s32 $0x4;
	v8 =	vld.idx.msk [tilespmem:v15+s21+$0x0], $0xffff;
	v23 =	vadd.f32 v24, v13;
	v24 =	vadd.f32 v25, v13;
	v19 =	vimm.f32 $0.0e+00  }
.LBB2_7:
0xd6: {  	p0 =	slt.u32 s22, $0x7E;
	v25 =	vld.idx.msk [tilespmem:v15+s23+$0x0], $0xffff;
	v13 =	vadd.f32 v17, v13;
	v17 =	vadd.f32 v18, v19;
	v16 =	vmul.f32 v16, v16  }
0xd7: {  	v18 =	vadd.s32 s22, v0;
	s24 =	sadd.s32 $0x1, s22;
	v23 =	vadd.f32 v20, v23;
	v24 =	vadd.f32 v21, v24  }
0xd8: {  	v20 =	vadd.s32 s24, v0;
	v26 =	vld.idx.msk [tilespmem:v15+s25+$0x0], $0xffff;
	v13 =	vadd.f32 v22, v13;
	v19 =	vadd.f32 v16, v17  }
0xd9: {  	v17 =	vand.u32 $0x7F, v18;
	v18 =	vmul.f32 v11, v14;
	v21 =	vmul.f32 v10, v14;
	v16 =	vld.idx.msk [tilespmem:v15+s28+$0x0], $0xffff  }
0xda: {  	v27 =	vmul.f32 v10, v11;
	v22 =	vor.u32 v9, v17;
	v28 =	vmul.f32 v12, v11  }
0xdb: {  	v29 =	vmul.f32 v14, v14;
	v15 =	vand.u32 $0x7F, v20;
	v20 =	vmul.f32 v12, v10  }
0xdc: {  	v30 =	vmul.f32 v11, v11;
	v3 =	vadd.f32 v18, v3;
	v11 =	vmul.f32 v25, v8  }
0xdd: {  	v17 =	vmul.f32 v10, v10;
	v15 =	vor.u32 v9, v15;
	v18 =	vmul.f32 v12, v12  }
0xde: {  	v3 =	vadd.f32 v11, v3;
	v12 =	vmul.f32 v26, v8;
	v31 =	vmul.f32 v26, v25  }
.Ltmp2:
0xdf: {  	v7 =	vadd.f32 v21, v7;
	v6 =	vadd.f32 v27, v6;
	v21 =	vmul.f32 v16, v25;
	v14 =	vld.idx.msk [tilespmem:v22+s21+$0x0], $0xffff;
	(pc) =	sbr.rel @p0 .LBB2_7-.Ltmp2, $4  }
0xe0: {  	v5 =	vadd.f32 v28, v5;
	v4 =	vadd.f32 v20, v4;
	v27 =	vmul.f32 v16, v26;
	v11 =	vld.idx.msk [tilespmem:v22+s23+$0x0], $0xffff  }
0xe1: {  	v20 =	vmul.f32 v8, v8;
	v7 =	vadd.f32 v12, v7;
	v6 =	vadd.f32 v31, v6;
	v10 =	vld.idx.msk [tilespmem:v22+s25+$0x0], $0xffff  }
0xe2: {  	v5 =	vadd.f32 v21, v5;
	v4 =	vadd.f32 v27, v4;
	v21 =	vmul.f32 v25, v25;
	v12 =	vld.idx.msk [tilespmem:v22+s28+$0x0], $0xffff  }
0xe3: {  	s22 =	sadd.s32 $0x2, s22;
	v23 =	vadd.f32 v29, v23;
	v24 =	vadd.f32 v30, v24;
	v22 =	vmul.f32 v26, v26;
	v8 =	vld.idx.msk [tilespmem:v15+s21+$0x0], $0xffff  }
0xe4: {  	_ =	sdelay $0x3  }
0xe5: {  	v9 =	vld.idx.msk [tilespmem:v15+s23+$0x0], $0xffff;
	v13 =	vadd.f32 v17, v13;
	v51 =	vadd.f32 v18, v19  }
0xe6: {  	v16 =	vmul.f32 v16, v16;
	v53 =	vld.idx.msk [tilespmem:v15+s25+$0x0], $0xffff;
	v55 =	vmul.f32 v14, v14;
	v52 =	vadd.f32 v20, v23  }
0xe7: {  	v57 =	vld.idx.msk [tilespmem:v15+s28+$0x0], $0xffff;
	v54 =	vadd.f32 v21, v24;
	v56 =	vmul.f32 v11, v14;
	v58 =	vmul.f32 v11, v11  }
0xe8: {  	v13 =	vadd.f32 v22, v13;
	v16 =	vadd.f32 v16, v51;
	v59 =	vmul.f32 v10, v10  }
0xe9: {  	v63 =	vmul.f32 v10, v14;
	v32 =	vmul.f32 v10, v11;
	v18 =	vadd.f32 v55, v52  }
0xea: {  	v61 =	vmul.f32 v12, v12;
	v20 =	vadd.f32 v58, v54;
	v60 =	vmul.f32 v8, v8  }
0xeb: {  	v13 =	vadd.f32 v59, v13;
	v25 =	vmul.f32 v9, v9;
	v62 =	vmul.f32 v53, v53  }
0xec: {  	v16 =	vadd.f32 v61, v16;
	v29 =	vmul.f32 v57, v57;
	v18 =	vadd.f32 v60, v18  }
0xed: {  	v35 =	vmul.f32 v12, v11;
	v36 =	vmul.f32 v12, v10;
	v20 =	vadd.f32 v25, v20  }
0xee: {  	v13 =	vadd.f32 v62, v13;
	v16 =	vadd.f32 v29, v16;
	v18 =	vmax.f32 v18, $1.000000020e-24  }
0xef: {  	v40 =	vmul.f32 v9, v8;
	v30 =	vshrl.u32 v18, $0x1;
	v18 =	vmul.f32 $5.000000000e-01, v18  }
0xf0: {  	v20 =	vmax.f32 v20, $1.000000020e-24;
	v13 =	vmax.f32 v13, $1.000000020e-24;
	v16 =	vmax.f32 v16, $1.000000020e-24  }
0xf1: {  	v22 =	vsub.s32 $0x5F3759DF, v30;
	v31 =	vshrl.u32 v20, $0x1;
	v20 =	vmul.f32 $5.000000000e-01, v20  }
0xf2: {  	v26 =	vshrl.u32 v13, $0x1;
	v13 =	vmul.f32 $5.000000000e-01, v13;
	v23 =	vsub.s32 $0x5F3759DF, v31  }
0xf3: {  	v33 =	vmul.f32 v22, v18;
	v26 =	vsub.s32 $0x5F3759DF, v26;
	v34 =	vmul.f32 v23, v20  }
0xf4: {  	v28 =	vshrl.u32 v16, $0x1;
	v16 =	vmul.f32 $5.000000000e-01, v16;
	v27 =	vmul.f32 v26, v13  }
0xf5: {  	v28 =	vsub.s32 $0x5F3759DF, v28;
	v25 =	vmul.f32 v22, v33;
	v21 =	vmul.f32 v23, v34  }
0xf6: {  	v29 =	vmul.f32 v28, v16;
	v27 =	vmul.f32 v26, v27  }
0xf7: {  	v41 =	vmul.f32 v53, v8;
	v25 =	vsub.f32 $1.500000000e+00, v25;
	v21 =	vsub.f32 $1.500000000e+00, v21  }
0xf8: {  	v42 =	vmul.f32 v53, v9;
	v39 =	vmul.f32 v28, v29;
	v38 =	vsub.f32 $1.500000000e+00, v27  }
0xf9: {  	v37 =	vmul.f32 v22, v25;
	v21 =	vmul.f32 v23, v21  }
0xfa: {  	v9 =	vmul.f32 v57, v9;
	v22 =	vmul.f32 v26, v38;
	v23 =	vsub.f32 $1.500000000e+00, v39  }
0xfb: {  	v3 =	vadd.f32 v56, v3;
	v43 =	vmul.f32 v37, v18;
	v44 =	vmul.f32 v21, v20  }
0xfc: {  	v7 =	vadd.f32 v63, v7;
	v13 =	vmul.f32 v22, v13;
	v45 =	vmul.f32 v28, v23  }
0xfd: {  	v6 =	vadd.f32 v32, v6;
	v17 =	vmul.f32 v43, v37;
	v18 =	vmul.f32 v44, v21  }
0xfe: {  	v5 =	vadd.f32 v35, v5;
	v46 =	vmul.f32 v13, v22;
	v47 =	vmul.f32 v45, v16  }
0xff: {  	v4 =	vadd.f32 v36, v4;
	v15 =	vmul.f32 v57, v53;
	v48 =	vsub.f32 $1.500000000e+00, v17  }
0x100: {  	v49 =	vsub.f32 $1.500000000e+00, v18;
	v11 =	vsub.f32 $1.500000000e+00, v46;
	v13 =	vmul.f32 v47, v45  }
0x101: {  	v3 =	vadd.f32 v40, v3;
	v7 =	vadd.f32 v41, v7;
	v50 =	vmul.f32 v48, v37  }
0x102: {  	v51 =	vmul.f32 v49, v21;
	v11 =	vmul.f32 v11, v22;
	v52 =	vsub.f32 $1.500000000e+00, v13  }
0x103: {  	v5 =	vadd.f32 v9, v5;
	v3 =	vmul.f32 v50, v3;
	v7 =	vmul.f32 v50, v7  }
0x104: {  	v4 =	vadd.f32 v15, v4;
	v53 =	vmul.f32 v52, v45;
	v54 =	vmul.f32 v11, v51  }
0x105: {  	v6 =	vadd.f32 v42, v6;
	v3 =	vmul.f32 v51, v3;
	v7 =	vmul.f32 v11, v7  }
0x106: {  	v5 =	vmul.f32 v53, v5;
	v4 =	vmul.f32 v53, v4  }
0x107: {  	v6 =	vmul.f32 v54, v6  }
0x108: {  	v3 =	vsub.f32 v3, v7;
	v5 =	vmul.f32 v5, v51;
	v4 =	vmul.f32 v4, v11;
	_ =	sdelay $0x1  }
0x109: {  	v3 =	vsub.f32 v3, v6;
	v4 =	vsub.f32 v5, v4;
	_ =	sdelay $0x1  }
0x10a: {  	v3 =	vadd.f32 v3, v3;
	v4 =	vsub.f32 v4, v6;
	_ =	sdelay $0x1  }
0x10b: {  	v3 =	vadd.f32 $3.000000000e+00, v3;
	v4 =	vadd.f32 v4, v4;
	_ =	sdelay $0x1  }
0x10c: {  	v3 =	vmax.f32 v3, $1.000000000e-30;
	v4 =	vadd.f32 $3.000000000e+00, v4  }
0x10d: {  	v55 =	vshrl.u32 v3, $0x1;
	v56 =	vmul.f32 $5.000000000e-01, v3  }
0x10e: {  	v5 =	vsub.s32 $0x5F3759DF, v55;
	v4 =	vmax.f32 v4, $1.000000000e-30  }
0x10f: {  	v57 =	vmul.f32 v5, v56;
	v58 =	vshrl.u32 v4, $0x1;
	v59 =	vmul.f32 $5.000000000e-01, v4  }
0x110: {  	v8 =	vsub.s32 $0x5F3759DF, v58  }
0x111: {  	v7 =	vmul.f32 v5, v57;
	v60 =	vmul.f32 v8, v59;
	_ =	sdelay $0x1  }
0x112: {  	v7 =	vsub.f32 $1.500000000e+00, v7;
	v10 =	vmul.f32 v8, v60;
	_ =	sdelay $0x1  }
0x113: {  	v5 =	vmul.f32 v5, v7;
	v61 =	vsub.f32 $1.500000000e+00, v10;
	_ =	sdelay $0x1  }
0x114: {  	v6 =	vmul.f32 v5, v56;
	v7 =	vmul.f32 v8, v61;
	_ =	sdelay $0x1  }
0x115: {  	v6 =	vmul.f32 v6, v5;
	v8 =	vmul.f32 v7, v59;
	_ =	sdelay $0x1  }
0x116: {  	v6 =	vsub.f32 $1.500000000e+00, v6;
	v8 =	vmul.f32 v8, v7;
	_ =	sdelay $0x1  }
0x117: {  	v5 =	vmul.f32 v6, v5;
	v62 =	vsub.f32 $1.500000000e+00, v8;
	_ =	sdelay $0x1  }
0x118: {  	v3 =	vmul.f32 v5, v3;
	v63 =	vmul.f32 v62, v7  }
0x119: {  	s2 =	sadd.s32 $0x1, s2  }
0x11a: {  	p0 =	sne.s32 s2, $0x4;
	v3 =	vadd.f32 $1.000000000e+00, v3;
	v4 =	vmul.f32 v63, v4  }
.Ltmp3:
0x11b: {  	_ = 	snop;
	(pc) =	sbr.rel @p0 .LBB2_6-.Ltmp3, $3  }
0x11c: {  	v3 =	vsub.f32 v3, v4;
	_ =	sdelay $0x1  }
0x11d: {  	v3 =	vmax.f32 v3, $0.0e+00  }
0x11e: {  	v2 =	vadd.f32 v3, v2  }
0x11f: {  	s0 =	simm.s32 $0xC0  }
0x120: {  	[tilespmem:s21], [sflag:$0x2] =	stream.indirect.gather [hbm4b:s1+s16], $0x80, s0, s16, $0xb8;
	[tilespmem:$0x10880] =	vst v63  }
0x121: {  	s2 =	simm.s32 $0x2C0  }
0x122: {  	[tilespmem:s23], [sflag:$0x2] =	stream.indirect.gather [hbm4b:s3+s16], $0x80, s2, s16, $0xb8;
	[tilespmem:$0x10880] =	vst v63  }
0x123: {  	s22 =	simm.s32 $0x4C0  }
0x124: {  	[tilespmem:s25], [sflag:$0x2] =	stream.indirect.gather [hbm4b:s1+s16], $0x80, s22, s16, $0xb8;
	[tilespmem:$0x10880] =	vst v63  }
0x125: {  	s24 =	simm.s32 $0x6C0  }
0x126: {  	[tilespmem:s28], [sflag:$0x2] =	stream.indirect.gather [hbm4b:s1+s16], $0x80, s24, s16, $0xb8;
	[tilespmem:$0x10880] =	vst v63  }
0x127: {  	_ =	swait.ge [sflag:s14], $0x2000  }
0x128: {  	[sflag:s14] =	ssyncset.done $0x0  }
0x129: {  	[sflag:s14] =	ssyncadd.s32 $0xFFFFE000  }
0x12a: {  	_ =	swait.ge [sflag:s14], $0x2000  }
0x12b: {  	[sflag:s14] =	ssyncset.done $0x0  }
0x12c: {  	[sflag:s14] =	ssyncadd.s32 $0xFFFFE000  }
0x12d: {  	_ =	swait.ge [sflag:s14], $0x2000  }
0x12e: {  	[sflag:s14] =	ssyncset.done $0x0  }
0x12f: {  	[sflag:s14] =	ssyncadd.s32 $0xFFFFE000  }
0x130: {  	_ =	swait.ge [sflag:s14], $0x2000  }
0x131: {  	[sflag:s14] =	ssyncset.done $0x0  }
0x132: {  	s0 =	simm.s32 $0x0;
	s2 =	simm.s32 $0x0;
	[sflag:s14] =	ssyncadd.s32 $0xFFFFE000  }
.LBB2_10:
0x133: {  	s22 =	sshll.u32 s2, $0x4  }
0x134: {  	v3 =	vmov s22  }
0x135: {  	v4 =	vadd.s32 s0, v0;
	v3 =	vshll.u32 v3, $0x7  }
0x136: {  	v9 =	vor.u32 v1, v3;
	v3 =	vand.u32 $0x7F, v4  }
0x137: {  	v3 =	vor.u32 v9, v3;
	_ =	sdelay $0x1  }
0x138: {  	s24 =	simm.s32 $0x1  }
0x139: {  	v4 =	vadd.s32 s24, v0  }
0x13a: {  	v4 =	vand.u32 $0x7F, v4  }
0x13b: {  	v4 =	vor.u32 v9, v4;
	v5 =	vld.idx.msk [tilespmem:v3+s17+$0x0], $0xffff  }
0x13c: {  	v6 =	vld.idx.msk [tilespmem:v3+s18+$0x0], $0xffff  }
0x13d: {  	v7 =	vld.idx.msk [tilespmem:v3+s19+$0x0], $0xffff  }
0x13e: {  	v3 =	vld.idx.msk [tilespmem:v3+s20+$0x0], $0xffff;
	_ =	sdelay $0x1  }
0x13f: {  	s24 =	simm.s32 $0x2;
	v8 =	vld.idx.msk [tilespmem:v4+s17+$0x0], $0xffff  }
0x140: {  	v10 =	vadd.s32 s24, v0;
	v19 =	vld.idx.msk [tilespmem:v4+s18+$0x0], $0xffff  }
0x141: {  	v10 =	vand.u32 $0x7F, v10;
	v22 =	vld.idx.msk [tilespmem:v4+s19+$0x0], $0xffff;
	v12 =	vmul.f32 v6, v5;
	v14 =	vmul.f32 v7, v5  }
0x142: {  	v21 =	vor.u32 v9, v10;
	v16 =	vld.idx.msk [tilespmem:v4+s20+$0x0], $0xffff;
	v4 =	vmul.f32 v7, v6;
	v10 =	vmul.f32 v3, v6  }
0x143: {  	v13 =	vimm.f32 $0.0e+00;
	s24 =	simm.s32 $0x3;
	v20 =	vmul.f32 v3, v7;
	v24 =	vmul.f32 v5, v5  }
0x144: {  	v11 =	vadd.s32 s24, v0;
	v25 =	vmul.f32 v6, v6;
	v17 =	vmul.f32 v7, v7  }
0x145: {  	v11 =	vand.u32 $0x7F, v11;
	v18 =	vmul.f32 v3, v3;
	v23 =	vmul.f32 v19, v8  }
0x146: {  	v15 =	vor.u32 v9, v11;
	v5 =	vmul.f32 v22, v8;
	v6 =	vmul.f32 v22, v19  }
0x147: {  	v27 =	vmul.f32 v16, v22;
	v12 =	vadd.f32 v12, v13;
	v7 =	vadd.f32 v14, v13  }
0x148: {  	v11 =	vld.idx.msk [tilespmem:v21+s18+$0x0], $0xffff;
	v22 =	vmul.f32 v22, v22;
	v4 =	vadd.f32 v4, v13;
	v26 =	vadd.f32 v20, v13  }
0x149: {  	v14 =	vld.idx.msk [tilespmem:v21+s17+$0x0], $0xffff;
	v3 =	vadd.f32 v23, v12;
	v12 =	vmul.f32 v16, v19;
	v23 =	vadd.f32 v10, v13  }
0x14a: {  	v20 =	vmul.f32 v8, v8;
	v7 =	vadd.f32 v5, v7;
	v10 =	vld.idx.msk [tilespmem:v21+s19+$0x0], $0xffff;
	v6 =	vadd.f32 v6, v4  }
0x14b: {  	v4 =	vadd.f32 v27, v26;
	v5 =	vadd.f32 v12, v23;
	v12 =	vld.idx.msk [tilespmem:v21+s20+$0x0], $0xffff;
	v21 =	vmul.f32 v19, v19  }
0x14c: {  	s22 =	simm.s32 $0x4;
	v8 =	vld.idx.msk [tilespmem:v15+s17+$0x0], $0xffff;
	v23 =	vadd.f32 v24, v13;
	v24 =	vadd.f32 v25, v13;
	v19 =	vimm.f32 $0.0e+00  }
.LBB2_11:
0x14d: {  	p0 =	slt.u32 s22, $0x7E;
	v25 =	vld.idx.msk [tilespmem:v15+s18+$0x0], $0xffff;
	v13 =	vadd.f32 v17, v13;
	v17 =	vadd.f32 v18, v19;
	v16 =	vmul.f32 v16, v16  }
0x14e: {  	v18 =	vadd.s32 s22, v0;
	s24 =	sadd.s32 $0x1, s22;
	v23 =	vadd.f32 v20, v23;
	v24 =	vadd.f32 v21, v24  }
0x14f: {  	v20 =	vadd.s32 s24, v0;
	v26 =	vld.idx.msk [tilespmem:v15+s19+$0x0], $0xffff;
	v13 =	vadd.f32 v22, v13;
	v19 =	vadd.f32 v16, v17  }
0x150: {  	v17 =	vand.u32 $0x7F, v18;
	v18 =	vmul.f32 v11, v14;
	v21 =	vmul.f32 v10, v14;
	v16 =	vld.idx.msk [tilespmem:v15+s20+$0x0], $0xffff  }
0x151: {  	v27 =	vmul.f32 v10, v11;
	v22 =	vor.u32 v9, v17;
	v28 =	vmul.f32 v12, v11  }
0x152: {  	v29 =	vmul.f32 v14, v14;
	v15 =	vand.u32 $0x7F, v20;
	v20 =	vmul.f32 v12, v10  }
0x153: {  	v30 =	vmul.f32 v11, v11;
	v3 =	vadd.f32 v18, v3;
	v11 =	vmul.f32 v25, v8  }
0x154: {  	v17 =	vmul.f32 v10, v10;
	v15 =	vor.u32 v9, v15;
	v18 =	vmul.f32 v12, v12  }
0x155: {  	v3 =	vadd.f32 v11, v3;
	v12 =	vmul.f32 v26, v8;
	v31 =	vmul.f32 v26, v25  }
.Ltmp4:
0x156: {  	v7 =	vadd.f32 v21, v7;
	v6 =	vadd.f32 v27, v6;
	v21 =	vmul.f32 v16, v25;
	v14 =	vld.idx.msk [tilespmem:v22+s17+$0x0], $0xffff;
	(pc) =	sbr.rel @p0 .LBB2_11-.Ltmp4, $4  }
0x157: {  	v5 =	vadd.f32 v28, v5;
	v4 =	vadd.f32 v20, v4;
	v27 =	vmul.f32 v16, v26;
	v11 =	vld.idx.msk [tilespmem:v22+s18+$0x0], $0xffff  }
0x158: {  	v20 =	vmul.f32 v8, v8;
	v7 =	vadd.f32 v12, v7;
	v6 =	vadd.f32 v31, v6;
	v10 =	vld.idx.msk [tilespmem:v22+s19+$0x0], $0xffff  }
0x159: {  	v5 =	vadd.f32 v21, v5;
	v4 =	vadd.f32 v27, v4;
	v21 =	vmul.f32 v25, v25;
	v12 =	vld.idx.msk [tilespmem:v22+s20+$0x0], $0xffff  }
0x15a: {  	s22 =	sadd.s32 $0x2, s22;
	v23 =	vadd.f32 v29, v23;
	v24 =	vadd.f32 v30, v24;
	v22 =	vmul.f32 v26, v26;
	v8 =	vld.idx.msk [tilespmem:v15+s17+$0x0], $0xffff  }
0x15b: {  	_ =	sdelay $0x3  }
0x15c: {  	v9 =	vld.idx.msk [tilespmem:v15+s18+$0x0], $0xffff;
	v13 =	vadd.f32 v17, v13;
	v51 =	vadd.f32 v18, v19  }
0x15d: {  	v16 =	vmul.f32 v16, v16;
	v53 =	vld.idx.msk [tilespmem:v15+s19+$0x0], $0xffff;
	v55 =	vmul.f32 v14, v14;
	v52 =	vadd.f32 v20, v23  }
0x15e: {  	v57 =	vld.idx.msk [tilespmem:v15+s20+$0x0], $0xffff;
	v54 =	vadd.f32 v21, v24;
	v56 =	vmul.f32 v11, v14;
	v58 =	vmul.f32 v11, v11  }
0x15f: {  	v13 =	vadd.f32 v22, v13;
	v16 =	vadd.f32 v16, v51;
	v59 =	vmul.f32 v10, v10  }
0x160: {  	v63 =	vmul.f32 v10, v14;
	v32 =	vmul.f32 v10, v11;
	v18 =	vadd.f32 v55, v52  }
0x161: {  	v61 =	vmul.f32 v12, v12;
	v20 =	vadd.f32 v58, v54;
	v60 =	vmul.f32 v8, v8  }
0x162: {  	v13 =	vadd.f32 v59, v13;
	v25 =	vmul.f32 v9, v9;
	v62 =	vmul.f32 v53, v53  }
0x163: {  	v16 =	vadd.f32 v61, v16;
	v29 =	vmul.f32 v57, v57;
	v18 =	vadd.f32 v60, v18  }
0x164: {  	v35 =	vmul.f32 v12, v11;
	v36 =	vmul.f32 v12, v10;
	v20 =	vadd.f32 v25, v20  }
0x165: {  	v13 =	vadd.f32 v62, v13;
	v16 =	vadd.f32 v29, v16;
	v18 =	vmax.f32 v18, $1.000000020e-24  }
0x166: {  	v40 =	vmul.f32 v9, v8;
	v30 =	vshrl.u32 v18, $0x1;
	v18 =	vmul.f32 $5.000000000e-01, v18  }
0x167: {  	v20 =	vmax.f32 v20, $1.000000020e-24;
	v13 =	vmax.f32 v13, $1.000000020e-24;
	v16 =	vmax.f32 v16, $1.000000020e-24  }
0x168: {  	v22 =	vsub.s32 $0x5F3759DF, v30;
	v31 =	vshrl.u32 v20, $0x1;
	v20 =	vmul.f32 $5.000000000e-01, v20  }
0x169: {  	v26 =	vshrl.u32 v13, $0x1;
	v13 =	vmul.f32 $5.000000000e-01, v13;
	v23 =	vsub.s32 $0x5F3759DF, v31  }
0x16a: {  	v33 =	vmul.f32 v22, v18;
	v26 =	vsub.s32 $0x5F3759DF, v26;
	v34 =	vmul.f32 v23, v20  }
0x16b: {  	v28 =	vshrl.u32 v16, $0x1;
	v16 =	vmul.f32 $5.000000000e-01, v16;
	v27 =	vmul.f32 v26, v13  }
0x16c: {  	v28 =	vsub.s32 $0x5F3759DF, v28;
	v25 =	vmul.f32 v22, v33;
	v21 =	vmul.f32 v23, v34  }
0x16d: {  	v29 =	vmul.f32 v28, v16;
	v27 =	vmul.f32 v26, v27  }
0x16e: {  	v41 =	vmul.f32 v53, v8;
	v25 =	vsub.f32 $1.500000000e+00, v25;
	v21 =	vsub.f32 $1.500000000e+00, v21  }
0x16f: {  	v42 =	vmul.f32 v53, v9;
	v39 =	vmul.f32 v28, v29;
	v38 =	vsub.f32 $1.500000000e+00, v27  }
0x170: {  	v37 =	vmul.f32 v22, v25;
	v21 =	vmul.f32 v23, v21  }
0x171: {  	v9 =	vmul.f32 v57, v9;
	v22 =	vmul.f32 v26, v38;
	v23 =	vsub.f32 $1.500000000e+00, v39  }
0x172: {  	v3 =	vadd.f32 v56, v3;
	v43 =	vmul.f32 v37, v18;
	v44 =	vmul.f32 v21, v20  }
0x173: {  	v7 =	vadd.f32 v63, v7;
	v13 =	vmul.f32 v22, v13;
	v45 =	vmul.f32 v28, v23  }
0x174: {  	v6 =	vadd.f32 v32, v6;
	v17 =	vmul.f32 v43, v37;
	v18 =	vmul.f32 v44, v21  }
0x175: {  	v5 =	vadd.f32 v35, v5;
	v46 =	vmul.f32 v13, v22;
	v47 =	vmul.f32 v45, v16  }
0x176: {  	v4 =	vadd.f32 v36, v4;
	v15 =	vmul.f32 v57, v53;
	v48 =	vsub.f32 $1.500000000e+00, v17  }
0x177: {  	v49 =	vsub.f32 $1.500000000e+00, v18;
	v11 =	vsub.f32 $1.500000000e+00, v46;
	v13 =	vmul.f32 v47, v45  }
0x178: {  	v3 =	vadd.f32 v40, v3;
	v7 =	vadd.f32 v41, v7;
	v50 =	vmul.f32 v48, v37  }
0x179: {  	v51 =	vmul.f32 v49, v21;
	v11 =	vmul.f32 v11, v22;
	v52 =	vsub.f32 $1.500000000e+00, v13  }
0x17a: {  	v5 =	vadd.f32 v9, v5;
	v3 =	vmul.f32 v50, v3;
	v7 =	vmul.f32 v50, v7  }
0x17b: {  	v4 =	vadd.f32 v15, v4;
	v53 =	vmul.f32 v52, v45;
	v54 =	vmul.f32 v11, v51  }
0x17c: {  	v6 =	vadd.f32 v42, v6;
	v3 =	vmul.f32 v51, v3;
	v7 =	vmul.f32 v11, v7  }
0x17d: {  	v5 =	vmul.f32 v53, v5;
	v4 =	vmul.f32 v53, v4  }
0x17e: {  	v6 =	vmul.f32 v54, v6  }
0x17f: {  	v3 =	vsub.f32 v3, v7;
	v5 =	vmul.f32 v5, v51;
	v4 =	vmul.f32 v4, v11;
	_ =	sdelay $0x1  }
0x180: {  	v3 =	vsub.f32 v3, v6;
	v4 =	vsub.f32 v5, v4;
	_ =	sdelay $0x1  }
0x181: {  	v3 =	vadd.f32 v3, v3;
	v4 =	vsub.f32 v4, v6;
	_ =	sdelay $0x1  }
0x182: {  	v3 =	vadd.f32 $3.000000000e+00, v3;
	v4 =	vadd.f32 v4, v4;
	_ =	sdelay $0x1  }
0x183: {  	v3 =	vmax.f32 v3, $1.000000000e-30;
	v4 =	vadd.f32 $3.000000000e+00, v4  }
0x184: {  	v55 =	vshrl.u32 v3, $0x1;
	v56 =	vmul.f32 $5.000000000e-01, v3  }
0x185: {  	v5 =	vsub.s32 $0x5F3759DF, v55;
	v4 =	vmax.f32 v4, $1.000000000e-30  }
0x186: {  	v57 =	vmul.f32 v5, v56;
	v58 =	vshrl.u32 v4, $0x1;
	v59 =	vmul.f32 $5.000000000e-01, v4  }
0x187: {  	v8 =	vsub.s32 $0x5F3759DF, v58  }
0x188: {  	v7 =	vmul.f32 v5, v57;
	v60 =	vmul.f32 v8, v59;
	_ =	sdelay $0x1  }
0x189: {  	v7 =	vsub.f32 $1.500000000e+00, v7;
	v10 =	vmul.f32 v8, v60;
	_ =	sdelay $0x1  }
0x18a: {  	v5 =	vmul.f32 v5, v7;
	v61 =	vsub.f32 $1.500000000e+00, v10;
	_ =	sdelay $0x1  }
0x18b: {  	v6 =	vmul.f32 v5, v56;
	v7 =	vmul.f32 v8, v61;
	_ =	sdelay $0x1  }
0x18c: {  	v6 =	vmul.f32 v6, v5;
	v8 =	vmul.f32 v7, v59;
	_ =	sdelay $0x1  }
0x18d: {  	v6 =	vsub.f32 $1.500000000e+00, v6;
	v8 =	vmul.f32 v8, v7;
	_ =	sdelay $0x1  }
0x18e: {  	v5 =	vmul.f32 v6, v5;
	v62 =	vsub.f32 $1.500000000e+00, v8;
	_ =	sdelay $0x1  }
0x18f: {  	v3 =	vmul.f32 v5, v3;
	v63 =	vmul.f32 v62, v7  }
0x190: {  	s2 =	sadd.s32 $0x1, s2  }
0x191: {  	p0 =	sne.s32 s2, $0x4;
	v3 =	vadd.f32 $1.000000000e+00, v3;
	v4 =	vmul.f32 v63, v4  }
.Ltmp5:
0x192: {  	_ = 	snop;
	(pc) =	sbr.rel @p0 .LBB2_10-.Ltmp5, $3  }
0x193: {  	v3 =	vsub.f32 v3, v4;
	_ =	sdelay $0x1  }
0x194: {  	v3 =	vmax.f32 v3, $0.0e+00  }
0x195: {  	v2 =	vadd.f32 v3, v2  }
0x196: {  	s0 =	simm.s32 $0x100  }
0x197: {  	[tilespmem:s17], [sflag:$0x1] =	stream.indirect.gather [hbm4b:s1+s16], $0x80, s0, s16, $0xb8;
	[tilespmem:$0x10880] =	vst v63  }
0x198: {  	s2 =	simm.s32 $0x300  }
0x199: {  	[tilespmem:s18], [sflag:$0x1] =	stream.indirect.gather [hbm4b:s3+s16], $0x80, s2, s16, $0xb8;
	[tilespmem:$0x10880] =	vst v63  }
0x19a: {  	s22 =	simm.s32 $0x500  }
0x19b: {  	[tilespmem:s19], [sflag:$0x1] =	stream.indirect.gather [hbm4b:s1+s16], $0x80, s22, s16, $0xb8;
	[tilespmem:$0x10880] =	vst v63  }
0x19c: {  	s24 =	simm.s32 $0x700  }
0x19d: {  	[tilespmem:s20], [sflag:$0x1] =	stream.indirect.gather [hbm4b:s1+s16], $0x80, s24, s16, $0xb8;
	[tilespmem:$0x10880] =	vst v63  }
0x19e: {  	_ =	swait.ge [sflag:s15], $0x2000  }
0x19f: {  	[sflag:s15] =	ssyncset.done $0x0  }
0x1a0: {  	[sflag:s15] =	ssyncadd.s32 $0xFFFFE000  }
0x1a1: {  	_ =	swait.ge [sflag:s15], $0x2000  }
0x1a2: {  	[sflag:s15] =	ssyncset.done $0x0  }
0x1a3: {  	[sflag:s15] =	ssyncadd.s32 $0xFFFFE000  }
0x1a4: {  	_ =	swait.ge [sflag:s15], $0x2000  }
0x1a5: {  	[sflag:s15] =	ssyncset.done $0x0  }
0x1a6: {  	[sflag:s15] =	ssyncadd.s32 $0xFFFFE000  }
0x1a7: {  	_ =	swait.ge [sflag:s15], $0x2000  }
0x1a8: {  	[sflag:s15] =	ssyncset.done $0x0  }
0x1a9: {  	s0 =	simm.s32 $0x0;
	s2 =	simm.s32 $0x0;
	[sflag:s15] =	ssyncadd.s32 $0xFFFFE000  }
.LBB2_14:
0x1aa: {  	s22 =	sshll.u32 s2, $0x4  }
0x1ab: {  	v3 =	vmov s22  }
0x1ac: {  	v4 =	vadd.s32 s0, v0;
	v3 =	vshll.u32 v3, $0x7  }
0x1ad: {  	v9 =	vor.u32 v1, v3;
	v3 =	vand.u32 $0x7F, v4  }
0x1ae: {  	v3 =	vor.u32 v9, v3;
	_ =	sdelay $0x1  }
0x1af: {  	s24 =	simm.s32 $0x1  }
0x1b0: {  	v4 =	vadd.s32 s24, v0  }
0x1b1: {  	v4 =	vand.u32 $0x7F, v4  }
0x1b2: {  	v4 =	vor.u32 v9, v4;
	v5 =	vld.idx.msk [tilespmem:v3+s21+$0x0], $0xffff  }
0x1b3: {  	v6 =	vld.idx.msk [tilespmem:v3+s23+$0x0], $0xffff  }
0x1b4: {  	v7 =	vld.idx.msk [tilespmem:v3+s25+$0x0], $0xffff  }
0x1b5: {  	v3 =	vld.idx.msk [tilespmem:v3+s28+$0x0], $0xffff;
	_ =	sdelay $0x1  }
0x1b6: {  	s24 =	simm.s32 $0x2;
	v8 =	vld.idx.msk [tilespmem:v4+s21+$0x0], $0xffff  }
0x1b7: {  	v10 =	vadd.s32 s24, v0;
	v19 =	vld.idx.msk [tilespmem:v4+s23+$0x0], $0xffff  }
0x1b8: {  	v10 =	vand.u32 $0x7F, v10;
	v22 =	vld.idx.msk [tilespmem:v4+s25+$0x0], $0xffff;
	v12 =	vmul.f32 v6, v5;
	v14 =	vmul.f32 v7, v5  }
0x1b9: {  	v21 =	vor.u32 v9, v10;
	v16 =	vld.idx.msk [tilespmem:v4+s28+$0x0], $0xffff;
	v4 =	vmul.f32 v7, v6;
	v10 =	vmul.f32 v3, v6  }
0x1ba: {  	v13 =	vimm.f32 $0.0e+00;
	s24 =	simm.s32 $0x3;
	v20 =	vmul.f32 v3, v7;
	v24 =	vmul.f32 v5, v5  }
0x1bb: {  	v11 =	vadd.s32 s24, v0;
	v25 =	vmul.f32 v6, v6;
	v17 =	vmul.f32 v7, v7  }
0x1bc: {  	v11 =	vand.u32 $0x7F, v11;
	v18 =	vmul.f32 v3, v3;
	v23 =	vmul.f32 v19, v8  }
0x1bd: {  	v15 =	vor.u32 v9, v11;
	v5 =	vmul.f32 v22, v8;
	v6 =	vmul.f32 v22, v19  }
0x1be: {  	v27 =	vmul.f32 v16, v22;
	v12 =	vadd.f32 v12, v13;
	v7 =	vadd.f32 v14, v13  }
0x1bf: {  	v11 =	vld.idx.msk [tilespmem:v21+s23+$0x0], $0xffff;
	v22 =	vmul.f32 v22, v22;
	v4 =	vadd.f32 v4, v13;
	v26 =	vadd.f32 v20, v13  }
0x1c0: {  	v14 =	vld.idx.msk [tilespmem:v21+s21+$0x0], $0xffff;
	v3 =	vadd.f32 v23, v12;
	v12 =	vmul.f32 v16, v19;
	v23 =	vadd.f32 v10, v13  }
0x1c1: {  	v20 =	vmul.f32 v8, v8;
	v7 =	vadd.f32 v5, v7;
	v10 =	vld.idx.msk [tilespmem:v21+s25+$0x0], $0xffff;
	v6 =	vadd.f32 v6, v4  }
0x1c2: {  	v4 =	vadd.f32 v27, v26;
	v5 =	vadd.f32 v12, v23;
	v12 =	vld.idx.msk [tilespmem:v21+s28+$0x0], $0xffff;
	v21 =	vmul.f32 v19, v19  }
0x1c3: {  	s22 =	simm.s32 $0x4;
	v8 =	vld.idx.msk [tilespmem:v15+s21+$0x0], $0xffff;
	v23 =	vadd.f32 v24, v13;
	v24 =	vadd.f32 v25, v13;
	v19 =	vimm.f32 $0.0e+00  }
.LBB2_15:
0x1c4: {  	p0 =	slt.u32 s22, $0x7E;
	v25 =	vld.idx.msk [tilespmem:v15+s23+$0x0], $0xffff;
	v13 =	vadd.f32 v17, v13;
	v17 =	vadd.f32 v18, v19;
	v16 =	vmul.f32 v16, v16  }
0x1c5: {  	v18 =	vadd.s32 s22, v0;
	s24 =	sadd.s32 $0x1, s22;
	v23 =	vadd.f32 v20, v23;
	v24 =	vadd.f32 v21, v24  }
0x1c6: {  	v20 =	vadd.s32 s24, v0;
	v26 =	vld.idx.msk [tilespmem:v15+s25+$0x0], $0xffff;
	v13 =	vadd.f32 v22, v13;
	v19 =	vadd.f32 v16, v17  }
0x1c7: {  	v17 =	vand.u32 $0x7F, v18;
	v18 =	vmul.f32 v11, v14;
	v21 =	vmul.f32 v10, v14;
	v16 =	vld.idx.msk [tilespmem:v15+s28+$0x0], $0xffff  }
0x1c8: {  	v27 =	vmul.f32 v10, v11;
	v22 =	vor.u32 v9, v17;
	v28 =	vmul.f32 v12, v11  }
0x1c9: {  	v29 =	vmul.f32 v14, v14;
	v15 =	vand.u32 $0x7F, v20;
	v20 =	vmul.f32 v12, v10  }
0x1ca: {  	v30 =	vmul.f32 v11, v11;
	v3 =	vadd.f32 v18, v3;
	v11 =	vmul.f32 v25, v8  }
0x1cb: {  	v17 =	vmul.f32 v10, v10;
	v15 =	vor.u32 v9, v15;
	v18 =	vmul.f32 v12, v12  }
0x1cc: {  	v3 =	vadd.f32 v11, v3;
	v12 =	vmul.f32 v26, v8;
	v31 =	vmul.f32 v26, v25  }
.Ltmp6:
0x1cd: {  	v7 =	vadd.f32 v21, v7;
	v6 =	vadd.f32 v27, v6;
	v21 =	vmul.f32 v16, v25;
	v14 =	vld.idx.msk [tilespmem:v22+s21+$0x0], $0xffff;
	(pc) =	sbr.rel @p0 .LBB2_15-.Ltmp6, $4  }
0x1ce: {  	v5 =	vadd.f32 v28, v5;
	v4 =	vadd.f32 v20, v4;
	v27 =	vmul.f32 v16, v26;
	v11 =	vld.idx.msk [tilespmem:v22+s23+$0x0], $0xffff  }
0x1cf: {  	v20 =	vmul.f32 v8, v8;
	v7 =	vadd.f32 v12, v7;
	v6 =	vadd.f32 v31, v6;
	v10 =	vld.idx.msk [tilespmem:v22+s25+$0x0], $0xffff  }
0x1d0: {  	v5 =	vadd.f32 v21, v5;
	v4 =	vadd.f32 v27, v4;
	v21 =	vmul.f32 v25, v25;
	v12 =	vld.idx.msk [tilespmem:v22+s28+$0x0], $0xffff  }
0x1d1: {  	s22 =	sadd.s32 $0x2, s22;
	v23 =	vadd.f32 v29, v23;
	v24 =	vadd.f32 v30, v24;
	v22 =	vmul.f32 v26, v26;
	v8 =	vld.idx.msk [tilespmem:v15+s21+$0x0], $0xffff  }
0x1d2: {  	_ =	sdelay $0x3  }
0x1d3: {  	v9 =	vld.idx.msk [tilespmem:v15+s23+$0x0], $0xffff;
	v13 =	vadd.f32 v17, v13;
	v51 =	vadd.f32 v18, v19  }
0x1d4: {  	v16 =	vmul.f32 v16, v16;
	v53 =	vld.idx.msk [tilespmem:v15+s25+$0x0], $0xffff;
	v55 =	vmul.f32 v14, v14;
	v52 =	vadd.f32 v20, v23  }
0x1d5: {  	v57 =	vld.idx.msk [tilespmem:v15+s28+$0x0], $0xffff;
	v54 =	vadd.f32 v21, v24;
	v56 =	vmul.f32 v11, v14;
	v58 =	vmul.f32 v11, v11  }
0x1d6: {  	v13 =	vadd.f32 v22, v13;
	v16 =	vadd.f32 v16, v51;
	v59 =	vmul.f32 v10, v10  }
0x1d7: {  	v63 =	vmul.f32 v10, v14;
	v32 =	vmul.f32 v10, v11;
	v18 =	vadd.f32 v55, v52  }
0x1d8: {  	v61 =	vmul.f32 v12, v12;
	v20 =	vadd.f32 v58, v54;
	v60 =	vmul.f32 v8, v8  }
0x1d9: {  	v13 =	vadd.f32 v59, v13;
	v25 =	vmul.f32 v9, v9;
	v62 =	vmul.f32 v53, v53  }
0x1da: {  	v16 =	vadd.f32 v61, v16;
	v29 =	vmul.f32 v57, v57;
	v18 =	vadd.f32 v60, v18  }
0x1db: {  	v35 =	vmul.f32 v12, v11;
	v36 =	vmul.f32 v12, v10;
	v20 =	vadd.f32 v25, v20  }
0x1dc: {  	v13 =	vadd.f32 v62, v13;
	v16 =	vadd.f32 v29, v16;
	v18 =	vmax.f32 v18, $1.000000020e-24  }
0x1dd: {  	v40 =	vmul.f32 v9, v8;
	v30 =	vshrl.u32 v18, $0x1;
	v18 =	vmul.f32 $5.000000000e-01, v18  }
0x1de: {  	v20 =	vmax.f32 v20, $1.000000020e-24;
	v13 =	vmax.f32 v13, $1.000000020e-24;
	v16 =	vmax.f32 v16, $1.000000020e-24  }
0x1df: {  	v22 =	vsub.s32 $0x5F3759DF, v30;
	v31 =	vshrl.u32 v20, $0x1;
	v20 =	vmul.f32 $5.000000000e-01, v20  }
0x1e0: {  	v26 =	vshrl.u32 v13, $0x1;
	v13 =	vmul.f32 $5.000000000e-01, v13;
	v23 =	vsub.s32 $0x5F3759DF, v31  }
0x1e1: {  	v33 =	vmul.f32 v22, v18;
	v26 =	vsub.s32 $0x5F3759DF, v26;
	v34 =	vmul.f32 v23, v20  }
0x1e2: {  	v28 =	vshrl.u32 v16, $0x1;
	v16 =	vmul.f32 $5.000000000e-01, v16;
	v27 =	vmul.f32 v26, v13  }
0x1e3: {  	v28 =	vsub.s32 $0x5F3759DF, v28;
	v25 =	vmul.f32 v22, v33;
	v21 =	vmul.f32 v23, v34  }
0x1e4: {  	v29 =	vmul.f32 v28, v16;
	v27 =	vmul.f32 v26, v27  }
0x1e5: {  	v41 =	vmul.f32 v53, v8;
	v25 =	vsub.f32 $1.500000000e+00, v25;
	v21 =	vsub.f32 $1.500000000e+00, v21  }
0x1e6: {  	v42 =	vmul.f32 v53, v9;
	v39 =	vmul.f32 v28, v29;
	v38 =	vsub.f32 $1.500000000e+00, v27  }
0x1e7: {  	v37 =	vmul.f32 v22, v25;
	v21 =	vmul.f32 v23, v21  }
0x1e8: {  	v9 =	vmul.f32 v57, v9;
	v22 =	vmul.f32 v26, v38;
	v23 =	vsub.f32 $1.500000000e+00, v39  }
0x1e9: {  	v3 =	vadd.f32 v56, v3;
	v43 =	vmul.f32 v37, v18;
	v44 =	vmul.f32 v21, v20  }
0x1ea: {  	v7 =	vadd.f32 v63, v7;
	v13 =	vmul.f32 v22, v13;
	v45 =	vmul.f32 v28, v23  }
0x1eb: {  	v6 =	vadd.f32 v32, v6;
	v17 =	vmul.f32 v43, v37;
	v18 =	vmul.f32 v44, v21  }
0x1ec: {  	v5 =	vadd.f32 v35, v5;
	v46 =	vmul.f32 v13, v22;
	v47 =	vmul.f32 v45, v16  }
0x1ed: {  	v4 =	vadd.f32 v36, v4;
	v15 =	vmul.f32 v57, v53;
	v48 =	vsub.f32 $1.500000000e+00, v17  }
0x1ee: {  	v49 =	vsub.f32 $1.500000000e+00, v18;
	v11 =	vsub.f32 $1.500000000e+00, v46;
	v13 =	vmul.f32 v47, v45  }
0x1ef: {  	v3 =	vadd.f32 v40, v3;
	v7 =	vadd.f32 v41, v7;
	v50 =	vmul.f32 v48, v37  }
0x1f0: {  	v51 =	vmul.f32 v49, v21;
	v11 =	vmul.f32 v11, v22;
	v52 =	vsub.f32 $1.500000000e+00, v13  }
0x1f1: {  	v5 =	vadd.f32 v9, v5;
	v3 =	vmul.f32 v50, v3;
	v7 =	vmul.f32 v50, v7  }
0x1f2: {  	v4 =	vadd.f32 v15, v4;
	v53 =	vmul.f32 v52, v45;
	v54 =	vmul.f32 v11, v51  }
0x1f3: {  	v6 =	vadd.f32 v42, v6;
	v3 =	vmul.f32 v51, v3;
	v7 =	vmul.f32 v11, v7  }
0x1f4: {  	v5 =	vmul.f32 v53, v5;
	v4 =	vmul.f32 v53, v4  }
0x1f5: {  	v6 =	vmul.f32 v54, v6  }
0x1f6: {  	v3 =	vsub.f32 v3, v7;
	v5 =	vmul.f32 v5, v51;
	v4 =	vmul.f32 v4, v11;
	_ =	sdelay $0x1  }
0x1f7: {  	v3 =	vsub.f32 v3, v6;
	v4 =	vsub.f32 v5, v4;
	_ =	sdelay $0x1  }
0x1f8: {  	v3 =	vadd.f32 v3, v3;
	v4 =	vsub.f32 v4, v6;
	_ =	sdelay $0x1  }
0x1f9: {  	v3 =	vadd.f32 $3.000000000e+00, v3;
	v4 =	vadd.f32 v4, v4;
	_ =	sdelay $0x1  }
0x1fa: {  	v3 =	vmax.f32 v3, $1.000000000e-30;
	v4 =	vadd.f32 $3.000000000e+00, v4  }
0x1fb: {  	v55 =	vshrl.u32 v3, $0x1;
	v56 =	vmul.f32 $5.000000000e-01, v3  }
0x1fc: {  	v5 =	vsub.s32 $0x5F3759DF, v55;
	v4 =	vmax.f32 v4, $1.000000000e-30  }
0x1fd: {  	v57 =	vmul.f32 v5, v56;
	v58 =	vshrl.u32 v4, $0x1;
	v59 =	vmul.f32 $5.000000000e-01, v4  }
0x1fe: {  	v8 =	vsub.s32 $0x5F3759DF, v58  }
0x1ff: {  	v7 =	vmul.f32 v5, v57;
	v60 =	vmul.f32 v8, v59;
	_ =	sdelay $0x1  }
0x200: {  	v7 =	vsub.f32 $1.500000000e+00, v7;
	v10 =	vmul.f32 v8, v60;
	_ =	sdelay $0x1  }
0x201: {  	v5 =	vmul.f32 v5, v7;
	v61 =	vsub.f32 $1.500000000e+00, v10;
	_ =	sdelay $0x1  }
0x202: {  	v6 =	vmul.f32 v5, v56;
	v7 =	vmul.f32 v8, v61;
	_ =	sdelay $0x1  }
0x203: {  	v6 =	vmul.f32 v6, v5;
	v8 =	vmul.f32 v7, v59;
	_ =	sdelay $0x1  }
0x204: {  	v6 =	vsub.f32 $1.500000000e+00, v6;
	v8 =	vmul.f32 v8, v7;
	_ =	sdelay $0x1  }
0x205: {  	v5 =	vmul.f32 v6, v5;
	v62 =	vsub.f32 $1.500000000e+00, v8;
	_ =	sdelay $0x1  }
0x206: {  	v3 =	vmul.f32 v5, v3;
	v63 =	vmul.f32 v62, v7  }
0x207: {  	s2 =	sadd.s32 $0x1, s2  }
0x208: {  	p0 =	sne.s32 s2, $0x4;
	v3 =	vadd.f32 $1.000000000e+00, v3;
	v4 =	vmul.f32 v63, v4  }
.Ltmp7:
0x209: {  	_ = 	snop;
	(pc) =	sbr.rel @p0 .LBB2_14-.Ltmp7, $3  }
0x20a: {  	v3 =	vsub.f32 v3, v4;
	_ =	sdelay $0x1  }
0x20b: {  	v3 =	vmax.f32 v3, $0.0e+00  }
0x20c: {  	v2 =	vadd.f32 v3, v2  }
0x20d: {  	s0 =	simm.s32 $0x140  }
0x20e: {  	[tilespmem:s21], [sflag:$0x2] =	stream.indirect.gather [hbm4b:s1+s16], $0x80, s0, s16, $0xb8;
	[tilespmem:$0x10880] =	vst v63  }
0x20f: {  	s2 =	simm.s32 $0x340  }
0x210: {  	[tilespmem:s23], [sflag:$0x2] =	stream.indirect.gather [hbm4b:s3+s16], $0x80, s2, s16, $0xb8;
	[tilespmem:$0x10880] =	vst v63  }
0x211: {  	s22 =	simm.s32 $0x540  }
0x212: {  	[tilespmem:s25], [sflag:$0x2] =	stream.indirect.gather [hbm4b:s1+s16], $0x80, s22, s16, $0xb8;
	[tilespmem:$0x10880] =	vst v63  }
0x213: {  	s24 =	simm.s32 $0x740  }
0x214: {  	[tilespmem:s28], [sflag:$0x2] =	stream.indirect.gather [hbm4b:s1+s16], $0x80, s24, s16, $0xb8;
	[tilespmem:$0x10880] =	vst v63  }
0x215: {  	_ =	swait.ge [sflag:s14], $0x2000  }
0x216: {  	[sflag:s14] =	ssyncset.done $0x0  }
0x217: {  	[sflag:s14] =	ssyncadd.s32 $0xFFFFE000  }
0x218: {  	_ =	swait.ge [sflag:s14], $0x2000  }
0x219: {  	[sflag:s14] =	ssyncset.done $0x0  }
0x21a: {  	[sflag:s14] =	ssyncadd.s32 $0xFFFFE000  }
0x21b: {  	_ =	swait.ge [sflag:s14], $0x2000  }
0x21c: {  	[sflag:s14] =	ssyncset.done $0x0  }
0x21d: {  	[sflag:s14] =	ssyncadd.s32 $0xFFFFE000  }
0x21e: {  	_ =	swait.ge [sflag:s14], $0x2000  }
0x21f: {  	[sflag:s14] =	ssyncset.done $0x0  }
0x220: {  	s0 =	simm.s32 $0x0;
	s2 =	simm.s32 $0x0;
	[sflag:s14] =	ssyncadd.s32 $0xFFFFE000  }
.LBB2_18:
0x221: {  	s22 =	sshll.u32 s2, $0x4  }
0x222: {  	v3 =	vmov s22  }
0x223: {  	v4 =	vadd.s32 s0, v0;
	v3 =	vshll.u32 v3, $0x7  }
0x224: {  	v9 =	vor.u32 v1, v3;
	v3 =	vand.u32 $0x7F, v4  }
0x225: {  	v3 =	vor.u32 v9, v3;
	_ =	sdelay $0x1  }
0x226: {  	s24 =	simm.s32 $0x1  }
0x227: {  	v4 =	vadd.s32 s24, v0  }
0x228: {  	v4 =	vand.u32 $0x7F, v4  }
0x229: {  	v4 =	vor.u32 v9, v4;
	v5 =	vld.idx.msk [tilespmem:v3+s17+$0x0], $0xffff  }
0x22a: {  	v6 =	vld.idx.msk [tilespmem:v3+s18+$0x0], $0xffff  }
0x22b: {  	v7 =	vld.idx.msk [tilespmem:v3+s19+$0x0], $0xffff  }
0x22c: {  	v3 =	vld.idx.msk [tilespmem:v3+s20+$0x0], $0xffff;
	_ =	sdelay $0x1  }
0x22d: {  	s24 =	simm.s32 $0x2;
	v8 =	vld.idx.msk [tilespmem:v4+s17+$0x0], $0xffff  }
0x22e: {  	v10 =	vadd.s32 s24, v0;
	v19 =	vld.idx.msk [tilespmem:v4+s18+$0x0], $0xffff  }
0x22f: {  	v10 =	vand.u32 $0x7F, v10;
	v22 =	vld.idx.msk [tilespmem:v4+s19+$0x0], $0xffff;
	v12 =	vmul.f32 v6, v5;
	v14 =	vmul.f32 v7, v5  }
0x230: {  	v21 =	vor.u32 v9, v10;
	v16 =	vld.idx.msk [tilespmem:v4+s20+$0x0], $0xffff;
	v4 =	vmul.f32 v7, v6;
	v10 =	vmul.f32 v3, v6  }
0x231: {  	v13 =	vimm.f32 $0.0e+00;
	s24 =	simm.s32 $0x3;
	v20 =	vmul.f32 v3, v7;
	v24 =	vmul.f32 v5, v5  }
0x232: {  	v11 =	vadd.s32 s24, v0;
	v25 =	vmul.f32 v6, v6;
	v17 =	vmul.f32 v7, v7  }
0x233: {  	v11 =	vand.u32 $0x7F, v11;
	v18 =	vmul.f32 v3, v3;
	v23 =	vmul.f32 v19, v8  }
0x234: {  	v15 =	vor.u32 v9, v11;
	v5 =	vmul.f32 v22, v8;
	v6 =	vmul.f32 v22, v19  }
0x235: {  	v27 =	vmul.f32 v16, v22;
	v12 =	vadd.f32 v12, v13;
	v7 =	vadd.f32 v14, v13  }
0x236: {  	v11 =	vld.idx.msk [tilespmem:v21+s18+$0x0], $0xffff;
	v22 =	vmul.f32 v22, v22;
	v4 =	vadd.f32 v4, v13;
	v26 =	vadd.f32 v20, v13  }
0x237: {  	v14 =	vld.idx.msk [tilespmem:v21+s17+$0x0], $0xffff;
	v3 =	vadd.f32 v23, v12;
	v12 =	vmul.f32 v16, v19;
	v23 =	vadd.f32 v10, v13  }
0x238: {  	v20 =	vmul.f32 v8, v8;
	v7 =	vadd.f32 v5, v7;
	v10 =	vld.idx.msk [tilespmem:v21+s19+$0x0], $0xffff;
	v6 =	vadd.f32 v6, v4  }
0x239: {  	v4 =	vadd.f32 v27, v26;
	v5 =	vadd.f32 v12, v23;
	v12 =	vld.idx.msk [tilespmem:v21+s20+$0x0], $0xffff;
	v21 =	vmul.f32 v19, v19  }
0x23a: {  	s22 =	simm.s32 $0x4;
	v8 =	vld.idx.msk [tilespmem:v15+s17+$0x0], $0xffff;
	v23 =	vadd.f32 v24, v13;
	v24 =	vadd.f32 v25, v13;
	v19 =	vimm.f32 $0.0e+00  }
.LBB2_19:
0x23b: {  	p0 =	slt.u32 s22, $0x7E;
	v25 =	vld.idx.msk [tilespmem:v15+s18+$0x0], $0xffff;
	v13 =	vadd.f32 v17, v13;
	v17 =	vadd.f32 v18, v19;
	v16 =	vmul.f32 v16, v16  }
0x23c: {  	v18 =	vadd.s32 s22, v0;
	s24 =	sadd.s32 $0x1, s22;
	v23 =	vadd.f32 v20, v23;
	v24 =	vadd.f32 v21, v24  }
0x23d: {  	v20 =	vadd.s32 s24, v0;
	v26 =	vld.idx.msk [tilespmem:v15+s19+$0x0], $0xffff;
	v13 =	vadd.f32 v22, v13;
	v19 =	vadd.f32 v16, v17  }
0x23e: {  	v17 =	vand.u32 $0x7F, v18;
	v18 =	vmul.f32 v11, v14;
	v21 =	vmul.f32 v10, v14;
	v16 =	vld.idx.msk [tilespmem:v15+s20+$0x0], $0xffff  }
0x23f: {  	v27 =	vmul.f32 v10, v11;
	v22 =	vor.u32 v9, v17;
	v28 =	vmul.f32 v12, v11  }
0x240: {  	v29 =	vmul.f32 v14, v14;
	v15 =	vand.u32 $0x7F, v20;
	v20 =	vmul.f32 v12, v10  }
0x241: {  	v30 =	vmul.f32 v11, v11;
	v3 =	vadd.f32 v18, v3;
	v11 =	vmul.f32 v25, v8  }
0x242: {  	v17 =	vmul.f32 v10, v10;
	v15 =	vor.u32 v9, v15;
	v18 =	vmul.f32 v12, v12  }
0x243: {  	v3 =	vadd.f32 v11, v3;
	v12 =	vmul.f32 v26, v8;
	v31 =	vmul.f32 v26, v25  }
.Ltmp8:
0x244: {  	v7 =	vadd.f32 v21, v7;
	v6 =	vadd.f32 v27, v6;
	v21 =	vmul.f32 v16, v25;
	v14 =	vld.idx.msk [tilespmem:v22+s17+$0x0], $0xffff;
	(pc) =	sbr.rel @p0 .LBB2_19-.Ltmp8, $4  }
0x245: {  	v5 =	vadd.f32 v28, v5;
	v4 =	vadd.f32 v20, v4;
	v27 =	vmul.f32 v16, v26;
	v11 =	vld.idx.msk [tilespmem:v22+s18+$0x0], $0xffff  }
0x246: {  	v20 =	vmul.f32 v8, v8;
	v7 =	vadd.f32 v12, v7;
	v6 =	vadd.f32 v31, v6;
	v10 =	vld.idx.msk [tilespmem:v22+s19+$0x0], $0xffff  }
0x247: {  	v5 =	vadd.f32 v21, v5;
	v4 =	vadd.f32 v27, v4;
	v21 =	vmul.f32 v25, v25;
	v12 =	vld.idx.msk [tilespmem:v22+s20+$0x0], $0xffff  }
0x248: {  	s22 =	sadd.s32 $0x2, s22;
	v23 =	vadd.f32 v29, v23;
	v24 =	vadd.f32 v30, v24;
	v22 =	vmul.f32 v26, v26;
	v8 =	vld.idx.msk [tilespmem:v15+s17+$0x0], $0xffff  }
0x249: {  	_ =	sdelay $0x3  }
0x24a: {  	v9 =	vld.idx.msk [tilespmem:v15+s18+$0x0], $0xffff;
	v13 =	vadd.f32 v17, v13;
	v51 =	vadd.f32 v18, v19  }
0x24b: {  	v16 =	vmul.f32 v16, v16;
	v53 =	vld.idx.msk [tilespmem:v15+s19+$0x0], $0xffff;
	v55 =	vmul.f32 v14, v14;
	v52 =	vadd.f32 v20, v23  }
0x24c: {  	v57 =	vld.idx.msk [tilespmem:v15+s20+$0x0], $0xffff;
	v54 =	vadd.f32 v21, v24;
	v56 =	vmul.f32 v11, v14;
	v58 =	vmul.f32 v11, v11  }
0x24d: {  	v13 =	vadd.f32 v22, v13;
	v16 =	vadd.f32 v16, v51;
	v59 =	vmul.f32 v10, v10  }
0x24e: {  	v63 =	vmul.f32 v10, v14;
	v32 =	vmul.f32 v10, v11;
	v18 =	vadd.f32 v55, v52  }
0x24f: {  	v61 =	vmul.f32 v12, v12;
	v20 =	vadd.f32 v58, v54;
	v60 =	vmul.f32 v8, v8  }
0x250: {  	v13 =	vadd.f32 v59, v13;
	v25 =	vmul.f32 v9, v9;
	v62 =	vmul.f32 v53, v53  }
0x251: {  	v16 =	vadd.f32 v61, v16;
	v29 =	vmul.f32 v57, v57;
	v18 =	vadd.f32 v60, v18  }
0x252: {  	v35 =	vmul.f32 v12, v11;
	v36 =	vmul.f32 v12, v10;
	v20 =	vadd.f32 v25, v20  }
0x253: {  	v13 =	vadd.f32 v62, v13;
	v16 =	vadd.f32 v29, v16;
	v18 =	vmax.f32 v18, $1.000000020e-24  }
0x254: {  	v40 =	vmul.f32 v9, v8;
	v30 =	vshrl.u32 v18, $0x1;
	v18 =	vmul.f32 $5.000000000e-01, v18  }
0x255: {  	v20 =	vmax.f32 v20, $1.000000020e-24;
	v13 =	vmax.f32 v13, $1.000000020e-24;
	v16 =	vmax.f32 v16, $1.000000020e-24  }
0x256: {  	v22 =	vsub.s32 $0x5F3759DF, v30;
	v31 =	vshrl.u32 v20, $0x1;
	v20 =	vmul.f32 $5.000000000e-01, v20  }
0x257: {  	v26 =	vshrl.u32 v13, $0x1;
	v13 =	vmul.f32 $5.000000000e-01, v13;
	v23 =	vsub.s32 $0x5F3759DF, v31  }
0x258: {  	v33 =	vmul.f32 v22, v18;
	v26 =	vsub.s32 $0x5F3759DF, v26;
	v34 =	vmul.f32 v23, v20  }
0x259: {  	v28 =	vshrl.u32 v16, $0x1;
	v16 =	vmul.f32 $5.000000000e-01, v16;
	v27 =	vmul.f32 v26, v13  }
0x25a: {  	v28 =	vsub.s32 $0x5F3759DF, v28;
	v25 =	vmul.f32 v22, v33;
	v21 =	vmul.f32 v23, v34  }
0x25b: {  	v29 =	vmul.f32 v28, v16;
	v27 =	vmul.f32 v26, v27  }
0x25c: {  	v41 =	vmul.f32 v53, v8;
	v25 =	vsub.f32 $1.500000000e+00, v25;
	v21 =	vsub.f32 $1.500000000e+00, v21  }
0x25d: {  	v42 =	vmul.f32 v53, v9;
	v39 =	vmul.f32 v28, v29;
	v38 =	vsub.f32 $1.500000000e+00, v27  }
0x25e: {  	v37 =	vmul.f32 v22, v25;
	v21 =	vmul.f32 v23, v21  }
0x25f: {  	v9 =	vmul.f32 v57, v9;
	v22 =	vmul.f32 v26, v38;
	v23 =	vsub.f32 $1.500000000e+00, v39  }
0x260: {  	v3 =	vadd.f32 v56, v3;
	v43 =	vmul.f32 v37, v18;
	v44 =	vmul.f32 v21, v20  }
0x261: {  	v7 =	vadd.f32 v63, v7;
	v13 =	vmul.f32 v22, v13;
	v45 =	vmul.f32 v28, v23  }
0x262: {  	v6 =	vadd.f32 v32, v6;
	v17 =	vmul.f32 v43, v37;
	v18 =	vmul.f32 v44, v21  }
0x263: {  	v5 =	vadd.f32 v35, v5;
	v46 =	vmul.f32 v13, v22;
	v47 =	vmul.f32 v45, v16  }
0x264: {  	v4 =	vadd.f32 v36, v4;
	v15 =	vmul.f32 v57, v53;
	v48 =	vsub.f32 $1.500000000e+00, v17  }
0x265: {  	v49 =	vsub.f32 $1.500000000e+00, v18;
	v11 =	vsub.f32 $1.500000000e+00, v46;
	v13 =	vmul.f32 v47, v45  }
0x266: {  	v3 =	vadd.f32 v40, v3;
	v7 =	vadd.f32 v41, v7;
	v50 =	vmul.f32 v48, v37  }
0x267: {  	v51 =	vmul.f32 v49, v21;
	v11 =	vmul.f32 v11, v22;
	v52 =	vsub.f32 $1.500000000e+00, v13  }
0x268: {  	v5 =	vadd.f32 v9, v5;
	v3 =	vmul.f32 v50, v3;
	v7 =	vmul.f32 v50, v7  }
0x269: {  	v4 =	vadd.f32 v15, v4;
	v53 =	vmul.f32 v52, v45;
	v54 =	vmul.f32 v11, v51  }
0x26a: {  	v6 =	vadd.f32 v42, v6;
	v3 =	vmul.f32 v51, v3;
	v7 =	vmul.f32 v11, v7  }
0x26b: {  	v5 =	vmul.f32 v53, v5;
	v4 =	vmul.f32 v53, v4  }
0x26c: {  	v6 =	vmul.f32 v54, v6  }
0x26d: {  	v3 =	vsub.f32 v3, v7;
	v5 =	vmul.f32 v5, v51;
	v4 =	vmul.f32 v4, v11;
	_ =	sdelay $0x1  }
0x26e: {  	v3 =	vsub.f32 v3, v6;
	v4 =	vsub.f32 v5, v4;
	_ =	sdelay $0x1  }
0x26f: {  	v3 =	vadd.f32 v3, v3;
	v4 =	vsub.f32 v4, v6;
	_ =	sdelay $0x1  }
0x270: {  	v3 =	vadd.f32 $3.000000000e+00, v3;
	v4 =	vadd.f32 v4, v4;
	_ =	sdelay $0x1  }
0x271: {  	v3 =	vmax.f32 v3, $1.000000000e-30;
	v4 =	vadd.f32 $3.000000000e+00, v4  }
0x272: {  	v55 =	vshrl.u32 v3, $0x1;
	v56 =	vmul.f32 $5.000000000e-01, v3  }
0x273: {  	v5 =	vsub.s32 $0x5F3759DF, v55;
	v4 =	vmax.f32 v4, $1.000000000e-30  }
0x274: {  	v57 =	vmul.f32 v5, v56;
	v58 =	vshrl.u32 v4, $0x1;
	v59 =	vmul.f32 $5.000000000e-01, v4  }
0x275: {  	v8 =	vsub.s32 $0x5F3759DF, v58  }
0x276: {  	v7 =	vmul.f32 v5, v57;
	v60 =	vmul.f32 v8, v59;
	_ =	sdelay $0x1  }
0x277: {  	v7 =	vsub.f32 $1.500000000e+00, v7;
	v10 =	vmul.f32 v8, v60;
	_ =	sdelay $0x1  }
0x278: {  	v5 =	vmul.f32 v5, v7;
	v61 =	vsub.f32 $1.500000000e+00, v10;
	_ =	sdelay $0x1  }
0x279: {  	v6 =	vmul.f32 v5, v56;
	v7 =	vmul.f32 v8, v61;
	_ =	sdelay $0x1  }
0x27a: {  	v6 =	vmul.f32 v6, v5;
	v8 =	vmul.f32 v7, v59;
	_ =	sdelay $0x1  }
0x27b: {  	v6 =	vsub.f32 $1.500000000e+00, v6;
	v8 =	vmul.f32 v8, v7;
	_ =	sdelay $0x1  }
0x27c: {  	v5 =	vmul.f32 v6, v5;
	v62 =	vsub.f32 $1.500000000e+00, v8;
	_ =	sdelay $0x1  }
0x27d: {  	v3 =	vmul.f32 v5, v3;
	v63 =	vmul.f32 v62, v7  }
0x27e: {  	s2 =	sadd.s32 $0x1, s2  }
0x27f: {  	p0 =	sne.s32 s2, $0x4;
	v3 =	vadd.f32 $1.000000000e+00, v3;
	v4 =	vmul.f32 v63, v4  }
.Ltmp9:
0x280: {  	_ = 	snop;
	(pc) =	sbr.rel @p0 .LBB2_18-.Ltmp9, $3  }
0x281: {  	v3 =	vsub.f32 v3, v4;
	_ =	sdelay $0x1  }
0x282: {  	v3 =	vmax.f32 v3, $0.0e+00  }
0x283: {  	v2 =	vadd.f32 v3, v2  }
0x284: {  	s0 =	simm.s32 $0x180  }
0x285: {  	[tilespmem:s17], [sflag:$0x1] =	stream.indirect.gather [hbm4b:s1+s16], $0x80, s0, s16, $0xb8;
	[tilespmem:$0x10880] =	vst v63  }
0x286: {  	s2 =	simm.s32 $0x380  }
0x287: {  	[tilespmem:s18], [sflag:$0x1] =	stream.indirect.gather [hbm4b:s3+s16], $0x80, s2, s16, $0xb8;
	[tilespmem:$0x10880] =	vst v63  }
0x288: {  	s22 =	simm.s32 $0x580  }
0x289: {  	[tilespmem:s19], [sflag:$0x1] =	stream.indirect.gather [hbm4b:s1+s16], $0x80, s22, s16, $0xb8;
	[tilespmem:$0x10880] =	vst v63  }
0x28a: {  	s24 =	simm.s32 $0x780  }
0x28b: {  	[tilespmem:s20], [sflag:$0x1] =	stream.indirect.gather [hbm4b:s1+s16], $0x80, s24, s16, $0xb8;
	[tilespmem:$0x10880] =	vst v63  }
0x28c: {  	_ =	swait.ge [sflag:s15], $0x2000  }
0x28d: {  	[sflag:s15] =	ssyncset.done $0x0  }
0x28e: {  	[sflag:s15] =	ssyncadd.s32 $0xFFFFE000  }
0x28f: {  	_ =	swait.ge [sflag:s15], $0x2000  }
0x290: {  	[sflag:s15] =	ssyncset.done $0x0  }
0x291: {  	[sflag:s15] =	ssyncadd.s32 $0xFFFFE000  }
0x292: {  	_ =	swait.ge [sflag:s15], $0x2000  }
0x293: {  	[sflag:s15] =	ssyncset.done $0x0  }
0x294: {  	[sflag:s15] =	ssyncadd.s32 $0xFFFFE000  }
0x295: {  	_ =	swait.ge [sflag:s15], $0x2000  }
0x296: {  	[sflag:s15] =	ssyncset.done $0x0  }
0x297: {  	s0 =	simm.s32 $0x0;
	s2 =	simm.s32 $0x0;
	[sflag:s15] =	ssyncadd.s32 $0xFFFFE000  }
.LBB2_22:
0x298: {  	s22 =	sshll.u32 s2, $0x4  }
0x299: {  	v3 =	vmov s22  }
0x29a: {  	v4 =	vadd.s32 s0, v0;
	v3 =	vshll.u32 v3, $0x7  }
0x29b: {  	v9 =	vor.u32 v1, v3;
	v3 =	vand.u32 $0x7F, v4  }
0x29c: {  	v3 =	vor.u32 v9, v3;
	_ =	sdelay $0x1  }
0x29d: {  	s24 =	simm.s32 $0x1  }
0x29e: {  	v4 =	vadd.s32 s24, v0  }
0x29f: {  	v4 =	vand.u32 $0x7F, v4  }
0x2a0: {  	v4 =	vor.u32 v9, v4;
	v5 =	vld.idx.msk [tilespmem:v3+s21+$0x0], $0xffff  }
0x2a1: {  	v6 =	vld.idx.msk [tilespmem:v3+s23+$0x0], $0xffff  }
0x2a2: {  	v7 =	vld.idx.msk [tilespmem:v3+s25+$0x0], $0xffff  }
0x2a3: {  	v3 =	vld.idx.msk [tilespmem:v3+s28+$0x0], $0xffff;
	_ =	sdelay $0x1  }
0x2a4: {  	s24 =	simm.s32 $0x2;
	v8 =	vld.idx.msk [tilespmem:v4+s21+$0x0], $0xffff  }
0x2a5: {  	v10 =	vadd.s32 s24, v0;
	v19 =	vld.idx.msk [tilespmem:v4+s23+$0x0], $0xffff  }
0x2a6: {  	v10 =	vand.u32 $0x7F, v10;
	v22 =	vld.idx.msk [tilespmem:v4+s25+$0x0], $0xffff;
	v12 =	vmul.f32 v6, v5;
	v14 =	vmul.f32 v7, v5  }
0x2a7: {  	v21 =	vor.u32 v9, v10;
	v16 =	vld.idx.msk [tilespmem:v4+s28+$0x0], $0xffff;
	v4 =	vmul.f32 v7, v6;
	v10 =	vmul.f32 v3, v6  }
0x2a8: {  	v13 =	vimm.f32 $0.0e+00;
	s24 =	simm.s32 $0x3;
	v20 =	vmul.f32 v3, v7;
	v24 =	vmul.f32 v5, v5  }
0x2a9: {  	v11 =	vadd.s32 s24, v0;
	v25 =	vmul.f32 v6, v6;
	v17 =	vmul.f32 v7, v7  }
0x2aa: {  	v11 =	vand.u32 $0x7F, v11;
	v18 =	vmul.f32 v3, v3;
	v23 =	vmul.f32 v19, v8  }
0x2ab: {  	v15 =	vor.u32 v9, v11;
	v5 =	vmul.f32 v22, v8;
	v6 =	vmul.f32 v22, v19  }
0x2ac: {  	v27 =	vmul.f32 v16, v22;
	v12 =	vadd.f32 v12, v13;
	v7 =	vadd.f32 v14, v13  }
0x2ad: {  	v11 =	vld.idx.msk [tilespmem:v21+s23+$0x0], $0xffff;
	v22 =	vmul.f32 v22, v22;
	v4 =	vadd.f32 v4, v13;
	v26 =	vadd.f32 v20, v13  }
0x2ae: {  	v14 =	vld.idx.msk [tilespmem:v21+s21+$0x0], $0xffff;
	v3 =	vadd.f32 v23, v12;
	v12 =	vmul.f32 v16, v19;
	v23 =	vadd.f32 v10, v13  }
0x2af: {  	v20 =	vmul.f32 v8, v8;
	v7 =	vadd.f32 v5, v7;
	v10 =	vld.idx.msk [tilespmem:v21+s25+$0x0], $0xffff;
	v6 =	vadd.f32 v6, v4  }
0x2b0: {  	v4 =	vadd.f32 v27, v26;
	v5 =	vadd.f32 v12, v23;
	v12 =	vld.idx.msk [tilespmem:v21+s28+$0x0], $0xffff;
	v21 =	vmul.f32 v19, v19  }
0x2b1: {  	s22 =	simm.s32 $0x4;
	v8 =	vld.idx.msk [tilespmem:v15+s21+$0x0], $0xffff;
	v23 =	vadd.f32 v24, v13;
	v24 =	vadd.f32 v25, v13;
	v19 =	vimm.f32 $0.0e+00  }
.LBB2_23:
0x2b2: {  	p0 =	slt.u32 s22, $0x7E;
	v25 =	vld.idx.msk [tilespmem:v15+s23+$0x0], $0xffff;
	v13 =	vadd.f32 v17, v13;
	v17 =	vadd.f32 v18, v19;
	v16 =	vmul.f32 v16, v16  }
0x2b3: {  	v18 =	vadd.s32 s22, v0;
	s24 =	sadd.s32 $0x1, s22;
	v23 =	vadd.f32 v20, v23;
	v24 =	vadd.f32 v21, v24  }
0x2b4: {  	v20 =	vadd.s32 s24, v0;
	v26 =	vld.idx.msk [tilespmem:v15+s25+$0x0], $0xffff;
	v13 =	vadd.f32 v22, v13;
	v19 =	vadd.f32 v16, v17  }
0x2b5: {  	v17 =	vand.u32 $0x7F, v18;
	v18 =	vmul.f32 v11, v14;
	v21 =	vmul.f32 v10, v14;
	v16 =	vld.idx.msk [tilespmem:v15+s28+$0x0], $0xffff  }
0x2b6: {  	v27 =	vmul.f32 v10, v11;
	v22 =	vor.u32 v9, v17;
	v28 =	vmul.f32 v12, v11  }
0x2b7: {  	v29 =	vmul.f32 v14, v14;
	v15 =	vand.u32 $0x7F, v20;
	v20 =	vmul.f32 v12, v10  }
0x2b8: {  	v30 =	vmul.f32 v11, v11;
	v3 =	vadd.f32 v18, v3;
	v11 =	vmul.f32 v25, v8  }
0x2b9: {  	v17 =	vmul.f32 v10, v10;
	v15 =	vor.u32 v9, v15;
	v18 =	vmul.f32 v12, v12  }
0x2ba: {  	v3 =	vadd.f32 v11, v3;
	v12 =	vmul.f32 v26, v8;
	v31 =	vmul.f32 v26, v25  }
.Ltmp10:
0x2bb: {  	v7 =	vadd.f32 v21, v7;
	v6 =	vadd.f32 v27, v6;
	v21 =	vmul.f32 v16, v25;
	v14 =	vld.idx.msk [tilespmem:v22+s21+$0x0], $0xffff;
	(pc) =	sbr.rel @p0 .LBB2_23-.Ltmp10, $4  }
0x2bc: {  	v5 =	vadd.f32 v28, v5;
	v4 =	vadd.f32 v20, v4;
	v27 =	vmul.f32 v16, v26;
	v11 =	vld.idx.msk [tilespmem:v22+s23+$0x0], $0xffff  }
0x2bd: {  	v20 =	vmul.f32 v8, v8;
	v7 =	vadd.f32 v12, v7;
	v6 =	vadd.f32 v31, v6;
	v10 =	vld.idx.msk [tilespmem:v22+s25+$0x0], $0xffff  }
0x2be: {  	v5 =	vadd.f32 v21, v5;
	v4 =	vadd.f32 v27, v4;
	v21 =	vmul.f32 v25, v25;
	v12 =	vld.idx.msk [tilespmem:v22+s28+$0x0], $0xffff  }
0x2bf: {  	s22 =	sadd.s32 $0x2, s22;
	v23 =	vadd.f32 v29, v23;
	v24 =	vadd.f32 v30, v24;
	v22 =	vmul.f32 v26, v26;
	v8 =	vld.idx.msk [tilespmem:v15+s21+$0x0], $0xffff  }
0x2c0: {  	_ =	sdelay $0x3  }
0x2c1: {  	v9 =	vld.idx.msk [tilespmem:v15+s23+$0x0], $0xffff;
	v13 =	vadd.f32 v17, v13;
	v51 =	vadd.f32 v18, v19  }
0x2c2: {  	v16 =	vmul.f32 v16, v16;
	v53 =	vld.idx.msk [tilespmem:v15+s25+$0x0], $0xffff;
	v55 =	vmul.f32 v14, v14;
	v52 =	vadd.f32 v20, v23  }
0x2c3: {  	v57 =	vld.idx.msk [tilespmem:v15+s28+$0x0], $0xffff;
	v54 =	vadd.f32 v21, v24;
	v56 =	vmul.f32 v11, v14;
	v58 =	vmul.f32 v11, v11  }
0x2c4: {  	v13 =	vadd.f32 v22, v13;
	v16 =	vadd.f32 v16, v51;
	v59 =	vmul.f32 v10, v10  }
0x2c5: {  	v63 =	vmul.f32 v10, v14;
	v32 =	vmul.f32 v10, v11;
	v18 =	vadd.f32 v55, v52  }
0x2c6: {  	v61 =	vmul.f32 v12, v12;
	v20 =	vadd.f32 v58, v54;
	v60 =	vmul.f32 v8, v8  }
0x2c7: {  	v13 =	vadd.f32 v59, v13;
	v25 =	vmul.f32 v9, v9;
	v62 =	vmul.f32 v53, v53  }
0x2c8: {  	v16 =	vadd.f32 v61, v16;
	v29 =	vmul.f32 v57, v57;
	v18 =	vadd.f32 v60, v18  }
0x2c9: {  	v35 =	vmul.f32 v12, v11;
	v36 =	vmul.f32 v12, v10;
	v20 =	vadd.f32 v25, v20  }
0x2ca: {  	v13 =	vadd.f32 v62, v13;
	v16 =	vadd.f32 v29, v16;
	v18 =	vmax.f32 v18, $1.000000020e-24  }
0x2cb: {  	v40 =	vmul.f32 v9, v8;
	v30 =	vshrl.u32 v18, $0x1;
	v18 =	vmul.f32 $5.000000000e-01, v18  }
0x2cc: {  	v20 =	vmax.f32 v20, $1.000000020e-24;
	v13 =	vmax.f32 v13, $1.000000020e-24;
	v16 =	vmax.f32 v16, $1.000000020e-24  }
0x2cd: {  	v22 =	vsub.s32 $0x5F3759DF, v30;
	v31 =	vshrl.u32 v20, $0x1;
	v20 =	vmul.f32 $5.000000000e-01, v20  }
0x2ce: {  	v26 =	vshrl.u32 v13, $0x1;
	v13 =	vmul.f32 $5.000000000e-01, v13;
	v23 =	vsub.s32 $0x5F3759DF, v31  }
0x2cf: {  	v33 =	vmul.f32 v22, v18;
	v26 =	vsub.s32 $0x5F3759DF, v26;
	v34 =	vmul.f32 v23, v20  }
0x2d0: {  	v28 =	vshrl.u32 v16, $0x1;
	v16 =	vmul.f32 $5.000000000e-01, v16;
	v27 =	vmul.f32 v26, v13  }
0x2d1: {  	v28 =	vsub.s32 $0x5F3759DF, v28;
	v25 =	vmul.f32 v22, v33;
	v21 =	vmul.f32 v23, v34  }
0x2d2: {  	v29 =	vmul.f32 v28, v16;
	v27 =	vmul.f32 v26, v27  }
0x2d3: {  	v41 =	vmul.f32 v53, v8;
	v25 =	vsub.f32 $1.500000000e+00, v25;
	v21 =	vsub.f32 $1.500000000e+00, v21  }
0x2d4: {  	v42 =	vmul.f32 v53, v9;
	v39 =	vmul.f32 v28, v29;
	v38 =	vsub.f32 $1.500000000e+00, v27  }
0x2d5: {  	v37 =	vmul.f32 v22, v25;
	v21 =	vmul.f32 v23, v21  }
0x2d6: {  	v9 =	vmul.f32 v57, v9;
	v22 =	vmul.f32 v26, v38;
	v23 =	vsub.f32 $1.500000000e+00, v39  }
0x2d7: {  	v3 =	vadd.f32 v56, v3;
	v43 =	vmul.f32 v37, v18;
	v44 =	vmul.f32 v21, v20  }
0x2d8: {  	v7 =	vadd.f32 v63, v7;
	v13 =	vmul.f32 v22, v13;
	v45 =	vmul.f32 v28, v23  }
0x2d9: {  	v6 =	vadd.f32 v32, v6;
	v17 =	vmul.f32 v43, v37;
	v18 =	vmul.f32 v44, v21  }
0x2da: {  	v5 =	vadd.f32 v35, v5;
	v46 =	vmul.f32 v13, v22;
	v47 =	vmul.f32 v45, v16  }
0x2db: {  	v4 =	vadd.f32 v36, v4;
	v15 =	vmul.f32 v57, v53;
	v48 =	vsub.f32 $1.500000000e+00, v17  }
0x2dc: {  	v49 =	vsub.f32 $1.500000000e+00, v18;
	v11 =	vsub.f32 $1.500000000e+00, v46;
	v13 =	vmul.f32 v47, v45  }
0x2dd: {  	v3 =	vadd.f32 v40, v3;
	v7 =	vadd.f32 v41, v7;
	v50 =	vmul.f32 v48, v37  }
0x2de: {  	v51 =	vmul.f32 v49, v21;
	v11 =	vmul.f32 v11, v22;
	v52 =	vsub.f32 $1.500000000e+00, v13  }
0x2df: {  	v5 =	vadd.f32 v9, v5;
	v3 =	vmul.f32 v50, v3;
	v7 =	vmul.f32 v50, v7  }
0x2e0: {  	v4 =	vadd.f32 v15, v4;
	v53 =	vmul.f32 v52, v45;
	v54 =	vmul.f32 v11, v51  }
0x2e1: {  	v6 =	vadd.f32 v42, v6;
	v3 =	vmul.f32 v51, v3;
	v7 =	vmul.f32 v11, v7  }
0x2e2: {  	v5 =	vmul.f32 v53, v5;
	v4 =	vmul.f32 v53, v4  }
0x2e3: {  	v6 =	vmul.f32 v54, v6  }
0x2e4: {  	v3 =	vsub.f32 v3, v7;
	v5 =	vmul.f32 v5, v51;
	v4 =	vmul.f32 v4, v11;
	_ =	sdelay $0x1  }
0x2e5: {  	v3 =	vsub.f32 v3, v6;
	v4 =	vsub.f32 v5, v4;
	_ =	sdelay $0x1  }
0x2e6: {  	v3 =	vadd.f32 v3, v3;
	v4 =	vsub.f32 v4, v6;
	_ =	sdelay $0x1  }
0x2e7: {  	v3 =	vadd.f32 $3.000000000e+00, v3;
	v4 =	vadd.f32 v4, v4;
	_ =	sdelay $0x1  }
0x2e8: {  	v3 =	vmax.f32 v3, $1.000000000e-30;
	v4 =	vadd.f32 $3.000000000e+00, v4  }
0x2e9: {  	v55 =	vshrl.u32 v3, $0x1;
	v56 =	vmul.f32 $5.000000000e-01, v3  }
0x2ea: {  	v5 =	vsub.s32 $0x5F3759DF, v55;
	v4 =	vmax.f32 v4, $1.000000000e-30  }
0x2eb: {  	v57 =	vmul.f32 v5, v56;
	v58 =	vshrl.u32 v4, $0x1;
	v59 =	vmul.f32 $5.000000000e-01, v4  }
0x2ec: {  	v8 =	vsub.s32 $0x5F3759DF, v58  }
0x2ed: {  	v7 =	vmul.f32 v5, v57;
	v60 =	vmul.f32 v8, v59;
	_ =	sdelay $0x1  }
0x2ee: {  	v7 =	vsub.f32 $1.500000000e+00, v7;
	v10 =	vmul.f32 v8, v60;
	_ =	sdelay $0x1  }
0x2ef: {  	v5 =	vmul.f32 v5, v7;
	v61 =	vsub.f32 $1.500000000e+00, v10;
	_ =	sdelay $0x1  }
0x2f0: {  	v6 =	vmul.f32 v5, v56;
	v7 =	vmul.f32 v8, v61;
	_ =	sdelay $0x1  }
0x2f1: {  	v6 =	vmul.f32 v6, v5;
	v8 =	vmul.f32 v7, v59;
	_ =	sdelay $0x1  }
0x2f2: {  	v6 =	vsub.f32 $1.500000000e+00, v6;
	v8 =	vmul.f32 v8, v7;
	_ =	sdelay $0x1  }
0x2f3: {  	v5 =	vmul.f32 v6, v5;
	v62 =	vsub.f32 $1.500000000e+00, v8;
	_ =	sdelay $0x1  }
0x2f4: {  	v3 =	vmul.f32 v5, v3;
	v63 =	vmul.f32 v62, v7  }
0x2f5: {  	s2 =	sadd.s32 $0x1, s2  }
0x2f6: {  	p0 =	sne.s32 s2, $0x4;
	v3 =	vadd.f32 $1.000000000e+00, v3;
	v4 =	vmul.f32 v63, v4  }
.Ltmp11:
0x2f7: {  	_ = 	snop;
	(pc) =	sbr.rel @p0 .LBB2_22-.Ltmp11, $3  }
0x2f8: {  	v3 =	vsub.f32 v3, v4;
	_ =	sdelay $0x1  }
0x2f9: {  	v3 =	vmax.f32 v3, $0.0e+00  }
0x2fa: {  	v2 =	vadd.f32 v3, v2  }
0x2fb: {  	s0 =	simm.s32 $0x1C0  }
0x2fc: {  	[tilespmem:s21], [sflag:$0x2] =	stream.indirect.gather [hbm4b:s1+s16], $0x80, s0, s16, $0xb8;
	[tilespmem:$0x10880] =	vst v63  }
0x2fd: {  	s22 =	simm.s32 $0x3C0  }
0x2fe: {  	[tilespmem:s23], [sflag:$0x2] =	stream.indirect.gather [hbm4b:s3+s16], $0x80, s22, s16, $0xb8;
	[tilespmem:$0x10880] =	vst v63  }
0x2ff: {  	s24 =	simm.s32 $0x5C0  }
0x300: {  	[tilespmem:s25], [sflag:$0x2] =	stream.indirect.gather [hbm4b:s1+s16], $0x80, s24, s16, $0xb8;
	[tilespmem:$0x10880] =	vst v63  }
0x301: {  	_ = 	snop  }
0x302: {  	[tilespmem:s28], [sflag:$0x2] =	stream.indirect.gather [hbm4b:s1+s16], $0x80, s26, s16, $0xb8;
	[tilespmem:$0x10880] =	vst v63  }
0x303: {  	_ =	swait.ge [sflag:s14], $0x2000  }
0x304: {  	[sflag:s14] =	ssyncset.done $0x0  }
0x305: {  	[sflag:s14] =	ssyncadd.s32 $0xFFFFE000  }
0x306: {  	_ =	swait.ge [sflag:s14], $0x2000  }
0x307: {  	[sflag:s14] =	ssyncset.done $0x0  }
0x308: {  	[sflag:s14] =	ssyncadd.s32 $0xFFFFE000  }
0x309: {  	_ =	swait.ge [sflag:s14], $0x2000  }
0x30a: {  	[sflag:s14] =	ssyncset.done $0x0  }
0x30b: {  	[sflag:s14] =	ssyncadd.s32 $0xFFFFE000  }
0x30c: {  	_ =	swait.ge [sflag:s14], $0x2000  }
0x30d: {  	[sflag:s14] =	ssyncset.done $0x0  }
0x30e: {  	s2 =	simm.s32 $0x0;
	s0 =	simm.s32 $0x0;
	[sflag:s14] =	ssyncadd.s32 $0xFFFFE000  }
.LBB2_26:
0x30f: {  	s22 =	sshll.u32 s2, $0x4  }
0x310: {  	v3 =	vmov s22  }
0x311: {  	v4 =	vadd.s32 s0, v0;
	v3 =	vshll.u32 v3, $0x7  }
0x312: {  	v9 =	vor.u32 v1, v3;
	v3 =	vand.u32 $0x7F, v4  }
0x313: {  	v3 =	vor.u32 v9, v3;
	_ =	sdelay $0x1  }
0x314: {  	s24 =	simm.s32 $0x1  }
0x315: {  	v4 =	vadd.s32 s24, v0  }
0x316: {  	v4 =	vand.u32 $0x7F, v4  }
0x317: {  	v4 =	vor.u32 v9, v4;
	v5 =	vld.idx.msk [tilespmem:v3+s17+$0x0], $0xffff  }
0x318: {  	v6 =	vld.idx.msk [tilespmem:v3+s18+$0x0], $0xffff  }
0x319: {  	v7 =	vld.idx.msk [tilespmem:v3+s19+$0x0], $0xffff  }
0x31a: {  	v3 =	vld.idx.msk [tilespmem:v3+s20+$0x0], $0xffff;
	_ =	sdelay $0x1  }
0x31b: {  	s24 =	simm.s32 $0x2;
	v8 =	vld.idx.msk [tilespmem:v4+s17+$0x0], $0xffff  }
0x31c: {  	v10 =	vadd.s32 s24, v0;
	v19 =	vld.idx.msk [tilespmem:v4+s18+$0x0], $0xffff  }
0x31d: {  	v10 =	vand.u32 $0x7F, v10;
	v22 =	vld.idx.msk [tilespmem:v4+s19+$0x0], $0xffff;
	v12 =	vmul.f32 v6, v5;
	v14 =	vmul.f32 v7, v5  }
0x31e: {  	v21 =	vor.u32 v9, v10;
	v16 =	vld.idx.msk [tilespmem:v4+s20+$0x0], $0xffff;
	v4 =	vmul.f32 v7, v6;
	v10 =	vmul.f32 v3, v6  }
0x31f: {  	v13 =	vimm.f32 $0.0e+00;
	s24 =	simm.s32 $0x3;
	v20 =	vmul.f32 v3, v7;
	v24 =	vmul.f32 v5, v5  }
0x320: {  	v11 =	vadd.s32 s24, v0;
	v25 =	vmul.f32 v6, v6;
	v17 =	vmul.f32 v7, v7  }
0x321: {  	v11 =	vand.u32 $0x7F, v11;
	v18 =	vmul.f32 v3, v3;
	v23 =	vmul.f32 v19, v8  }
0x322: {  	v15 =	vor.u32 v9, v11;
	v5 =	vmul.f32 v22, v8;
	v6 =	vmul.f32 v22, v19  }
0x323: {  	v27 =	vmul.f32 v16, v22;
	v12 =	vadd.f32 v12, v13;
	v7 =	vadd.f32 v14, v13  }
0x324: {  	v11 =	vld.idx.msk [tilespmem:v21+s18+$0x0], $0xffff;
	v22 =	vmul.f32 v22, v22;
	v4 =	vadd.f32 v4, v13;
	v26 =	vadd.f32 v20, v13  }
0x325: {  	v14 =	vld.idx.msk [tilespmem:v21+s17+$0x0], $0xffff;
	v3 =	vadd.f32 v23, v12;
	v12 =	vmul.f32 v16, v19;
	v23 =	vadd.f32 v10, v13  }
0x326: {  	v20 =	vmul.f32 v8, v8;
	v7 =	vadd.f32 v5, v7;
	v10 =	vld.idx.msk [tilespmem:v21+s19+$0x0], $0xffff;
	v6 =	vadd.f32 v6, v4  }
0x327: {  	v4 =	vadd.f32 v27, v26;
	v5 =	vadd.f32 v12, v23;
	v12 =	vld.idx.msk [tilespmem:v21+s20+$0x0], $0xffff;
	v21 =	vmul.f32 v19, v19  }
0x328: {  	s22 =	simm.s32 $0x4;
	v8 =	vld.idx.msk [tilespmem:v15+s17+$0x0], $0xffff;
	v23 =	vadd.f32 v24, v13;
	v24 =	vadd.f32 v25, v13;
	v19 =	vimm.f32 $0.0e+00  }
.LBB2_27:
0x329: {  	p0 =	slt.u32 s22, $0x7E;
	v25 =	vld.idx.msk [tilespmem:v15+s18+$0x0], $0xffff;
	v13 =	vadd.f32 v17, v13;
	v17 =	vadd.f32 v18, v19;
	v16 =	vmul.f32 v16, v16  }
0x32a: {  	v18 =	vadd.s32 s22, v0;
	s24 =	sadd.s32 $0x1, s22;
	v23 =	vadd.f32 v20, v23;
	v24 =	vadd.f32 v21, v24  }
0x32b: {  	v20 =	vadd.s32 s24, v0;
	v26 =	vld.idx.msk [tilespmem:v15+s19+$0x0], $0xffff;
	v13 =	vadd.f32 v22, v13;
	v19 =	vadd.f32 v16, v17  }
0x32c: {  	v17 =	vand.u32 $0x7F, v18;
	v18 =	vmul.f32 v11, v14;
	v21 =	vmul.f32 v10, v14;
	v16 =	vld.idx.msk [tilespmem:v15+s20+$0x0], $0xffff  }
0x32d: {  	v27 =	vmul.f32 v10, v11;
	v22 =	vor.u32 v9, v17;
	v28 =	vmul.f32 v12, v11  }
0x32e: {  	v29 =	vmul.f32 v14, v14;
	v15 =	vand.u32 $0x7F, v20;
	v20 =	vmul.f32 v12, v10  }
0x32f: {  	v30 =	vmul.f32 v11, v11;
	v3 =	vadd.f32 v18, v3;
	v11 =	vmul.f32 v25, v8  }
0x330: {  	v17 =	vmul.f32 v10, v10;
	v15 =	vor.u32 v9, v15;
	v18 =	vmul.f32 v12, v12  }
0x331: {  	v3 =	vadd.f32 v11, v3;
	v12 =	vmul.f32 v26, v8;
	v31 =	vmul.f32 v26, v25  }
.Ltmp12:
0x332: {  	v7 =	vadd.f32 v21, v7;
	v6 =	vadd.f32 v27, v6;
	v21 =	vmul.f32 v16, v25;
	v14 =	vld.idx.msk [tilespmem:v22+s17+$0x0], $0xffff;
	(pc) =	sbr.rel @p0 .LBB2_27-.Ltmp12, $4  }
0x333: {  	v5 =	vadd.f32 v28, v5;
	v4 =	vadd.f32 v20, v4;
	v27 =	vmul.f32 v16, v26;
	v11 =	vld.idx.msk [tilespmem:v22+s18+$0x0], $0xffff  }
0x334: {  	v20 =	vmul.f32 v8, v8;
	v7 =	vadd.f32 v12, v7;
	v6 =	vadd.f32 v31, v6;
	v10 =	vld.idx.msk [tilespmem:v22+s19+$0x0], $0xffff  }
0x335: {  	v5 =	vadd.f32 v21, v5;
	v4 =	vadd.f32 v27, v4;
	v21 =	vmul.f32 v25, v25;
	v12 =	vld.idx.msk [tilespmem:v22+s20+$0x0], $0xffff  }
0x336: {  	s22 =	sadd.s32 $0x2, s22;
	v23 =	vadd.f32 v29, v23;
	v24 =	vadd.f32 v30, v24;
	v22 =	vmul.f32 v26, v26;
	v8 =	vld.idx.msk [tilespmem:v15+s17+$0x0], $0xffff  }
0x337: {  	_ =	sdelay $0x3  }
0x338: {  	v9 =	vld.idx.msk [tilespmem:v15+s18+$0x0], $0xffff;
	v13 =	vadd.f32 v17, v13;
	v51 =	vadd.f32 v18, v19  }
0x339: {  	v16 =	vmul.f32 v16, v16;
	v53 =	vld.idx.msk [tilespmem:v15+s19+$0x0], $0xffff;
	v55 =	vmul.f32 v14, v14;
	v52 =	vadd.f32 v20, v23  }
0x33a: {  	v57 =	vld.idx.msk [tilespmem:v15+s20+$0x0], $0xffff;
	v54 =	vadd.f32 v21, v24;
	v56 =	vmul.f32 v11, v14;
	v58 =	vmul.f32 v11, v11  }
0x33b: {  	v13 =	vadd.f32 v22, v13;
	v16 =	vadd.f32 v16, v51;
	v59 =	vmul.f32 v10, v10  }
0x33c: {  	v63 =	vmul.f32 v10, v14;
	v32 =	vmul.f32 v10, v11;
	v18 =	vadd.f32 v55, v52  }
0x33d: {  	v61 =	vmul.f32 v12, v12;
	v20 =	vadd.f32 v58, v54;
	v60 =	vmul.f32 v8, v8  }
0x33e: {  	v13 =	vadd.f32 v59, v13;
	v25 =	vmul.f32 v9, v9;
	v62 =	vmul.f32 v53, v53  }
0x33f: {  	v16 =	vadd.f32 v61, v16;
	v29 =	vmul.f32 v57, v57;
	v18 =	vadd.f32 v60, v18  }
0x340: {  	v35 =	vmul.f32 v12, v11;
	v36 =	vmul.f32 v12, v10;
	v20 =	vadd.f32 v25, v20  }
0x341: {  	v13 =	vadd.f32 v62, v13;
	v16 =	vadd.f32 v29, v16;
	v18 =	vmax.f32 v18, $1.000000020e-24  }
0x342: {  	v40 =	vmul.f32 v9, v8;
	v30 =	vshrl.u32 v18, $0x1;
	v18 =	vmul.f32 $5.000000000e-01, v18  }
0x343: {  	v20 =	vmax.f32 v20, $1.000000020e-24;
	v13 =	vmax.f32 v13, $1.000000020e-24;
	v16 =	vmax.f32 v16, $1.000000020e-24  }
0x344: {  	v22 =	vsub.s32 $0x5F3759DF, v30;
	v31 =	vshrl.u32 v20, $0x1;
	v20 =	vmul.f32 $5.000000000e-01, v20  }
0x345: {  	v26 =	vshrl.u32 v13, $0x1;
	v13 =	vmul.f32 $5.000000000e-01, v13;
	v23 =	vsub.s32 $0x5F3759DF, v31  }
0x346: {  	v33 =	vmul.f32 v22, v18;
	v26 =	vsub.s32 $0x5F3759DF, v26;
	v34 =	vmul.f32 v23, v20  }
0x347: {  	v28 =	vshrl.u32 v16, $0x1;
	v16 =	vmul.f32 $5.000000000e-01, v16;
	v27 =	vmul.f32 v26, v13  }
0x348: {  	v28 =	vsub.s32 $0x5F3759DF, v28;
	v25 =	vmul.f32 v22, v33;
	v21 =	vmul.f32 v23, v34  }
0x349: {  	v29 =	vmul.f32 v28, v16;
	v27 =	vmul.f32 v26, v27  }
0x34a: {  	v41 =	vmul.f32 v53, v8;
	v25 =	vsub.f32 $1.500000000e+00, v25;
	v21 =	vsub.f32 $1.500000000e+00, v21  }
0x34b: {  	v42 =	vmul.f32 v53, v9;
	v39 =	vmul.f32 v28, v29;
	v38 =	vsub.f32 $1.500000000e+00, v27  }
0x34c: {  	v37 =	vmul.f32 v22, v25;
	v21 =	vmul.f32 v23, v21  }
0x34d: {  	v9 =	vmul.f32 v57, v9;
	v22 =	vmul.f32 v26, v38;
	v23 =	vsub.f32 $1.500000000e+00, v39  }
0x34e: {  	v3 =	vadd.f32 v56, v3;
	v43 =	vmul.f32 v37, v18;
	v44 =	vmul.f32 v21, v20  }
0x34f: {  	v7 =	vadd.f32 v63, v7;
	v13 =	vmul.f32 v22, v13;
	v45 =	vmul.f32 v28, v23  }
0x350: {  	v6 =	vadd.f32 v32, v6;
	v17 =	vmul.f32 v43, v37;
	v18 =	vmul.f32 v44, v21  }
0x351: {  	v5 =	vadd.f32 v35, v5;
	v46 =	vmul.f32 v13, v22;
	v47 =	vmul.f32 v45, v16  }
0x352: {  	v4 =	vadd.f32 v36, v4;
	v15 =	vmul.f32 v57, v53;
	v48 =	vsub.f32 $1.500000000e+00, v17  }
0x353: {  	v49 =	vsub.f32 $1.500000000e+00, v18;
	v11 =	vsub.f32 $1.500000000e+00, v46;
	v13 =	vmul.f32 v47, v45  }
0x354: {  	v3 =	vadd.f32 v40, v3;
	v7 =	vadd.f32 v41, v7;
	v50 =	vmul.f32 v48, v37  }
0x355: {  	v51 =	vmul.f32 v49, v21;
	v11 =	vmul.f32 v11, v22;
	v52 =	vsub.f32 $1.500000000e+00, v13  }
0x356: {  	v5 =	vadd.f32 v9, v5;
	v3 =	vmul.f32 v50, v3;
	v7 =	vmul.f32 v50, v7  }
0x357: {  	v4 =	vadd.f32 v15, v4;
	v53 =	vmul.f32 v52, v45;
	v54 =	vmul.f32 v11, v51  }
0x358: {  	v6 =	vadd.f32 v42, v6;
	v3 =	vmul.f32 v51, v3;
	v7 =	vmul.f32 v11, v7  }
0x359: {  	v5 =	vmul.f32 v53, v5;
	v4 =	vmul.f32 v53, v4  }
0x35a: {  	v6 =	vmul.f32 v54, v6  }
0x35b: {  	v3 =	vsub.f32 v3, v7;
	v5 =	vmul.f32 v5, v51;
	v4 =	vmul.f32 v4, v11;
	_ =	sdelay $0x1  }
0x35c: {  	v3 =	vsub.f32 v3, v6;
	v4 =	vsub.f32 v5, v4;
	_ =	sdelay $0x1  }
0x35d: {  	v3 =	vadd.f32 v3, v3;
	v4 =	vsub.f32 v4, v6;
	_ =	sdelay $0x1  }
0x35e: {  	v3 =	vadd.f32 $3.000000000e+00, v3;
	v4 =	vadd.f32 v4, v4;
	_ =	sdelay $0x1  }
0x35f: {  	v3 =	vmax.f32 v3, $1.000000000e-30;
	v4 =	vadd.f32 $3.000000000e+00, v4  }
0x360: {  	v55 =	vshrl.u32 v3, $0x1;
	v56 =	vmul.f32 $5.000000000e-01, v3  }
0x361: {  	v5 =	vsub.s32 $0x5F3759DF, v55;
	v4 =	vmax.f32 v4, $1.000000000e-30  }
0x362: {  	v57 =	vmul.f32 v5, v56;
	v58 =	vshrl.u32 v4, $0x1;
	v59 =	vmul.f32 $5.000000000e-01, v4  }
0x363: {  	v8 =	vsub.s32 $0x5F3759DF, v58  }
0x364: {  	v7 =	vmul.f32 v5, v57;
	v60 =	vmul.f32 v8, v59;
	_ =	sdelay $0x1  }
0x365: {  	v7 =	vsub.f32 $1.500000000e+00, v7;
	v10 =	vmul.f32 v8, v60;
	_ =	sdelay $0x1  }
0x366: {  	v5 =	vmul.f32 v5, v7;
	v61 =	vsub.f32 $1.500000000e+00, v10;
	_ =	sdelay $0x1  }
0x367: {  	v6 =	vmul.f32 v5, v56;
	v7 =	vmul.f32 v8, v61;
	_ =	sdelay $0x1  }
0x368: {  	v6 =	vmul.f32 v6, v5;
	v8 =	vmul.f32 v7, v59;
	_ =	sdelay $0x1  }
0x369: {  	v6 =	vsub.f32 $1.500000000e+00, v6;
	v8 =	vmul.f32 v8, v7;
	_ =	sdelay $0x1  }
0x36a: {  	v5 =	vmul.f32 v6, v5;
	v62 =	vsub.f32 $1.500000000e+00, v8;
	_ =	sdelay $0x1  }
0x36b: {  	v3 =	vmul.f32 v5, v3;
	v63 =	vmul.f32 v62, v7  }
0x36c: {  	s2 =	sadd.s32 $0x1, s2  }
0x36d: {  	p0 =	sne.s32 s2, $0x4;
	v3 =	vadd.f32 $1.000000000e+00, v3;
	v4 =	vmul.f32 v63, v4  }
.Ltmp13:
0x36e: {  	_ = 	snop;
	(pc) =	sbr.rel @p0 .LBB2_26-.Ltmp13, $3  }
0x36f: {  	v3 =	vsub.f32 v3, v4;
	_ =	sdelay $0x1  }
0x370: {  	v3 =	vmax.f32 v3, $0.0e+00  }
0x371: {  	v2 =	vadd.f32 v3, v2  }
0x372: {  	_ =	swait.ge [sflag:s15], $0x2000  }
0x373: {  	[sflag:s15] =	ssyncset.done $0x0  }
0x374: {  	[sflag:s15] =	ssyncadd.s32 $0xFFFFE000  }
0x375: {  	_ =	swait.ge [sflag:s15], $0x2000  }
0x376: {  	[sflag:s15] =	ssyncset.done $0x0  }
0x377: {  	[sflag:s15] =	ssyncadd.s32 $0xFFFFE000  }
0x378: {  	_ =	swait.ge [sflag:s15], $0x2000  }
0x379: {  	[sflag:s15] =	ssyncset.done $0x0  }
0x37a: {  	[sflag:s15] =	ssyncadd.s32 $0xFFFFE000  }
0x37b: {  	_ =	swait.ge [sflag:s15], $0x2000  }
0x37c: {  	[sflag:s15] =	ssyncset.done $0x0  }
0x37d: {  	s0 =	simm.s32 $0x0;
	s2 =	simm.s32 $0x0;
	[sflag:s15] =	ssyncadd.s32 $0xFFFFE000  }
.LBB2_30:
0x37e: {  	s22 =	sshll.u32 s2, $0x4  }
0x37f: {  	v3 =	vmov s22  }
0x380: {  	v4 =	vadd.s32 s0, v0;
	v3 =	vshll.u32 v3, $0x7  }
0x381: {  	v9 =	vor.u32 v1, v3;
	v3 =	vand.u32 $0x7F, v4  }
0x382: {  	v3 =	vor.u32 v9, v3;
	_ =	sdelay $0x1  }
0x383: {  	s24 =	simm.s32 $0x1  }
0x384: {  	v4 =	vadd.s32 s24, v0  }
0x385: {  	v4 =	vand.u32 $0x7F, v4  }
0x386: {  	v4 =	vor.u32 v9, v4;
	v5 =	vld.idx.msk [tilespmem:v3+s21+$0x0], $0xffff  }
0x387: {  	v6 =	vld.idx.msk [tilespmem:v3+s23+$0x0], $0xffff  }
0x388: {  	v7 =	vld.idx.msk [tilespmem:v3+s25+$0x0], $0xffff  }
0x389: {  	v3 =	vld.idx.msk [tilespmem:v3+s28+$0x0], $0xffff;
	_ =	sdelay $0x1  }
0x38a: {  	s24 =	simm.s32 $0x2;
	v8 =	vld.idx.msk [tilespmem:v4+s21+$0x0], $0xffff  }
0x38b: {  	v10 =	vadd.s32 s24, v0;
	v19 =	vld.idx.msk [tilespmem:v4+s23+$0x0], $0xffff  }
0x38c: {  	v10 =	vand.u32 $0x7F, v10;
	v22 =	vld.idx.msk [tilespmem:v4+s25+$0x0], $0xffff;
	v12 =	vmul.f32 v6, v5;
	v14 =	vmul.f32 v7, v5  }
0x38d: {  	v21 =	vor.u32 v9, v10;
	v16 =	vld.idx.msk [tilespmem:v4+s28+$0x0], $0xffff;
	v4 =	vmul.f32 v7, v6;
	v10 =	vmul.f32 v3, v6  }
0x38e: {  	v13 =	vimm.f32 $0.0e+00;
	s24 =	simm.s32 $0x3;
	v20 =	vmul.f32 v3, v7;
	v24 =	vmul.f32 v5, v5  }
0x38f: {  	v11 =	vadd.s32 s24, v0;
	v25 =	vmul.f32 v6, v6;
	v17 =	vmul.f32 v7, v7  }
0x390: {  	v11 =	vand.u32 $0x7F, v11;
	v18 =	vmul.f32 v3, v3;
	v23 =	vmul.f32 v19, v8  }
0x391: {  	v15 =	vor.u32 v9, v11;
	v5 =	vmul.f32 v22, v8;
	v6 =	vmul.f32 v22, v19  }
0x392: {  	v27 =	vmul.f32 v16, v22;
	v12 =	vadd.f32 v12, v13;
	v7 =	vadd.f32 v14, v13  }
0x393: {  	v11 =	vld.idx.msk [tilespmem:v21+s23+$0x0], $0xffff;
	v22 =	vmul.f32 v22, v22;
	v4 =	vadd.f32 v4, v13;
	v26 =	vadd.f32 v20, v13  }
0x394: {  	v14 =	vld.idx.msk [tilespmem:v21+s21+$0x0], $0xffff;
	v3 =	vadd.f32 v23, v12;
	v12 =	vmul.f32 v16, v19;
	v23 =	vadd.f32 v10, v13  }
0x395: {  	v20 =	vmul.f32 v8, v8;
	v7 =	vadd.f32 v5, v7;
	v10 =	vld.idx.msk [tilespmem:v21+s25+$0x0], $0xffff;
	v6 =	vadd.f32 v6, v4  }
0x396: {  	v4 =	vadd.f32 v27, v26;
	v5 =	vadd.f32 v12, v23;
	v12 =	vld.idx.msk [tilespmem:v21+s28+$0x0], $0xffff;
	v21 =	vmul.f32 v19, v19  }
0x397: {  	s22 =	simm.s32 $0x4;
	v8 =	vld.idx.msk [tilespmem:v15+s21+$0x0], $0xffff;
	v23 =	vadd.f32 v24, v13;
	v24 =	vadd.f32 v25, v13;
	v19 =	vimm.f32 $0.0e+00  }
.LBB2_31:
0x398: {  	p0 =	slt.u32 s22, $0x7E;
	v25 =	vld.idx.msk [tilespmem:v15+s23+$0x0], $0xffff;
	v13 =	vadd.f32 v17, v13;
	v17 =	vadd.f32 v18, v19;
	v16 =	vmul.f32 v16, v16  }
0x399: {  	v18 =	vadd.s32 s22, v0;
	s24 =	sadd.s32 $0x1, s22;
	v23 =	vadd.f32 v20, v23;
	v24 =	vadd.f32 v21, v24  }
0x39a: {  	v20 =	vadd.s32 s24, v0;
	v26 =	vld.idx.msk [tilespmem:v15+s25+$0x0], $0xffff;
	v13 =	vadd.f32 v22, v13;
	v19 =	vadd.f32 v16, v17  }
0x39b: {  	v17 =	vand.u32 $0x7F, v18;
	v18 =	vmul.f32 v11, v14;
	v21 =	vmul.f32 v10, v14;
	v16 =	vld.idx.msk [tilespmem:v15+s28+$0x0], $0xffff  }
0x39c: {  	v27 =	vmul.f32 v10, v11;
	v22 =	vor.u32 v9, v17;
	v28 =	vmul.f32 v12, v11  }
0x39d: {  	v29 =	vmul.f32 v14, v14;
	v15 =	vand.u32 $0x7F, v20;
	v20 =	vmul.f32 v12, v10  }
0x39e: {  	v30 =	vmul.f32 v11, v11;
	v3 =	vadd.f32 v18, v3;
	v11 =	vmul.f32 v25, v8  }
0x39f: {  	v17 =	vmul.f32 v10, v10;
	v15 =	vor.u32 v9, v15;
	v18 =	vmul.f32 v12, v12  }
0x3a0: {  	v3 =	vadd.f32 v11, v3;
	v12 =	vmul.f32 v26, v8;
	v31 =	vmul.f32 v26, v25  }
.Ltmp14:
0x3a1: {  	v7 =	vadd.f32 v21, v7;
	v6 =	vadd.f32 v27, v6;
	v21 =	vmul.f32 v16, v25;
	v14 =	vld.idx.msk [tilespmem:v22+s21+$0x0], $0xffff;
	(pc) =	sbr.rel @p0 .LBB2_31-.Ltmp14, $4  }
0x3a2: {  	v5 =	vadd.f32 v28, v5;
	v4 =	vadd.f32 v20, v4;
	v27 =	vmul.f32 v16, v26;
	v11 =	vld.idx.msk [tilespmem:v22+s23+$0x0], $0xffff  }
0x3a3: {  	v20 =	vmul.f32 v8, v8;
	v7 =	vadd.f32 v12, v7;
	v6 =	vadd.f32 v31, v6;
	v10 =	vld.idx.msk [tilespmem:v22+s25+$0x0], $0xffff  }
0x3a4: {  	v5 =	vadd.f32 v21, v5;
	v4 =	vadd.f32 v27, v4;
	v21 =	vmul.f32 v25, v25;
	v12 =	vld.idx.msk [tilespmem:v22+s28+$0x0], $0xffff  }
0x3a5: {  	s22 =	sadd.s32 $0x2, s22;
	v23 =	vadd.f32 v29, v23;
	v24 =	vadd.f32 v30, v24;
	v22 =	vmul.f32 v26, v26;
	v8 =	vld.idx.msk [tilespmem:v15+s21+$0x0], $0xffff  }
0x3a6: {  	_ =	sdelay $0x3  }
0x3a7: {  	v9 =	vld.idx.msk [tilespmem:v15+s23+$0x0], $0xffff;
	v13 =	vadd.f32 v17, v13;
	v51 =	vadd.f32 v18, v19  }
0x3a8: {  	v16 =	vmul.f32 v16, v16;
	v53 =	vld.idx.msk [tilespmem:v15+s25+$0x0], $0xffff;
	v55 =	vmul.f32 v14, v14;
	v52 =	vadd.f32 v20, v23  }
0x3a9: {  	v57 =	vld.idx.msk [tilespmem:v15+s28+$0x0], $0xffff;
	v54 =	vadd.f32 v21, v24;
	v56 =	vmul.f32 v11, v14;
	v58 =	vmul.f32 v11, v11  }
0x3aa: {  	v13 =	vadd.f32 v22, v13;
	v16 =	vadd.f32 v16, v51;
	v59 =	vmul.f32 v10, v10  }
0x3ab: {  	v63 =	vmul.f32 v10, v14;
	v32 =	vmul.f32 v10, v11;
	v18 =	vadd.f32 v55, v52  }
0x3ac: {  	v61 =	vmul.f32 v12, v12;
	v20 =	vadd.f32 v58, v54;
	v60 =	vmul.f32 v8, v8  }
0x3ad: {  	v13 =	vadd.f32 v59, v13;
	v25 =	vmul.f32 v9, v9;
	v62 =	vmul.f32 v53, v53  }
0x3ae: {  	v16 =	vadd.f32 v61, v16;
	v29 =	vmul.f32 v57, v57;
	v18 =	vadd.f32 v60, v18  }
0x3af: {  	v35 =	vmul.f32 v12, v11;
	v36 =	vmul.f32 v12, v10;
	v20 =	vadd.f32 v25, v20  }
0x3b0: {  	v13 =	vadd.f32 v62, v13;
	v16 =	vadd.f32 v29, v16;
	v18 =	vmax.f32 v18, $1.000000020e-24  }
0x3b1: {  	v40 =	vmul.f32 v9, v8;
	v30 =	vshrl.u32 v18, $0x1;
	v18 =	vmul.f32 $5.000000000e-01, v18  }
0x3b2: {  	v20 =	vmax.f32 v20, $1.000000020e-24;
	v13 =	vmax.f32 v13, $1.000000020e-24;
	v16 =	vmax.f32 v16, $1.000000020e-24  }
0x3b3: {  	v22 =	vsub.s32 $0x5F3759DF, v30;
	v31 =	vshrl.u32 v20, $0x1;
	v20 =	vmul.f32 $5.000000000e-01, v20  }
0x3b4: {  	v26 =	vshrl.u32 v13, $0x1;
	v13 =	vmul.f32 $5.000000000e-01, v13;
	v23 =	vsub.s32 $0x5F3759DF, v31  }
0x3b5: {  	v33 =	vmul.f32 v22, v18;
	v26 =	vsub.s32 $0x5F3759DF, v26;
	v34 =	vmul.f32 v23, v20  }
0x3b6: {  	v28 =	vshrl.u32 v16, $0x1;
	v16 =	vmul.f32 $5.000000000e-01, v16;
	v27 =	vmul.f32 v26, v13  }
0x3b7: {  	v28 =	vsub.s32 $0x5F3759DF, v28;
	v25 =	vmul.f32 v22, v33;
	v21 =	vmul.f32 v23, v34  }
0x3b8: {  	v29 =	vmul.f32 v28, v16;
	v27 =	vmul.f32 v26, v27  }
0x3b9: {  	v41 =	vmul.f32 v53, v8;
	v25 =	vsub.f32 $1.500000000e+00, v25;
	v21 =	vsub.f32 $1.500000000e+00, v21  }
0x3ba: {  	v42 =	vmul.f32 v53, v9;
	v39 =	vmul.f32 v28, v29;
	v38 =	vsub.f32 $1.500000000e+00, v27  }
0x3bb: {  	v37 =	vmul.f32 v22, v25;
	v21 =	vmul.f32 v23, v21  }
0x3bc: {  	v9 =	vmul.f32 v57, v9;
	v22 =	vmul.f32 v26, v38;
	v23 =	vsub.f32 $1.500000000e+00, v39  }
0x3bd: {  	v3 =	vadd.f32 v56, v3;
	v43 =	vmul.f32 v37, v18;
	v44 =	vmul.f32 v21, v20  }
0x3be: {  	v7 =	vadd.f32 v63, v7;
	v13 =	vmul.f32 v22, v13;
	v45 =	vmul.f32 v28, v23  }
0x3bf: {  	v6 =	vadd.f32 v32, v6;
	v17 =	vmul.f32 v43, v37;
	v18 =	vmul.f32 v44, v21  }
0x3c0: {  	v5 =	vadd.f32 v35, v5;
	v46 =	vmul.f32 v13, v22;
	v47 =	vmul.f32 v45, v16  }
0x3c1: {  	v4 =	vadd.f32 v36, v4;
	v15 =	vmul.f32 v57, v53;
	v48 =	vsub.f32 $1.500000000e+00, v17  }
0x3c2: {  	v49 =	vsub.f32 $1.500000000e+00, v18;
	v11 =	vsub.f32 $1.500000000e+00, v46;
	v13 =	vmul.f32 v47, v45  }
0x3c3: {  	v3 =	vadd.f32 v40, v3;
	v7 =	vadd.f32 v41, v7;
	v50 =	vmul.f32 v48, v37  }
0x3c4: {  	v51 =	vmul.f32 v49, v21;
	v11 =	vmul.f32 v11, v22;
	v52 =	vsub.f32 $1.500000000e+00, v13  }
0x3c5: {  	v5 =	vadd.f32 v9, v5;
	v3 =	vmul.f32 v50, v3;
	v7 =	vmul.f32 v50, v7  }
0x3c6: {  	v4 =	vadd.f32 v15, v4;
	v53 =	vmul.f32 v52, v45;
	v54 =	vmul.f32 v11, v51  }
0x3c7: {  	v6 =	vadd.f32 v42, v6;
	v3 =	vmul.f32 v51, v3;
	v7 =	vmul.f32 v11, v7  }
0x3c8: {  	v5 =	vmul.f32 v53, v5;
	v4 =	vmul.f32 v53, v4  }
0x3c9: {  	v6 =	vmul.f32 v54, v6  }
0x3ca: {  	v3 =	vsub.f32 v3, v7;
	v5 =	vmul.f32 v5, v51;
	v4 =	vmul.f32 v4, v11;
	_ =	sdelay $0x1  }
0x3cb: {  	v3 =	vsub.f32 v3, v6;
	v4 =	vsub.f32 v5, v4;
	_ =	sdelay $0x1  }
0x3cc: {  	v3 =	vadd.f32 v3, v3;
	v4 =	vsub.f32 v4, v6;
	_ =	sdelay $0x1  }
0x3cd: {  	v3 =	vadd.f32 $3.000000000e+00, v3;
	v4 =	vadd.f32 v4, v4;
	_ =	sdelay $0x1  }
0x3ce: {  	v3 =	vmax.f32 v3, $1.000000000e-30;
	v4 =	vadd.f32 $3.000000000e+00, v4  }
0x3cf: {  	v55 =	vshrl.u32 v3, $0x1;
	v56 =	vmul.f32 $5.000000000e-01, v3  }
0x3d0: {  	v5 =	vsub.s32 $0x5F3759DF, v55;
	v4 =	vmax.f32 v4, $1.000000000e-30  }
0x3d1: {  	v57 =	vmul.f32 v5, v56;
	v58 =	vshrl.u32 v4, $0x1;
	v59 =	vmul.f32 $5.000000000e-01, v4  }
0x3d2: {  	v8 =	vsub.s32 $0x5F3759DF, v58  }
0x3d3: {  	v7 =	vmul.f32 v5, v57;
	v60 =	vmul.f32 v8, v59;
	_ =	sdelay $0x1  }
0x3d4: {  	v7 =	vsub.f32 $1.500000000e+00, v7;
	v10 =	vmul.f32 v8, v60;
	_ =	sdelay $0x1  }
0x3d5: {  	v5 =	vmul.f32 v5, v7;
	v61 =	vsub.f32 $1.500000000e+00, v10;
	_ =	sdelay $0x1  }
0x3d6: {  	v6 =	vmul.f32 v5, v56;
	v7 =	vmul.f32 v8, v61;
	_ =	sdelay $0x1  }
0x3d7: {  	v6 =	vmul.f32 v6, v5;
	v8 =	vmul.f32 v7, v59;
	_ =	sdelay $0x1  }
0x3d8: {  	v6 =	vsub.f32 $1.500000000e+00, v6;
	v8 =	vmul.f32 v8, v7;
	_ =	sdelay $0x1  }
0x3d9: {  	v5 =	vmul.f32 v6, v5;
	v62 =	vsub.f32 $1.500000000e+00, v8;
	_ =	sdelay $0x1  }
0x3da: {  	v3 =	vmul.f32 v5, v3;
	v63 =	vmul.f32 v62, v7  }
0x3db: {  	s2 =	sadd.s32 $0x1, s2  }
0x3dc: {  	p0 =	sne.s32 s2, $0x4;
	v3 =	vadd.f32 $1.000000000e+00, v3;
	v4 =	vmul.f32 v63, v4  }
.Ltmp15:
0x3dd: {  	_ = 	snop;
	(pc) =	sbr.rel @p0 .LBB2_30-.Ltmp15, $3  }
0x3de: {  	v3 =	vsub.f32 v3, v4;
	_ =	sdelay $0x1  }
0x3df: {  	v3 =	vmax.f32 v3, $0.0e+00  }
0x3e0: {  	v2 =	vadd.f32 v3, v2  }
0x3e1: {  	s31 =	sadd.s32 $0x1, s31  }
0x3e2: {  	p0 =	sne.s32 s31, s10  }
.Ltmp16:
0x3e3: {  	[tilespmem:$0x10800] =	vst v2;
	(pc) =	sbr.rel @p0 .LBB2_1-.Ltmp16, $4  }
0x3e4: {  	[hbm4b:s9+s4] =	stream.linear.scatter [tilespmem:s29], [sflag:$0x3], $0x80, $0x38;
	[tilespmem:$0x10880] =	vst v63  }
0x3e5: {  	_ =	swait.ge [sflag:s30], $0x80  }
0x3e6: {  	[sflag:s30] =	ssyncset.done $0x0  }
0x3e7: {  	[sflag:s30] =	ssyncadd.s32 $0xFFFFFF80  }
0x3e8: {  	_ =	sfence.sel $0x180000  }
0x3e9: {  	[bflag:$0x0] =	sbarrier.arrive $0xFFFF  }
0x3ea: {  	_ =	strace $0x90000047  }
0x3eb: {  	s0 =	stileid.u32;
	[bflag:$0x2] =	sbarrier.arrive $0xFFFF  }
0x3ec: {  	p0 =	sne.s32 s0, $0x0;
	s0 =	rddreg [dreg:$0x7]  }
0x3ed: {  	s0 =	sadd.s32 @!p0 $0x100000, s0  }
0x3ee: {  	[sflag:s0] =	ssyncadd.tile.s32 @!p0 $0x1;
	_ =	shalt  }
.Lfunc_end2:
_tile_overlayer_lowered:
.L_overlay_start_2:
0x3ef: {  	(tag) =	ssettag $0x2  }
0x3f0: {  	s0 =	rddreg [dreg:$0x0];
	s2 =	stileid.u32  }
0x3f1: {  	s1 =	rddreg [dreg:$0x1];
	p0 =	sne.s32 s2, $0x0  }
0x3f2: {  	s3 =	rddreg [dreg:$0x2];
	[bflag:$0x3] =	sbarrier.arrive $0xFFFF;
	s2 =	simm.s32 @!p0 $0x1C03  }
0x3f3: {  	[timem:s3], [sflag:s2] =	dma.local @!p0 [hbm:s0], s1  }
0x3f4: {  	s0 =	simm.s32 @!p0 $0x3  }
0x3f5: {  	_ =	swait.ge @!p0 [sflag:s0], s1  }
0x3f6: {  	s1 =	ssub.s32 @!p0 $0x0, s1;
	[sflag:s0] =	ssyncset.done @!p0 $0x0  }
0x3f7: {  	[sflag:s0] =	ssyncadd.s32 @!p0 s1  }
0x3f8: {  	[bflag:$0x3] =	sbarrier.arrive $0xFFFF  }
0x3f9: {  	_ =	shalt  }

</sc_bundles>
